<compile_context>
chip_gen: v7x
topology: tpu7x:2x2x1
jax: 0.10.2.dev20260603
libtpu: 0.0.44.dev20260713+nightly
codegen_flags: <defaults>
</compile_context>

<pallas_src>
import jax
import jax.numpy as jnp
from jax import lax
from jax.experimental import pallas as pl
from jax.experimental.pallas import tpu as pltpu
from jax.experimental.pallas import tpu_sc as plsc

N_NODES = 10000
N_EDGES = 160000
D = 256

NC = 2
NS = 16
NT = NC * NS
LANES = 16
D_VECS = D // LANES

ROWS = 312
ROWS_LAST = N_NODES - ROWS * (NT - 1)
ACC_ROWS = ROWS_LAST

B = 64
GPAD = 128
CE = 1600
QCAP = 1680
N_ECH = N_EDGES // CE
GROUPS = CE // LANES


def _sc_body(x_hbm, ed_hbm, w_hbm, out_hbm,
             edb0, wb0, edb1, wb1,
             qsrc, qw, gidx2, gw2, gloc2, grows2, acc_v,
             gsem, msem0, msem1):
    c = lax.axis_index("c")
    s = lax.axis_index("s")
    wid = s * NC + c
    lo = wid * ROWS
    n_rows = jnp.where(wid == NT - 1, ROWS_LAST, ROWS)
    hi = lo + n_rows

    zero16f = jnp.zeros((LANES,), jnp.float32)
    zero16i = jnp.zeros((LANES,), jnp.int32)

    for slot in range(2):
        for i in range(B // LANES):
            sl = pl.ds(i * LANES, LANES)
            gidx2[slot, sl] = zero16i
            gloc2[slot, sl] = zero16i
            gw2[slot, sl] = zero16f

    def _zero_row(r, _):
        for d in range(D_VECS):
            acc_v[r, pl.ds(d * LANES, LANES)] = zero16f
        return 0
    lax.fori_loop(0, ACC_ROWS, _zero_row, 0)

    def _fire(slot):
        pltpu.async_copy(x_hbm.at[gidx2.at[slot, pl.ds(0, B)]],
                         grows2.at[pl.ds(slot * B, B)], gsem)

    def _wait(slot):
        pltpu.make_async_copy(x_hbm.at[gidx2.at[slot, pl.ds(0, B)]],
                              grows2.at[pl.ds(slot * B, B)], gsem).wait()

    def _acc_batch(slot):
        def _acc_group(g, _):
            wvec = gw2[slot, pl.ds(g * LANES, LANES)]
            lvec = gloc2[slot, pl.ds(g * LANES, LANES)]
            wvs = [wvec[j] for j in range(LANES)]
            lvs = [lvec[j] for j in range(LANES)]
            base_e = slot * B + g * LANES

            @plsc.parallel_loop(0, D_VECS, unroll=4)
            def _d(d):
                sl = pl.ds(d * LANES, LANES)
                for j in range(LANES):
                    plsc.addupdate(acc_v.at[lvs[j], sl],
                                   grows2[base_e + j, sl] * wvs[j])

            return 0
        lax.fori_loop(0, B // LANES, _acc_group, 0, unroll=False)

    def _meta_fire(kc, bufs, msem):
        edb, wb = bufs
        base = kc * CE
        pltpu.async_copy(ed_hbm.at[pl.ds(base, CE)], edb, msem)
        pltpu.async_copy(w_hbm.at[pl.ds(base, CE)], wb, msem)

    def _meta_wait(kc, bufs, msem):
        edb, wb = bufs
        base = kc * CE
        pltpu.make_async_copy(ed_hbm.at[pl.ds(base, CE)], edb, msem).wait()
        pltpu.make_async_copy(w_hbm.at[pl.ds(base, CE)], wb, msem).wait()

    bufs0 = (edb0, wb0)
    bufs1 = (edb1, wb1)

    def _scan_chunk(bufs, carry):
        edb, wb = bufs
        cnt0, p0 = carry

        @plsc.parallel_loop(0, GROUPS, carry=cnt0, unroll=4)
        def _grp(g, cnt):
            sl = pl.ds(g * LANES, LANES)
            ed16 = edb[sl]
            d16 = lax.shift_right_logical(ed16, 14)
            m = (d16 >= lo) & (d16 < hi)
            packed = (ed16 & 0x3FFF) | ((d16 - lo) << 14)
            plsc.store_compressed(qsrc.at[pl.ds(cnt, LANES)], packed, mask=m)
            plsc.store_compressed(qw.at[pl.ds(cnt, LANES)], wb[sl], mask=m)
            return cnt + plsc.all_reduce_population_count(m)[0]

        cnt = _grp

        def _cond(st):
            cnt, base, p = st
            return cnt - base >= B

        def _fire_body(st):
            cnt, base, p = st
            q = 1 - p
            for i in range(B // LANES):
                ssl = pl.ds(i * LANES, LANES)
                bsl = pl.ds(base + i * LANES, LANES)
                packed = qsrc[bsl]
                gidx2[q, ssl] = packed & 0x3FFF
                gloc2[q, ssl] = lax.shift_right_logical(packed, 14)
                gw2[q, ssl] = qw[bsl]
            _wait(p)
            _fire(q)
            _acc_batch(p)
            return (cnt, base + B, q)

        cnt, base, p = lax.while_loop(_cond, _fire_body,
                                      (cnt, jnp.int32(0), p0))

        @pl.when(base > 0)
        def _():
            for i in range(B // LANES):
                ssl = pl.ds(i * LANES, LANES)
                bsl = pl.ds(base + i * LANES, LANES)
                qsrc[ssl] = qsrc[bsl]
                qw[ssl] = qw[bsl]

        return (cnt - base, p)

    def _chunk_pair(t, carry):
        k0 = 2 * t
        _meta_wait(k0, bufs0, msem0)
        _meta_fire(k0 + 1, bufs1, msem1)
        carry = _scan_chunk(bufs0, carry)
        _meta_wait(k0 + 1, bufs1, msem1)

        @pl.when(t + 1 < N_ECH // 2)
        def _():
            _meta_fire(k0 + 2, bufs0, msem0)

        carry = _scan_chunk(bufs1, carry)
        return carry

    _fire(0)
    _meta_fire(0, bufs0, msem0)
    cnt, p = lax.fori_loop(0, N_ECH // 2, _chunk_pair,
                           (jnp.int32(0), jnp.int32(0)), unroll=False)

    lane = lax.iota(jnp.int32, LANES)
    q = 1 - p
    for i in range(B // LANES):
        sl = pl.ds(i * LANES, LANES)
        valid = (lane + i * LANES) < cnt
        packed = qsrc[sl]
        gidx2[q, sl] = jnp.where(valid, packed & 0x3FFF, 0)
        gloc2[q, sl] = jnp.where(valid, lax.shift_right_logical(packed, 14), 0)
        gw2[q, sl] = jnp.where(valid, qw[sl], 0.0)
    _wait(p)
    _fire(q)
    _acc_batch(p)
    _wait(q)
    _acc_batch(q)

    @pl.when(wid < NT - 1)
    def _():
        pltpu.sync_copy(acc_v.at[pl.ds(0, ROWS)], out_hbm.at[pl.ds(lo, ROWS)])

    @pl.when(wid == NT - 1)
    def _():
        pltpu.sync_copy(acc_v.at[pl.ds(0, ROWS_LAST)],
                        out_hbm.at[pl.ds(lo, ROWS_LAST)])


def _make_sc_aggregate():
    return pl.kernel(
        _sc_body,
        out_type=jax.ShapeDtypeStruct((N_NODES, D), jnp.float32),
        mesh=plsc.VectorSubcoreMesh(core_axis_name="c", subcore_axis_name="s"),
        compiler_params=pltpu.CompilerParams(needs_layout_passes=False),
        scratch_types=[
            pltpu.VMEM((CE,), jnp.int32),
            pltpu.VMEM((CE,), jnp.float32),
            pltpu.VMEM((CE,), jnp.int32),
            pltpu.VMEM((CE,), jnp.float32),
            pltpu.VMEM((QCAP,), jnp.int32),
            pltpu.VMEM((QCAP,), jnp.float32),
            pltpu.VMEM((2, GPAD), jnp.int32),
            pltpu.VMEM((2, B), jnp.float32),
            pltpu.VMEM((2, B), jnp.int32),
            pltpu.VMEM((2 * B, D), jnp.float32),
            pltpu.VMEM((ACC_ROWS, D), jnp.float32),
            pltpu.SemaphoreType.DMA,
            pltpu.SemaphoreType.DMA,
            pltpu.SemaphoreType.DMA,
        ],
    )


def _mm_body(agg_ref, w_ref, b_ref, o_ref):
    acc = jnp.dot(agg_ref[...], w_ref[...], preferred_element_type=jnp.float32)
    o_ref[...] = jnp.maximum(acc + b_ref[...], 0.0)


BM = 400


def _mm_relu(agg, W, b):
    return pl.pallas_call(
        _mm_body,
        grid=(N_NODES // BM,),
        in_specs=[
            pl.BlockSpec((BM, D), lambda i: (i, 0)),
            pl.BlockSpec((D, D), lambda i: (0, 0)),
            pl.BlockSpec((1, D), lambda i: (0, 0)),
        ],
        out_specs=pl.BlockSpec((BM, D), lambda i: (i, 0)),
        out_shape=jax.ShapeDtypeStruct((N_NODES, D), jnp.float32),
    )(agg, W, b.reshape(1, D))


def kernel(x, edge_index, edge_weight, W, b):
    ei = edge_index.astype(jnp.int32)
    ed = ei[1] | (ei[0] << 14)
    agg = _make_sc_aggregate()(x, ed, edge_weight)
    return _mm_relu(agg, W, b)

# --- scband reference (transcript-rebuilt; emitter-appended) ---
"""Pipeline reference for scband-graph-convolution-7499012899169 (READ-ONLY COPY).

The authoritative reference and input builder live on the scoring server;
editing this copy changes nothing except your own understanding.
"""

import jax, jax.numpy as jnp
import numpy as np

N_NODES = 10000
N_EDGES = 160000
D_IN = 256
D_OUT = 256


def setup_inputs(seed: int = 0) -> dict:
    key = jax.random.key(seed)
    k1, k2, k3, k4 = jax.random.split(key, 4)
    x = jax.random.normal(k1, (N_NODES, D_IN), dtype=jnp.float32)
    edge_index = jax.random.randint(k2, (2, N_EDGES), 0, N_NODES, dtype=jnp.int64)
    edge_weight = jax.random.uniform(k3, (N_EDGES,), dtype=jnp.float32)
    # glorot init for weights_0, zeros for bias (per GraphConvolution.__init__)
    init_range = np.sqrt(6.0 / (D_IN + D_OUT))
    W = jax.random.uniform(k4, (D_IN, D_OUT), dtype=jnp.float32, minval=-init_range, maxval=init_range)
    b = jnp.zeros((D_OUT,), dtype=jnp.float32)
    return {"x": x, "edge_index": edge_index, "edge_weight": edge_weight, "W": W, "b": b}


def reference(x, edge_index, edge_weight, W, b):
    # GraphConvolution._call_one_graph with dropout=0 (eval), sparse_inputs=False,
    # featureless=False, num_supports=1, bias=True, act=relu.
    # pre_sup = dot(x, weights_0)
    pre_sup = jnp.dot(x, W)
    # support = dot(laplacian, pre_sup, sparse=True) -> sparse matmul via
    # gather on src nodes + scatter-add (segment_sum) onto dst nodes.
    dst = edge_index[0]
    src = edge_index[1]
    msgs = jnp.take(pre_sup, src, axis=0) * edge_weight[:, None]
    support = jax.ops.segment_sum(msgs, dst, num_segments=N_NODES)
    # add_n over single support, add bias, apply activation
    output = support + b
    return jax.nn.relu(output)

if __name__ == "__main__":
    import jax
    _d = setup_inputs()
    print(jax.jit(kernel)(*tuple(_d.values())))

</pallas_src>

<mosaic_0001>
#map = affine_map<(d0, d1) -> (0, 0)>
#map1 = affine_map<(d0, d1) -> (0)>
module attributes {stable_mosaic.version = 14 : i64} {
  func.func @_sc_body(%arg0: i32, %arg1: i32, %arg2: memref<10000x256xf32, #tpu.memory_space<hbm>>, %arg3: memref<160000xi32, #tpu.memory_space<hbm>>, %arg4: memref<160000xf32, #tpu.memory_space<hbm>>, %arg5: memref<10000x256xf32, #tpu.memory_space<hbm>>, %arg6: memref<1600xi32, #tpu.memory_space<vmem>>, %arg7: memref<1600xf32, #tpu.memory_space<vmem>>, %arg8: memref<1600xi32, #tpu.memory_space<vmem>>, %arg9: memref<1600xf32, #tpu.memory_space<vmem>>, %arg10: memref<1680xi32, #tpu.memory_space<vmem>>, %arg11: memref<1680xf32, #tpu.memory_space<vmem>>, %arg12: memref<2x128xi32, #tpu.memory_space<vmem>>, %arg13: memref<2x64xf32, #tpu.memory_space<vmem>>, %arg14: memref<2x64xi32, #tpu.memory_space<vmem>>, %arg15: memref<128x256xf32, #tpu.memory_space<vmem>>, %arg16: memref<328x256xf32, #tpu.memory_space<vmem>>, %arg17: memref<!tpu.dma_semaphore, #tpu.memory_space<semaphore_mem>>, %arg18: memref<!tpu.dma_semaphore, #tpu.memory_space<semaphore_mem>>, %arg19: memref<!tpu.dma_semaphore, #tpu.memory_space<semaphore_mem>>) attributes {dimension_semantics = [#tpu.dimension_semantics<core_parallel>, #tpu.dimension_semantics<subcore_parallel>], iteration_bounds = array<i64: 2, 16>, scalar_prefetch = 0 : i64, scratch_operands = 14 : i64, tpu.core_type = #tpu.core_type<sc_vector_subcore>, window_params = [{transform_indices = #map}, {transform_indices = #map1}, {transform_indices = #map1}, {transform_indices = #map}]} {
    %mul3A = arith.constant 2 : i32
    %mul3A_0 = arith.muli %arg1, %mul3A : i32
    %add3A = arith.addi %mul3A_0, %arg0 : i32
    %mul3A_1 = arith.constant 312 : i32
    %mul3A_2 = arith.muli %add3A, %mul3A_1 : i32
    %eq3A = arith.constant 31 : i32
    %eq3A_3 = arith.cmpi eq, %add3A, %eq3A : i32
    %jit3A = arith.constant 328 : i32
    %jit3A_4 = arith.constant 312 : i32
    %select_n3A = arith.select %eq3A_3, %jit3A, %jit3A_4 : i32
    %add3A_5 = arith.addi %mul3A_2, %select_n3A : i32
    %broadcast_in_dim3A = arith.constant 0.000000e+00 : f32
    %broadcast_in_dim3A_6 = vector.broadcast %broadcast_in_dim3A : f32 to vector<16xf32>
    %broadcast_in_dim3A_7 = arith.constant 0 : i32
    %broadcast_in_dim3A_8 = vector.broadcast %broadcast_in_dim3A_7 : i32 to vector<16xi32>
    %swap3A = arith.constant 0 : i32
    %swap3A_9 = arith.index_cast %swap3A : i32 to index
    %swap3A_10 = arith.constant 0 : index
    %swap3A_11 = tpu.vector_load %arg12[%swap3A_9, %swap3A_10] {strides = array<i32>} : memref<2x128xi32, #tpu.memory_space<vmem>>, vector<16xi32>,
    tpu.vector_store %arg12[%swap3A_9, %swap3A_10], %broadcast_in_dim3A_8 {strides = array<i32>} : memref<2x128xi32, #tpu.memory_space<vmem>>, vector<16xi32>,
    %swap3A_12 = arith.constant 0 : i32
    %swap3A_13 = arith.index_cast %swap3A_12 : i32 to index
    %swap3A_14 = arith.constant 0 : index
    %swap3A_15 = tpu.vector_load %arg14[%swap3A_13, %swap3A_14] {strides = array<i32>} : memref<2x64xi32, #tpu.memory_space<vmem>>, vector<16xi32>,
    tpu.vector_store %arg14[%swap3A_13, %swap3A_14], %broadcast_in_dim3A_8 {strides = array<i32>} : memref<2x64xi32, #tpu.memory_space<vmem>>, vector<16xi32>,
    %swap3A_16 = arith.constant 0 : i32
    %swap3A_17 = arith.index_cast %swap3A_16 : i32 to index
    %swap3A_18 = arith.constant 0 : index
    %swap3A_19 = tpu.vector_load %arg13[%swap3A_17, %swap3A_18] {strides = array<i32>} : memref<2x64xf32, #tpu.memory_space<vmem>>, vector<16xf32>,
    tpu.vector_store %arg13[%swap3A_17, %swap3A_18], %broadcast_in_dim3A_6 {strides = array<i32>} : memref<2x64xf32, #tpu.memory_space<vmem>>, vector<16xf32>,
    %swap3A_20 = arith.constant 0 : i32
    %swap3A_21 = arith.index_cast %swap3A_20 : i32 to index
    %swap3A_22 = arith.constant 16 : index
    %swap3A_23 = tpu.vector_load %arg12[%swap3A_21, %swap3A_22] {strides = array<i32>} : memref<2x128xi32, #tpu.memory_space<vmem>>, vector<16xi32>,
    tpu.vector_store %arg12[%swap3A_21, %swap3A_22], %broadcast_in_dim3A_8 {strides = array<i32>} : memref<2x128xi32, #tpu.memory_space<vmem>>, vector<16xi32>,
    %swap3A_24 = arith.constant 0 : i32
    %swap3A_25 = arith.index_cast %swap3A_24 : i32 to index
    %swap3A_26 = arith.constant 16 : index
    %swap3A_27 = tpu.vector_load %arg14[%swap3A_25, %swap3A_26] {strides = array<i32>} : memref<2x64xi32, #tpu.memory_space<vmem>>, vector<16xi32>,
    tpu.vector_store %arg14[%swap3A_25, %swap3A_26], %broadcast_in_dim3A_8 {strides = array<i32>} : memref<2x64xi32, #tpu.memory_space<vmem>>, vector<16xi32>,
    %swap3A_28 = arith.constant 0 : i32
    %swap3A_29 = arith.index_cast %swap3A_28 : i32 to index
    %swap3A_30 = arith.constant 16 : index
    %swap3A_31 = tpu.vector_load %arg13[%swap3A_29, %swap3A_30] {strides = array<i32>} : memref<2x64xf32, #tpu.memory_space<vmem>>, vector<16xf32>,
    tpu.vector_store %arg13[%swap3A_29, %swap3A_30], %broadcast_in_dim3A_6 {strides = array<i32>} : memref<2x64xf32, #tpu.memory_space<vmem>>, vector<16xf32>,
    %swap3A_32 = arith.constant 0 : i32
    %swap3A_33 = arith.index_cast %swap3A_32 : i32 to index
    %swap3A_34 = arith.constant 32 : index
    %swap3A_35 = tpu.vector_load %arg12[%swap3A_33, %swap3A_34] {strides = array<i32>} : memref<2x128xi32, #tpu.memory_space<vmem>>, vector<16xi32>,
    tpu.vector_store %arg12[%swap3A_33, %swap3A_34], %broadcast_in_dim3A_8 {strides = array<i32>} : memref<2x128xi32, #tpu.memory_space<vmem>>, vector<16xi32>,
    %swap3A_36 = arith.constant 0 : i32
    %swap3A_37 = arith.index_cast %swap3A_36 : i32 to index
    %swap3A_38 = arith.constant 32 : index
    %swap3A_39 = tpu.vector_load %arg14[%swap3A_37, %swap3A_38] {strides = array<i32>} : memref<2x64xi32, #tpu.memory_space<vmem>>, vector<16xi32>,
    tpu.vector_store %arg14[%swap3A_37, %swap3A_38], %broadcast_in_dim3A_8 {strides = array<i32>} : memref<2x64xi32, #tpu.memory_space<vmem>>, vector<16xi32>,
    %swap3A_40 = arith.constant 0 : i32
    %swap3A_41 = arith.index_cast %swap3A_40 : i32 to index
    %swap3A_42 = arith.constant 32 : index
    %swap3A_43 = tpu.vector_load %arg13[%swap3A_41, %swap3A_42] {strides = array<i32>} : memref<2x64xf32, #tpu.memory_space<vmem>>, vector<16xf32>,
    tpu.vector_store %arg13[%swap3A_41, %swap3A_42], %broadcast_in_dim3A_6 {strides = array<i32>} : memref<2x64xf32, #tpu.memory_space<vmem>>, vector<16xf32>,
    %swap3A_44 = arith.constant 0 : i32
    %swap3A_45 = arith.index_cast %swap3A_44 : i32 to index
    %swap3A_46 = arith.constant 48 : index
    %swap3A_47 = tpu.vector_load %arg12[%swap3A_45, %swap3A_46] {strides = array<i32>} : memref<2x128xi32, #tpu.memory_space<vmem>>, vector<16xi32>,
    tpu.vector_store %arg12[%swap3A_45, %swap3A_46], %broadcast_in_dim3A_8 {strides = array<i32>} : memref<2x128xi32, #tpu.memory_space<vmem>>, vector<16xi32>,
    %swap3A_48 = arith.constant 0 : i32
    %swap3A_49 = arith.index_cast %swap3A_48 : i32 to index
    %swap3A_50 = arith.constant 48 : index
    %swap3A_51 = tpu.vector_load %arg14[%swap3A_49, %swap3A_50] {strides = array<i32>} : memref<2x64xi32, #tpu.memory_space<vmem>>, vector<16xi32>,
    tpu.vector_store %arg14[%swap3A_49, %swap3A_50], %broadcast_in_dim3A_8 {strides = array<i32>} : memref<2x64xi32, #tpu.memory_space<vmem>>, vector<16xi32>,
    %swap3A_52 = arith.constant 0 : i32
    %swap3A_53 = arith.index_cast %swap3A_52 : i32 to index
    %swap3A_54 = arith.constant 48 : index
    %swap3A_55 = tpu.vector_load %arg13[%swap3A_53, %swap3A_54] {strides = array<i32>} : memref<2x64xf32, #tpu.memory_space<vmem>>, vector<16xf32>,
    tpu.vector_store %arg13[%swap3A_53, %swap3A_54], %broadcast_in_dim3A_6 {strides = array<i32>} : memref<2x64xf32, #tpu.memory_space<vmem>>, vector<16xf32>,
    %swap3A_56 = arith.constant 1 : i32
    %swap3A_57 = arith.index_cast %swap3A_56 : i32 to index
    %swap3A_58 = arith.constant 0 : index
    %swap3A_59 = tpu.vector_load %arg12[%swap3A_57, %swap3A_58] {strides = array<i32>} : memref<2x128xi32, #tpu.memory_space<vmem>>, vector<16xi32>,
    tpu.vector_store %arg12[%swap3A_57, %swap3A_58], %broadcast_in_dim3A_8 {strides = array<i32>} : memref<2x128xi32, #tpu.memory_space<vmem>>, vector<16xi32>,
    %swap3A_60 = arith.constant 1 : i32
    %swap3A_61 = arith.index_cast %swap3A_60 : i32 to index
    %swap3A_62 = arith.constant 0 : index
    %swap3A_63 = tpu.vector_load %arg14[%swap3A_61, %swap3A_62] {strides = array<i32>} : memref<2x64xi32, #tpu.memory_space<vmem>>, vector<16xi32>,
    tpu.vector_store %arg14[%swap3A_61, %swap3A_62], %broadcast_in_dim3A_8 {strides = array<i32>} : memref<2x64xi32, #tpu.memory_space<vmem>>, vector<16xi32>,
    %swap3A_64 = arith.constant 1 : i32
    %swap3A_65 = arith.index_cast %swap3A_64 : i32 to index
    %swap3A_66 = arith.constant 0 : index
    %swap3A_67 = tpu.vector_load %arg13[%swap3A_65, %swap3A_66] {strides = array<i32>} : memref<2x64xf32, #tpu.memory_space<vmem>>, vector<16xf32>,
    tpu.vector_store %arg13[%swap3A_65, %swap3A_66], %broadcast_in_dim3A_6 {strides = array<i32>} : memref<2x64xf32, #tpu.memory_space<vmem>>, vector<16xf32>,
    %swap3A_68 = arith.constant 1 : i32
    %swap3A_69 = arith.index_cast %swap3A_68 : i32 to index
    %swap3A_70 = arith.constant 16 : index
    %swap3A_71 = tpu.vector_load %arg12[%swap3A_69, %swap3A_70] {strides = array<i32>} : memref<2x128xi32, #tpu.memory_space<vmem>>, vector<16xi32>,
    tpu.vector_store %arg12[%swap3A_69, %swap3A_70], %broadcast_in_dim3A_8 {strides = array<i32>} : memref<2x128xi32, #tpu.memory_space<vmem>>, vector<16xi32>,
    %swap3A_72 = arith.constant 1 : i32
    %swap3A_73 = arith.index_cast %swap3A_72 : i32 to index
    %swap3A_74 = arith.constant 16 : index
    %swap3A_75 = tpu.vector_load %arg14[%swap3A_73, %swap3A_74] {strides = array<i32>} : memref<2x64xi32, #tpu.memory_space<vmem>>, vector<16xi32>,
    tpu.vector_store %arg14[%swap3A_73, %swap3A_74], %broadcast_in_dim3A_8 {strides = array<i32>} : memref<2x64xi32, #tpu.memory_space<vmem>>, vector<16xi32>,
    %swap3A_76 = arith.constant 1 : i32
    %swap3A_77 = arith.index_cast %swap3A_76 : i32 to index
    %swap3A_78 = arith.constant 16 : index
    %swap3A_79 = tpu.vector_load %arg13[%swap3A_77, %swap3A_78] {strides = array<i32>} : memref<2x64xf32, #tpu.memory_space<vmem>>, vector<16xf32>,
    tpu.vector_store %arg13[%swap3A_77, %swap3A_78], %broadcast_in_dim3A_6 {strides = array<i32>} : memref<2x64xf32, #tpu.memory_space<vmem>>, vector<16xf32>,
    %swap3A_80 = arith.constant 1 : i32
    %swap3A_81 = arith.index_cast %swap3A_80 : i32 to index
    %swap3A_82 = arith.constant 32 : index
    %swap3A_83 = tpu.vector_load %arg12[%swap3A_81, %swap3A_82] {strides = array<i32>} : memref<2x128xi32, #tpu.memory_space<vmem>>, vector<16xi32>,
    tpu.vector_store %arg12[%swap3A_81, %swap3A_82], %broadcast_in_dim3A_8 {strides = array<i32>} : memref<2x128xi32, #tpu.memory_space<vmem>>, vector<16xi32>,
    %swap3A_84 = arith.constant 1 : i32
    %swap3A_85 = arith.index_cast %swap3A_84 : i32 to index
    %swap3A_86 = arith.constant 32 : index
    %swap3A_87 = tpu.vector_load %arg14[%swap3A_85, %swap3A_86] {strides = array<i32>} : memref<2x64xi32, #tpu.memory_space<vmem>>, vector<16xi32>,
    tpu.vector_store %arg14[%swap3A_85, %swap3A_86], %broadcast_in_dim3A_8 {strides = array<i32>} : memref<2x64xi32, #tpu.memory_space<vmem>>, vector<16xi32>,
    %swap3A_88 = arith.constant 1 : i32
    %swap3A_89 = arith.index_cast %swap3A_88 : i32 to index
    %swap3A_90 = arith.constant 32 : index
    %swap3A_91 = tpu.vector_load %arg13[%swap3A_89, %swap3A_90] {strides = array<i32>} : memref<2x64xf32, #tpu.memory_space<vmem>>, vector<16xf32>,
    tpu.vector_store %arg13[%swap3A_89, %swap3A_90], %broadcast_in_dim3A_6 {strides = array<i32>} : memref<2x64xf32, #tpu.memory_space<vmem>>, vector<16xf32>,
    %swap3A_92 = arith.constant 1 : i32
    %swap3A_93 = arith.index_cast %swap3A_92 : i32 to index
    %swap3A_94 = arith.constant 48 : index
    %swap3A_95 = tpu.vector_load %arg12[%swap3A_93, %swap3A_94] {strides = array<i32>} : memref<2x128xi32, #tpu.memory_space<vmem>>, vector<16xi32>,
    tpu.vector_store %arg12[%swap3A_93, %swap3A_94], %broadcast_in_dim3A_8 {strides = array<i32>} : memref<2x128xi32, #tpu.memory_space<vmem>>, vector<16xi32>,
    %swap3A_96 = arith.constant 1 : i32
    %swap3A_97 = arith.index_cast %swap3A_96 : i32 to index
    %swap3A_98 = arith.constant 48 : index
    %swap3A_99 = tpu.vector_load %arg14[%swap3A_97, %swap3A_98] {strides = array<i32>} : memref<2x64xi32, #tpu.memory_space<vmem>>, vector<16xi32>,
    tpu.vector_store %arg14[%swap3A_97, %swap3A_98], %broadcast_in_dim3A_8 {strides = array<i32>} : memref<2x64xi32, #tpu.memory_space<vmem>>, vector<16xi32>,
    %swap3A_100 = arith.constant 1 : i32
    %swap3A_101 = arith.index_cast %swap3A_100 : i32 to index
    %swap3A_102 = arith.constant 48 : index
    %swap3A_103 = tpu.vector_load %arg13[%swap3A_101, %swap3A_102] {strides = array<i32>} : memref<2x64xf32, #tpu.memory_space<vmem>>, vector<16xf32>,
    tpu.vector_store %arg13[%swap3A_101, %swap3A_102], %broadcast_in_dim3A_6 {strides = array<i32>} : memref<2x64xf32, #tpu.memory_space<vmem>>, vector<16xf32>,
    %scan3A = arith.constant 0 : i32
    %scan3A_104 = arith.constant 0 : i32
    %scan3A_105 = arith.constant 328 : i32
    %scan3A_106 = arith.addi %scan3A_104, %scan3A_105 : i32
    %scan3A_107 = arith.constant 1 : i32
    %scan3A_108 = scf.for %scan3A_315 = %scan3A_104 to %scan3A_106 step %scan3A_107 iter_args(%scan3A_316 = %scan3A) -> (i32)  : i32 {
      %swap3A_317 = arith.index_cast %scan3A_315 : i32 to index
      %swap3A_318 = arith.constant 0 : index
      %swap3A_319 = tpu.vector_load %arg16[%swap3A_317, %swap3A_318] {strides = array<i32>} : memref<328x256xf32, #tpu.memory_space<vmem>>, vector<16xf32>,
      tpu.vector_store %arg16[%swap3A_317, %swap3A_318], %broadcast_in_dim3A_6 {strides = array<i32>} : memref<328x256xf32, #tpu.memory_space<vmem>>, vector<16xf32>,
      %swap3A_320 = arith.index_cast %scan3A_315 : i32 to index
      %swap3A_321 = arith.constant 16 : index
      %swap3A_322 = tpu.vector_load %arg16[%swap3A_320, %swap3A_321] {strides = array<i32>} : memref<328x256xf32, #tpu.memory_space<vmem>>, vector<16xf32>,
      tpu.vector_store %arg16[%swap3A_320, %swap3A_321], %broadcast_in_dim3A_6 {strides = array<i32>} : memref<328x256xf32, #tpu.memory_space<vmem>>, vector<16xf32>,
      %swap3A_323 = arith.index_cast %scan3A_315 : i32 to index
      %swap3A_324 = arith.constant 32 : index
      %swap3A_325 = tpu.vector_load %arg16[%swap3A_323, %swap3A_324] {strides = array<i32>} : memref<328x256xf32, #tpu.memory_space<vmem>>, vector<16xf32>,
      tpu.vector_store %arg16[%swap3A_323, %swap3A_324], %broadcast_in_dim3A_6 {strides = array<i32>} : memref<328x256xf32, #tpu.memory_space<vmem>>, vector<16xf32>,
      %swap3A_326 = arith.index_cast %scan3A_315 : i32 to index
      %swap3A_327 = arith.constant 48 : index
      %swap3A_328 = tpu.vector_load %arg16[%swap3A_326, %swap3A_327] {strides = array<i32>} : memref<328x256xf32, #tpu.memory_space<vmem>>, vector<16xf32>,
      tpu.vector_store %arg16[%swap3A_326, %swap3A_327], %broadcast_in_dim3A_6 {strides = array<i32>} : memref<328x256xf32, #tpu.memory_space<vmem>>, vector<16xf32>,
      %swap3A_329 = arith.index_cast %scan3A_315 : i32 to index
      %swap3A_330 = arith.constant 64 : index
      %swap3A_331 = tpu.vector_load %arg16[%swap3A_329, %swap3A_330] {strides = array<i32>} : memref<328x256xf32, #tpu.memory_space<vmem>>, vector<16xf32>,
      tpu.vector_store %arg16[%swap3A_329, %swap3A_330], %broadcast_in_dim3A_6 {strides = array<i32>} : memref<328x256xf32, #tpu.memory_space<vmem>>, vector<16xf32>,
      %swap3A_332 = arith.index_cast %scan3A_315 : i32 to index
      %swap3A_333 = arith.constant 80 : index
      %swap3A_334 = tpu.vector_load %arg16[%swap3A_332, %swap3A_333] {strides = array<i32>} : memref<328x256xf32, #tpu.memory_space<vmem>>, vector<16xf32>,
      tpu.vector_store %arg16[%swap3A_332, %swap3A_333], %broadcast_in_dim3A_6 {strides = array<i32>} : memref<328x256xf32, #tpu.memory_space<vmem>>, vector<16xf32>,
      %swap3A_335 = arith.index_cast %scan3A_315 : i32 to index
      %swap3A_336 = arith.constant 96 : index
      %swap3A_337 = tpu.vector_load %arg16[%swap3A_335, %swap3A_336] {strides = array<i32>} : memref<328x256xf32, #tpu.memory_space<vmem>>, vector<16xf32>,
      tpu.vector_store %arg16[%swap3A_335, %swap3A_336], %broadcast_in_dim3A_6 {strides = array<i32>} : memref<328x256xf32, #tpu.memory_space<vmem>>, vector<16xf32>,
      %swap3A_338 = arith.index_cast %scan3A_315 : i32 to index
      %swap3A_339 = arith.constant 112 : index
      %swap3A_340 = tpu.vector_load %arg16[%swap3A_338, %swap3A_339] {strides = array<i32>} : memref<328x256xf32, #tpu.memory_space<vmem>>, vector<16xf32>,
      tpu.vector_store %arg16[%swap3A_338, %swap3A_339], %broadcast_in_dim3A_6 {strides = array<i32>} : memref<328x256xf32, #tpu.memory_space<vmem>>, vector<16xf32>,
      %swap3A_341 = arith.index_cast %scan3A_315 : i32 to index
      %swap3A_342 = arith.constant 128 : index
      %swap3A_343 = tpu.vector_load %arg16[%swap3A_341, %swap3A_342] {strides = array<i32>} : memref<328x256xf32, #tpu.memory_space<vmem>>, vector<16xf32>,
      tpu.vector_store %arg16[%swap3A_341, %swap3A_342], %broadcast_in_dim3A_6 {strides = array<i32>} : memref<328x256xf32, #tpu.memory_space<vmem>>, vector<16xf32>,
      %swap3A_344 = arith.index_cast %scan3A_315 : i32 to index
      %swap3A_345 = arith.constant 144 : index
      %swap3A_346 = tpu.vector_load %arg16[%swap3A_344, %swap3A_345] {strides = array<i32>} : memref<328x256xf32, #tpu.memory_space<vmem>>, vector<16xf32>,
      tpu.vector_store %arg16[%swap3A_344, %swap3A_345], %broadcast_in_dim3A_6 {strides = array<i32>} : memref<328x256xf32, #tpu.memory_space<vmem>>, vector<16xf32>,
      %swap3A_347 = arith.index_cast %scan3A_315 : i32 to index
      %swap3A_348 = arith.constant 160 : index
      %swap3A_349 = tpu.vector_load %arg16[%swap3A_347, %swap3A_348] {strides = array<i32>} : memref<328x256xf32, #tpu.memory_space<vmem>>, vector<16xf32>,
      tpu.vector_store %arg16[%swap3A_347, %swap3A_348], %broadcast_in_dim3A_6 {strides = array<i32>} : memref<328x256xf32, #tpu.memory_space<vmem>>, vector<16xf32>,
      %swap3A_350 = arith.index_cast %scan3A_315 : i32 to index
      %swap3A_351 = arith.constant 176 : index
      %swap3A_352 = tpu.vector_load %arg16[%swap3A_350, %swap3A_351] {strides = array<i32>} : memref<328x256xf32, #tpu.memory_space<vmem>>, vector<16xf32>,
      tpu.vector_store %arg16[%swap3A_350, %swap3A_351], %broadcast_in_dim3A_6 {strides = array<i32>} : memref<328x256xf32, #tpu.memory_space<vmem>>, vector<16xf32>,
      %swap3A_353 = arith.index_cast %scan3A_315 : i32 to index
      %swap3A_354 = arith.constant 192 : index
      %swap3A_355 = tpu.vector_load %arg16[%swap3A_353, %swap3A_354] {strides = array<i32>} : memref<328x256xf32, #tpu.memory_space<vmem>>, vector<16xf32>,
      tpu.vector_store %arg16[%swap3A_353, %swap3A_354], %broadcast_in_dim3A_6 {strides = array<i32>} : memref<328x256xf32, #tpu.memory_space<vmem>>, vector<16xf32>,
      %swap3A_356 = arith.index_cast %scan3A_315 : i32 to index
      %swap3A_357 = arith.constant 208 : index
      %swap3A_358 = tpu.vector_load %arg16[%swap3A_356, %swap3A_357] {strides = array<i32>} : memref<328x256xf32, #tpu.memory_space<vmem>>, vector<16xf32>,
      tpu.vector_store %arg16[%swap3A_356, %swap3A_357], %broadcast_in_dim3A_6 {strides = array<i32>} : memref<328x256xf32, #tpu.memory_space<vmem>>, vector<16xf32>,
      %swap3A_359 = arith.index_cast %scan3A_315 : i32 to index
      %swap3A_360 = arith.constant 224 : index
      %swap3A_361 = tpu.vector_load %arg16[%swap3A_359, %swap3A_360] {strides = array<i32>} : memref<328x256xf32, #tpu.memory_space<vmem>>, vector<16xf32>,
      tpu.vector_store %arg16[%swap3A_359, %swap3A_360], %broadcast_in_dim3A_6 {strides = array<i32>} : memref<328x256xf32, #tpu.memory_space<vmem>>, vector<16xf32>,
      %swap3A_362 = arith.index_cast %scan3A_315 : i32 to index
      %swap3A_363 = arith.constant 240 : index
      %swap3A_364 = tpu.vector_load %arg16[%swap3A_362, %swap3A_363] {strides = array<i32>} : memref<328x256xf32, #tpu.memory_space<vmem>>, vector<16xf32>,
      tpu.vector_store %arg16[%swap3A_362, %swap3A_363], %broadcast_in_dim3A_6 {strides = array<i32>} : memref<328x256xf32, #tpu.memory_space<vmem>>, vector<16xf32>,
      %scan3A_365 = arith.constant 0 : i32
      scf.yield %scan3A_365 : i32
    }
    %scan3A_109 = arith.constant 328 : i32
    %dma_start3A = arith.constant 0 : i32
    %dma_start3A_110 = arith.constant 0 : i32
    %dma_start3A_111 = arith.constant 0 : i32
    %dma_start3A_112 = tpu.memref_slice %arg15[%dma_start3A_110, %dma_start3A_111] : memref<128x256xf32, #tpu.memory_space<vmem>> -> memref<64x256xf32, #tpu.memory_space<vmem>>
    %dma_start3A_113 = arith.constant 0 : i32
    %dma_start3A_114 = tpu.memref_slice %arg12[%dma_start3A, %dma_start3A_113] : memref<2x128xi32, #tpu.memory_space<vmem>> -> memref<1x64xi32, #tpu.memory_space<vmem>>
    %dma_start3A_115 = tpu.memref_squeeze %dma_start3A_114 : memref<1x64xi32, #tpu.memory_space<vmem>> -> memref<64xi32, #tpu.memory_space<vmem>>
    %dma_start3A_116 = arith.constant 0 : i32
    %dma_start3A_117 = arith.constant 0 : i32
    %dma_start3A_118 = tpu.memref_slice %arg2[%dma_start3A_116, %dma_start3A_117] : memref<10000x256xf32, #tpu.memory_space<hbm>> -> memref<10000x256xf32, #tpu.memory_space<hbm>>
    tpu.enqueue_indirect_dma source(%dma_start3A_118 : memref<10000x256xf32, #tpu.memory_space<hbm>>) target(%dma_start3A_112 : memref<64x256xf32, #tpu.memory_space<vmem>>) offsets(%dma_start3A_115 : memref<64xi32, #tpu.memory_space<vmem>>) semaphore(%arg17 : memref<!tpu.dma_semaphore, #tpu.memory_space<semaphore_mem>>)
    %dma_start3A_119 = arith.constant 0 : i32
    %dma_start3A_120 = tpu.memref_slice %arg3[%dma_start3A_119] : memref<160000xi32, #tpu.memory_space<hbm>> -> memref<1600xi32, #tpu.memory_space<hbm>>
    %dma_start3A_121 = arith.constant 0 : i32
    %dma_start3A_122 = tpu.memref_slice %arg3[%dma_start3A_121] : memref<160000xi32, #tpu.memory_space<hbm>> -> memref<1600xi32, #tpu.memory_space<hbm>>
    tpu.enqueue_dma source(%dma_start3A_122 : memref<1600xi32, #tpu.memory_space<hbm>>) target(%arg6 : memref<1600xi32, #tpu.memory_space<vmem>>) target_semaphore(%arg18 : memref<!tpu.dma_semaphore, #tpu.memory_space<semaphore_mem>>)
    %dma_start3A_123 = arith.constant 0 : i32
    %dma_start3A_124 = tpu.memref_slice %arg4[%dma_start3A_123] : memref<160000xf32, #tpu.memory_space<hbm>> -> memref<1600xf32, #tpu.memory_space<hbm>>
    %dma_start3A_125 = arith.constant 0 : i32
    %dma_start3A_126 = tpu.memref_slice %arg4[%dma_start3A_125] : memref<160000xf32, #tpu.memory_space<hbm>> -> memref<1600xf32, #tpu.memory_space<hbm>>
    tpu.enqueue_dma source(%dma_start3A_126 : memref<1600xf32, #tpu.memory_space<hbm>>) target(%arg7 : memref<1600xf32, #tpu.memory_space<vmem>>) target_semaphore(%arg18 : memref<!tpu.dma_semaphore, #tpu.memory_space<semaphore_mem>>)
    %scan3A_127 = arith.constant 0 : i32
    %scan3A_128 = arith.constant 0 : i32
    %scan3A_129 = arith.constant 0 : i32
    %scan3A_130 = arith.constant 50 : i32
    %scan3A_131 = arith.addi %scan3A_129, %scan3A_130 : i32
    %scan3A_132 = arith.constant 1 : i32
    %scan3A_133:2 = scf.for %scan3A_315 = %scan3A_129 to %scan3A_131 step %scan3A_132 iter_args(%scan3A_316 = %scan3A_127, %scan3A_317 = %scan3A_128) -> (i32, i32)  : i32 {
      %mul3A_318 = arith.constant 2 : i32
      %mul3A_319 = arith.muli %mul3A_318, %scan3A_315 : i32
      %mul3A_320 = arith.constant 1600 : i32
      %mul3A_321 = arith.muli %mul3A_319, %mul3A_320 : i32
      %dma_wait3A_322 = tpu.memref_slice %arg3[%mul3A_321] : memref<160000xi32, #tpu.memory_space<hbm>> -> memref<1600xi32, #tpu.memory_space<hbm>>
      %dma_wait3A_323 = tpu.memref_slice %arg3[%mul3A_321] : memref<160000xi32, #tpu.memory_space<hbm>> -> memref<1600xi32, #tpu.memory_space<hbm>>
      tpu.wait_dma2 semaphore(%arg18 : memref<!tpu.dma_semaphore, #tpu.memory_space<semaphore_mem>>) src(%dma_wait3A_323 : memref<1600xi32, #tpu.memory_space<hbm>>) dst(%arg6 : memref<1600xi32, #tpu.memory_space<vmem>>)
      %dma_wait3A_324 = tpu.memref_slice %arg4[%mul3A_321] : memref<160000xf32, #tpu.memory_space<hbm>> -> memref<1600xf32, #tpu.memory_space<hbm>>
      %dma_wait3A_325 = tpu.memref_slice %arg4[%mul3A_321] : memref<160000xf32, #tpu.memory_space<hbm>> -> memref<1600xf32, #tpu.memory_space<hbm>>
      tpu.wait_dma2 semaphore(%arg18 : memref<!tpu.dma_semaphore, #tpu.memory_space<semaphore_mem>>) src(%dma_wait3A_325 : memref<1600xf32, #tpu.memory_space<hbm>>) dst(%arg7 : memref<1600xf32, #tpu.memory_space<vmem>>)
      %add3A_326 = arith.constant 1 : i32
      %add3A_327 = arith.addi %mul3A_319, %add3A_326 : i32
      %mul3A_328 = arith.constant 1600 : i32
      %mul3A_329 = arith.muli %add3A_327, %mul3A_328 : i32
      %dma_start3A_330 = tpu.memref_slice %arg3[%mul3A_329] : memref<160000xi32, #tpu.memory_space<hbm>> -> memref<1600xi32, #tpu.memory_space<hbm>>
      %dma_start3A_331 = tpu.memref_slice %arg3[%mul3A_329] : memref<160000xi32, #tpu.memory_space<hbm>> -> memref<1600xi32, #tpu.memory_space<hbm>>
      tpu.enqueue_dma source(%dma_start3A_331 : memref<1600xi32, #tpu.memory_space<hbm>>) target(%arg8 : memref<1600xi32, #tpu.memory_space<vmem>>) target_semaphore(%arg19 : memref<!tpu.dma_semaphore, #tpu.memory_space<semaphore_mem>>)
      %dma_start3A_332 = tpu.memref_slice %arg4[%mul3A_329] : memref<160000xf32, #tpu.memory_space<hbm>> -> memref<1600xf32, #tpu.memory_space<hbm>>
      %dma_start3A_333 = tpu.memref_slice %arg4[%mul3A_329] : memref<160000xf32, #tpu.memory_space<hbm>> -> memref<1600xf32, #tpu.memory_space<hbm>>
      tpu.enqueue_dma source(%dma_start3A_333 : memref<1600xf32, #tpu.memory_space<hbm>>) target(%arg9 : memref<1600xf32, #tpu.memory_space<vmem>>) target_semaphore(%arg19 : memref<!tpu.dma_semaphore, #tpu.memory_space<semaphore_mem>>)
      %parallel_loop3A = arith.constant 0 : i32
      %parallel_loop3A_334 = arith.constant 100 : i32
      %parallel_loop3A_335 = arith.constant 1 : i32
      %parallel_loop3A_336 = scf.for %parallel_loop3A_370 = %parallel_loop3A to %parallel_loop3A_334 step %parallel_loop3A_335 iter_args(%parallel_loop3A_371 = %scan3A_316) -> (i32)  : i32 {
        %parallel_loop3A_372 = arith.constant 16 : i32
        %parallel_loop3A_373 = arith.muli %parallel_loop3A_370, %parallel_loop3A_372 : i32
        %parallel_loop3A_374 = arith.index_cast %parallel_loop3A_373 : i32 to index
        %parallel_loop3A_375 = tpu.vector_load %arg6[%parallel_loop3A_374] {strides = array<i32>} : memref<1600xi32, #tpu.memory_space<vmem>>, vector<16xi32>,
        %parallel_loop3A_376 = arith.constant 14 : i32
        %parallel_loop3A_377 = vector.broadcast %parallel_loop3A_376 : i32 to vector<16xi32>
        %parallel_loop3A_378 = arith.shrui %parallel_loop3A_375, %parallel_loop3A_377 : vector<16xi32>
        %parallel_loop3A_379 = vector.broadcast %mul3A_2 : i32 to vector<16xi32>
        %parallel_loop3A_380 = arith.cmpi sge, %parallel_loop3A_378, %parallel_loop3A_379 : vector<16xi32>
        %parallel_loop3A_381 = vector.broadcast %add3A_5 : i32 to vector<16xi32>
        %parallel_loop3A_382 = arith.cmpi slt, %parallel_loop3A_378, %parallel_loop3A_381 : vector<16xi32>
        %parallel_loop3A_383 = arith.andi %parallel_loop3A_380, %parallel_loop3A_382 : vector<16xi1>
        %parallel_loop3A_384 = arith.constant 16383 : i32
        %parallel_loop3A_385 = vector.broadcast %parallel_loop3A_384 : i32 to vector<16xi32>
        %parallel_loop3A_386 = arith.andi %parallel_loop3A_375, %parallel_loop3A_385 : vector<16xi32>
        %parallel_loop3A_387 = vector.broadcast %mul3A_2 : i32 to vector<16xi32>
        %parallel_loop3A_388 = arith.subi %parallel_loop3A_378, %parallel_loop3A_387 : vector<16xi32>
        %parallel_loop3A_389 = arith.constant 14 : i32
        %parallel_loop3A_390 = vector.broadcast %parallel_loop3A_389 : i32 to vector<16xi32>
        %parallel_loop3A_391 = arith.shli %parallel_loop3A_388, %parallel_loop3A_390 : vector<16xi32>
        %parallel_loop3A_392 = arith.ori %parallel_loop3A_386, %parallel_loop3A_391 : vector<16xi32>
        %parallel_loop3A_393 = arith.index_cast %parallel_loop3A_371 : i32 to index
        %parallel_loop3A_394 = tpu.vector_load %arg10[%parallel_loop3A_393] masked %parallel_loop3A_383 {strides = array<i32>} : memref<1680xi32, #tpu.memory_space<vmem>>, vector<16xi32>, vector<16xi1>
        tpu.vector_store %arg10[%parallel_loop3A_393], %parallel_loop3A_392 masked %parallel_loop3A_383 {strides = array<i32>} : memref<1680xi32, #tpu.memory_space<vmem>>, vector<16xi32>, vector<16xi1>
        %parallel_loop3A_395 = arith.index_cast %parallel_loop3A_373 : i32 to index
        %parallel_loop3A_396 = tpu.vector_load %arg7[%parallel_loop3A_395] {strides = array<i32>} : memref<1600xf32, #tpu.memory_space<vmem>>, vector<16xf32>,
        %parallel_loop3A_397 = arith.index_cast %parallel_loop3A_371 : i32 to index
        %parallel_loop3A_398 = tpu.vector_load %arg11[%parallel_loop3A_397] masked %parallel_loop3A_383 {strides = array<i32>} : memref<1680xf32, #tpu.memory_space<vmem>>, vector<16xf32>, vector<16xi1>
        tpu.vector_store %arg11[%parallel_loop3A_397], %parallel_loop3A_396 masked %parallel_loop3A_383 {strides = array<i32>} : memref<1680xf32, #tpu.memory_space<vmem>>, vector<16xf32>, vector<16xi1>
        %parallel_loop3A_399 = tpu.all_reduce %parallel_loop3A_383 {dim = 0 : i64, kind = #tpu.reduction_kind<sum>} : vector<16xi1> -> vector<16xi32>
        %parallel_loop3A_400 = vector.extract_strided_slice %parallel_loop3A_399 {offsets = [0], sizes = [1], strides = [1]} : vector<16xi32> to vector<1xi32>
        %parallel_loop3A_401 = vector.extract %parallel_loop3A_400[0] : i32 from vector<1xi32>
        %parallel_loop3A_402 = arith.addi %parallel_loop3A_371, %parallel_loop3A_401 : i32
        scf.yield %parallel_loop3A_402 : i32
      } {sc.loop_unroll_factor = 4 : i64, sc.parallel_access}
      %while3A = arith.constant 0 : i32
      %while3A_337:3 = scf.while (%while3A_370 = %parallel_loop3A_336, %while3A_371 = %while3A, %while3A_372 = %scan3A_317) : (i32, i32, i32) -> (i32, i32, i32) {
        %sub3A_373 = arith.subi %while3A_370, %while3A_371 : i32
        %ge3A = arith.constant 64 : i32
        %ge3A_374 = arith.cmpi sge, %sub3A_373, %ge3A : i32
        scf.condition(%ge3A_374) %while3A_370, %while3A_371, %while3A_372 : i32, i32, i32
      } do {
      ^bb0(%while3A_370: i32, %while3A_371: i32, %while3A_372: i32):
        %sub3A_373 = arith.constant 1 : i32
        %sub3A_374 = arith.subi %sub3A_373, %while3A_372 : i32
        %add3A_375 = arith.constant 0 : i32
        %add3A_376 = arith.addi %while3A_371, %add3A_375 : i32
        %get3A_377 = arith.index_cast %add3A_376 : i32 to index
        %get3A_378 = tpu.vector_load %arg10[%get3A_377] {strides = array<i32>} : memref<1680xi32, #tpu.memory_space<vmem>>, vector<16xi32>,
        %and3A_379 = arith.constant 16383 : i32
        %and3A_380 = vector.broadcast %and3A_379 : i32 to vector<16xi32>
        %and3A_381 = arith.andi %get3A_378, %and3A_380 : vector<16xi32>
        %swap3A_382 = arith.index_cast %sub3A_374 : i32 to index
        %swap3A_383 = arith.constant 0 : index
        %swap3A_384 = tpu.vector_load %arg12[%swap3A_382, %swap3A_383] {strides = array<i32>} : memref<2x128xi32, #tpu.memory_space<vmem>>, vector<16xi32>,
        tpu.vector_store %arg12[%swap3A_382, %swap3A_383], %and3A_381 {strides = array<i32>} : memref<2x128xi32, #tpu.memory_space<vmem>>, vector<16xi32>,
        %shift_right_logical3A_385 = arith.constant 14 : i32
        %shift_right_logical3A_386 = vector.broadcast %shift_right_logical3A_385 : i32 to vector<16xi32>
        %shift_right_logical3A_387 = arith.shrui %get3A_378, %shift_right_logical3A_386 : vector<16xi32>
        %swap3A_388 = arith.index_cast %sub3A_374 : i32 to index
        %swap3A_389 = arith.constant 0 : index
        %swap3A_390 = tpu.vector_load %arg14[%swap3A_388, %swap3A_389] {strides = array<i32>} : memref<2x64xi32, #tpu.memory_space<vmem>>, vector<16xi32>,
        tpu.vector_store %arg14[%swap3A_388, %swap3A_389], %shift_right_logical3A_387 {strides = array<i32>} : memref<2x64xi32, #tpu.memory_space<vmem>>, vector<16xi32>,
        %get3A_391 = arith.index_cast %add3A_376 : i32 to index
        %get3A_392 = tpu.vector_load %arg11[%get3A_391] {strides = array<i32>} : memref<1680xf32, #tpu.memory_space<vmem>>, vector<16xf32>,
        %swap3A_393 = arith.index_cast %sub3A_374 : i32 to index
        %swap3A_394 = arith.constant 0 : index
        %swap3A_395 = tpu.vector_load %arg13[%swap3A_393, %swap3A_394] {strides = array<i32>} : memref<2x64xf32, #tpu.memory_space<vmem>>, vector<16xf32>,
        tpu.vector_store %arg13[%swap3A_393, %swap3A_394], %get3A_392 {strides = array<i32>} : memref<2x64xf32, #tpu.memory_space<vmem>>, vector<16xf32>,
        %add3A_396 = arith.constant 16 : i32
        %add3A_397 = arith.addi %while3A_371, %add3A_396 : i32
        %get3A_398 = arith.index_cast %add3A_397 : i32 to index
        %get3A_399 = tpu.vector_load %arg10[%get3A_398] {strides = array<i32>} : memref<1680xi32, #tpu.memory_space<vmem>>, vector<16xi32>,
        %and3A_400 = arith.constant 16383 : i32
        %and3A_401 = vector.broadcast %and3A_400 : i32 to vector<16xi32>
        %and3A_402 = arith.andi %get3A_399, %and3A_401 : vector<16xi32>
        %swap3A_403 = arith.index_cast %sub3A_374 : i32 to index
        %swap3A_404 = arith.constant 16 : index
        %swap3A_405 = tpu.vector_load %arg12[%swap3A_403, %swap3A_404] {strides = array<i32>} : memref<2x128xi32, #tpu.memory_space<vmem>>, vector<16xi32>,
        tpu.vector_store %arg12[%swap3A_403, %swap3A_404], %and3A_402 {strides = array<i32>} : memref<2x128xi32, #tpu.memory_space<vmem>>, vector<16xi32>,
        %shift_right_logical3A_406 = arith.constant 14 : i32
        %shift_right_logical3A_407 = vector.broadcast %shift_right_logical3A_406 : i32 to vector<16xi32>
        %shift_right_logical3A_408 = arith.shrui %get3A_399, %shift_right_logical3A_407 : vector<16xi32>
        %swap3A_409 = arith.index_cast %sub3A_374 : i32 to index
        %swap3A_410 = arith.constant 16 : index
        %swap3A_411 = tpu.vector_load %arg14[%swap3A_409, %swap3A_410] {strides = array<i32>} : memref<2x64xi32, #tpu.memory_space<vmem>>, vector<16xi32>,
        tpu.vector_store %arg14[%swap3A_409, %swap3A_410], %shift_right_logical3A_408 {strides = array<i32>} : memref<2x64xi32, #tpu.memory_space<vmem>>, vector<16xi32>,
        %get3A_412 = arith.index_cast %add3A_397 : i32 to index
        %get3A_413 = tpu.vector_load %arg11[%get3A_412] {strides = array<i32>} : memref<1680xf32, #tpu.memory_space<vmem>>, vector<16xf32>,
        %swap3A_414 = arith.index_cast %sub3A_374 : i32 to index
        %swap3A_415 = arith.constant 16 : index
        %swap3A_416 = tpu.vector_load %arg13[%swap3A_414, %swap3A_415] {strides = array<i32>} : memref<2x64xf32, #tpu.memory_space<vmem>>, vector<16xf32>,
        tpu.vector_store %arg13[%swap3A_414, %swap3A_415], %get3A_413 {strides = array<i32>} : memref<2x64xf32, #tpu.memory_space<vmem>>, vector<16xf32>,
        %add3A_417 = arith.constant 32 : i32
        %add3A_418 = arith.addi %while3A_371, %add3A_417 : i32
        %get3A_419 = arith.index_cast %add3A_418 : i32 to index
        %get3A_420 = tpu.vector_load %arg10[%get3A_419] {strides = array<i32>} : memref<1680xi32, #tpu.memory_space<vmem>>, vector<16xi32>,
        %and3A_421 = arith.constant 16383 : i32
        %and3A_422 = vector.broadcast %and3A_421 : i32 to vector<16xi32>
        %and3A_423 = arith.andi %get3A_420, %and3A_422 : vector<16xi32>
        %swap3A_424 = arith.index_cast %sub3A_374 : i32 to index
        %swap3A_425 = arith.constant 32 : index
        %swap3A_426 = tpu.vector_load %arg12[%swap3A_424, %swap3A_425] {strides = array<i32>} : memref<2x128xi32, #tpu.memory_space<vmem>>, vector<16xi32>,
        tpu.vector_store %arg12[%swap3A_424, %swap3A_425], %and3A_423 {strides = array<i32>} : memref<2x128xi32, #tpu.memory_space<vmem>>, vector<16xi32>,
        %shift_right_logical3A_427 = arith.constant 14 : i32
        %shift_right_logical3A_428 = vector.broadcast %shift_right_logical3A_427 : i32 to vector<16xi32>
        %shift_right_logical3A_429 = arith.shrui %get3A_420, %shift_right_logical3A_428 : vector<16xi32>
        %swap3A_430 = arith.index_cast %sub3A_374 : i32 to index
        %swap3A_431 = arith.constant 32 : index
        %swap3A_432 = tpu.vector_load %arg14[%swap3A_430, %swap3A_431] {strides = array<i32>} : memref<2x64xi32, #tpu.memory_space<vmem>>, vector<16xi32>,
        tpu.vector_store %arg14[%swap3A_430, %swap3A_431], %shift_right_logical3A_429 {strides = array<i32>} : memref<2x64xi32, #tpu.memory_space<vmem>>, vector<16xi32>,
        %get3A_433 = arith.index_cast %add3A_418 : i32 to index
        %get3A_434 = tpu.vector_load %arg11[%get3A_433] {strides = array<i32>} : memref<1680xf32, #tpu.memory_space<vmem>>, vector<16xf32>,
        %swap3A_435 = arith.index_cast %sub3A_374 : i32 to index
        %swap3A_436 = arith.constant 32 : index
        %swap3A_437 = tpu.vector_load %arg13[%swap3A_435, %swap3A_436] {strides = array<i32>} : memref<2x64xf32, #tpu.memory_space<vmem>>, vector<16xf32>,
        tpu.vector_store %arg13[%swap3A_435, %swap3A_436], %get3A_434 {strides = array<i32>} : memref<2x64xf32, #tpu.memory_space<vmem>>, vector<16xf32>,
        %add3A_438 = arith.constant 48 : i32
        %add3A_439 = arith.addi %while3A_371, %add3A_438 : i32
        %get3A_440 = arith.index_cast %add3A_439 : i32 to index
        %get3A_441 = tpu.vector_load %arg10[%get3A_440] {strides = array<i32>} : memref<1680xi32, #tpu.memory_space<vmem>>, vector<16xi32>,
        %and3A_442 = arith.constant 16383 : i32
        %and3A_443 = vector.broadcast %and3A_442 : i32 to vector<16xi32>
        %and3A_444 = arith.andi %get3A_441, %and3A_443 : vector<16xi32>
        %swap3A_445 = arith.index_cast %sub3A_374 : i32 to index
        %swap3A_446 = arith.constant 48 : index
        %swap3A_447 = tpu.vector_load %arg12[%swap3A_445, %swap3A_446] {strides = array<i32>} : memref<2x128xi32, #tpu.memory_space<vmem>>, vector<16xi32>,
        tpu.vector_store %arg12[%swap3A_445, %swap3A_446], %and3A_444 {strides = array<i32>} : memref<2x128xi32, #tpu.memory_space<vmem>>, vector<16xi32>,
        %shift_right_logical3A_448 = arith.constant 14 : i32
        %shift_right_logical3A_449 = vector.broadcast %shift_right_logical3A_448 : i32 to vector<16xi32>
        %shift_right_logical3A_450 = arith.shrui %get3A_441, %shift_right_logical3A_449 : vector<16xi32>
        %swap3A_451 = arith.index_cast %sub3A_374 : i32 to index
        %swap3A_452 = arith.constant 48 : index
        %swap3A_453 = tpu.vector_load %arg14[%swap3A_451, %swap3A_452] {strides = array<i32>} : memref<2x64xi32, #tpu.memory_space<vmem>>, vector<16xi32>,
        tpu.vector_store %arg14[%swap3A_451, %swap3A_452], %shift_right_logical3A_450 {strides = array<i32>} : memref<2x64xi32, #tpu.memory_space<vmem>>, vector<16xi32>,
        %get3A_454 = arith.index_cast %add3A_439 : i32 to index
        %get3A_455 = tpu.vector_load %arg11[%get3A_454] {strides = array<i32>} : memref<1680xf32, #tpu.memory_space<vmem>>, vector<16xf32>,
        %swap3A_456 = arith.index_cast %sub3A_374 : i32 to index
        %swap3A_457 = arith.constant 48 : index
        %swap3A_458 = tpu.vector_load %arg13[%swap3A_456, %swap3A_457] {strides = array<i32>} : memref<2x64xf32, #tpu.memory_space<vmem>>, vector<16xf32>,
        tpu.vector_store %arg13[%swap3A_456, %swap3A_457], %get3A_455 {strides = array<i32>} : memref<2x64xf32, #tpu.memory_space<vmem>>, vector<16xf32>,
        %mul3A_459 = arith.constant 64 : i32
        %mul3A_460 = arith.muli %while3A_372, %mul3A_459 : i32
        %dma_wait3A_461 = arith.constant 0 : i32
        %dma_wait3A_462 = tpu.memref_slice %arg15[%mul3A_460, %dma_wait3A_461] : memref<128x256xf32, #tpu.memory_space<vmem>> -> memref<64x256xf32, #tpu.memory_space<vmem>>
        %dma_wait3A_463 = arith.constant 0 : i32
        %dma_wait3A_464 = tpu.memref_slice %arg12[%while3A_372, %dma_wait3A_463] : memref<2x128xi32, #tpu.memory_space<vmem>> -> memref<1x64xi32, #tpu.memory_space<vmem>>
        %dma_wait3A_465 = tpu.memref_squeeze %dma_wait3A_464 : memref<1x64xi32, #tpu.memory_space<vmem>> -> memref<64xi32, #tpu.memory_space<vmem>>
        %dma_wait3A_466 = arith.constant 0 : i32
        %dma_wait3A_467 = arith.constant 0 : i32
        %dma_wait3A_468 = tpu.memref_slice %arg2[%dma_wait3A_466, %dma_wait3A_467] : memref<10000x256xf32, #tpu.memory_space<hbm>> -> memref<10000x256xf32, #tpu.memory_space<hbm>>
        tpu.wait_indirect_dma semaphore(%arg17 : memref<!tpu.dma_semaphore, #tpu.memory_space<semaphore_mem>>) src(%dma_wait3A_468 : memref<10000x256xf32, #tpu.memory_space<hbm>>) dst(%dma_wait3A_462 : memref<64x256xf32, #tpu.memory_space<vmem>>)
        %mul3A_469 = arith.constant 64 : i32
        %mul3A_470 = arith.muli %sub3A_374, %mul3A_469 : i32
        %dma_start3A_471 = arith.constant 0 : i32
        %dma_start3A_472 = tpu.memref_slice %arg15[%mul3A_470, %dma_start3A_471] : memref<128x256xf32, #tpu.memory_space<vmem>> -> memref<64x256xf32, #tpu.memory_space<vmem>>
        %dma_start3A_473 = arith.constant 0 : i32
        %dma_start3A_474 = tpu.memref_slice %arg12[%sub3A_374, %dma_start3A_473] : memref<2x128xi32, #tpu.memory_space<vmem>> -> memref<1x64xi32, #tpu.memory_space<vmem>>
        %dma_start3A_475 = tpu.memref_squeeze %dma_start3A_474 : memref<1x64xi32, #tpu.memory_space<vmem>> -> memref<64xi32, #tpu.memory_space<vmem>>
        %dma_start3A_476 = arith.constant 0 : i32
        %dma_start3A_477 = arith.constant 0 : i32
        %dma_start3A_478 = tpu.memref_slice %arg2[%dma_start3A_476, %dma_start3A_477] : memref<10000x256xf32, #tpu.memory_space<hbm>> -> memref<10000x256xf32, #tpu.memory_space<hbm>>
        tpu.enqueue_indirect_dma source(%dma_start3A_478 : memref<10000x256xf32, #tpu.memory_space<hbm>>) target(%dma_start3A_472 : memref<64x256xf32, #tpu.memory_space<vmem>>) offsets(%dma_start3A_475 : memref<64xi32, #tpu.memory_space<vmem>>) semaphore(%arg17 : memref<!tpu.dma_semaphore, #tpu.memory_space<semaphore_mem>>)
        %scan3A_479 = arith.constant 0 : i32
        %scan3A_480 = arith.constant 0 : i32
        %scan3A_481 = arith.constant 4 : i32
        %scan3A_482 = arith.addi %scan3A_480, %scan3A_481 : i32
        %scan3A_483 = arith.constant 1 : i32
        %scan3A_484 = scf.for %scan3A_488 = %scan3A_480 to %scan3A_482 step %scan3A_483 iter_args(%scan3A_489 = %scan3A_479) -> (i32)  : i32 {
          %mul3A_490 = arith.constant 16 : i32
          %mul3A_491 = arith.muli %scan3A_488, %mul3A_490 : i32
          %get3A_492 = arith.index_cast %while3A_372 : i32 to index
          %get3A_493 = arith.index_cast %mul3A_491 : i32 to index
          %get3A_494 = tpu.vector_load %arg13[%get3A_492, %get3A_493] {strides = array<i32>} : memref<2x64xf32, #tpu.memory_space<vmem>>, vector<16xf32>,
          %mul3A_495 = arith.constant 16 : i32
          %mul3A_496 = arith.muli %scan3A_488, %mul3A_495 : i32
          %get3A_497 = arith.index_cast %while3A_372 : i32 to index
          %get3A_498 = arith.index_cast %mul3A_496 : i32 to index
          %get3A_499 = tpu.vector_load %arg14[%get3A_497, %get3A_498] {strides = array<i32>} : memref<2x64xi32, #tpu.memory_space<vmem>>, vector<16xi32>,
          %slice3A = vector.extract_strided_slice %get3A_494 {offsets = [0], sizes = [1], strides = [1]} : vector<16xf32> to vector<1xf32>
          %squeeze3A = vector.extract %slice3A[0] : f32 from vector<1xf32>
          %slice3A_500 = vector.extract_strided_slice %get3A_494 {offsets = [1], sizes = [1], strides = [1]} : vector<16xf32> to vector<1xf32>
          %squeeze3A_501 = vector.extract %slice3A_500[0] : f32 from vector<1xf32>
          %slice3A_502 = vector.extract_strided_slice %get3A_494 {offsets = [2], sizes = [1], strides = [1]} : vector<16xf32> to vector<1xf32>
          %squeeze3A_503 = vector.extract %slice3A_502[0] : f32 from vector<1xf32>
          %slice3A_504 = vector.extract_strided_slice %get3A_494 {offsets = [3], sizes = [1], strides = [1]} : vector<16xf32> to vector<1xf32>
          %squeeze3A_505 = vector.extract %slice3A_504[0] : f32 from vector<1xf32>
          %slice3A_506 = vector.extract_strided_slice %get3A_494 {offsets = [4], sizes = [1], strides = [1]} : vector<16xf32> to vector<1xf32>
          %squeeze3A_507 = vector.extract %slice3A_506[0] : f32 from vector<1xf32>
          %slice3A_508 = vector.extract_strided_slice %get3A_494 {offsets = [5], sizes = [1], strides = [1]} : vector<16xf32> to vector<1xf32>
          %squeeze3A_509 = vector.extract %slice3A_508[0] : f32 from vector<1xf32>
          %slice3A_510 = vector.extract_strided_slice %get3A_494 {offsets = [6], sizes = [1], strides = [1]} : vector<16xf32> to vector<1xf32>
          %squeeze3A_511 = vector.extract %slice3A_510[0] : f32 from vector<1xf32>
          %slice3A_512 = vector.extract_strided_slice %get3A_494 {offsets = [7], sizes = [1], strides = [1]} : vector<16xf32> to vector<1xf32>
          %squeeze3A_513 = vector.extract %slice3A_512[0] : f32 from vector<1xf32>
          %slice3A_514 = vector.extract_strided_slice %get3A_494 {offsets = [8], sizes = [1], strides = [1]} : vector<16xf32> to vector<1xf32>
          %squeeze3A_515 = vector.extract %slice3A_514[0] : f32 from vector<1xf32>
          %slice3A_516 = vector.extract_strided_slice %get3A_494 {offsets = [9], sizes = [1], strides = [1]} : vector<16xf32> to vector<1xf32>
          %squeeze3A_517 = vector.extract %slice3A_516[0] : f32 from vector<1xf32>
          %slice3A_518 = vector.extract_strided_slice %get3A_494 {offsets = [10], sizes = [1], strides = [1]} : vector<16xf32> to vector<1xf32>
          %squeeze3A_519 = vector.extract %slice3A_518[0] : f32 from vector<1xf32>
          %slice3A_520 = vector.extract_strided_slice %get3A_494 {offsets = [11], sizes = [1], strides = [1]} : vector<16xf32> to vector<1xf32>
          %squeeze3A_521 = vector.extract %slice3A_520[0] : f32 from vector<1xf32>
          %slice3A_522 = vector.extract_strided_slice %get3A_494 {offsets = [12], sizes = [1], strides = [1]} : vector<16xf32> to vector<1xf32>
          %squeeze3A_523 = vector.extract %slice3A_522[0] : f32 from vector<1xf32>
          %slice3A_524 = vector.extract_strided_slice %get3A_494 {offsets = [13], sizes = [1], strides = [1]} : vector<16xf32> to vector<1xf32>
          %squeeze3A_525 = vector.extract %slice3A_524[0] : f32 from vector<1xf32>
          %slice3A_526 = vector.extract_strided_slice %get3A_494 {offsets = [14], sizes = [1], strides = [1]} : vector<16xf32> to vector<1xf32>
          %squeeze3A_527 = vector.extract %slice3A_526[0] : f32 from vector<1xf32>
          %slice3A_528 = vector.extract_strided_slice %get3A_494 {offsets = [15], sizes = [1], strides = [1]} : vector<16xf32> to vector<1xf32>
          %squeeze3A_529 = vector.extract %slice3A_528[0] : f32 from vector<1xf32>
          %slice3A_530 = vector.extract_strided_slice %get3A_499 {offsets = [0], sizes = [1], strides = [1]} : vector<16xi32> to vector<1xi32>
          %squeeze3A_531 = vector.extract %slice3A_530[0] : i32 from vector<1xi32>
          %slice3A_532 = vector.extract_strided_slice %get3A_499 {offsets = [1], sizes = [1], strides = [1]} : vector<16xi32> to vector<1xi32>
          %squeeze3A_533 = vector.extract %slice3A_532[0] : i32 from vector<1xi32>
          %slice3A_534 = vector.extract_strided_slice %get3A_499 {offsets = [2], sizes = [1], strides = [1]} : vector<16xi32> to vector<1xi32>
          %squeeze3A_535 = vector.extract %slice3A_534[0] : i32 from vector<1xi32>
          %slice3A_536 = vector.extract_strided_slice %get3A_499 {offsets = [3], sizes = [1], strides = [1]} : vector<16xi32> to vector<1xi32>
          %squeeze3A_537 = vector.extract %slice3A_536[0] : i32 from vector<1xi32>
          %slice3A_538 = vector.extract_strided_slice %get3A_499 {offsets = [4], sizes = [1], strides = [1]} : vector<16xi32> to vector<1xi32>
          %squeeze3A_539 = vector.extract %slice3A_538[0] : i32 from vector<1xi32>
          %slice3A_540 = vector.extract_strided_slice %get3A_499 {offsets = [5], sizes = [1], strides = [1]} : vector<16xi32> to vector<1xi32>
          %squeeze3A_541 = vector.extract %slice3A_540[0] : i32 from vector<1xi32>
          %slice3A_542 = vector.extract_strided_slice %get3A_499 {offsets = [6], sizes = [1], strides = [1]} : vector<16xi32> to vector<1xi32>
          %squeeze3A_543 = vector.extract %slice3A_542[0] : i32 from vector<1xi32>
          %slice3A_544 = vector.extract_strided_slice %get3A_499 {offsets = [7], sizes = [1], strides = [1]} : vector<16xi32> to vector<1xi32>
          %squeeze3A_545 = vector.extract %slice3A_544[0] : i32 from vector<1xi32>
          %slice3A_546 = vector.extract_strided_slice %get3A_499 {offsets = [8], sizes = [1], strides = [1]} : vector<16xi32> to vector<1xi32>
          %squeeze3A_547 = vector.extract %slice3A_546[0] : i32 from vector<1xi32>
          %slice3A_548 = vector.extract_strided_slice %get3A_499 {offsets = [9], sizes = [1], strides = [1]} : vector<16xi32> to vector<1xi32>
          %squeeze3A_549 = vector.extract %slice3A_548[0] : i32 from vector<1xi32>
          %slice3A_550 = vector.extract_strided_slice %get3A_499 {offsets = [10], sizes = [1], strides = [1]} : vector<16xi32> to vector<1xi32>
          %squeeze3A_551 = vector.extract %slice3A_550[0] : i32 from vector<1xi32>
          %slice3A_552 = vector.extract_strided_slice %get3A_499 {offsets = [11], sizes = [1], strides = [1]} : vector<16xi32> to vector<1xi32>
          %squeeze3A_553 = vector.extract %slice3A_552[0] : i32 from vector<1xi32>
          %slice3A_554 = vector.extract_strided_slice %get3A_499 {offsets = [12], sizes = [1], strides = [1]} : vector<16xi32> to vector<1xi32>
          %squeeze3A_555 = vector.extract %slice3A_554[0] : i32 from vector<1xi32>
          %slice3A_556 = vector.extract_strided_slice %get3A_499 {offsets = [13], sizes = [1], strides = [1]} : vector<16xi32> to vector<1xi32>
          %squeeze3A_557 = vector.extract %slice3A_556[0] : i32 from vector<1xi32>
          %slice3A_558 = vector.extract_strided_slice %get3A_499 {offsets = [14], sizes = [1], strides = [1]} : vector<16xi32> to vector<1xi32>
          %squeeze3A_559 = vector.extract %slice3A_558[0] : i32 from vector<1xi32>
          %slice3A_560 = vector.extract_strided_slice %get3A_499 {offsets = [15], sizes = [1], strides = [1]} : vector<16xi32> to vector<1xi32>
          %squeeze3A_561 = vector.extract %slice3A_560[0] : i32 from vector<1xi32>
          %mul3A_562 = arith.constant 64 : i32
          %mul3A_563 = arith.muli %while3A_372, %mul3A_562 : i32
          %mul3A_564 = arith.constant 16 : i32
          %mul3A_565 = arith.muli %scan3A_488, %mul3A_564 : i32
          %add3A_566 = arith.addi %mul3A_563, %mul3A_565 : i32
          %parallel_loop3A_567 = arith.constant 0 : i32
          %parallel_loop3A_568 = arith.constant 16 : i32
          %parallel_loop3A_569 = arith.constant 1 : i32
          scf.for %parallel_loop3A_571 = %parallel_loop3A_567 to %parallel_loop3A_568 step %parallel_loop3A_569  : i32 {
            %parallel_loop3A_572 = arith.constant 16 : i32
            %parallel_loop3A_573 = arith.muli %parallel_loop3A_571, %parallel_loop3A_572 : i32
            %parallel_loop3A_574 = arith.constant 0 : i32
            %parallel_loop3A_575 = arith.addi %add3A_566, %parallel_loop3A_574 : i32
            %parallel_loop3A_576 = arith.index_cast %parallel_loop3A_575 : i32 to index
            %parallel_loop3A_577 = arith.index_cast %parallel_loop3A_573 : i32 to index
            %parallel_loop3A_578 = tpu.vector_load %arg15[%parallel_loop3A_576, %parallel_loop3A_577] {strides = array<i32>} : memref<128x256xf32, #tpu.memory_space<vmem>>, vector<16xf32>,
            %parallel_loop3A_579 = vector.broadcast %squeeze3A : f32 to vector<16xf32>
            %parallel_loop3A_580 = arith.mulf %parallel_loop3A_578, %parallel_loop3A_579 : vector<16xf32>
            %parallel_loop3A_581 = arith.index_cast %squeeze3A_531 : i32 to index
            %parallel_loop3A_582 = arith.index_cast %parallel_loop3A_573 : i32 to index
            %parallel_loop3A_583 = tpu.vector_load %arg16[%parallel_loop3A_581, %parallel_loop3A_582] {strides = array<i32>} : memref<328x256xf32, #tpu.memory_space<vmem>>, vector<16xf32>,
            tpu.vector_store %arg16[%parallel_loop3A_581, %parallel_loop3A_582], %parallel_loop3A_580 {add = true, strides = array<i32>} : memref<328x256xf32, #tpu.memory_space<vmem>>, vector<16xf32>,
            %parallel_loop3A_584 = arith.constant 1 : i32
            %parallel_loop3A_585 = arith.addi %add3A_566, %parallel_loop3A_584 : i32
            %parallel_loop3A_586 = arith.index_cast %parallel_loop3A_585 : i32 to index
            %parallel_loop3A_587 = arith.index_cast %parallel_loop3A_573 : i32 to index
            %parallel_loop3A_588 = tpu.vector_load %arg15[%parallel_loop3A_586, %parallel_loop3A_587] {strides = array<i32>} : memref<128x256xf32, #tpu.memory_space<vmem>>, vector<16xf32>,
            %parallel_loop3A_589 = vector.broadcast %squeeze3A_501 : f32 to vector<16xf32>
            %parallel_loop3A_590 = arith.mulf %parallel_loop3A_588, %parallel_loop3A_589 : vector<16xf32>
            %parallel_loop3A_591 = arith.index_cast %squeeze3A_533 : i32 to index
            %parallel_loop3A_592 = arith.index_cast %parallel_loop3A_573 : i32 to index
            %parallel_loop3A_593 = tpu.vector_load %arg16[%parallel_loop3A_591, %parallel_loop3A_592] {strides = array<i32>} : memref<328x256xf32, #tpu.memory_space<vmem>>, vector<16xf32>,
            tpu.vector_store %arg16[%parallel_loop3A_591, %parallel_loop3A_592], %parallel_loop3A_590 {add = true, strides = array<i32>} : memref<328x256xf32, #tpu.memory_space<vmem>>, vector<16xf32>,
            %parallel_loop3A_594 = arith.constant 2 : i32
            %parallel_loop3A_595 = arith.addi %add3A_566, %parallel_loop3A_594 : i32
            %parallel_loop3A_596 = arith.index_cast %parallel_loop3A_595 : i32 to index
            %parallel_loop3A_597 = arith.index_cast %parallel_loop3A_573 : i32 to index
            %parallel_loop3A_598 = tpu.vector_load %arg15[%parallel_loop3A_596, %parallel_loop3A_597] {strides = array<i32>} : memref<128x256xf32, #tpu.memory_space<vmem>>, vector<16xf32>,
            %parallel_loop3A_599 = vector.broadcast %squeeze3A_503 : f32 to vector<16xf32>
            %parallel_loop3A_600 = arith.mulf %parallel_loop3A_598, %parallel_loop3A_599 : vector<16xf32>
            %parallel_loop3A_601 = arith.index_cast %squeeze3A_535 : i32 to index
            %parallel_loop3A_602 = arith.index_cast %parallel_loop3A_573 : i32 to index
            %parallel_loop3A_603 = tpu.vector_load %arg16[%parallel_loop3A_601, %parallel_loop3A_602] {strides = array<i32>} : memref<328x256xf32, #tpu.memory_space<vmem>>, vector<16xf32>,
            tpu.vector_store %arg16[%parallel_loop3A_601, %parallel_loop3A_602], %parallel_loop3A_600 {add = true, strides = array<i32>} : memref<328x256xf32, #tpu.memory_space<vmem>>, vector<16xf32>,
            %parallel_loop3A_604 = arith.constant 3 : i32
            %parallel_loop3A_605 = arith.addi %add3A_566, %parallel_loop3A_604 : i32
            %parallel_loop3A_606 = arith.index_cast %parallel_loop3A_605 : i32 to index
            %parallel_loop3A_607 = arith.index_cast %parallel_loop3A_573 : i32 to index
            %parallel_loop3A_608 = tpu.vector_load %arg15[%parallel_loop3A_606, %parallel_loop3A_607] {strides = array<i32>} : memref<128x256xf32, #tpu.memory_space<vmem>>, vector<16xf32>,
            %parallel_loop3A_609 = vector.broadcast %squeeze3A_505 : f32 to vector<16xf32>
            %parallel_loop3A_610 = arith.mulf %parallel_loop3A_608, %parallel_loop3A_609 : vector<16xf32>
            %parallel_loop3A_611 = arith.index_cast %squeeze3A_537 : i32 to index
            %parallel_loop3A_612 = arith.index_cast %parallel_loop3A_573 : i32 to index
            %parallel_loop3A_613 = tpu.vector_load %arg16[%parallel_loop3A_611, %parallel_loop3A_612] {strides = array<i32>} : memref<328x256xf32, #tpu.memory_space<vmem>>, vector<16xf32>,
            tpu.vector_store %arg16[%parallel_loop3A_611, %parallel_loop3A_612], %parallel_loop3A_610 {add = true, strides = array<i32>} : memref<328x256xf32, #tpu.memory_space<vmem>>, vector<16xf32>,
            %parallel_loop3A_614 = arith.constant 4 : i32
            %parallel_loop3A_615 = arith.addi %add3A_566, %parallel_loop3A_614 : i32
            %parallel_loop3A_616 = arith.index_cast %parallel_loop3A_615 : i32 to index
            %parallel_loop3A_617 = arith.index_cast %parallel_loop3A_573 : i32 to index
            %parallel_loop3A_618 = tpu.vector_load %arg15[%parallel_loop3A_616, %parallel_loop3A_617] {strides = array<i32>} : memref<128x256xf32, #tpu.memory_space<vmem>>, vector<16xf32>,
            %parallel_loop3A_619 = vector.broadcast %squeeze3A_507 : f32 to vector<16xf32>
            %parallel_loop3A_620 = arith.mulf %parallel_loop3A_618, %parallel_loop3A_619 : vector<16xf32>
            %parallel_loop3A_621 = arith.index_cast %squeeze3A_539 : i32 to index
            %parallel_loop3A_622 = arith.index_cast %parallel_loop3A_573 : i32 to index
            %parallel_loop3A_623 = tpu.vector_load %arg16[%parallel_loop3A_621, %parallel_loop3A_622] {strides = array<i32>} : memref<328x256xf32, #tpu.memory_space<vmem>>, vector<16xf32>,
            tpu.vector_store %arg16[%parallel_loop3A_621, %parallel_loop3A_622], %parallel_loop3A_620 {add = true, strides = array<i32>} : memref<328x256xf32, #tpu.memory_space<vmem>>, vector<16xf32>,
            %parallel_loop3A_624 = arith.constant 5 : i32
            %parallel_loop3A_625 = arith.addi %add3A_566, %parallel_loop3A_624 : i32
            %parallel_loop3A_626 = arith.index_cast %parallel_loop3A_625 : i32 to index
            %parallel_loop3A_627 = arith.index_cast %parallel_loop3A_573 : i32 to index
            %parallel_loop3A_628 = tpu.vector_load %arg15[%parallel_loop3A_626, %parallel_loop3A_627] {strides = array<i32>} : memref<128x256xf32, #tpu.memory_space<vmem>>, vector<16xf32>,
            %parallel_loop3A_629 = vector.broadcast %squeeze3A_509 : f32 to vector<16xf32>
            %parallel_loop3A_630 = arith.mulf %parallel_loop3A_628, %parallel_loop3A_629 : vector<16xf32>
            %parallel_loop3A_631 = arith.index_cast %squeeze3A_541 : i32 to index
            %parallel_loop3A_632 = arith.index_cast %parallel_loop3A_573 : i32 to index
            %parallel_loop3A_633 = tpu.vector_load %arg16[%parallel_loop3A_631, %parallel_loop3A_632] {strides = array<i32>} : memref<328x256xf32, #tpu.memory_space<vmem>>, vector<16xf32>,
            tpu.vector_store %arg16[%parallel_loop3A_631, %parallel_loop3A_632], %parallel_loop3A_630 {add = true, strides = array<i32>} : memref<328x256xf32, #tpu.memory_space<vmem>>, vector<16xf32>,
            %parallel_loop3A_634 = arith.constant 6 : i32
            %parallel_loop3A_635 = arith.addi %add3A_566, %parallel_loop3A_634 : i32
            %parallel_loop3A_636 = arith.index_cast %parallel_loop3A_635 : i32 to index
            %parallel_loop3A_637 = arith.index_cast %parallel_loop3A_573 : i32 to index
            %parallel_loop3A_638 = tpu.vector_load %arg15[%parallel_loop3A_636, %parallel_loop3A_637] {strides = array<i32>} : memref<128x256xf32, #tpu.memory_space<vmem>>, vector<16xf32>,
            %parallel_loop3A_639 = vector.broadcast %squeeze3A_511 : f32 to vector<16xf32>
            %parallel_loop3A_640 = arith.mulf %parallel_loop3A_638, %parallel_loop3A_639 : vector<16xf32>
            %parallel_loop3A_641 = arith.index_cast %squeeze3A_543 : i32 to index
            %parallel_loop3A_642 = arith.index_cast %parallel_loop3A_573 : i32 to index
            %parallel_loop3A_643 = tpu.vector_load %arg16[%parallel_loop3A_641, %parallel_loop3A_642] {strides = array<i32>} : memref<328x256xf32, #tpu.memory_space<vmem>>, vector<16xf32>,
            tpu.vector_store %arg16[%parallel_loop3A_641, %parallel_loop3A_642], %parallel_loop3A_640 {add = true, strides = array<i32>} : memref<328x256xf32, #tpu.memory_space<vmem>>, vector<16xf32>,
            %parallel_loop3A_644 = arith.constant 7 : i32
            %parallel_loop3A_645 = arith.addi %add3A_566, %parallel_loop3A_644 : i32
            %parallel_loop3A_646 = arith.index_cast %parallel_loop3A_645 : i32 to index
            %parallel_loop3A_647 = arith.index_cast %parallel_loop3A_573 : i32 to index
            %parallel_loop3A_648 = tpu.vector_load %arg15[%parallel_loop3A_646, %parallel_loop3A_647] {strides = array<i32>} : memref<128x256xf32, #tpu.memory_space<vmem>>, vector<16xf32>,
            %parallel_loop3A_649 = vector.broadcast %squeeze3A_513 : f32 to vector<16xf32>
            %parallel_loop3A_650 = arith.mulf %parallel_loop3A_648, %parallel_loop3A_649 : vector<16xf32>
            %parallel_loop3A_651 = arith.index_cast %squeeze3A_545 : i32 to index
            %parallel_loop3A_652 = arith.index_cast %parallel_loop3A_573 : i32 to index
            %parallel_loop3A_653 = tpu.vector_load %arg16[%parallel_loop3A_651, %parallel_loop3A_652] {strides = array<i32>} : memref<328x256xf32, #tpu.memory_space<vmem>>, vector<16xf32>,
            tpu.vector_store %arg16[%parallel_loop3A_651, %parallel_loop3A_652], %parallel_loop3A_650 {add = true, strides = array<i32>} : memref<328x256xf32, #tpu.memory_space<vmem>>, vector<16xf32>,
            %parallel_loop3A_654 = arith.constant 8 : i32
            %parallel_loop3A_655 = arith.addi %add3A_566, %parallel_loop3A_654 : i32
            %parallel_loop3A_656 = arith.index_cast %parallel_loop3A_655 : i32 to index
            %parallel_loop3A_657 = arith.index_cast %parallel_loop3A_573 : i32 to index
            %parallel_loop3A_658 = tpu.vector_load %arg15[%parallel_loop3A_656, %parallel_loop3A_657] {strides = array<i32>} : memref<128x256xf32, #tpu.memory_space<vmem>>, vector<16xf32>,
            %parallel_loop3A_659 = vector.broadcast %squeeze3A_515 : f32 to vector<16xf32>
            %parallel_loop3A_660 = arith.mulf %parallel_loop3A_658, %parallel_loop3A_659 : vector<16xf32>
            %parallel_loop3A_661 = arith.index_cast %squeeze3A_547 : i32 to index
            %parallel_loop3A_662 = arith.index_cast %parallel_loop3A_573 : i32 to index
            %parallel_loop3A_663 = tpu.vector_load %arg16[%parallel_loop3A_661, %parallel_loop3A_662] {strides = array<i32>} : memref<328x256xf32, #tpu.memory_space<vmem>>, vector<16xf32>,
            tpu.vector_store %arg16[%parallel_loop3A_661, %parallel_loop3A_662], %parallel_loop3A_660 {add = true, strides = array<i32>} : memref<328x256xf32, #tpu.memory_space<vmem>>, vector<16xf32>,
            %parallel_loop3A_664 = arith.constant 9 : i32
            %parallel_loop3A_665 = arith.addi %add3A_566, %parallel_loop3A_664 : i32
            %parallel_loop3A_666 = arith.index_cast %parallel_loop3A_665 : i32 to index
            %parallel_loop3A_667 = arith.index_cast %parallel_loop3A_573 : i32 to index
            %parallel_loop3A_668 = tpu.vector_load %arg15[%parallel_loop3A_666, %parallel_loop3A_667] {strides = array<i32>} : memref<128x256xf32, #tpu.memory_space<vmem>>, vector<16xf32>,
            %parallel_loop3A_669 = vector.broadcast %squeeze3A_517 : f32 to vector<16xf32>
            %parallel_loop3A_670 = arith.mulf %parallel_loop3A_668, %parallel_loop3A_669 : vector<16xf32>
            %parallel_loop3A_671 = arith.index_cast %squeeze3A_549 : i32 to index
            %parallel_loop3A_672 = arith.index_cast %parallel_loop3A_573 : i32 to index
            %parallel_loop3A_673 = tpu.vector_load %arg16[%parallel_loop3A_671, %parallel_loop3A_672] {strides = array<i32>} : memref<328x256xf32, #tpu.memory_space<vmem>>, vector<16xf32>,
            tpu.vector_store %arg16[%parallel_loop3A_671, %parallel_loop3A_672], %parallel_loop3A_670 {add = true, strides = array<i32>} : memref<328x256xf32, #tpu.memory_space<vmem>>, vector<16xf32>,
            %parallel_loop3A_674 = arith.constant 10 : i32
            %parallel_loop3A_675 = arith.addi %add3A_566, %parallel_loop3A_674 : i32
            %parallel_loop3A_676 = arith.index_cast %parallel_loop3A_675 : i32 to index
            %parallel_loop3A_677 = arith.index_cast %parallel_loop3A_573 : i32 to index
            %parallel_loop3A_678 = tpu.vector_load %arg15[%parallel_loop3A_676, %parallel_loop3A_677] {strides = array<i32>} : memref<128x256xf32, #tpu.memory_space<vmem>>, vector<16xf32>,
            %parallel_loop3A_679 = vector.broadcast %squeeze3A_519 : f32 to vector<16xf32>
            %parallel_loop3A_680 = arith.mulf %parallel_loop3A_678, %parallel_loop3A_679 : vector<16xf32>
            %parallel_loop3A_681 = arith.index_cast %squeeze3A_551 : i32 to index
            %parallel_loop3A_682 = arith.index_cast %parallel_loop3A_573 : i32 to index
            %parallel_loop3A_683 = tpu.vector_load %arg16[%parallel_loop3A_681, %parallel_loop3A_682] {strides = array<i32>} : memref<328x256xf32, #tpu.memory_space<vmem>>, vector<16xf32>,
            tpu.vector_store %arg16[%parallel_loop3A_681, %parallel_loop3A_682], %parallel_loop3A_680 {add = true, strides = array<i32>} : memref<328x256xf32, #tpu.memory_space<vmem>>, vector<16xf32>,
            %parallel_loop3A_684 = arith.constant 11 : i32
            %parallel_loop3A_685 = arith.addi %add3A_566, %parallel_loop3A_684 : i32
            %parallel_loop3A_686 = arith.index_cast %parallel_loop3A_685 : i32 to index
            %parallel_loop3A_687 = arith.index_cast %parallel_loop3A_573 : i32 to index
            %parallel_loop3A_688 = tpu.vector_load %arg15[%parallel_loop3A_686, %parallel_loop3A_687] {strides = array<i32>} : memref<128x256xf32, #tpu.memory_space<vmem>>, vector<16xf32>,
            %parallel_loop3A_689 = vector.broadcast %squeeze3A_521 : f32 to vector<16xf32>
            %parallel_loop3A_690 = arith.mulf %parallel_loop3A_688, %parallel_loop3A_689 : vector<16xf32>
            %parallel_loop3A_691 = arith.index_cast %squeeze3A_553 : i32 to index
            %parallel_loop3A_692 = arith.index_cast %parallel_loop3A_573 : i32 to index
            %parallel_loop3A_693 = tpu.vector_load %arg16[%parallel_loop3A_691, %parallel_loop3A_692] {strides = array<i32>} : memref<328x256xf32, #tpu.memory_space<vmem>>, vector<16xf32>,
            tpu.vector_store %arg16[%parallel_loop3A_691, %parallel_loop3A_692], %parallel_loop3A_690 {add = true, strides = array<i32>} : memref<328x256xf32, #tpu.memory_space<vmem>>, vector<16xf32>,
            %parallel_loop3A_694 = arith.constant 12 : i32
            %parallel_loop3A_695 = arith.addi %add3A_566, %parallel_loop3A_694 : i32
            %parallel_loop3A_696 = arith.index_cast %parallel_loop3A_695 : i32 to index
            %parallel_loop3A_697 = arith.index_cast %parallel_loop3A_573 : i32 to index
            %parallel_loop3A_698 = tpu.vector_load %arg15[%parallel_loop3A_696, %parallel_loop3A_697] {strides = array<i32>} : memref<128x256xf32, #tpu.memory_space<vmem>>, vector<16xf32>,
            %parallel_loop3A_699 = vector.broadcast %squeeze3A_523 : f32 to vector<16xf32>
            %parallel_loop3A_700 = arith.mulf %parallel_loop3A_698, %parallel_loop3A_699 : vector<16xf32>
            %parallel_loop3A_701 = arith.index_cast %squeeze3A_555 : i32 to index
            %parallel_loop3A_702 = arith.index_cast %parallel_loop3A_573 : i32 to index
            %parallel_loop3A_703 = tpu.vector_load %arg16[%parallel_loop3A_701, %parallel_loop3A_702] {strides = array<i32>} : memref<328x256xf32, #tpu.memory_space<vmem>>, vector<16xf32>,
            tpu.vector_store %arg16[%parallel_loop3A_701, %parallel_loop3A_702], %parallel_loop3A_700 {add = true, strides = array<i32>} : memref<328x256xf32, #tpu.memory_space<vmem>>, vector<16xf32>,
            %parallel_loop3A_704 = arith.constant 13 : i32
            %parallel_loop3A_705 = arith.addi %add3A_566, %parallel_loop3A_704 : i32
            %parallel_loop3A_706 = arith.index_cast %parallel_loop3A_705 : i32 to index
            %parallel_loop3A_707 = arith.index_cast %parallel_loop3A_573 : i32 to index
            %parallel_loop3A_708 = tpu.vector_load %arg15[%parallel_loop3A_706, %parallel_loop3A_707] {strides = array<i32>} : memref<128x256xf32, #tpu.memory_space<vmem>>, vector<16xf32>,
            %parallel_loop3A_709 = vector.broadcast %squeeze3A_525 : f32 to vector<16xf32>
            %parallel_loop3A_710 = arith.mulf %parallel_loop3A_708, %parallel_loop3A_709 : vector<16xf32>
            %parallel_loop3A_711 = arith.index_cast %squeeze3A_557 : i32 to index
            %parallel_loop3A_712 = arith.index_cast %parallel_loop3A_573 : i32 to index
            %parallel_loop3A_713 = tpu.vector_load %arg16[%parallel_loop3A_711, %parallel_loop3A_712] {strides = array<i32>} : memref<328x256xf32, #tpu.memory_space<vmem>>, vector<16xf32>,
            tpu.vector_store %arg16[%parallel_loop3A_711, %parallel_loop3A_712], %parallel_loop3A_710 {add = true, strides = array<i32>} : memref<328x256xf32, #tpu.memory_space<vmem>>, vector<16xf32>,
            %parallel_loop3A_714 = arith.constant 14 : i32
            %parallel_loop3A_715 = arith.addi %add3A_566, %parallel_loop3A_714 : i32
            %parallel_loop3A_716 = arith.index_cast %parallel_loop3A_715 : i32 to index
            %parallel_loop3A_717 = arith.index_cast %parallel_loop3A_573 : i32 to index
            %parallel_loop3A_718 = tpu.vector_load %arg15[%parallel_loop3A_716, %parallel_loop3A_717] {strides = array<i32>} : memref<128x256xf32, #tpu.memory_space<vmem>>, vector<16xf32>,
            %parallel_loop3A_719 = vector.broadcast %squeeze3A_527 : f32 to vector<16xf32>
            %parallel_loop3A_720 = arith.mulf %parallel_loop3A_718, %parallel_loop3A_719 : vector<16xf32>
            %parallel_loop3A_721 = arith.index_cast %squeeze3A_559 : i32 to index
            %parallel_loop3A_722 = arith.index_cast %parallel_loop3A_573 : i32 to index
            %parallel_loop3A_723 = tpu.vector_load %arg16[%parallel_loop3A_721, %parallel_loop3A_722] {strides = array<i32>} : memref<328x256xf32, #tpu.memory_space<vmem>>, vector<16xf32>,
            tpu.vector_store %arg16[%parallel_loop3A_721, %parallel_loop3A_722], %parallel_loop3A_720 {add = true, strides = array<i32>} : memref<328x256xf32, #tpu.memory_space<vmem>>, vector<16xf32>,
            %parallel_loop3A_724 = arith.constant 15 : i32
            %parallel_loop3A_725 = arith.addi %add3A_566, %parallel_loop3A_724 : i32
            %parallel_loop3A_726 = arith.index_cast %parallel_loop3A_725 : i32 to index
            %parallel_loop3A_727 = arith.index_cast %parallel_loop3A_573 : i32 to index
            %parallel_loop3A_728 = tpu.vector_load %arg15[%parallel_loop3A_726, %parallel_loop3A_727] {strides = array<i32>} : memref<128x256xf32, #tpu.memory_space<vmem>>, vector<16xf32>,
            %parallel_loop3A_729 = vector.broadcast %squeeze3A_529 : f32 to vector<16xf32>
            %parallel_loop3A_730 = arith.mulf %parallel_loop3A_728, %parallel_loop3A_729 : vector<16xf32>
            %parallel_loop3A_731 = arith.index_cast %squeeze3A_561 : i32 to index
            %parallel_loop3A_732 = arith.index_cast %parallel_loop3A_573 : i32 to index
            %parallel_loop3A_733 = tpu.vector_load %arg16[%parallel_loop3A_731, %parallel_loop3A_732] {strides = array<i32>} : memref<328x256xf32, #tpu.memory_space<vmem>>, vector<16xf32>,
            tpu.vector_store %arg16[%parallel_loop3A_731, %parallel_loop3A_732], %parallel_loop3A_730 {add = true, strides = array<i32>} : memref<328x256xf32, #tpu.memory_space<vmem>>, vector<16xf32>,
          } {sc.loop_unroll_factor = 4 : i64, sc.parallel_access}
          %scan3A_570 = arith.constant 0 : i32
          scf.yield %scan3A_570 : i32
        }
        %scan3A_485 = arith.constant 4 : i32
        %add3A_486 = arith.constant 64 : i32
        %add3A_487 = arith.addi %while3A_371, %add3A_486 : i32
        scf.yield %while3A_370, %add3A_487, %sub3A_374 : i32, i32, i32
      }
      %gt3A = arith.constant 0 : i32
      %gt3A_338 = arith.cmpi sgt, %while3A_337#1, %gt3A : i32
      %convert_element_type3A_339 = arith.extui %gt3A_338 : i1 to i32
      %cond3A_340 = arith.constant 0 : i32
      %cond3A_341 = arith.cmpi ne, %convert_element_type3A_339, %cond3A_340 : i32
      scf.if %cond3A_341 {
        %add3A_370 = arith.constant 0 : i32
        %add3A_371 = arith.addi %while3A_337#1, %add3A_370 : i32
        %get3A_372 = arith.index_cast %add3A_371 : i32 to index
        %get3A_373 = tpu.vector_load %arg10[%get3A_372] {strides = array<i32>} : memref<1680xi32, #tpu.memory_space<vmem>>, vector<16xi32>,
        %swap3A_374 = arith.constant 0 : index
        %swap3A_375 = tpu.vector_load %arg10[%swap3A_374] {strides = array<i32>} : memref<1680xi32, #tpu.memory_space<vmem>>, vector<16xi32>,
        tpu.vector_store %arg10[%swap3A_374], %get3A_373 {strides = array<i32>} : memref<1680xi32, #tpu.memory_space<vmem>>, vector<16xi32>,
        %get3A_376 = arith.index_cast %add3A_371 : i32 to index
        %get3A_377 = tpu.vector_load %arg11[%get3A_376] {strides = array<i32>} : memref<1680xf32, #tpu.memory_space<vmem>>, vector<16xf32>,
        %swap3A_378 = arith.constant 0 : index
        %swap3A_379 = tpu.vector_load %arg11[%swap3A_378] {strides = array<i32>} : memref<1680xf32, #tpu.memory_space<vmem>>, vector<16xf32>,
        tpu.vector_store %arg11[%swap3A_378], %get3A_377 {strides = array<i32>} : memref<1680xf32, #tpu.memory_space<vmem>>, vector<16xf32>,
        %add3A_380 = arith.constant 16 : i32
        %add3A_381 = arith.addi %while3A_337#1, %add3A_380 : i32
        %get3A_382 = arith.index_cast %add3A_381 : i32 to index
        %get3A_383 = tpu.vector_load %arg10[%get3A_382] {strides = array<i32>} : memref<1680xi32, #tpu.memory_space<vmem>>, vector<16xi32>,
        %swap3A_384 = arith.constant 16 : index
        %swap3A_385 = tpu.vector_load %arg10[%swap3A_384] {strides = array<i32>} : memref<1680xi32, #tpu.memory_space<vmem>>, vector<16xi32>,
        tpu.vector_store %arg10[%swap3A_384], %get3A_383 {strides = array<i32>} : memref<1680xi32, #tpu.memory_space<vmem>>, vector<16xi32>,
        %get3A_386 = arith.index_cast %add3A_381 : i32 to index
        %get3A_387 = tpu.vector_load %arg11[%get3A_386] {strides = array<i32>} : memref<1680xf32, #tpu.memory_space<vmem>>, vector<16xf32>,
        %swap3A_388 = arith.constant 16 : index
        %swap3A_389 = tpu.vector_load %arg11[%swap3A_388] {strides = array<i32>} : memref<1680xf32, #tpu.memory_space<vmem>>, vector<16xf32>,
        tpu.vector_store %arg11[%swap3A_388], %get3A_387 {strides = array<i32>} : memref<1680xf32, #tpu.memory_space<vmem>>, vector<16xf32>,
        %add3A_390 = arith.constant 32 : i32
        %add3A_391 = arith.addi %while3A_337#1, %add3A_390 : i32
        %get3A_392 = arith.index_cast %add3A_391 : i32 to index
        %get3A_393 = tpu.vector_load %arg10[%get3A_392] {strides = array<i32>} : memref<1680xi32, #tpu.memory_space<vmem>>, vector<16xi32>,
        %swap3A_394 = arith.constant 32 : index
        %swap3A_395 = tpu.vector_load %arg10[%swap3A_394] {strides = array<i32>} : memref<1680xi32, #tpu.memory_space<vmem>>, vector<16xi32>,
        tpu.vector_store %arg10[%swap3A_394], %get3A_393 {strides = array<i32>} : memref<1680xi32, #tpu.memory_space<vmem>>, vector<16xi32>,
        %get3A_396 = arith.index_cast %add3A_391 : i32 to index
        %get3A_397 = tpu.vector_load %arg11[%get3A_396] {strides = array<i32>} : memref<1680xf32, #tpu.memory_space<vmem>>, vector<16xf32>,
        %swap3A_398 = arith.constant 32 : index
        %swap3A_399 = tpu.vector_load %arg11[%swap3A_398] {strides = array<i32>} : memref<1680xf32, #tpu.memory_space<vmem>>, vector<16xf32>,
        tpu.vector_store %arg11[%swap3A_398], %get3A_397 {strides = array<i32>} : memref<1680xf32, #tpu.memory_space<vmem>>, vector<16xf32>,
        %add3A_400 = arith.constant 48 : i32
        %add3A_401 = arith.addi %while3A_337#1, %add3A_400 : i32
        %get3A_402 = arith.index_cast %add3A_401 : i32 to index
        %get3A_403 = tpu.vector_load %arg10[%get3A_402] {strides = array<i32>} : memref<1680xi32, #tpu.memory_space<vmem>>, vector<16xi32>,
        %swap3A_404 = arith.constant 48 : index
        %swap3A_405 = tpu.vector_load %arg10[%swap3A_404] {strides = array<i32>} : memref<1680xi32, #tpu.memory_space<vmem>>, vector<16xi32>,
        tpu.vector_store %arg10[%swap3A_404], %get3A_403 {strides = array<i32>} : memref<1680xi32, #tpu.memory_space<vmem>>, vector<16xi32>,
        %get3A_406 = arith.index_cast %add3A_401 : i32 to index
        %get3A_407 = tpu.vector_load %arg11[%get3A_406] {strides = array<i32>} : memref<1680xf32, #tpu.memory_space<vmem>>, vector<16xf32>,
        %swap3A_408 = arith.constant 48 : index
        %swap3A_409 = tpu.vector_load %arg11[%swap3A_408] {strides = array<i32>} : memref<1680xf32, #tpu.memory_space<vmem>>, vector<16xf32>,
        tpu.vector_store %arg11[%swap3A_408], %get3A_407 {strides = array<i32>} : memref<1680xf32, #tpu.memory_space<vmem>>, vector<16xf32>,
      } else {
      }
      %sub3A_342 = arith.subi %while3A_337#0, %while3A_337#1 : i32
      %add3A_343 = arith.constant 1 : i32
      %add3A_344 = arith.addi %mul3A_319, %add3A_343 : i32
      %mul3A_345 = arith.constant 1600 : i32
      %mul3A_346 = arith.muli %add3A_344, %mul3A_345 : i32
      %dma_wait3A_347 = tpu.memref_slice %arg3[%mul3A_346] : memref<160000xi32, #tpu.memory_space<hbm>> -> memref<1600xi32, #tpu.memory_space<hbm>>
      %dma_wait3A_348 = tpu.memref_slice %arg3[%mul3A_346] : memref<160000xi32, #tpu.memory_space<hbm>> -> memref<1600xi32, #tpu.memory_space<hbm>>
      tpu.wait_dma2 semaphore(%arg19 : memref<!tpu.dma_semaphore, #tpu.memory_space<semaphore_mem>>) src(%dma_wait3A_348 : memref<1600xi32, #tpu.memory_space<hbm>>) dst(%arg8 : memref<1600xi32, #tpu.memory_space<vmem>>)
      %dma_wait3A_349 = tpu.memref_slice %arg4[%mul3A_346] : memref<160000xf32, #tpu.memory_space<hbm>> -> memref<1600xf32, #tpu.memory_space<hbm>>
      %dma_wait3A_350 = tpu.memref_slice %arg4[%mul3A_346] : memref<160000xf32, #tpu.memory_space<hbm>> -> memref<1600xf32, #tpu.memory_space<hbm>>
      tpu.wait_dma2 semaphore(%arg19 : memref<!tpu.dma_semaphore, #tpu.memory_space<semaphore_mem>>) src(%dma_wait3A_350 : memref<1600xf32, #tpu.memory_space<hbm>>) dst(%arg9 : memref<1600xf32, #tpu.memory_space<vmem>>)
      %add3A_351 = arith.constant 1 : i32
      %add3A_352 = arith.addi %scan3A_315, %add3A_351 : i32
      %lt3A_353 = arith.constant 50 : i32
      %lt3A_354 = arith.cmpi slt, %add3A_352, %lt3A_353 : i32
      %convert_element_type3A_355 = arith.extui %lt3A_354 : i1 to i32
      %cond3A_356 = arith.constant 0 : i32
      %cond3A_357 = arith.cmpi ne, %convert_element_type3A_355, %cond3A_356 : i32
      scf.if %cond3A_357 {
        %add3A_370 = arith.constant 2 : i32
        %add3A_371 = arith.addi %mul3A_319, %add3A_370 : i32
        %mul3A_372 = arith.constant 1600 : i32
        %mul3A_373 = arith.muli %add3A_371, %mul3A_372 : i32
        %dma_start3A_374 = tpu.memref_slice %arg3[%mul3A_373] : memref<160000xi32, #tpu.memory_space<hbm>> -> memref<1600xi32, #tpu.memory_space<hbm>>
        %dma_start3A_375 = tpu.memref_slice %arg3[%mul3A_373] : memref<160000xi32, #tpu.memory_space<hbm>> -> memref<1600xi32, #tpu.memory_space<hbm>>
        tpu.enqueue_dma source(%dma_start3A_375 : memref<1600xi32, #tpu.memory_space<hbm>>) target(%arg6 : memref<1600xi32, #tpu.memory_space<vmem>>) target_semaphore(%arg18 : memref<!tpu.dma_semaphore, #tpu.memory_space<semaphore_mem>>)
        %dma_start3A_376 = tpu.memref_slice %arg4[%mul3A_373] : memref<160000xf32, #tpu.memory_space<hbm>> -> memref<1600xf32, #tpu.memory_space<hbm>>
        %dma_start3A_377 = tpu.memref_slice %arg4[%mul3A_373] : memref<160000xf32, #tpu.memory_space<hbm>> -> memref<1600xf32, #tpu.memory_space<hbm>>
        tpu.enqueue_dma source(%dma_start3A_377 : memref<1600xf32, #tpu.memory_space<hbm>>) target(%arg7 : memref<1600xf32, #tpu.memory_space<vmem>>) target_semaphore(%arg18 : memref<!tpu.dma_semaphore, #tpu.memory_space<semaphore_mem>>)
      } else {
      }
      %parallel_loop3A_358 = arith.constant 0 : i32
      %parallel_loop3A_359 = arith.constant 100 : i32
      %parallel_loop3A_360 = arith.constant 1 : i32
      %parallel_loop3A_361 = scf.for %parallel_loop3A_370 = %parallel_loop3A_358 to %parallel_loop3A_359 step %parallel_loop3A_360 iter_args(%parallel_loop3A_371 = %sub3A_342) -> (i32)  : i32 {
        %parallel_loop3A_372 = arith.constant 16 : i32
        %parallel_loop3A_373 = arith.muli %parallel_loop3A_370, %parallel_loop3A_372 : i32
        %parallel_loop3A_374 = arith.index_cast %parallel_loop3A_373 : i32 to index
        %parallel_loop3A_375 = tpu.vector_load %arg8[%parallel_loop3A_374] {strides = array<i32>} : memref<1600xi32, #tpu.memory_space<vmem>>, vector<16xi32>,
        %parallel_loop3A_376 = arith.constant 14 : i32
        %parallel_loop3A_377 = vector.broadcast %parallel_loop3A_376 : i32 to vector<16xi32>
        %parallel_loop3A_378 = arith.shrui %parallel_loop3A_375, %parallel_loop3A_377 : vector<16xi32>
        %parallel_loop3A_379 = vector.broadcast %mul3A_2 : i32 to vector<16xi32>
        %parallel_loop3A_380 = arith.cmpi sge, %parallel_loop3A_378, %parallel_loop3A_379 : vector<16xi32>
        %parallel_loop3A_381 = vector.broadcast %add3A_5 : i32 to vector<16xi32>
        %parallel_loop3A_382 = arith.cmpi slt, %parallel_loop3A_378, %parallel_loop3A_381 : vector<16xi32>
        %parallel_loop3A_383 = arith.andi %parallel_loop3A_380, %parallel_loop3A_382 : vector<16xi1>
        %parallel_loop3A_384 = arith.constant 16383 : i32
        %parallel_loop3A_385 = vector.broadcast %parallel_loop3A_384 : i32 to vector<16xi32>
        %parallel_loop3A_386 = arith.andi %parallel_loop3A_375, %parallel_loop3A_385 : vector<16xi32>
        %parallel_loop3A_387 = vector.broadcast %mul3A_2 : i32 to vector<16xi32>
        %parallel_loop3A_388 = arith.subi %parallel_loop3A_378, %parallel_loop3A_387 : vector<16xi32>
        %parallel_loop3A_389 = arith.constant 14 : i32
        %parallel_loop3A_390 = vector.broadcast %parallel_loop3A_389 : i32 to vector<16xi32>
        %parallel_loop3A_391 = arith.shli %parallel_loop3A_388, %parallel_loop3A_390 : vector<16xi32>
        %parallel_loop3A_392 = arith.ori %parallel_loop3A_386, %parallel_loop3A_391 : vector<16xi32>
        %parallel_loop3A_393 = arith.index_cast %parallel_loop3A_371 : i32 to index
        %parallel_loop3A_394 = tpu.vector_load %arg10[%parallel_loop3A_393] masked %parallel_loop3A_383 {strides = array<i32>} : memref<1680xi32, #tpu.memory_space<vmem>>, vector<16xi32>, vector<16xi1>
        tpu.vector_store %arg10[%parallel_loop3A_393], %parallel_loop3A_392 masked %parallel_loop3A_383 {strides = array<i32>} : memref<1680xi32, #tpu.memory_space<vmem>>, vector<16xi32>, vector<16xi1>
        %parallel_loop3A_395 = arith.index_cast %parallel_loop3A_373 : i32 to index
        %parallel_loop3A_396 = tpu.vector_load %arg9[%parallel_loop3A_395] {strides = array<i32>} : memref<1600xf32, #tpu.memory_space<vmem>>, vector<16xf32>,
        %parallel_loop3A_397 = arith.index_cast %parallel_loop3A_371 : i32 to index
        %parallel_loop3A_398 = tpu.vector_load %arg11[%parallel_loop3A_397] masked %parallel_loop3A_383 {strides = array<i32>} : memref<1680xf32, #tpu.memory_space<vmem>>, vector<16xf32>, vector<16xi1>
        tpu.vector_store %arg11[%parallel_loop3A_397], %parallel_loop3A_396 masked %parallel_loop3A_383 {strides = array<i32>} : memref<1680xf32, #tpu.memory_space<vmem>>, vector<16xf32>, vector<16xi1>
        %parallel_loop3A_399 = tpu.all_reduce %parallel_loop3A_383 {dim = 0 : i64, kind = #tpu.reduction_kind<sum>} : vector<16xi1> -> vector<16xi32>
        %parallel_loop3A_400 = vector.extract_strided_slice %parallel_loop3A_399 {offsets = [0], sizes = [1], strides = [1]} : vector<16xi32> to vector<1xi32>
        %parallel_loop3A_401 = vector.extract %parallel_loop3A_400[0] : i32 from vector<1xi32>
        %parallel_loop3A_402 = arith.addi %parallel_loop3A_371, %parallel_loop3A_401 : i32
        scf.yield %parallel_loop3A_402 : i32
      } {sc.loop_unroll_factor = 4 : i64, sc.parallel_access}
      %while3A_362 = arith.constant 0 : i32
      %while3A_363:3 = scf.while (%while3A_370 = %parallel_loop3A_361, %while3A_371 = %while3A_362, %while3A_372 = %while3A_337#2) : (i32, i32, i32) -> (i32, i32, i32) {
        %sub3A_373 = arith.subi %while3A_370, %while3A_371 : i32
        %ge3A = arith.constant 64 : i32
        %ge3A_374 = arith.cmpi sge, %sub3A_373, %ge3A : i32
        scf.condition(%ge3A_374) %while3A_370, %while3A_371, %while3A_372 : i32, i32, i32
      } do {
      ^bb0(%while3A_370: i32, %while3A_371: i32, %while3A_372: i32):
        %sub3A_373 = arith.constant 1 : i32
        %sub3A_374 = arith.subi %sub3A_373, %while3A_372 : i32
        %add3A_375 = arith.constant 0 : i32
        %add3A_376 = arith.addi %while3A_371, %add3A_375 : i32
        %get3A_377 = arith.index_cast %add3A_376 : i32 to index
        %get3A_378 = tpu.vector_load %arg10[%get3A_377] {strides = array<i32>} : memref<1680xi32, #tpu.memory_space<vmem>>, vector<16xi32>,
        %and3A_379 = arith.constant 16383 : i32
        %and3A_380 = vector.broadcast %and3A_379 : i32 to vector<16xi32>
        %and3A_381 = arith.andi %get3A_378, %and3A_380 : vector<16xi32>
        %swap3A_382 = arith.index_cast %sub3A_374 : i32 to index
        %swap3A_383 = arith.constant 0 : index
        %swap3A_384 = tpu.vector_load %arg12[%swap3A_382, %swap3A_383] {strides = array<i32>} : memref<2x128xi32, #tpu.memory_space<vmem>>, vector<16xi32>,
        tpu.vector_store %arg12[%swap3A_382, %swap3A_383], %and3A_381 {strides = array<i32>} : memref<2x128xi32, #tpu.memory_space<vmem>>, vector<16xi32>,
        %shift_right_logical3A_385 = arith.constant 14 : i32
        %shift_right_logical3A_386 = vector.broadcast %shift_right_logical3A_385 : i32 to vector<16xi32>
        %shift_right_logical3A_387 = arith.shrui %get3A_378, %shift_right_logical3A_386 : vector<16xi32>
        %swap3A_388 = arith.index_cast %sub3A_374 : i32 to index
        %swap3A_389 = arith.constant 0 : index
        %swap3A_390 = tpu.vector_load %arg14[%swap3A_388, %swap3A_389] {strides = array<i32>} : memref<2x64xi32, #tpu.memory_space<vmem>>, vector<16xi32>,
        tpu.vector_store %arg14[%swap3A_388, %swap3A_389], %shift_right_logical3A_387 {strides = array<i32>} : memref<2x64xi32, #tpu.memory_space<vmem>>, vector<16xi32>,
        %get3A_391 = arith.index_cast %add3A_376 : i32 to index
        %get3A_392 = tpu.vector_load %arg11[%get3A_391] {strides = array<i32>} : memref<1680xf32, #tpu.memory_space<vmem>>, vector<16xf32>,
        %swap3A_393 = arith.index_cast %sub3A_374 : i32 to index
        %swap3A_394 = arith.constant 0 : index
        %swap3A_395 = tpu.vector_load %arg13[%swap3A_393, %swap3A_394] {strides = array<i32>} : memref<2x64xf32, #tpu.memory_space<vmem>>, vector<16xf32>,
        tpu.vector_store %arg13[%swap3A_393, %swap3A_394], %get3A_392 {strides = array<i32>} : memref<2x64xf32, #tpu.memory_space<vmem>>, vector<16xf32>,
        %add3A_396 = arith.constant 16 : i32
        %add3A_397 = arith.addi %while3A_371, %add3A_396 : i32
        %get3A_398 = arith.index_cast %add3A_397 : i32 to index
        %get3A_399 = tpu.vector_load %arg10[%get3A_398] {strides = array<i32>} : memref<1680xi32, #tpu.memory_space<vmem>>, vector<16xi32>,
        %and3A_400 = arith.constant 16383 : i32
        %and3A_401 = vector.broadcast %and3A_400 : i32 to vector<16xi32>
        %and3A_402 = arith.andi %get3A_399, %and3A_401 : vector<16xi32>
        %swap3A_403 = arith.index_cast %sub3A_374 : i32 to index
        %swap3A_404 = arith.constant 16 : index
        %swap3A_405 = tpu.vector_load %arg12[%swap3A_403, %swap3A_404] {strides = array<i32>} : memref<2x128xi32, #tpu.memory_space<vmem>>, vector<16xi32>,
        tpu.vector_store %arg12[%swap3A_403, %swap3A_404], %and3A_402 {strides = array<i32>} : memref<2x128xi32, #tpu.memory_space<vmem>>, vector<16xi32>,
        %shift_right_logical3A_406 = arith.constant 14 : i32
        %shift_right_logical3A_407 = vector.broadcast %shift_right_logical3A_406 : i32 to vector<16xi32>
        %shift_right_logical3A_408 = arith.shrui %get3A_399, %shift_right_logical3A_407 : vector<16xi32>
        %swap3A_409 = arith.index_cast %sub3A_374 : i32 to index
        %swap3A_410 = arith.constant 16 : index
        %swap3A_411 = tpu.vector_load %arg14[%swap3A_409, %swap3A_410] {strides = array<i32>} : memref<2x64xi32, #tpu.memory_space<vmem>>, vector<16xi32>,
        tpu.vector_store %arg14[%swap3A_409, %swap3A_410], %shift_right_logical3A_408 {strides = array<i32>} : memref<2x64xi32, #tpu.memory_space<vmem>>, vector<16xi32>,
        %get3A_412 = arith.index_cast %add3A_397 : i32 to index
        %get3A_413 = tpu.vector_load %arg11[%get3A_412] {strides = array<i32>} : memref<1680xf32, #tpu.memory_space<vmem>>, vector<16xf32>,
        %swap3A_414 = arith.index_cast %sub3A_374 : i32 to index
        %swap3A_415 = arith.constant 16 : index
        %swap3A_416 = tpu.vector_load %arg13[%swap3A_414, %swap3A_415] {strides = array<i32>} : memref<2x64xf32, #tpu.memory_space<vmem>>, vector<16xf32>,
        tpu.vector_store %arg13[%swap3A_414, %swap3A_415], %get3A_413 {strides = array<i32>} : memref<2x64xf32, #tpu.memory_space<vmem>>, vector<16xf32>,
        %add3A_417 = arith.constant 32 : i32
        %add3A_418 = arith.addi %while3A_371, %add3A_417 : i32
        %get3A_419 = arith.index_cast %add3A_418 : i32 to index
        %get3A_420 = tpu.vector_load %arg10[%get3A_419] {strides = array<i32>} : memref<1680xi32, #tpu.memory_space<vmem>>, vector<16xi32>,
        %and3A_421 = arith.constant 16383 : i32
        %and3A_422 = vector.broadcast %and3A_421 : i32 to vector<16xi32>
        %and3A_423 = arith.andi %get3A_420, %and3A_422 : vector<16xi32>
        %swap3A_424 = arith.index_cast %sub3A_374 : i32 to index
        %swap3A_425 = arith.constant 32 : index
        %swap3A_426 = tpu.vector_load %arg12[%swap3A_424, %swap3A_425] {strides = array<i32>} : memref<2x128xi32, #tpu.memory_space<vmem>>, vector<16xi32>,
        tpu.vector_store %arg12[%swap3A_424, %swap3A_425], %and3A_423 {strides = array<i32>} : memref<2x128xi32, #tpu.memory_space<vmem>>, vector<16xi32>,
        %shift_right_logical3A_427 = arith.constant 14 : i32
        %shift_right_logical3A_428 = vector.broadcast %shift_right_logical3A_427 : i32 to vector<16xi32>
        %shift_right_logical3A_429 = arith.shrui %get3A_420, %shift_right_logical3A_428 : vector<16xi32>
        %swap3A_430 = arith.index_cast %sub3A_374 : i32 to index
        %swap3A_431 = arith.constant 32 : index
        %swap3A_432 = tpu.vector_load %arg14[%swap3A_430, %swap3A_431] {strides = array<i32>} : memref<2x64xi32, #tpu.memory_space<vmem>>, vector<16xi32>,
        tpu.vector_store %arg14[%swap3A_430, %swap3A_431], %shift_right_logical3A_429 {strides = array<i32>} : memref<2x64xi32, #tpu.memory_space<vmem>>, vector<16xi32>,
        %get3A_433 = arith.index_cast %add3A_418 : i32 to index
        %get3A_434 = tpu.vector_load %arg11[%get3A_433] {strides = array<i32>} : memref<1680xf32, #tpu.memory_space<vmem>>, vector<16xf32>,
        %swap3A_435 = arith.index_cast %sub3A_374 : i32 to index
        %swap3A_436 = arith.constant 32 : index
        %swap3A_437 = tpu.vector_load %arg13[%swap3A_435, %swap3A_436] {strides = array<i32>} : memref<2x64xf32, #tpu.memory_space<vmem>>, vector<16xf32>,
        tpu.vector_store %arg13[%swap3A_435, %swap3A_436], %get3A_434 {strides = array<i32>} : memref<2x64xf32, #tpu.memory_space<vmem>>, vector<16xf32>,
        %add3A_438 = arith.constant 48 : i32
        %add3A_439 = arith.addi %while3A_371, %add3A_438 : i32
        %get3A_440 = arith.index_cast %add3A_439 : i32 to index
        %get3A_441 = tpu.vector_load %arg10[%get3A_440] {strides = array<i32>} : memref<1680xi32, #tpu.memory_space<vmem>>, vector<16xi32>,
        %and3A_442 = arith.constant 16383 : i32
        %and3A_443 = vector.broadcast %and3A_442 : i32 to vector<16xi32>
        %and3A_444 = arith.andi %get3A_441, %and3A_443 : vector<16xi32>
        %swap3A_445 = arith.index_cast %sub3A_374 : i32 to index
        %swap3A_446 = arith.constant 48 : index
        %swap3A_447 = tpu.vector_load %arg12[%swap3A_445, %swap3A_446] {strides = array<i32>} : memref<2x128xi32, #tpu.memory_space<vmem>>, vector<16xi32>,
        tpu.vector_store %arg12[%swap3A_445, %swap3A_446], %and3A_444 {strides = array<i32>} : memref<2x128xi32, #tpu.memory_space<vmem>>, vector<16xi32>,
        %shift_right_logical3A_448 = arith.constant 14 : i32
        %shift_right_logical3A_449 = vector.broadcast %shift_right_logical3A_448 : i32 to vector<16xi32>
        %shift_right_logical3A_450 = arith.shrui %get3A_441, %shift_right_logical3A_449 : vector<16xi32>
        %swap3A_451 = arith.index_cast %sub3A_374 : i32 to index
        %swap3A_452 = arith.constant 48 : index
        %swap3A_453 = tpu.vector_load %arg14[%swap3A_451, %swap3A_452] {strides = array<i32>} : memref<2x64xi32, #tpu.memory_space<vmem>>, vector<16xi32>,
        tpu.vector_store %arg14[%swap3A_451, %swap3A_452], %shift_right_logical3A_450 {strides = array<i32>} : memref<2x64xi32, #tpu.memory_space<vmem>>, vector<16xi32>,
        %get3A_454 = arith.index_cast %add3A_439 : i32 to index
        %get3A_455 = tpu.vector_load %arg11[%get3A_454] {strides = array<i32>} : memref<1680xf32, #tpu.memory_space<vmem>>, vector<16xf32>,
        %swap3A_456 = arith.index_cast %sub3A_374 : i32 to index
        %swap3A_457 = arith.constant 48 : index
        %swap3A_458 = tpu.vector_load %arg13[%swap3A_456, %swap3A_457] {strides = array<i32>} : memref<2x64xf32, #tpu.memory_space<vmem>>, vector<16xf32>,
        tpu.vector_store %arg13[%swap3A_456, %swap3A_457], %get3A_455 {strides = array<i32>} : memref<2x64xf32, #tpu.memory_space<vmem>>, vector<16xf32>,
        %mul3A_459 = arith.constant 64 : i32
        %mul3A_460 = arith.muli %while3A_372, %mul3A_459 : i32
        %dma_wait3A_461 = arith.constant 0 : i32
        %dma_wait3A_462 = tpu.memref_slice %arg15[%mul3A_460, %dma_wait3A_461] : memref<128x256xf32, #tpu.memory_space<vmem>> -> memref<64x256xf32, #tpu.memory_space<vmem>>
        %dma_wait3A_463 = arith.constant 0 : i32
        %dma_wait3A_464 = tpu.memref_slice %arg12[%while3A_372, %dma_wait3A_463] : memref<2x128xi32, #tpu.memory_space<vmem>> -> memref<1x64xi32, #tpu.memory_space<vmem>>
        %dma_wait3A_465 = tpu.memref_squeeze %dma_wait3A_464 : memref<1x64xi32, #tpu.memory_space<vmem>> -> memref<64xi32, #tpu.memory_space<vmem>>
        %dma_wait3A_466 = arith.constant 0 : i32
        %dma_wait3A_467 = arith.constant 0 : i32
        %dma_wait3A_468 = tpu.memref_slice %arg2[%dma_wait3A_466, %dma_wait3A_467] : memref<10000x256xf32, #tpu.memory_space<hbm>> -> memref<10000x256xf32, #tpu.memory_space<hbm>>
        tpu.wait_indirect_dma semaphore(%arg17 : memref<!tpu.dma_semaphore, #tpu.memory_space<semaphore_mem>>) src(%dma_wait3A_468 : memref<10000x256xf32, #tpu.memory_space<hbm>>) dst(%dma_wait3A_462 : memref<64x256xf32, #tpu.memory_space<vmem>>)
        %mul3A_469 = arith.constant 64 : i32
        %mul3A_470 = arith.muli %sub3A_374, %mul3A_469 : i32
        %dma_start3A_471 = arith.constant 0 : i32
        %dma_start3A_472 = tpu.memref_slice %arg15[%mul3A_470, %dma_start3A_471] : memref<128x256xf32, #tpu.memory_space<vmem>> -> memref<64x256xf32, #tpu.memory_space<vmem>>
        %dma_start3A_473 = arith.constant 0 : i32
        %dma_start3A_474 = tpu.memref_slice %arg12[%sub3A_374, %dma_start3A_473] : memref<2x128xi32, #tpu.memory_space<vmem>> -> memref<1x64xi32, #tpu.memory_space<vmem>>
        %dma_start3A_475 = tpu.memref_squeeze %dma_start3A_474 : memref<1x64xi32, #tpu.memory_space<vmem>> -> memref<64xi32, #tpu.memory_space<vmem>>
        %dma_start3A_476 = arith.constant 0 : i32
        %dma_start3A_477 = arith.constant 0 : i32
        %dma_start3A_478 = tpu.memref_slice %arg2[%dma_start3A_476, %dma_start3A_477] : memref<10000x256xf32, #tpu.memory_space<hbm>> -> memref<10000x256xf32, #tpu.memory_space<hbm>>
        tpu.enqueue_indirect_dma source(%dma_start3A_478 : memref<10000x256xf32, #tpu.memory_space<hbm>>) target(%dma_start3A_472 : memref<64x256xf32, #tpu.memory_space<vmem>>) offsets(%dma_start3A_475 : memref<64xi32, #tpu.memory_space<vmem>>) semaphore(%arg17 : memref<!tpu.dma_semaphore, #tpu.memory_space<semaphore_mem>>)
        %scan3A_479 = arith.constant 0 : i32
        %scan3A_480 = arith.constant 0 : i32
        %scan3A_481 = arith.constant 4 : i32
        %scan3A_482 = arith.addi %scan3A_480, %scan3A_481 : i32
        %scan3A_483 = arith.constant 1 : i32
        %scan3A_484 = scf.for %scan3A_488 = %scan3A_480 to %scan3A_482 step %scan3A_483 iter_args(%scan3A_489 = %scan3A_479) -> (i32)  : i32 {
          %mul3A_490 = arith.constant 16 : i32
          %mul3A_491 = arith.muli %scan3A_488, %mul3A_490 : i32
          %get3A_492 = arith.index_cast %while3A_372 : i32 to index
          %get3A_493 = arith.index_cast %mul3A_491 : i32 to index
          %get3A_494 = tpu.vector_load %arg13[%get3A_492, %get3A_493] {strides = array<i32>} : memref<2x64xf32, #tpu.memory_space<vmem>>, vector<16xf32>,
          %mul3A_495 = arith.constant 16 : i32
          %mul3A_496 = arith.muli %scan3A_488, %mul3A_495 : i32
          %get3A_497 = arith.index_cast %while3A_372 : i32 to index
          %get3A_498 = arith.index_cast %mul3A_496 : i32 to index
          %get3A_499 = tpu.vector_load %arg14[%get3A_497, %get3A_498] {strides = array<i32>} : memref<2x64xi32, #tpu.memory_space<vmem>>, vector<16xi32>,
          %slice3A = vector.extract_strided_slice %get3A_494 {offsets = [0], sizes = [1], strides = [1]} : vector<16xf32> to vector<1xf32>
          %squeeze3A = vector.extract %slice3A[0] : f32 from vector<1xf32>
          %slice3A_500 = vector.extract_strided_slice %get3A_494 {offsets = [1], sizes = [1], strides = [1]} : vector<16xf32> to vector<1xf32>
          %squeeze3A_501 = vector.extract %slice3A_500[0] : f32 from vector<1xf32>
          %slice3A_502 = vector.extract_strided_slice %get3A_494 {offsets = [2], sizes = [1], strides = [1]} : vector<16xf32> to vector<1xf32>
          %squeeze3A_503 = vector.extract %slice3A_502[0] : f32 from vector<1xf32>
          %slice3A_504 = vector.extract_strided_slice %get3A_494 {offsets = [3], sizes = [1], strides = [1]} : vector<16xf32> to vector<1xf32>
          %squeeze3A_505 = vector.extract %slice3A_504[0] : f32 from vector<1xf32>
          %slice3A_506 = vector.extract_strided_slice %get3A_494 {offsets = [4], sizes = [1], strides = [1]} : vector<16xf32> to vector<1xf32>
          %squeeze3A_507 = vector.extract %slice3A_506[0] : f32 from vector<1xf32>
          %slice3A_508 = vector.extract_strided_slice %get3A_494 {offsets = [5], sizes = [1], strides = [1]} : vector<16xf32> to vector<1xf32>
          %squeeze3A_509 = vector.extract %slice3A_508[0] : f32 from vector<1xf32>
          %slice3A_510 = vector.extract_strided_slice %get3A_494 {offsets = [6], sizes = [1], strides = [1]} : vector<16xf32> to vector<1xf32>
          %squeeze3A_511 = vector.extract %slice3A_510[0] : f32 from vector<1xf32>
          %slice3A_512 = vector.extract_strided_slice %get3A_494 {offsets = [7], sizes = [1], strides = [1]} : vector<16xf32> to vector<1xf32>
          %squeeze3A_513 = vector.extract %slice3A_512[0] : f32 from vector<1xf32>
          %slice3A_514 = vector.extract_strided_slice %get3A_494 {offsets = [8], sizes = [1], strides = [1]} : vector<16xf32> to vector<1xf32>
          %squeeze3A_515 = vector.extract %slice3A_514[0] : f32 from vector<1xf32>
          %slice3A_516 = vector.extract_strided_slice %get3A_494 {offsets = [9], sizes = [1], strides = [1]} : vector<16xf32> to vector<1xf32>
          %squeeze3A_517 = vector.extract %slice3A_516[0] : f32 from vector<1xf32>
          %slice3A_518 = vector.extract_strided_slice %get3A_494 {offsets = [10], sizes = [1], strides = [1]} : vector<16xf32> to vector<1xf32>
          %squeeze3A_519 = vector.extract %slice3A_518[0] : f32 from vector<1xf32>
          %slice3A_520 = vector.extract_strided_slice %get3A_494 {offsets = [11], sizes = [1], strides = [1]} : vector<16xf32> to vector<1xf32>
          %squeeze3A_521 = vector.extract %slice3A_520[0] : f32 from vector<1xf32>
          %slice3A_522 = vector.extract_strided_slice %get3A_494 {offsets = [12], sizes = [1], strides = [1]} : vector<16xf32> to vector<1xf32>
          %squeeze3A_523 = vector.extract %slice3A_522[0] : f32 from vector<1xf32>
          %slice3A_524 = vector.extract_strided_slice %get3A_494 {offsets = [13], sizes = [1], strides = [1]} : vector<16xf32> to vector<1xf32>
          %squeeze3A_525 = vector.extract %slice3A_524[0] : f32 from vector<1xf32>
          %slice3A_526 = vector.extract_strided_slice %get3A_494 {offsets = [14], sizes = [1], strides = [1]} : vector<16xf32> to vector<1xf32>
          %squeeze3A_527 = vector.extract %slice3A_526[0] : f32 from vector<1xf32>
          %slice3A_528 = vector.extract_strided_slice %get3A_494 {offsets = [15], sizes = [1], strides = [1]} : vector<16xf32> to vector<1xf32>
          %squeeze3A_529 = vector.extract %slice3A_528[0] : f32 from vector<1xf32>
          %slice3A_530 = vector.extract_strided_slice %get3A_499 {offsets = [0], sizes = [1], strides = [1]} : vector<16xi32> to vector<1xi32>
          %squeeze3A_531 = vector.extract %slice3A_530[0] : i32 from vector<1xi32>
          %slice3A_532 = vector.extract_strided_slice %get3A_499 {offsets = [1], sizes = [1], strides = [1]} : vector<16xi32> to vector<1xi32>
          %squeeze3A_533 = vector.extract %slice3A_532[0] : i32 from vector<1xi32>
          %slice3A_534 = vector.extract_strided_slice %get3A_499 {offsets = [2], sizes = [1], strides = [1]} : vector<16xi32> to vector<1xi32>
          %squeeze3A_535 = vector.extract %slice3A_534[0] : i32 from vector<1xi32>
          %slice3A_536 = vector.extract_strided_slice %get3A_499 {offsets = [3], sizes = [1], strides = [1]} : vector<16xi32> to vector<1xi32>
          %squeeze3A_537 = vector.extract %slice3A_536[0] : i32 from vector<1xi32>
          %slice3A_538 = vector.extract_strided_slice %get3A_499 {offsets = [4], sizes = [1], strides = [1]} : vector<16xi32> to vector<1xi32>
          %squeeze3A_539 = vector.extract %slice3A_538[0] : i32 from vector<1xi32>
          %slice3A_540 = vector.extract_strided_slice %get3A_499 {offsets = [5], sizes = [1], strides = [1]} : vector<16xi32> to vector<1xi32>
          %squeeze3A_541 = vector.extract %slice3A_540[0] : i32 from vector<1xi32>
          %slice3A_542 = vector.extract_strided_slice %get3A_499 {offsets = [6], sizes = [1], strides = [1]} : vector<16xi32> to vector<1xi32>
          %squeeze3A_543 = vector.extract %slice3A_542[0] : i32 from vector<1xi32>
          %slice3A_544 = vector.extract_strided_slice %get3A_499 {offsets = [7], sizes = [1], strides = [1]} : vector<16xi32> to vector<1xi32>
          %squeeze3A_545 = vector.extract %slice3A_544[0] : i32 from vector<1xi32>
          %slice3A_546 = vector.extract_strided_slice %get3A_499 {offsets = [8], sizes = [1], strides = [1]} : vector<16xi32> to vector<1xi32>
          %squeeze3A_547 = vector.extract %slice3A_546[0] : i32 from vector<1xi32>
          %slice3A_548 = vector.extract_strided_slice %get3A_499 {offsets = [9], sizes = [1], strides = [1]} : vector<16xi32> to vector<1xi32>
          %squeeze3A_549 = vector.extract %slice3A_548[0] : i32 from vector<1xi32>
          %slice3A_550 = vector.extract_strided_slice %get3A_499 {offsets = [10], sizes = [1], strides = [1]} : vector<16xi32> to vector<1xi32>
          %squeeze3A_551 = vector.extract %slice3A_550[0] : i32 from vector<1xi32>
          %slice3A_552 = vector.extract_strided_slice %get3A_499 {offsets = [11], sizes = [1], strides = [1]} : vector<16xi32> to vector<1xi32>
          %squeeze3A_553 = vector.extract %slice3A_552[0] : i32 from vector<1xi32>
          %slice3A_554 = vector.extract_strided_slice %get3A_499 {offsets = [12], sizes = [1], strides = [1]} : vector<16xi32> to vector<1xi32>
          %squeeze3A_555 = vector.extract %slice3A_554[0] : i32 from vector<1xi32>
          %slice3A_556 = vector.extract_strided_slice %get3A_499 {offsets = [13], sizes = [1], strides = [1]} : vector<16xi32> to vector<1xi32>
          %squeeze3A_557 = vector.extract %slice3A_556[0] : i32 from vector<1xi32>
          %slice3A_558 = vector.extract_strided_slice %get3A_499 {offsets = [14], sizes = [1], strides = [1]} : vector<16xi32> to vector<1xi32>
          %squeeze3A_559 = vector.extract %slice3A_558[0] : i32 from vector<1xi32>
          %slice3A_560 = vector.extract_strided_slice %get3A_499 {offsets = [15], sizes = [1], strides = [1]} : vector<16xi32> to vector<1xi32>
          %squeeze3A_561 = vector.extract %slice3A_560[0] : i32 from vector<1xi32>
          %mul3A_562 = arith.constant 64 : i32
          %mul3A_563 = arith.muli %while3A_372, %mul3A_562 : i32
          %mul3A_564 = arith.constant 16 : i32
          %mul3A_565 = arith.muli %scan3A_488, %mul3A_564 : i32
          %add3A_566 = arith.addi %mul3A_563, %mul3A_565 : i32
          %parallel_loop3A_567 = arith.constant 0 : i32
          %parallel_loop3A_568 = arith.constant 16 : i32
          %parallel_loop3A_569 = arith.constant 1 : i32
          scf.for %parallel_loop3A_571 = %parallel_loop3A_567 to %parallel_loop3A_568 step %parallel_loop3A_569  : i32 {
            %parallel_loop3A_572 = arith.constant 16 : i32
            %parallel_loop3A_573 = arith.muli %parallel_loop3A_571, %parallel_loop3A_572 : i32
            %parallel_loop3A_574 = arith.constant 0 : i32
            %parallel_loop3A_575 = arith.addi %add3A_566, %parallel_loop3A_574 : i32
            %parallel_loop3A_576 = arith.index_cast %parallel_loop3A_575 : i32 to index
            %parallel_loop3A_577 = arith.index_cast %parallel_loop3A_573 : i32 to index
            %parallel_loop3A_578 = tpu.vector_load %arg15[%parallel_loop3A_576, %parallel_loop3A_577] {strides = array<i32>} : memref<128x256xf32, #tpu.memory_space<vmem>>, vector<16xf32>,
            %parallel_loop3A_579 = vector.broadcast %squeeze3A : f32 to vector<16xf32>
            %parallel_loop3A_580 = arith.mulf %parallel_loop3A_578, %parallel_loop3A_579 : vector<16xf32>
            %parallel_loop3A_581 = arith.index_cast %squeeze3A_531 : i32 to index
            %parallel_loop3A_582 = arith.index_cast %parallel_loop3A_573 : i32 to index
            %parallel_loop3A_583 = tpu.vector_load %arg16[%parallel_loop3A_581, %parallel_loop3A_582] {strides = array<i32>} : memref<328x256xf32, #tpu.memory_space<vmem>>, vector<16xf32>,
            tpu.vector_store %arg16[%parallel_loop3A_581, %parallel_loop3A_582], %parallel_loop3A_580 {add = true, strides = array<i32>} : memref<328x256xf32, #tpu.memory_space<vmem>>, vector<16xf32>,
            %parallel_loop3A_584 = arith.constant 1 : i32
            %parallel_loop3A_585 = arith.addi %add3A_566, %parallel_loop3A_584 : i32
            %parallel_loop3A_586 = arith.index_cast %parallel_loop3A_585 : i32 to index
            %parallel_loop3A_587 = arith.index_cast %parallel_loop3A_573 : i32 to index
            %parallel_loop3A_588 = tpu.vector_load %arg15[%parallel_loop3A_586, %parallel_loop3A_587] {strides = array<i32>} : memref<128x256xf32, #tpu.memory_space<vmem>>, vector<16xf32>,
            %parallel_loop3A_589 = vector.broadcast %squeeze3A_501 : f32 to vector<16xf32>
            %parallel_loop3A_590 = arith.mulf %parallel_loop3A_588, %parallel_loop3A_589 : vector<16xf32>
            %parallel_loop3A_591 = arith.index_cast %squeeze3A_533 : i32 to index
            %parallel_loop3A_592 = arith.index_cast %parallel_loop3A_573 : i32 to index
            %parallel_loop3A_593 = tpu.vector_load %arg16[%parallel_loop3A_591, %parallel_loop3A_592] {strides = array<i32>} : memref<328x256xf32, #tpu.memory_space<vmem>>, vector<16xf32>,
            tpu.vector_store %arg16[%parallel_loop3A_591, %parallel_loop3A_592], %parallel_loop3A_590 {add = true, strides = array<i32>} : memref<328x256xf32, #tpu.memory_space<vmem>>, vector<16xf32>,
            %parallel_loop3A_594 = arith.constant 2 : i32
            %parallel_loop3A_595 = arith.addi %add3A_566, %parallel_loop3A_594 : i32
            %parallel_loop3A_596 = arith.index_cast %parallel_loop3A_595 : i32 to index
            %parallel_loop3A_597 = arith.index_cast %parallel_loop3A_573 : i32 to index
            %parallel_loop3A_598 = tpu.vector_load %arg15[%parallel_loop3A_596, %parallel_loop3A_597] {strides = array<i32>} : memref<128x256xf32, #tpu.memory_space<vmem>>, vector<16xf32>,
            %parallel_loop3A_599 = vector.broadcast %squeeze3A_503 : f32 to vector<16xf32>
            %parallel_loop3A_600 = arith.mulf %parallel_loop3A_598, %parallel_loop3A_599 : vector<16xf32>
            %parallel_loop3A_601 = arith.index_cast %squeeze3A_535 : i32 to index
            %parallel_loop3A_602 = arith.index_cast %parallel_loop3A_573 : i32 to index
            %parallel_loop3A_603 = tpu.vector_load %arg16[%parallel_loop3A_601, %parallel_loop3A_602] {strides = array<i32>} : memref<328x256xf32, #tpu.memory_space<vmem>>, vector<16xf32>,
            tpu.vector_store %arg16[%parallel_loop3A_601, %parallel_loop3A_602], %parallel_loop3A_600 {add = true, strides = array<i32>} : memref<328x256xf32, #tpu.memory_space<vmem>>, vector<16xf32>,
            %parallel_loop3A_604 = arith.constant 3 : i32
            %parallel_loop3A_605 = arith.addi %add3A_566, %parallel_loop3A_604 : i32
            %parallel_loop3A_606 = arith.index_cast %parallel_loop3A_605 : i32 to index
            %parallel_loop3A_607 = arith.index_cast %parallel_loop3A_573 : i32 to index
            %parallel_loop3A_608 = tpu.vector_load %arg15[%parallel_loop3A_606, %parallel_loop3A_607] {strides = array<i32>} : memref<128x256xf32, #tpu.memory_space<vmem>>, vector<16xf32>,
            %parallel_loop3A_609 = vector.broadcast %squeeze3A_505 : f32 to vector<16xf32>
            %parallel_loop3A_610 = arith.mulf %parallel_loop3A_608, %parallel_loop3A_609 : vector<16xf32>
            %parallel_loop3A_611 = arith.index_cast %squeeze3A_537 : i32 to index
            %parallel_loop3A_612 = arith.index_cast %parallel_loop3A_573 : i32 to index
            %parallel_loop3A_613 = tpu.vector_load %arg16[%parallel_loop3A_611, %parallel_loop3A_612] {strides = array<i32>} : memref<328x256xf32, #tpu.memory_space<vmem>>, vector<16xf32>,
            tpu.vector_store %arg16[%parallel_loop3A_611, %parallel_loop3A_612], %parallel_loop3A_610 {add = true, strides = array<i32>} : memref<328x256xf32, #tpu.memory_space<vmem>>, vector<16xf32>,
            %parallel_loop3A_614 = arith.constant 4 : i32
            %parallel_loop3A_615 = arith.addi %add3A_566, %parallel_loop3A_614 : i32
            %parallel_loop3A_616 = arith.index_cast %parallel_loop3A_615 : i32 to index
            %parallel_loop3A_617 = arith.index_cast %parallel_loop3A_573 : i32 to index
            %parallel_loop3A_618 = tpu.vector_load %arg15[%parallel_loop3A_616, %parallel_loop3A_617] {strides = array<i32>} : memref<128x256xf32, #tpu.memory_space<vmem>>, vector<16xf32>,
            %parallel_loop3A_619 = vector.broadcast %squeeze3A_507 : f32 to vector<16xf32>
            %parallel_loop3A_620 = arith.mulf %parallel_loop3A_618, %parallel_loop3A_619 : vector<16xf32>
            %parallel_loop3A_621 = arith.index_cast %squeeze3A_539 : i32 to index
            %parallel_loop3A_622 = arith.index_cast %parallel_loop3A_573 : i32 to index
            %parallel_loop3A_623 = tpu.vector_load %arg16[%parallel_loop3A_621, %parallel_loop3A_622] {strides = array<i32>} : memref<328x256xf32, #tpu.memory_space<vmem>>, vector<16xf32>,
            tpu.vector_store %arg16[%parallel_loop3A_621, %parallel_loop3A_622], %parallel_loop3A_620 {add = true, strides = array<i32>} : memref<328x256xf32, #tpu.memory_space<vmem>>, vector<16xf32>,
            %parallel_loop3A_624 = arith.constant 5 : i32
            %parallel_loop3A_625 = arith.addi %add3A_566, %parallel_loop3A_624 : i32
            %parallel_loop3A_626 = arith.index_cast %parallel_loop3A_625 : i32 to index
            %parallel_loop3A_627 = arith.index_cast %parallel_loop3A_573 : i32 to index
            %parallel_loop3A_628 = tpu.vector_load %arg15[%parallel_loop3A_626, %parallel_loop3A_627] {strides = array<i32>} : memref<128x256xf32, #tpu.memory_space<vmem>>, vector<16xf32>,
            %parallel_loop3A_629 = vector.broadcast %squeeze3A_509 : f32 to vector<16xf32>
            %parallel_loop3A_630 = arith.mulf %parallel_loop3A_628, %parallel_loop3A_629 : vector<16xf32>
            %parallel_loop3A_631 = arith.index_cast %squeeze3A_541 : i32 to index
            %parallel_loop3A_632 = arith.index_cast %parallel_loop3A_573 : i32 to index
            %parallel_loop3A_633 = tpu.vector_load %arg16[%parallel_loop3A_631, %parallel_loop3A_632] {strides = array<i32>} : memref<328x256xf32, #tpu.memory_space<vmem>>, vector<16xf32>,
            tpu.vector_store %arg16[%parallel_loop3A_631, %parallel_loop3A_632], %parallel_loop3A_630 {add = true, strides = array<i32>} : memref<328x256xf32, #tpu.memory_space<vmem>>, vector<16xf32>,
            %parallel_loop3A_634 = arith.constant 6 : i32
            %parallel_loop3A_635 = arith.addi %add3A_566, %parallel_loop3A_634 : i32
            %parallel_loop3A_636 = arith.index_cast %parallel_loop3A_635 : i32 to index
            %parallel_loop3A_637 = arith.index_cast %parallel_loop3A_573 : i32 to index
            %parallel_loop3A_638 = tpu.vector_load %arg15[%parallel_loop3A_636, %parallel_loop3A_637] {strides = array<i32>} : memref<128x256xf32, #tpu.memory_space<vmem>>, vector<16xf32>,
            %parallel_loop3A_639 = vector.broadcast %squeeze3A_511 : f32 to vector<16xf32>
            %parallel_loop3A_640 = arith.mulf %parallel_loop3A_638, %parallel_loop3A_639 : vector<16xf32>
            %parallel_loop3A_641 = arith.index_cast %squeeze3A_543 : i32 to index
            %parallel_loop3A_642 = arith.index_cast %parallel_loop3A_573 : i32 to index
            %parallel_loop3A_643 = tpu.vector_load %arg16[%parallel_loop3A_641, %parallel_loop3A_642] {strides = array<i32>} : memref<328x256xf32, #tpu.memory_space<vmem>>, vector<16xf32>,
            tpu.vector_store %arg16[%parallel_loop3A_641, %parallel_loop3A_642], %parallel_loop3A_640 {add = true, strides = array<i32>} : memref<328x256xf32, #tpu.memory_space<vmem>>, vector<16xf32>,
            %parallel_loop3A_644 = arith.constant 7 : i32
            %parallel_loop3A_645 = arith.addi %add3A_566, %parallel_loop3A_644 : i32
            %parallel_loop3A_646 = arith.index_cast %parallel_loop3A_645 : i32 to index
            %parallel_loop3A_647 = arith.index_cast %parallel_loop3A_573 : i32 to index
            %parallel_loop3A_648 = tpu.vector_load %arg15[%parallel_loop3A_646, %parallel_loop3A_647] {strides = array<i32>} : memref<128x256xf32, #tpu.memory_space<vmem>>, vector<16xf32>,
            %parallel_loop3A_649 = vector.broadcast %squeeze3A_513 : f32 to vector<16xf32>
            %parallel_loop3A_650 = arith.mulf %parallel_loop3A_648, %parallel_loop3A_649 : vector<16xf32>
            %parallel_loop3A_651 = arith.index_cast %squeeze3A_545 : i32 to index
            %parallel_loop3A_652 = arith.index_cast %parallel_loop3A_573 : i32 to index
            %parallel_loop3A_653 = tpu.vector_load %arg16[%parallel_loop3A_651, %parallel_loop3A_652] {strides = array<i32>} : memref<328x256xf32, #tpu.memory_space<vmem>>, vector<16xf32>,
            tpu.vector_store %arg16[%parallel_loop3A_651, %parallel_loop3A_652], %parallel_loop3A_650 {add = true, strides = array<i32>} : memref<328x256xf32, #tpu.memory_space<vmem>>, vector<16xf32>,
            %parallel_loop3A_654 = arith.constant 8 : i32
            %parallel_loop3A_655 = arith.addi %add3A_566, %parallel_loop3A_654 : i32
            %parallel_loop3A_656 = arith.index_cast %parallel_loop3A_655 : i32 to index
            %parallel_loop3A_657 = arith.index_cast %parallel_loop3A_573 : i32 to index
            %parallel_loop3A_658 = tpu.vector_load %arg15[%parallel_loop3A_656, %parallel_loop3A_657] {strides = array<i32>} : memref<128x256xf32, #tpu.memory_space<vmem>>, vector<16xf32>,
            %parallel_loop3A_659 = vector.broadcast %squeeze3A_515 : f32 to vector<16xf32>
            %parallel_loop3A_660 = arith.mulf %parallel_loop3A_658, %parallel_loop3A_659 : vector<16xf32>
            %parallel_loop3A_661 = arith.index_cast %squeeze3A_547 : i32 to index
            %parallel_loop3A_662 = arith.index_cast %parallel_loop3A_573 : i32 to index
            %parallel_loop3A_663 = tpu.vector_load %arg16[%parallel_loop3A_661, %parallel_loop3A_662] {strides = array<i32>} : memref<328x256xf32, #tpu.memory_space<vmem>>, vector<16xf32>,
            tpu.vector_store %arg16[%parallel_loop3A_661, %parallel_loop3A_662], %parallel_loop3A_660 {add = true, strides = array<i32>} : memref<328x256xf32, #tpu.memory_space<vmem>>, vector<16xf32>,
            %parallel_loop3A_664 = arith.constant 9 : i32
            %parallel_loop3A_665 = arith.addi %add3A_566, %parallel_loop3A_664 : i32
            %parallel_loop3A_666 = arith.index_cast %parallel_loop3A_665 : i32 to index
            %parallel_loop3A_667 = arith.index_cast %parallel_loop3A_573 : i32 to index
            %parallel_loop3A_668 = tpu.vector_load %arg15[%parallel_loop3A_666, %parallel_loop3A_667] {strides = array<i32>} : memref<128x256xf32, #tpu.memory_space<vmem>>, vector<16xf32>,
            %parallel_loop3A_669 = vector.broadcast %squeeze3A_517 : f32 to vector<16xf32>
            %parallel_loop3A_670 = arith.mulf %parallel_loop3A_668, %parallel_loop3A_669 : vector<16xf32>
            %parallel_loop3A_671 = arith.index_cast %squeeze3A_549 : i32 to index
            %parallel_loop3A_672 = arith.index_cast %parallel_loop3A_573 : i32 to index
            %parallel_loop3A_673 = tpu.vector_load %arg16[%parallel_loop3A_671, %parallel_loop3A_672] {strides = array<i32>} : memref<328x256xf32, #tpu.memory_space<vmem>>, vector<16xf32>,
            tpu.vector_store %arg16[%parallel_loop3A_671, %parallel_loop3A_672], %parallel_loop3A_670 {add = true, strides = array<i32>} : memref<328x256xf32, #tpu.memory_space<vmem>>, vector<16xf32>,
            %parallel_loop3A_674 = arith.constant 10 : i32
            %parallel_loop3A_675 = arith.addi %add3A_566, %parallel_loop3A_674 : i32
            %parallel_loop3A_676 = arith.index_cast %parallel_loop3A_675 : i32 to index
            %parallel_loop3A_677 = arith.index_cast %parallel_loop3A_573 : i32 to index
            %parallel_loop3A_678 = tpu.vector_load %arg15[%parallel_loop3A_676, %parallel_loop3A_677] {strides = array<i32>} : memref<128x256xf32, #tpu.memory_space<vmem>>, vector<16xf32>,
            %parallel_loop3A_679 = vector.broadcast %squeeze3A_519 : f32 to vector<16xf32>
            %parallel_loop3A_680 = arith.mulf %parallel_loop3A_678, %parallel_loop3A_679 : vector<16xf32>
            %parallel_loop3A_681 = arith.index_cast %squeeze3A_551 : i32 to index
            %parallel_loop3A_682 = arith.index_cast %parallel_loop3A_573 : i32 to index
            %parallel_loop3A_683 = tpu.vector_load %arg16[%parallel_loop3A_681, %parallel_loop3A_682] {strides = array<i32>} : memref<328x256xf32, #tpu.memory_space<vmem>>, vector<16xf32>,
            tpu.vector_store %arg16[%parallel_loop3A_681, %parallel_loop3A_682], %parallel_loop3A_680 {add = true, strides = array<i32>} : memref<328x256xf32, #tpu.memory_space<vmem>>, vector<16xf32>,
            %parallel_loop3A_684 = arith.constant 11 : i32
            %parallel_loop3A_685 = arith.addi %add3A_566, %parallel_loop3A_684 : i32
            %parallel_loop3A_686 = arith.index_cast %parallel_loop3A_685 : i32 to index
            %parallel_loop3A_687 = arith.index_cast %parallel_loop3A_573 : i32 to index
            %parallel_loop3A_688 = tpu.vector_load %arg15[%parallel_loop3A_686, %parallel_loop3A_687] {strides = array<i32>} : memref<128x256xf32, #tpu.memory_space<vmem>>, vector<16xf32>,
            %parallel_loop3A_689 = vector.broadcast %squeeze3A_521 : f32 to vector<16xf32>
            %parallel_loop3A_690 = arith.mulf %parallel_loop3A_688, %parallel_loop3A_689 : vector<16xf32>
            %parallel_loop3A_691 = arith.index_cast %squeeze3A_553 : i32 to index
            %parallel_loop3A_692 = arith.index_cast %parallel_loop3A_573 : i32 to index
            %parallel_loop3A_693 = tpu.vector_load %arg16[%parallel_loop3A_691, %parallel_loop3A_692] {strides = array<i32>} : memref<328x256xf32, #tpu.memory_space<vmem>>, vector<16xf32>,
            tpu.vector_store %arg16[%parallel_loop3A_691, %parallel_loop3A_692], %parallel_loop3A_690 {add = true, strides = array<i32>} : memref<328x256xf32, #tpu.memory_space<vmem>>, vector<16xf32>,
            %parallel_loop3A_694 = arith.constant 12 : i32
            %parallel_loop3A_695 = arith.addi %add3A_566, %parallel_loop3A_694 : i32
            %parallel_loop3A_696 = arith.index_cast %parallel_loop3A_695 : i32 to index
            %parallel_loop3A_697 = arith.index_cast %parallel_loop3A_573 : i32 to index
            %parallel_loop3A_698 = tpu.vector_load %arg15[%parallel_loop3A_696, %parallel_loop3A_697] {strides = array<i32>} : memref<128x256xf32, #tpu.memory_space<vmem>>, vector<16xf32>,
            %parallel_loop3A_699 = vector.broadcast %squeeze3A_523 : f32 to vector<16xf32>
            %parallel_loop3A_700 = arith.mulf %parallel_loop3A_698, %parallel_loop3A_699 : vector<16xf32>
            %parallel_loop3A_701 = arith.index_cast %squeeze3A_555 : i32 to index
            %parallel_loop3A_702 = arith.index_cast %parallel_loop3A_573 : i32 to index
            %parallel_loop3A_703 = tpu.vector_load %arg16[%parallel_loop3A_701, %parallel_loop3A_702] {strides = array<i32>} : memref<328x256xf32, #tpu.memory_space<vmem>>, vector<16xf32>,
            tpu.vector_store %arg16[%parallel_loop3A_701, %parallel_loop3A_702], %parallel_loop3A_700 {add = true, strides = array<i32>} : memref<328x256xf32, #tpu.memory_space<vmem>>, vector<16xf32>,
            %parallel_loop3A_704 = arith.constant 13 : i32
            %parallel_loop3A_705 = arith.addi %add3A_566, %parallel_loop3A_704 : i32
            %parallel_loop3A_706 = arith.index_cast %parallel_loop3A_705 : i32 to index
            %parallel_loop3A_707 = arith.index_cast %parallel_loop3A_573 : i32 to index
            %parallel_loop3A_708 = tpu.vector_load %arg15[%parallel_loop3A_706, %parallel_loop3A_707] {strides = array<i32>} : memref<128x256xf32, #tpu.memory_space<vmem>>, vector<16xf32>,
            %parallel_loop3A_709 = vector.broadcast %squeeze3A_525 : f32 to vector<16xf32>
            %parallel_loop3A_710 = arith.mulf %parallel_loop3A_708, %parallel_loop3A_709 : vector<16xf32>
            %parallel_loop3A_711 = arith.index_cast %squeeze3A_557 : i32 to index
            %parallel_loop3A_712 = arith.index_cast %parallel_loop3A_573 : i32 to index
            %parallel_loop3A_713 = tpu.vector_load %arg16[%parallel_loop3A_711, %parallel_loop3A_712] {strides = array<i32>} : memref<328x256xf32, #tpu.memory_space<vmem>>, vector<16xf32>,
            tpu.vector_store %arg16[%parallel_loop3A_711, %parallel_loop3A_712], %parallel_loop3A_710 {add = true, strides = array<i32>} : memref<328x256xf32, #tpu.memory_space<vmem>>, vector<16xf32>,
            %parallel_loop3A_714 = arith.constant 14 : i32
            %parallel_loop3A_715 = arith.addi %add3A_566, %parallel_loop3A_714 : i32
            %parallel_loop3A_716 = arith.index_cast %parallel_loop3A_715 : i32 to index
            %parallel_loop3A_717 = arith.index_cast %parallel_loop3A_573 : i32 to index
            %parallel_loop3A_718 = tpu.vector_load %arg15[%parallel_loop3A_716, %parallel_loop3A_717] {strides = array<i32>} : memref<128x256xf32, #tpu.memory_space<vmem>>, vector<16xf32>,
            %parallel_loop3A_719 = vector.broadcast %squeeze3A_527 : f32 to vector<16xf32>
            %parallel_loop3A_720 = arith.mulf %parallel_loop3A_718, %parallel_loop3A_719 : vector<16xf32>
            %parallel_loop3A_721 = arith.index_cast %squeeze3A_559 : i32 to index
            %parallel_loop3A_722 = arith.index_cast %parallel_loop3A_573 : i32 to index
            %parallel_loop3A_723 = tpu.vector_load %arg16[%parallel_loop3A_721, %parallel_loop3A_722] {strides = array<i32>} : memref<328x256xf32, #tpu.memory_space<vmem>>, vector<16xf32>,
            tpu.vector_store %arg16[%parallel_loop3A_721, %parallel_loop3A_722], %parallel_loop3A_720 {add = true, strides = array<i32>} : memref<328x256xf32, #tpu.memory_space<vmem>>, vector<16xf32>,
            %parallel_loop3A_724 = arith.constant 15 : i32
            %parallel_loop3A_725 = arith.addi %add3A_566, %parallel_loop3A_724 : i32
            %parallel_loop3A_726 = arith.index_cast %parallel_loop3A_725 : i32 to index
            %parallel_loop3A_727 = arith.index_cast %parallel_loop3A_573 : i32 to index
            %parallel_loop3A_728 = tpu.vector_load %arg15[%parallel_loop3A_726, %parallel_loop3A_727] {strides = array<i32>} : memref<128x256xf32, #tpu.memory_space<vmem>>, vector<16xf32>,
            %parallel_loop3A_729 = vector.broadcast %squeeze3A_529 : f32 to vector<16xf32>
            %parallel_loop3A_730 = arith.mulf %parallel_loop3A_728, %parallel_loop3A_729 : vector<16xf32>
            %parallel_loop3A_731 = arith.index_cast %squeeze3A_561 : i32 to index
            %parallel_loop3A_732 = arith.index_cast %parallel_loop3A_573 : i32 to index
            %parallel_loop3A_733 = tpu.vector_load %arg16[%parallel_loop3A_731, %parallel_loop3A_732] {strides = array<i32>} : memref<328x256xf32, #tpu.memory_space<vmem>>, vector<16xf32>,
            tpu.vector_store %arg16[%parallel_loop3A_731, %parallel_loop3A_732], %parallel_loop3A_730 {add = true, strides = array<i32>} : memref<328x256xf32, #tpu.memory_space<vmem>>, vector<16xf32>,
          } {sc.loop_unroll_factor = 4 : i64, sc.parallel_access}
          %scan3A_570 = arith.constant 0 : i32
          scf.yield %scan3A_570 : i32
        }
        %scan3A_485 = arith.constant 4 : i32
        %add3A_486 = arith.constant 64 : i32
        %add3A_487 = arith.addi %while3A_371, %add3A_486 : i32
        scf.yield %while3A_370, %add3A_487, %sub3A_374 : i32, i32, i32
      }
      %gt3A_364 = arith.constant 0 : i32
      %gt3A_365 = arith.cmpi sgt, %while3A_363#1, %gt3A_364 : i32
      %convert_element_type3A_366 = arith.extui %gt3A_365 : i1 to i32
      %cond3A_367 = arith.constant 0 : i32
      %cond3A_368 = arith.cmpi ne, %convert_element_type3A_366, %cond3A_367 : i32
      scf.if %cond3A_368 {
        %add3A_370 = arith.constant 0 : i32
        %add3A_371 = arith.addi %while3A_363#1, %add3A_370 : i32
        %get3A_372 = arith.index_cast %add3A_371 : i32 to index
        %get3A_373 = tpu.vector_load %arg10[%get3A_372] {strides = array<i32>} : memref<1680xi32, #tpu.memory_space<vmem>>, vector<16xi32>,
        %swap3A_374 = arith.constant 0 : index
        %swap3A_375 = tpu.vector_load %arg10[%swap3A_374] {strides = array<i32>} : memref<1680xi32, #tpu.memory_space<vmem>>, vector<16xi32>,
        tpu.vector_store %arg10[%swap3A_374], %get3A_373 {strides = array<i32>} : memref<1680xi32, #tpu.memory_space<vmem>>, vector<16xi32>,
        %get3A_376 = arith.index_cast %add3A_371 : i32 to index
        %get3A_377 = tpu.vector_load %arg11[%get3A_376] {strides = array<i32>} : memref<1680xf32, #tpu.memory_space<vmem>>, vector<16xf32>,
        %swap3A_378 = arith.constant 0 : index
        %swap3A_379 = tpu.vector_load %arg11[%swap3A_378] {strides = array<i32>} : memref<1680xf32, #tpu.memory_space<vmem>>, vector<16xf32>,
        tpu.vector_store %arg11[%swap3A_378], %get3A_377 {strides = array<i32>} : memref<1680xf32, #tpu.memory_space<vmem>>, vector<16xf32>,
        %add3A_380 = arith.constant 16 : i32
        %add3A_381 = arith.addi %while3A_363#1, %add3A_380 : i32
        %get3A_382 = arith.index_cast %add3A_381 : i32 to index
        %get3A_383 = tpu.vector_load %arg10[%get3A_382] {strides = array<i32>} : memref<1680xi32, #tpu.memory_space<vmem>>, vector<16xi32>,
        %swap3A_384 = arith.constant 16 : index
        %swap3A_385 = tpu.vector_load %arg10[%swap3A_384] {strides = array<i32>} : memref<1680xi32, #tpu.memory_space<vmem>>, vector<16xi32>,
        tpu.vector_store %arg10[%swap3A_384], %get3A_383 {strides = array<i32>} : memref<1680xi32, #tpu.memory_space<vmem>>, vector<16xi32>,
        %get3A_386 = arith.index_cast %add3A_381 : i32 to index
        %get3A_387 = tpu.vector_load %arg11[%get3A_386] {strides = array<i32>} : memref<1680xf32, #tpu.memory_space<vmem>>, vector<16xf32>,
        %swap3A_388 = arith.constant 16 : index
        %swap3A_389 = tpu.vector_load %arg11[%swap3A_388] {strides = array<i32>} : memref<1680xf32, #tpu.memory_space<vmem>>, vector<16xf32>,
        tpu.vector_store %arg11[%swap3A_388], %get3A_387 {strides = array<i32>} : memref<1680xf32, #tpu.memory_space<vmem>>, vector<16xf32>,
        %add3A_390 = arith.constant 32 : i32
        %add3A_391 = arith.addi %while3A_363#1, %add3A_390 : i32
        %get3A_392 = arith.index_cast %add3A_391 : i32 to index
        %get3A_393 = tpu.vector_load %arg10[%get3A_392] {strides = array<i32>} : memref<1680xi32, #tpu.memory_space<vmem>>, vector<16xi32>,
        %swap3A_394 = arith.constant 32 : index
        %swap3A_395 = tpu.vector_load %arg10[%swap3A_394] {strides = array<i32>} : memref<1680xi32, #tpu.memory_space<vmem>>, vector<16xi32>,
        tpu.vector_store %arg10[%swap3A_394], %get3A_393 {strides = array<i32>} : memref<1680xi32, #tpu.memory_space<vmem>>, vector<16xi32>,
        %get3A_396 = arith.index_cast %add3A_391 : i32 to index
        %get3A_397 = tpu.vector_load %arg11[%get3A_396] {strides = array<i32>} : memref<1680xf32, #tpu.memory_space<vmem>>, vector<16xf32>,
        %swap3A_398 = arith.constant 32 : index
        %swap3A_399 = tpu.vector_load %arg11[%swap3A_398] {strides = array<i32>} : memref<1680xf32, #tpu.memory_space<vmem>>, vector<16xf32>,
        tpu.vector_store %arg11[%swap3A_398], %get3A_397 {strides = array<i32>} : memref<1680xf32, #tpu.memory_space<vmem>>, vector<16xf32>,
        %add3A_400 = arith.constant 48 : i32
        %add3A_401 = arith.addi %while3A_363#1, %add3A_400 : i32
        %get3A_402 = arith.index_cast %add3A_401 : i32 to index
        %get3A_403 = tpu.vector_load %arg10[%get3A_402] {strides = array<i32>} : memref<1680xi32, #tpu.memory_space<vmem>>, vector<16xi32>,
        %swap3A_404 = arith.constant 48 : index
        %swap3A_405 = tpu.vector_load %arg10[%swap3A_404] {strides = array<i32>} : memref<1680xi32, #tpu.memory_space<vmem>>, vector<16xi32>,
        tpu.vector_store %arg10[%swap3A_404], %get3A_403 {strides = array<i32>} : memref<1680xi32, #tpu.memory_space<vmem>>, vector<16xi32>,
        %get3A_406 = arith.index_cast %add3A_401 : i32 to index
        %get3A_407 = tpu.vector_load %arg11[%get3A_406] {strides = array<i32>} : memref<1680xf32, #tpu.memory_space<vmem>>, vector<16xf32>,
        %swap3A_408 = arith.constant 48 : index
        %swap3A_409 = tpu.vector_load %arg11[%swap3A_408] {strides = array<i32>} : memref<1680xf32, #tpu.memory_space<vmem>>, vector<16xf32>,
        tpu.vector_store %arg11[%swap3A_408], %get3A_407 {strides = array<i32>} : memref<1680xf32, #tpu.memory_space<vmem>>, vector<16xf32>,
      } else {
      }
      %sub3A_369 = arith.subi %while3A_363#0, %while3A_363#1 : i32
      scf.yield %sub3A_369, %while3A_363#2 : i32, i32
    }
    %scan3A_134 = arith.constant 50 : i32
    %iota3A = tpu.iota {dimensions = array<i32: 0>} : vector<16xi32>
    %sub3A = arith.constant 1 : i32
    %sub3A_135 = arith.subi %sub3A, %scan3A_133#1 : i32
    %add3A_136 = arith.constant 0 : i32
    %add3A_137 = vector.broadcast %add3A_136 : i32 to vector<16xi32>
    %add3A_138 = arith.addi %iota3A, %add3A_137 : vector<16xi32>
    %lt3A = vector.broadcast %scan3A_133#0 : i32 to vector<16xi32>
    %lt3A_139 = arith.cmpi slt, %add3A_138, %lt3A : vector<16xi32>
    %get3A = arith.constant 0 : index
    %get3A_140 = tpu.vector_load %arg10[%get3A] {strides = array<i32>} : memref<1680xi32, #tpu.memory_space<vmem>>, vector<16xi32>,
    %and3A = arith.constant 16383 : i32
    %and3A_141 = vector.broadcast %and3A : i32 to vector<16xi32>
    %and3A_142 = arith.andi %get3A_140, %and3A_141 : vector<16xi32>
    %jit3A_143 = arith.constant 0 : i32
    %broadcast_in_dim3A_144 = vector.broadcast %jit3A_143 : i32 to vector<16xi32>
    %select_n3A_145 = arith.select %lt3A_139, %and3A_142, %broadcast_in_dim3A_144 : vector<16xi1>, vector<16xi32>
    %swap3A_146 = arith.index_cast %sub3A_135 : i32 to index
    %swap3A_147 = arith.constant 0 : index
    %swap3A_148 = tpu.vector_load %arg12[%swap3A_146, %swap3A_147] {strides = array<i32>} : memref<2x128xi32, #tpu.memory_space<vmem>>, vector<16xi32>,
    tpu.vector_store %arg12[%swap3A_146, %swap3A_147], %select_n3A_145 {strides = array<i32>} : memref<2x128xi32, #tpu.memory_space<vmem>>, vector<16xi32>,
    %shift_right_logical3A = arith.constant 14 : i32
    %shift_right_logical3A_149 = vector.broadcast %shift_right_logical3A : i32 to vector<16xi32>
    %shift_right_logical3A_150 = arith.shrui %get3A_140, %shift_right_logical3A_149 : vector<16xi32>
    %jit3A_151 = arith.constant 0 : i32
    %broadcast_in_dim3A_152 = vector.broadcast %jit3A_151 : i32 to vector<16xi32>
    %select_n3A_153 = arith.select %lt3A_139, %shift_right_logical3A_150, %broadcast_in_dim3A_152 : vector<16xi1>, vector<16xi32>
    %swap3A_154 = arith.index_cast %sub3A_135 : i32 to index
    %swap3A_155 = arith.constant 0 : index
    %swap3A_156 = tpu.vector_load %arg14[%swap3A_154, %swap3A_155] {strides = array<i32>} : memref<2x64xi32, #tpu.memory_space<vmem>>, vector<16xi32>,
    tpu.vector_store %arg14[%swap3A_154, %swap3A_155], %select_n3A_153 {strides = array<i32>} : memref<2x64xi32, #tpu.memory_space<vmem>>, vector<16xi32>,
    %get3A_157 = arith.constant 0 : index
    %get3A_158 = tpu.vector_load %arg11[%get3A_157] {strides = array<i32>} : memref<1680xf32, #tpu.memory_space<vmem>>, vector<16xf32>,
    %jit3A_159 = arith.constant 0.000000e+00 : f32
    %broadcast_in_dim3A_160 = vector.broadcast %jit3A_159 : f32 to vector<16xf32>
    %select_n3A_161 = arith.select %lt3A_139, %get3A_158, %broadcast_in_dim3A_160 : vector<16xi1>, vector<16xf32>
    %swap3A_162 = arith.index_cast %sub3A_135 : i32 to index
    %swap3A_163 = arith.constant 0 : index
    %swap3A_164 = tpu.vector_load %arg13[%swap3A_162, %swap3A_163] {strides = array<i32>} : memref<2x64xf32, #tpu.memory_space<vmem>>, vector<16xf32>,
    tpu.vector_store %arg13[%swap3A_162, %swap3A_163], %select_n3A_161 {strides = array<i32>} : memref<2x64xf32, #tpu.memory_space<vmem>>, vector<16xf32>,
    %add3A_165 = arith.constant 16 : i32
    %add3A_166 = vector.broadcast %add3A_165 : i32 to vector<16xi32>
    %add3A_167 = arith.addi %iota3A, %add3A_166 : vector<16xi32>
    %lt3A_168 = vector.broadcast %scan3A_133#0 : i32 to vector<16xi32>
    %lt3A_169 = arith.cmpi slt, %add3A_167, %lt3A_168 : vector<16xi32>
    %get3A_170 = arith.constant 16 : index
    %get3A_171 = tpu.vector_load %arg10[%get3A_170] {strides = array<i32>} : memref<1680xi32, #tpu.memory_space<vmem>>, vector<16xi32>,
    %and3A_172 = arith.constant 16383 : i32
    %and3A_173 = vector.broadcast %and3A_172 : i32 to vector<16xi32>
    %and3A_174 = arith.andi %get3A_171, %and3A_173 : vector<16xi32>
    %jit3A_175 = arith.constant 0 : i32
    %broadcast_in_dim3A_176 = vector.broadcast %jit3A_175 : i32 to vector<16xi32>
    %select_n3A_177 = arith.select %lt3A_169, %and3A_174, %broadcast_in_dim3A_176 : vector<16xi1>, vector<16xi32>
    %swap3A_178 = arith.index_cast %sub3A_135 : i32 to index
    %swap3A_179 = arith.constant 16 : index
    %swap3A_180 = tpu.vector_load %arg12[%swap3A_178, %swap3A_179] {strides = array<i32>} : memref<2x128xi32, #tpu.memory_space<vmem>>, vector<16xi32>,
    tpu.vector_store %arg12[%swap3A_178, %swap3A_179], %select_n3A_177 {strides = array<i32>} : memref<2x128xi32, #tpu.memory_space<vmem>>, vector<16xi32>,
    %shift_right_logical3A_181 = arith.constant 14 : i32
    %shift_right_logical3A_182 = vector.broadcast %shift_right_logical3A_181 : i32 to vector<16xi32>
    %shift_right_logical3A_183 = arith.shrui %get3A_171, %shift_right_logical3A_182 : vector<16xi32>
    %jit3A_184 = arith.constant 0 : i32
    %broadcast_in_dim3A_185 = vector.broadcast %jit3A_184 : i32 to vector<16xi32>
    %select_n3A_186 = arith.select %lt3A_169, %shift_right_logical3A_183, %broadcast_in_dim3A_185 : vector<16xi1>, vector<16xi32>
    %swap3A_187 = arith.index_cast %sub3A_135 : i32 to index
    %swap3A_188 = arith.constant 16 : index
    %swap3A_189 = tpu.vector_load %arg14[%swap3A_187, %swap3A_188] {strides = array<i32>} : memref<2x64xi32, #tpu.memory_space<vmem>>, vector<16xi32>,
    tpu.vector_store %arg14[%swap3A_187, %swap3A_188], %select_n3A_186 {strides = array<i32>} : memref<2x64xi32, #tpu.memory_space<vmem>>, vector<16xi32>,
    %get3A_190 = arith.constant 16 : index
    %get3A_191 = tpu.vector_load %arg11[%get3A_190] {strides = array<i32>} : memref<1680xf32, #tpu.memory_space<vmem>>, vector<16xf32>,
    %jit3A_192 = arith.constant 0.000000e+00 : f32
    %broadcast_in_dim3A_193 = vector.broadcast %jit3A_192 : f32 to vector<16xf32>
    %select_n3A_194 = arith.select %lt3A_169, %get3A_191, %broadcast_in_dim3A_193 : vector<16xi1>, vector<16xf32>
    %swap3A_195 = arith.index_cast %sub3A_135 : i32 to index
    %swap3A_196 = arith.constant 16 : index
    %swap3A_197 = tpu.vector_load %arg13[%swap3A_195, %swap3A_196] {strides = array<i32>} : memref<2x64xf32, #tpu.memory_space<vmem>>, vector<16xf32>,
    tpu.vector_store %arg13[%swap3A_195, %swap3A_196], %select_n3A_194 {strides = array<i32>} : memref<2x64xf32, #tpu.memory_space<vmem>>, vector<16xf32>,
    %add3A_198 = arith.constant 32 : i32
    %add3A_199 = vector.broadcast %add3A_198 : i32 to vector<16xi32>
    %add3A_200 = arith.addi %iota3A, %add3A_199 : vector<16xi32>
    %lt3A_201 = vector.broadcast %scan3A_133#0 : i32 to vector<16xi32>
    %lt3A_202 = arith.cmpi slt, %add3A_200, %lt3A_201 : vector<16xi32>
    %get3A_203 = arith.constant 32 : index
    %get3A_204 = tpu.vector_load %arg10[%get3A_203] {strides = array<i32>} : memref<1680xi32, #tpu.memory_space<vmem>>, vector<16xi32>,
    %and3A_205 = arith.constant 16383 : i32
    %and3A_206 = vector.broadcast %and3A_205 : i32 to vector<16xi32>
    %and3A_207 = arith.andi %get3A_204, %and3A_206 : vector<16xi32>
    %jit3A_208 = arith.constant 0 : i32
    %broadcast_in_dim3A_209 = vector.broadcast %jit3A_208 : i32 to vector<16xi32>
    %select_n3A_210 = arith.select %lt3A_202, %and3A_207, %broadcast_in_dim3A_209 : vector<16xi1>, vector<16xi32>
    %swap3A_211 = arith.index_cast %sub3A_135 : i32 to index
    %swap3A_212 = arith.constant 32 : index
    %swap3A_213 = tpu.vector_load %arg12[%swap3A_211, %swap3A_212] {strides = array<i32>} : memref<2x128xi32, #tpu.memory_space<vmem>>, vector<16xi32>,
    tpu.vector_store %arg12[%swap3A_211, %swap3A_212], %select_n3A_210 {strides = array<i32>} : memref<2x128xi32, #tpu.memory_space<vmem>>, vector<16xi32>,
    %shift_right_logical3A_214 = arith.constant 14 : i32
    %shift_right_logical3A_215 = vector.broadcast %shift_right_logical3A_214 : i32 to vector<16xi32>
    %shift_right_logical3A_216 = arith.shrui %get3A_204, %shift_right_logical3A_215 : vector<16xi32>
    %jit3A_217 = arith.constant 0 : i32
    %broadcast_in_dim3A_218 = vector.broadcast %jit3A_217 : i32 to vector<16xi32>
    %select_n3A_219 = arith.select %lt3A_202, %shift_right_logical3A_216, %broadcast_in_dim3A_218 : vector<16xi1>, vector<16xi32>
    %swap3A_220 = arith.index_cast %sub3A_135 : i32 to index
    %swap3A_221 = arith.constant 32 : index
    %swap3A_222 = tpu.vector_load %arg14[%swap3A_220, %swap3A_221] {strides = array<i32>} : memref<2x64xi32, #tpu.memory_space<vmem>>, vector<16xi32>,
    tpu.vector_store %arg14[%swap3A_220, %swap3A_221], %select_n3A_219 {strides = array<i32>} : memref<2x64xi32, #tpu.memory_space<vmem>>, vector<16xi32>,
    %get3A_223 = arith.constant 32 : index
    %get3A_224 = tpu.vector_load %arg11[%get3A_223] {strides = array<i32>} : memref<1680xf32, #tpu.memory_space<vmem>>, vector<16xf32>,
    %jit3A_225 = arith.constant 0.000000e+00 : f32
    %broadcast_in_dim3A_226 = vector.broadcast %jit3A_225 : f32 to vector<16xf32>
    %select_n3A_227 = arith.select %lt3A_202, %get3A_224, %broadcast_in_dim3A_226 : vector<16xi1>, vector<16xf32>
    %swap3A_228 = arith.index_cast %sub3A_135 : i32 to index
    %swap3A_229 = arith.constant 32 : index
    %swap3A_230 = tpu.vector_load %arg13[%swap3A_228, %swap3A_229] {strides = array<i32>} : memref<2x64xf32, #tpu.memory_space<vmem>>, vector<16xf32>,
    tpu.vector_store %arg13[%swap3A_228, %swap3A_229], %select_n3A_227 {strides = array<i32>} : memref<2x64xf32, #tpu.memory_space<vmem>>, vector<16xf32>,
    %add3A_231 = arith.constant 48 : i32
    %add3A_232 = vector.broadcast %add3A_231 : i32 to vector<16xi32>
    %add3A_233 = arith.addi %iota3A, %add3A_232 : vector<16xi32>
    %lt3A_234 = vector.broadcast %scan3A_133#0 : i32 to vector<16xi32>
    %lt3A_235 = arith.cmpi slt, %add3A_233, %lt3A_234 : vector<16xi32>
    %get3A_236 = arith.constant 48 : index
    %get3A_237 = tpu.vector_load %arg10[%get3A_236] {strides = array<i32>} : memref<1680xi32, #tpu.memory_space<vmem>>, vector<16xi32>,
    %and3A_238 = arith.constant 16383 : i32
    %and3A_239 = vector.broadcast %and3A_238 : i32 to vector<16xi32>
    %and3A_240 = arith.andi %get3A_237, %and3A_239 : vector<16xi32>
    %jit3A_241 = arith.constant 0 : i32
    %broadcast_in_dim3A_242 = vector.broadcast %jit3A_241 : i32 to vector<16xi32>
    %select_n3A_243 = arith.select %lt3A_235, %and3A_240, %broadcast_in_dim3A_242 : vector<16xi1>, vector<16xi32>
    %swap3A_244 = arith.index_cast %sub3A_135 : i32 to index
    %swap3A_245 = arith.constant 48 : index
    %swap3A_246 = tpu.vector_load %arg12[%swap3A_244, %swap3A_245] {strides = array<i32>} : memref<2x128xi32, #tpu.memory_space<vmem>>, vector<16xi32>,
    tpu.vector_store %arg12[%swap3A_244, %swap3A_245], %select_n3A_243 {strides = array<i32>} : memref<2x128xi32, #tpu.memory_space<vmem>>, vector<16xi32>,
    %shift_right_logical3A_247 = arith.constant 14 : i32
    %shift_right_logical3A_248 = vector.broadcast %shift_right_logical3A_247 : i32 to vector<16xi32>
    %shift_right_logical3A_249 = arith.shrui %get3A_237, %shift_right_logical3A_248 : vector<16xi32>
    %jit3A_250 = arith.constant 0 : i32
    %broadcast_in_dim3A_251 = vector.broadcast %jit3A_250 : i32 to vector<16xi32>
    %select_n3A_252 = arith.select %lt3A_235, %shift_right_logical3A_249, %broadcast_in_dim3A_251 : vector<16xi1>, vector<16xi32>
    %swap3A_253 = arith.index_cast %sub3A_135 : i32 to index
    %swap3A_254 = arith.constant 48 : index
    %swap3A_255 = tpu.vector_load %arg14[%swap3A_253, %swap3A_254] {strides = array<i32>} : memref<2x64xi32, #tpu.memory_space<vmem>>, vector<16xi32>,
    tpu.vector_store %arg14[%swap3A_253, %swap3A_254], %select_n3A_252 {strides = array<i32>} : memref<2x64xi32, #tpu.memory_space<vmem>>, vector<16xi32>,
    %get3A_256 = arith.constant 48 : index
    %get3A_257 = tpu.vector_load %arg11[%get3A_256] {strides = array<i32>} : memref<1680xf32, #tpu.memory_space<vmem>>, vector<16xf32>,
    %jit3A_258 = arith.constant 0.000000e+00 : f32
    %broadcast_in_dim3A_259 = vector.broadcast %jit3A_258 : f32 to vector<16xf32>
    %select_n3A_260 = arith.select %lt3A_235, %get3A_257, %broadcast_in_dim3A_259 : vector<16xi1>, vector<16xf32>
    %swap3A_261 = arith.index_cast %sub3A_135 : i32 to index
    %swap3A_262 = arith.constant 48 : index
    %swap3A_263 = tpu.vector_load %arg13[%swap3A_261, %swap3A_262] {strides = array<i32>} : memref<2x64xf32, #tpu.memory_space<vmem>>, vector<16xf32>,
    tpu.vector_store %arg13[%swap3A_261, %swap3A_262], %select_n3A_260 {strides = array<i32>} : memref<2x64xf32, #tpu.memory_space<vmem>>, vector<16xf32>,
    %mul3A_264 = arith.constant 64 : i32
    %mul3A_265 = arith.muli %scan3A_133#1, %mul3A_264 : i32
    %dma_wait3A = arith.constant 0 : i32
    %dma_wait3A_266 = tpu.memref_slice %arg15[%mul3A_265, %dma_wait3A] : memref<128x256xf32, #tpu.memory_space<vmem>> -> memref<64x256xf32, #tpu.memory_space<vmem>>
    %dma_wait3A_267 = arith.constant 0 : i32
    %dma_wait3A_268 = tpu.memref_slice %arg12[%scan3A_133#1, %dma_wait3A_267] : memref<2x128xi32, #tpu.memory_space<vmem>> -> memref<1x64xi32, #tpu.memory_space<vmem>>
    %dma_wait3A_269 = tpu.memref_squeeze %dma_wait3A_268 : memref<1x64xi32, #tpu.memory_space<vmem>> -> memref<64xi32, #tpu.memory_space<vmem>>
    %dma_wait3A_270 = arith.constant 0 : i32
    %dma_wait3A_271 = arith.constant 0 : i32
    %dma_wait3A_272 = tpu.memref_slice %arg2[%dma_wait3A_270, %dma_wait3A_271] : memref<10000x256xf32, #tpu.memory_space<hbm>> -> memref<10000x256xf32, #tpu.memory_space<hbm>>
    tpu.wait_indirect_dma semaphore(%arg17 : memref<!tpu.dma_semaphore, #tpu.memory_space<semaphore_mem>>) src(%dma_wait3A_272 : memref<10000x256xf32, #tpu.memory_space<hbm>>) dst(%dma_wait3A_266 : memref<64x256xf32, #tpu.memory_space<vmem>>)
    %mul3A_273 = arith.constant 64 : i32
    %mul3A_274 = arith.muli %sub3A_135, %mul3A_273 : i32
    %dma_start3A_275 = arith.constant 0 : i32
    %dma_start3A_276 = tpu.memref_slice %arg15[%mul3A_274, %dma_start3A_275] : memref<128x256xf32, #tpu.memory_space<vmem>> -> memref<64x256xf32, #tpu.memory_space<vmem>>
    %dma_start3A_277 = arith.constant 0 : i32
    %dma_start3A_278 = tpu.memref_slice %arg12[%sub3A_135, %dma_start3A_277] : memref<2x128xi32, #tpu.memory_space<vmem>> -> memref<1x64xi32, #tpu.memory_space<vmem>>
    %dma_start3A_279 = tpu.memref_squeeze %dma_start3A_278 : memref<1x64xi32, #tpu.memory_space<vmem>> -> memref<64xi32, #tpu.memory_space<vmem>>
    %dma_start3A_280 = arith.constant 0 : i32
    %dma_start3A_281 = arith.constant 0 : i32
    %dma_start3A_282 = tpu.memref_slice %arg2[%dma_start3A_280, %dma_start3A_281] : memref<10000x256xf32, #tpu.memory_space<hbm>> -> memref<10000x256xf32, #tpu.memory_space<hbm>>
    tpu.enqueue_indirect_dma source(%dma_start3A_282 : memref<10000x256xf32, #tpu.memory_space<hbm>>) target(%dma_start3A_276 : memref<64x256xf32, #tpu.memory_space<vmem>>) offsets(%dma_start3A_279 : memref<64xi32, #tpu.memory_space<vmem>>) semaphore(%arg17 : memref<!tpu.dma_semaphore, #tpu.memory_space<semaphore_mem>>)
    %scan3A_283 = arith.constant 0 : i32
    %scan3A_284 = arith.constant 0 : i32
    %scan3A_285 = arith.constant 4 : i32
    %scan3A_286 = arith.addi %scan3A_284, %scan3A_285 : i32
    %scan3A_287 = arith.constant 1 : i32
    %scan3A_288 = scf.for %scan3A_315 = %scan3A_284 to %scan3A_286 step %scan3A_287 iter_args(%scan3A_316 = %scan3A_283) -> (i32)  : i32 {
      %mul3A_317 = arith.constant 16 : i32
      %mul3A_318 = arith.muli %scan3A_315, %mul3A_317 : i32
      %get3A_319 = arith.index_cast %scan3A_133#1 : i32 to index
      %get3A_320 = arith.index_cast %mul3A_318 : i32 to index
      %get3A_321 = tpu.vector_load %arg13[%get3A_319, %get3A_320] {strides = array<i32>} : memref<2x64xf32, #tpu.memory_space<vmem>>, vector<16xf32>,
      %mul3A_322 = arith.constant 16 : i32
      %mul3A_323 = arith.muli %scan3A_315, %mul3A_322 : i32
      %get3A_324 = arith.index_cast %scan3A_133#1 : i32 to index
      %get3A_325 = arith.index_cast %mul3A_323 : i32 to index
      %get3A_326 = tpu.vector_load %arg14[%get3A_324, %get3A_325] {strides = array<i32>} : memref<2x64xi32, #tpu.memory_space<vmem>>, vector<16xi32>,
      %slice3A = vector.extract_strided_slice %get3A_321 {offsets = [0], sizes = [1], strides = [1]} : vector<16xf32> to vector<1xf32>
      %squeeze3A = vector.extract %slice3A[0] : f32 from vector<1xf32>
      %slice3A_327 = vector.extract_strided_slice %get3A_321 {offsets = [1], sizes = [1], strides = [1]} : vector<16xf32> to vector<1xf32>
      %squeeze3A_328 = vector.extract %slice3A_327[0] : f32 from vector<1xf32>
      %slice3A_329 = vector.extract_strided_slice %get3A_321 {offsets = [2], sizes = [1], strides = [1]} : vector<16xf32> to vector<1xf32>
      %squeeze3A_330 = vector.extract %slice3A_329[0] : f32 from vector<1xf32>
      %slice3A_331 = vector.extract_strided_slice %get3A_321 {offsets = [3], sizes = [1], strides = [1]} : vector<16xf32> to vector<1xf32>
      %squeeze3A_332 = vector.extract %slice3A_331[0] : f32 from vector<1xf32>
      %slice3A_333 = vector.extract_strided_slice %get3A_321 {offsets = [4], sizes = [1], strides = [1]} : vector<16xf32> to vector<1xf32>
      %squeeze3A_334 = vector.extract %slice3A_333[0] : f32 from vector<1xf32>
      %slice3A_335 = vector.extract_strided_slice %get3A_321 {offsets = [5], sizes = [1], strides = [1]} : vector<16xf32> to vector<1xf32>
      %squeeze3A_336 = vector.extract %slice3A_335[0] : f32 from vector<1xf32>
      %slice3A_337 = vector.extract_strided_slice %get3A_321 {offsets = [6], sizes = [1], strides = [1]} : vector<16xf32> to vector<1xf32>
      %squeeze3A_338 = vector.extract %slice3A_337[0] : f32 from vector<1xf32>
      %slice3A_339 = vector.extract_strided_slice %get3A_321 {offsets = [7], sizes = [1], strides = [1]} : vector<16xf32> to vector<1xf32>
      %squeeze3A_340 = vector.extract %slice3A_339[0] : f32 from vector<1xf32>
      %slice3A_341 = vector.extract_strided_slice %get3A_321 {offsets = [8], sizes = [1], strides = [1]} : vector<16xf32> to vector<1xf32>
      %squeeze3A_342 = vector.extract %slice3A_341[0] : f32 from vector<1xf32>
      %slice3A_343 = vector.extract_strided_slice %get3A_321 {offsets = [9], sizes = [1], strides = [1]} : vector<16xf32> to vector<1xf32>
      %squeeze3A_344 = vector.extract %slice3A_343[0] : f32 from vector<1xf32>
      %slice3A_345 = vector.extract_strided_slice %get3A_321 {offsets = [10], sizes = [1], strides = [1]} : vector<16xf32> to vector<1xf32>
      %squeeze3A_346 = vector.extract %slice3A_345[0] : f32 from vector<1xf32>
      %slice3A_347 = vector.extract_strided_slice %get3A_321 {offsets = [11], sizes = [1], strides = [1]} : vector<16xf32> to vector<1xf32>
      %squeeze3A_348 = vector.extract %slice3A_347[0] : f32 from vector<1xf32>
      %slice3A_349 = vector.extract_strided_slice %get3A_321 {offsets = [12], sizes = [1], strides = [1]} : vector<16xf32> to vector<1xf32>
      %squeeze3A_350 = vector.extract %slice3A_349[0] : f32 from vector<1xf32>
      %slice3A_351 = vector.extract_strided_slice %get3A_321 {offsets = [13], sizes = [1], strides = [1]} : vector<16xf32> to vector<1xf32>
      %squeeze3A_352 = vector.extract %slice3A_351[0] : f32 from vector<1xf32>
      %slice3A_353 = vector.extract_strided_slice %get3A_321 {offsets = [14], sizes = [1], strides = [1]} : vector<16xf32> to vector<1xf32>
      %squeeze3A_354 = vector.extract %slice3A_353[0] : f32 from vector<1xf32>
      %slice3A_355 = vector.extract_strided_slice %get3A_321 {offsets = [15], sizes = [1], strides = [1]} : vector<16xf32> to vector<1xf32>
      %squeeze3A_356 = vector.extract %slice3A_355[0] : f32 from vector<1xf32>
      %slice3A_357 = vector.extract_strided_slice %get3A_326 {offsets = [0], sizes = [1], strides = [1]} : vector<16xi32> to vector<1xi32>
      %squeeze3A_358 = vector.extract %slice3A_357[0] : i32 from vector<1xi32>
      %slice3A_359 = vector.extract_strided_slice %get3A_326 {offsets = [1], sizes = [1], strides = [1]} : vector<16xi32> to vector<1xi32>
      %squeeze3A_360 = vector.extract %slice3A_359[0] : i32 from vector<1xi32>
      %slice3A_361 = vector.extract_strided_slice %get3A_326 {offsets = [2], sizes = [1], strides = [1]} : vector<16xi32> to vector<1xi32>
      %squeeze3A_362 = vector.extract %slice3A_361[0] : i32 from vector<1xi32>
      %slice3A_363 = vector.extract_strided_slice %get3A_326 {offsets = [3], sizes = [1], strides = [1]} : vector<16xi32> to vector<1xi32>
      %squeeze3A_364 = vector.extract %slice3A_363[0] : i32 from vector<1xi32>
      %slice3A_365 = vector.extract_strided_slice %get3A_326 {offsets = [4], sizes = [1], strides = [1]} : vector<16xi32> to vector<1xi32>
      %squeeze3A_366 = vector.extract %slice3A_365[0] : i32 from vector<1xi32>
      %slice3A_367 = vector.extract_strided_slice %get3A_326 {offsets = [5], sizes = [1], strides = [1]} : vector<16xi32> to vector<1xi32>
      %squeeze3A_368 = vector.extract %slice3A_367[0] : i32 from vector<1xi32>
      %slice3A_369 = vector.extract_strided_slice %get3A_326 {offsets = [6], sizes = [1], strides = [1]} : vector<16xi32> to vector<1xi32>
      %squeeze3A_370 = vector.extract %slice3A_369[0] : i32 from vector<1xi32>
      %slice3A_371 = vector.extract_strided_slice %get3A_326 {offsets = [7], sizes = [1], strides = [1]} : vector<16xi32> to vector<1xi32>
      %squeeze3A_372 = vector.extract %slice3A_371[0] : i32 from vector<1xi32>
      %slice3A_373 = vector.extract_strided_slice %get3A_326 {offsets = [8], sizes = [1], strides = [1]} : vector<16xi32> to vector<1xi32>
      %squeeze3A_374 = vector.extract %slice3A_373[0] : i32 from vector<1xi32>
      %slice3A_375 = vector.extract_strided_slice %get3A_326 {offsets = [9], sizes = [1], strides = [1]} : vector<16xi32> to vector<1xi32>
      %squeeze3A_376 = vector.extract %slice3A_375[0] : i32 from vector<1xi32>
      %slice3A_377 = vector.extract_strided_slice %get3A_326 {offsets = [10], sizes = [1], strides = [1]} : vector<16xi32> to vector<1xi32>
      %squeeze3A_378 = vector.extract %slice3A_377[0] : i32 from vector<1xi32>
      %slice3A_379 = vector.extract_strided_slice %get3A_326 {offsets = [11], sizes = [1], strides = [1]} : vector<16xi32> to vector<1xi32>
      %squeeze3A_380 = vector.extract %slice3A_379[0] : i32 from vector<1xi32>
      %slice3A_381 = vector.extract_strided_slice %get3A_326 {offsets = [12], sizes = [1], strides = [1]} : vector<16xi32> to vector<1xi32>
      %squeeze3A_382 = vector.extract %slice3A_381[0] : i32 from vector<1xi32>
      %slice3A_383 = vector.extract_strided_slice %get3A_326 {offsets = [13], sizes = [1], strides = [1]} : vector<16xi32> to vector<1xi32>
      %squeeze3A_384 = vector.extract %slice3A_383[0] : i32 from vector<1xi32>
      %slice3A_385 = vector.extract_strided_slice %get3A_326 {offsets = [14], sizes = [1], strides = [1]} : vector<16xi32> to vector<1xi32>
      %squeeze3A_386 = vector.extract %slice3A_385[0] : i32 from vector<1xi32>
      %slice3A_387 = vector.extract_strided_slice %get3A_326 {offsets = [15], sizes = [1], strides = [1]} : vector<16xi32> to vector<1xi32>
      %squeeze3A_388 = vector.extract %slice3A_387[0] : i32 from vector<1xi32>
      %mul3A_389 = arith.constant 64 : i32
      %mul3A_390 = arith.muli %scan3A_133#1, %mul3A_389 : i32
      %mul3A_391 = arith.constant 16 : i32
      %mul3A_392 = arith.muli %scan3A_315, %mul3A_391 : i32
      %add3A_393 = arith.addi %mul3A_390, %mul3A_392 : i32
      %parallel_loop3A = arith.constant 0 : i32
      %parallel_loop3A_394 = arith.constant 16 : i32
      %parallel_loop3A_395 = arith.constant 1 : i32
      scf.for %parallel_loop3A_397 = %parallel_loop3A to %parallel_loop3A_394 step %parallel_loop3A_395  : i32 {
        %parallel_loop3A_398 = arith.constant 16 : i32
        %parallel_loop3A_399 = arith.muli %parallel_loop3A_397, %parallel_loop3A_398 : i32
        %parallel_loop3A_400 = arith.constant 0 : i32
        %parallel_loop3A_401 = arith.addi %add3A_393, %parallel_loop3A_400 : i32
        %parallel_loop3A_402 = arith.index_cast %parallel_loop3A_401 : i32 to index
        %parallel_loop3A_403 = arith.index_cast %parallel_loop3A_399 : i32 to index
        %parallel_loop3A_404 = tpu.vector_load %arg15[%parallel_loop3A_402, %parallel_loop3A_403] {strides = array<i32>} : memref<128x256xf32, #tpu.memory_space<vmem>>, vector<16xf32>,
        %parallel_loop3A_405 = vector.broadcast %squeeze3A : f32 to vector<16xf32>
        %parallel_loop3A_406 = arith.mulf %parallel_loop3A_404, %parallel_loop3A_405 : vector<16xf32>
        %parallel_loop3A_407 = arith.index_cast %squeeze3A_358 : i32 to index
        %parallel_loop3A_408 = arith.index_cast %parallel_loop3A_399 : i32 to index
        %parallel_loop3A_409 = tpu.vector_load %arg16[%parallel_loop3A_407, %parallel_loop3A_408] {strides = array<i32>} : memref<328x256xf32, #tpu.memory_space<vmem>>, vector<16xf32>,
        tpu.vector_store %arg16[%parallel_loop3A_407, %parallel_loop3A_408], %parallel_loop3A_406 {add = true, strides = array<i32>} : memref<328x256xf32, #tpu.memory_space<vmem>>, vector<16xf32>,
        %parallel_loop3A_410 = arith.constant 1 : i32
        %parallel_loop3A_411 = arith.addi %add3A_393, %parallel_loop3A_410 : i32
        %parallel_loop3A_412 = arith.index_cast %parallel_loop3A_411 : i32 to index
        %parallel_loop3A_413 = arith.index_cast %parallel_loop3A_399 : i32 to index
        %parallel_loop3A_414 = tpu.vector_load %arg15[%parallel_loop3A_412, %parallel_loop3A_413] {strides = array<i32>} : memref<128x256xf32, #tpu.memory_space<vmem>>, vector<16xf32>,
        %parallel_loop3A_415 = vector.broadcast %squeeze3A_328 : f32 to vector<16xf32>
        %parallel_loop3A_416 = arith.mulf %parallel_loop3A_414, %parallel_loop3A_415 : vector<16xf32>
        %parallel_loop3A_417 = arith.index_cast %squeeze3A_360 : i32 to index
        %parallel_loop3A_418 = arith.index_cast %parallel_loop3A_399 : i32 to index
        %parallel_loop3A_419 = tpu.vector_load %arg16[%parallel_loop3A_417, %parallel_loop3A_418] {strides = array<i32>} : memref<328x256xf32, #tpu.memory_space<vmem>>, vector<16xf32>,
        tpu.vector_store %arg16[%parallel_loop3A_417, %parallel_loop3A_418], %parallel_loop3A_416 {add = true, strides = array<i32>} : memref<328x256xf32, #tpu.memory_space<vmem>>, vector<16xf32>,
        %parallel_loop3A_420 = arith.constant 2 : i32
        %parallel_loop3A_421 = arith.addi %add3A_393, %parallel_loop3A_420 : i32
        %parallel_loop3A_422 = arith.index_cast %parallel_loop3A_421 : i32 to index
        %parallel_loop3A_423 = arith.index_cast %parallel_loop3A_399 : i32 to index
        %parallel_loop3A_424 = tpu.vector_load %arg15[%parallel_loop3A_422, %parallel_loop3A_423] {strides = array<i32>} : memref<128x256xf32, #tpu.memory_space<vmem>>, vector<16xf32>,
        %parallel_loop3A_425 = vector.broadcast %squeeze3A_330 : f32 to vector<16xf32>
        %parallel_loop3A_426 = arith.mulf %parallel_loop3A_424, %parallel_loop3A_425 : vector<16xf32>
        %parallel_loop3A_427 = arith.index_cast %squeeze3A_362 : i32 to index
        %parallel_loop3A_428 = arith.index_cast %parallel_loop3A_399 : i32 to index
        %parallel_loop3A_429 = tpu.vector_load %arg16[%parallel_loop3A_427, %parallel_loop3A_428] {strides = array<i32>} : memref<328x256xf32, #tpu.memory_space<vmem>>, vector<16xf32>,
        tpu.vector_store %arg16[%parallel_loop3A_427, %parallel_loop3A_428], %parallel_loop3A_426 {add = true, strides = array<i32>} : memref<328x256xf32, #tpu.memory_space<vmem>>, vector<16xf32>,
        %parallel_loop3A_430 = arith.constant 3 : i32
        %parallel_loop3A_431 = arith.addi %add3A_393, %parallel_loop3A_430 : i32
        %parallel_loop3A_432 = arith.index_cast %parallel_loop3A_431 : i32 to index
        %parallel_loop3A_433 = arith.index_cast %parallel_loop3A_399 : i32 to index
        %parallel_loop3A_434 = tpu.vector_load %arg15[%parallel_loop3A_432, %parallel_loop3A_433] {strides = array<i32>} : memref<128x256xf32, #tpu.memory_space<vmem>>, vector<16xf32>,
        %parallel_loop3A_435 = vector.broadcast %squeeze3A_332 : f32 to vector<16xf32>
        %parallel_loop3A_436 = arith.mulf %parallel_loop3A_434, %parallel_loop3A_435 : vector<16xf32>
        %parallel_loop3A_437 = arith.index_cast %squeeze3A_364 : i32 to index
        %parallel_loop3A_438 = arith.index_cast %parallel_loop3A_399 : i32 to index
        %parallel_loop3A_439 = tpu.vector_load %arg16[%parallel_loop3A_437, %parallel_loop3A_438] {strides = array<i32>} : memref<328x256xf32, #tpu.memory_space<vmem>>, vector<16xf32>,
        tpu.vector_store %arg16[%parallel_loop3A_437, %parallel_loop3A_438], %parallel_loop3A_436 {add = true, strides = array<i32>} : memref<328x256xf32, #tpu.memory_space<vmem>>, vector<16xf32>,
        %parallel_loop3A_440 = arith.constant 4 : i32
        %parallel_loop3A_441 = arith.addi %add3A_393, %parallel_loop3A_440 : i32
        %parallel_loop3A_442 = arith.index_cast %parallel_loop3A_441 : i32 to index
        %parallel_loop3A_443 = arith.index_cast %parallel_loop3A_399 : i32 to index
        %parallel_loop3A_444 = tpu.vector_load %arg15[%parallel_loop3A_442, %parallel_loop3A_443] {strides = array<i32>} : memref<128x256xf32, #tpu.memory_space<vmem>>, vector<16xf32>,
        %parallel_loop3A_445 = vector.broadcast %squeeze3A_334 : f32 to vector<16xf32>
        %parallel_loop3A_446 = arith.mulf %parallel_loop3A_444, %parallel_loop3A_445 : vector<16xf32>
        %parallel_loop3A_447 = arith.index_cast %squeeze3A_366 : i32 to index
        %parallel_loop3A_448 = arith.index_cast %parallel_loop3A_399 : i32 to index
        %parallel_loop3A_449 = tpu.vector_load %arg16[%parallel_loop3A_447, %parallel_loop3A_448] {strides = array<i32>} : memref<328x256xf32, #tpu.memory_space<vmem>>, vector<16xf32>,
        tpu.vector_store %arg16[%parallel_loop3A_447, %parallel_loop3A_448], %parallel_loop3A_446 {add = true, strides = array<i32>} : memref<328x256xf32, #tpu.memory_space<vmem>>, vector<16xf32>,
        %parallel_loop3A_450 = arith.constant 5 : i32
        %parallel_loop3A_451 = arith.addi %add3A_393, %parallel_loop3A_450 : i32
        %parallel_loop3A_452 = arith.index_cast %parallel_loop3A_451 : i32 to index
        %parallel_loop3A_453 = arith.index_cast %parallel_loop3A_399 : i32 to index
        %parallel_loop3A_454 = tpu.vector_load %arg15[%parallel_loop3A_452, %parallel_loop3A_453] {strides = array<i32>} : memref<128x256xf32, #tpu.memory_space<vmem>>, vector<16xf32>,
        %parallel_loop3A_455 = vector.broadcast %squeeze3A_336 : f32 to vector<16xf32>
        %parallel_loop3A_456 = arith.mulf %parallel_loop3A_454, %parallel_loop3A_455 : vector<16xf32>
        %parallel_loop3A_457 = arith.index_cast %squeeze3A_368 : i32 to index
        %parallel_loop3A_458 = arith.index_cast %parallel_loop3A_399 : i32 to index
        %parallel_loop3A_459 = tpu.vector_load %arg16[%parallel_loop3A_457, %parallel_loop3A_458] {strides = array<i32>} : memref<328x256xf32, #tpu.memory_space<vmem>>, vector<16xf32>,
        tpu.vector_store %arg16[%parallel_loop3A_457, %parallel_loop3A_458], %parallel_loop3A_456 {add = true, strides = array<i32>} : memref<328x256xf32, #tpu.memory_space<vmem>>, vector<16xf32>,
        %parallel_loop3A_460 = arith.constant 6 : i32
        %parallel_loop3A_461 = arith.addi %add3A_393, %parallel_loop3A_460 : i32
        %parallel_loop3A_462 = arith.index_cast %parallel_loop3A_461 : i32 to index
        %parallel_loop3A_463 = arith.index_cast %parallel_loop3A_399 : i32 to index
        %parallel_loop3A_464 = tpu.vector_load %arg15[%parallel_loop3A_462, %parallel_loop3A_463] {strides = array<i32>} : memref<128x256xf32, #tpu.memory_space<vmem>>, vector<16xf32>,
        %parallel_loop3A_465 = vector.broadcast %squeeze3A_338 : f32 to vector<16xf32>
        %parallel_loop3A_466 = arith.mulf %parallel_loop3A_464, %parallel_loop3A_465 : vector<16xf32>
        %parallel_loop3A_467 = arith.index_cast %squeeze3A_370 : i32 to index
        %parallel_loop3A_468 = arith.index_cast %parallel_loop3A_399 : i32 to index
        %parallel_loop3A_469 = tpu.vector_load %arg16[%parallel_loop3A_467, %parallel_loop3A_468] {strides = array<i32>} : memref<328x256xf32, #tpu.memory_space<vmem>>, vector<16xf32>,
        tpu.vector_store %arg16[%parallel_loop3A_467, %parallel_loop3A_468], %parallel_loop3A_466 {add = true, strides = array<i32>} : memref<328x256xf32, #tpu.memory_space<vmem>>, vector<16xf32>,
        %parallel_loop3A_470 = arith.constant 7 : i32
        %parallel_loop3A_471 = arith.addi %add3A_393, %parallel_loop3A_470 : i32
        %parallel_loop3A_472 = arith.index_cast %parallel_loop3A_471 : i32 to index
        %parallel_loop3A_473 = arith.index_cast %parallel_loop3A_399 : i32 to index
        %parallel_loop3A_474 = tpu.vector_load %arg15[%parallel_loop3A_472, %parallel_loop3A_473] {strides = array<i32>} : memref<128x256xf32, #tpu.memory_space<vmem>>, vector<16xf32>,
        %parallel_loop3A_475 = vector.broadcast %squeeze3A_340 : f32 to vector<16xf32>
        %parallel_loop3A_476 = arith.mulf %parallel_loop3A_474, %parallel_loop3A_475 : vector<16xf32>
        %parallel_loop3A_477 = arith.index_cast %squeeze3A_372 : i32 to index
        %parallel_loop3A_478 = arith.index_cast %parallel_loop3A_399 : i32 to index
        %parallel_loop3A_479 = tpu.vector_load %arg16[%parallel_loop3A_477, %parallel_loop3A_478] {strides = array<i32>} : memref<328x256xf32, #tpu.memory_space<vmem>>, vector<16xf32>,
        tpu.vector_store %arg16[%parallel_loop3A_477, %parallel_loop3A_478], %parallel_loop3A_476 {add = true, strides = array<i32>} : memref<328x256xf32, #tpu.memory_space<vmem>>, vector<16xf32>,
        %parallel_loop3A_480 = arith.constant 8 : i32
        %parallel_loop3A_481 = arith.addi %add3A_393, %parallel_loop3A_480 : i32
        %parallel_loop3A_482 = arith.index_cast %parallel_loop3A_481 : i32 to index
        %parallel_loop3A_483 = arith.index_cast %parallel_loop3A_399 : i32 to index
        %parallel_loop3A_484 = tpu.vector_load %arg15[%parallel_loop3A_482, %parallel_loop3A_483] {strides = array<i32>} : memref<128x256xf32, #tpu.memory_space<vmem>>, vector<16xf32>,
        %parallel_loop3A_485 = vector.broadcast %squeeze3A_342 : f32 to vector<16xf32>
        %parallel_loop3A_486 = arith.mulf %parallel_loop3A_484, %parallel_loop3A_485 : vector<16xf32>
        %parallel_loop3A_487 = arith.index_cast %squeeze3A_374 : i32 to index
        %parallel_loop3A_488 = arith.index_cast %parallel_loop3A_399 : i32 to index
        %parallel_loop3A_489 = tpu.vector_load %arg16[%parallel_loop3A_487, %parallel_loop3A_488] {strides = array<i32>} : memref<328x256xf32, #tpu.memory_space<vmem>>, vector<16xf32>,
        tpu.vector_store %arg16[%parallel_loop3A_487, %parallel_loop3A_488], %parallel_loop3A_486 {add = true, strides = array<i32>} : memref<328x256xf32, #tpu.memory_space<vmem>>, vector<16xf32>,
        %parallel_loop3A_490 = arith.constant 9 : i32
        %parallel_loop3A_491 = arith.addi %add3A_393, %parallel_loop3A_490 : i32
        %parallel_loop3A_492 = arith.index_cast %parallel_loop3A_491 : i32 to index
        %parallel_loop3A_493 = arith.index_cast %parallel_loop3A_399 : i32 to index
        %parallel_loop3A_494 = tpu.vector_load %arg15[%parallel_loop3A_492, %parallel_loop3A_493] {strides = array<i32>} : memref<128x256xf32, #tpu.memory_space<vmem>>, vector<16xf32>,
        %parallel_loop3A_495 = vector.broadcast %squeeze3A_344 : f32 to vector<16xf32>
        %parallel_loop3A_496 = arith.mulf %parallel_loop3A_494, %parallel_loop3A_495 : vector<16xf32>
        %parallel_loop3A_497 = arith.index_cast %squeeze3A_376 : i32 to index
        %parallel_loop3A_498 = arith.index_cast %parallel_loop3A_399 : i32 to index
        %parallel_loop3A_499 = tpu.vector_load %arg16[%parallel_loop3A_497, %parallel_loop3A_498] {strides = array<i32>} : memref<328x256xf32, #tpu.memory_space<vmem>>, vector<16xf32>,
        tpu.vector_store %arg16[%parallel_loop3A_497, %parallel_loop3A_498], %parallel_loop3A_496 {add = true, strides = array<i32>} : memref<328x256xf32, #tpu.memory_space<vmem>>, vector<16xf32>,
        %parallel_loop3A_500 = arith.constant 10 : i32
        %parallel_loop3A_501 = arith.addi %add3A_393, %parallel_loop3A_500 : i32
        %parallel_loop3A_502 = arith.index_cast %parallel_loop3A_501 : i32 to index
        %parallel_loop3A_503 = arith.index_cast %parallel_loop3A_399 : i32 to index
        %parallel_loop3A_504 = tpu.vector_load %arg15[%parallel_loop3A_502, %parallel_loop3A_503] {strides = array<i32>} : memref<128x256xf32, #tpu.memory_space<vmem>>, vector<16xf32>,
        %parallel_loop3A_505 = vector.broadcast %squeeze3A_346 : f32 to vector<16xf32>
        %parallel_loop3A_506 = arith.mulf %parallel_loop3A_504, %parallel_loop3A_505 : vector<16xf32>
        %parallel_loop3A_507 = arith.index_cast %squeeze3A_378 : i32 to index
        %parallel_loop3A_508 = arith.index_cast %parallel_loop3A_399 : i32 to index
        %parallel_loop3A_509 = tpu.vector_load %arg16[%parallel_loop3A_507, %parallel_loop3A_508] {strides = array<i32>} : memref<328x256xf32, #tpu.memory_space<vmem>>, vector<16xf32>,
        tpu.vector_store %arg16[%parallel_loop3A_507, %parallel_loop3A_508], %parallel_loop3A_506 {add = true, strides = array<i32>} : memref<328x256xf32, #tpu.memory_space<vmem>>, vector<16xf32>,
        %parallel_loop3A_510 = arith.constant 11 : i32
        %parallel_loop3A_511 = arith.addi %add3A_393, %parallel_loop3A_510 : i32
        %parallel_loop3A_512 = arith.index_cast %parallel_loop3A_511 : i32 to index
        %parallel_loop3A_513 = arith.index_cast %parallel_loop3A_399 : i32 to index
        %parallel_loop3A_514 = tpu.vector_load %arg15[%parallel_loop3A_512, %parallel_loop3A_513] {strides = array<i32>} : memref<128x256xf32, #tpu.memory_space<vmem>>, vector<16xf32>,
        %parallel_loop3A_515 = vector.broadcast %squeeze3A_348 : f32 to vector<16xf32>
        %parallel_loop3A_516 = arith.mulf %parallel_loop3A_514, %parallel_loop3A_515 : vector<16xf32>
        %parallel_loop3A_517 = arith.index_cast %squeeze3A_380 : i32 to index
        %parallel_loop3A_518 = arith.index_cast %parallel_loop3A_399 : i32 to index
        %parallel_loop3A_519 = tpu.vector_load %arg16[%parallel_loop3A_517, %parallel_loop3A_518] {strides = array<i32>} : memref<328x256xf32, #tpu.memory_space<vmem>>, vector<16xf32>,
        tpu.vector_store %arg16[%parallel_loop3A_517, %parallel_loop3A_518], %parallel_loop3A_516 {add = true, strides = array<i32>} : memref<328x256xf32, #tpu.memory_space<vmem>>, vector<16xf32>,
        %parallel_loop3A_520 = arith.constant 12 : i32
        %parallel_loop3A_521 = arith.addi %add3A_393, %parallel_loop3A_520 : i32
        %parallel_loop3A_522 = arith.index_cast %parallel_loop3A_521 : i32 to index
        %parallel_loop3A_523 = arith.index_cast %parallel_loop3A_399 : i32 to index
        %parallel_loop3A_524 = tpu.vector_load %arg15[%parallel_loop3A_522, %parallel_loop3A_523] {strides = array<i32>} : memref<128x256xf32, #tpu.memory_space<vmem>>, vector<16xf32>,
        %parallel_loop3A_525 = vector.broadcast %squeeze3A_350 : f32 to vector<16xf32>
        %parallel_loop3A_526 = arith.mulf %parallel_loop3A_524, %parallel_loop3A_525 : vector<16xf32>
        %parallel_loop3A_527 = arith.index_cast %squeeze3A_382 : i32 to index
        %parallel_loop3A_528 = arith.index_cast %parallel_loop3A_399 : i32 to index
        %parallel_loop3A_529 = tpu.vector_load %arg16[%parallel_loop3A_527, %parallel_loop3A_528] {strides = array<i32>} : memref<328x256xf32, #tpu.memory_space<vmem>>, vector<16xf32>,
        tpu.vector_store %arg16[%parallel_loop3A_527, %parallel_loop3A_528], %parallel_loop3A_526 {add = true, strides = array<i32>} : memref<328x256xf32, #tpu.memory_space<vmem>>, vector<16xf32>,
        %parallel_loop3A_530 = arith.constant 13 : i32
        %parallel_loop3A_531 = arith.addi %add3A_393, %parallel_loop3A_530 : i32
        %parallel_loop3A_532 = arith.index_cast %parallel_loop3A_531 : i32 to index
        %parallel_loop3A_533 = arith.index_cast %parallel_loop3A_399 : i32 to index
        %parallel_loop3A_534 = tpu.vector_load %arg15[%parallel_loop3A_532, %parallel_loop3A_533] {strides = array<i32>} : memref<128x256xf32, #tpu.memory_space<vmem>>, vector<16xf32>,
        %parallel_loop3A_535 = vector.broadcast %squeeze3A_352 : f32 to vector<16xf32>
        %parallel_loop3A_536 = arith.mulf %parallel_loop3A_534, %parallel_loop3A_535 : vector<16xf32>
        %parallel_loop3A_537 = arith.index_cast %squeeze3A_384 : i32 to index
        %parallel_loop3A_538 = arith.index_cast %parallel_loop3A_399 : i32 to index
        %parallel_loop3A_539 = tpu.vector_load %arg16[%parallel_loop3A_537, %parallel_loop3A_538] {strides = array<i32>} : memref<328x256xf32, #tpu.memory_space<vmem>>, vector<16xf32>,
        tpu.vector_store %arg16[%parallel_loop3A_537, %parallel_loop3A_538], %parallel_loop3A_536 {add = true, strides = array<i32>} : memref<328x256xf32, #tpu.memory_space<vmem>>, vector<16xf32>,
        %parallel_loop3A_540 = arith.constant 14 : i32
        %parallel_loop3A_541 = arith.addi %add3A_393, %parallel_loop3A_540 : i32
        %parallel_loop3A_542 = arith.index_cast %parallel_loop3A_541 : i32 to index
        %parallel_loop3A_543 = arith.index_cast %parallel_loop3A_399 : i32 to index
        %parallel_loop3A_544 = tpu.vector_load %arg15[%parallel_loop3A_542, %parallel_loop3A_543] {strides = array<i32>} : memref<128x256xf32, #tpu.memory_space<vmem>>, vector<16xf32>,
        %parallel_loop3A_545 = vector.broadcast %squeeze3A_354 : f32 to vector<16xf32>
        %parallel_loop3A_546 = arith.mulf %parallel_loop3A_544, %parallel_loop3A_545 : vector<16xf32>
        %parallel_loop3A_547 = arith.index_cast %squeeze3A_386 : i32 to index
        %parallel_loop3A_548 = arith.index_cast %parallel_loop3A_399 : i32 to index
        %parallel_loop3A_549 = tpu.vector_load %arg16[%parallel_loop3A_547, %parallel_loop3A_548] {strides = array<i32>} : memref<328x256xf32, #tpu.memory_space<vmem>>, vector<16xf32>,
        tpu.vector_store %arg16[%parallel_loop3A_547, %parallel_loop3A_548], %parallel_loop3A_546 {add = true, strides = array<i32>} : memref<328x256xf32, #tpu.memory_space<vmem>>, vector<16xf32>,
        %parallel_loop3A_550 = arith.constant 15 : i32
        %parallel_loop3A_551 = arith.addi %add3A_393, %parallel_loop3A_550 : i32
        %parallel_loop3A_552 = arith.index_cast %parallel_loop3A_551 : i32 to index
        %parallel_loop3A_553 = arith.index_cast %parallel_loop3A_399 : i32 to index
        %parallel_loop3A_554 = tpu.vector_load %arg15[%parallel_loop3A_552, %parallel_loop3A_553] {strides = array<i32>} : memref<128x256xf32, #tpu.memory_space<vmem>>, vector<16xf32>,
        %parallel_loop3A_555 = vector.broadcast %squeeze3A_356 : f32 to vector<16xf32>
        %parallel_loop3A_556 = arith.mulf %parallel_loop3A_554, %parallel_loop3A_555 : vector<16xf32>
        %parallel_loop3A_557 = arith.index_cast %squeeze3A_388 : i32 to index
        %parallel_loop3A_558 = arith.index_cast %parallel_loop3A_399 : i32 to index
        %parallel_loop3A_559 = tpu.vector_load %arg16[%parallel_loop3A_557, %parallel_loop3A_558] {strides = array<i32>} : memref<328x256xf32, #tpu.memory_space<vmem>>, vector<16xf32>,
        tpu.vector_store %arg16[%parallel_loop3A_557, %parallel_loop3A_558], %parallel_loop3A_556 {add = true, strides = array<i32>} : memref<328x256xf32, #tpu.memory_space<vmem>>, vector<16xf32>,
      } {sc.loop_unroll_factor = 4 : i64, sc.parallel_access}
      %scan3A_396 = arith.constant 0 : i32
      scf.yield %scan3A_396 : i32
    }
    %scan3A_289 = arith.constant 4 : i32
    %mul3A_290 = arith.constant 64 : i32
    %mul3A_291 = arith.muli %sub3A_135, %mul3A_290 : i32
    %dma_wait3A_292 = arith.constant 0 : i32
    %dma_wait3A_293 = tpu.memref_slice %arg15[%mul3A_291, %dma_wait3A_292] : memref<128x256xf32, #tpu.memory_space<vmem>> -> memref<64x256xf32, #tpu.memory_space<vmem>>
    %dma_wait3A_294 = arith.constant 0 : i32
    %dma_wait3A_295 = tpu.memref_slice %arg12[%sub3A_135, %dma_wait3A_294] : memref<2x128xi32, #tpu.memory_space<vmem>> -> memref<1x64xi32, #tpu.memory_space<vmem>>
    %dma_wait3A_296 = tpu.memref_squeeze %dma_wait3A_295 : memref<1x64xi32, #tpu.memory_space<vmem>> -> memref<64xi32, #tpu.memory_space<vmem>>
    %dma_wait3A_297 = arith.constant 0 : i32
    %dma_wait3A_298 = arith.constant 0 : i32
    %dma_wait3A_299 = tpu.memref_slice %arg2[%dma_wait3A_297, %dma_wait3A_298] : memref<10000x256xf32, #tpu.memory_space<hbm>> -> memref<10000x256xf32, #tpu.memory_space<hbm>>
    tpu.wait_indirect_dma semaphore(%arg17 : memref<!tpu.dma_semaphore, #tpu.memory_space<semaphore_mem>>) src(%dma_wait3A_299 : memref<10000x256xf32, #tpu.memory_space<hbm>>) dst(%dma_wait3A_293 : memref<64x256xf32, #tpu.memory_space<vmem>>)
    %scan3A_300 = arith.constant 0 : i32
    %scan3A_301 = arith.constant 0 : i32
    %scan3A_302 = arith.constant 4 : i32
    %scan3A_303 = arith.addi %scan3A_301, %scan3A_302 : i32
    %scan3A_304 = arith.constant 1 : i32
    %scan3A_305 = scf.for %scan3A_315 = %scan3A_301 to %scan3A_303 step %scan3A_304 iter_args(%scan3A_316 = %scan3A_300) -> (i32)  : i32 {
      %mul3A_317 = arith.constant 16 : i32
      %mul3A_318 = arith.muli %scan3A_315, %mul3A_317 : i32
      %get3A_319 = arith.index_cast %sub3A_135 : i32 to index
      %get3A_320 = arith.index_cast %mul3A_318 : i32 to index
      %get3A_321 = tpu.vector_load %arg13[%get3A_319, %get3A_320] {strides = array<i32>} : memref<2x64xf32, #tpu.memory_space<vmem>>, vector<16xf32>,
      %mul3A_322 = arith.constant 16 : i32
      %mul3A_323 = arith.muli %scan3A_315, %mul3A_322 : i32
      %get3A_324 = arith.index_cast %sub3A_135 : i32 to index
      %get3A_325 = arith.index_cast %mul3A_323 : i32 to index
      %get3A_326 = tpu.vector_load %arg14[%get3A_324, %get3A_325] {strides = array<i32>} : memref<2x64xi32, #tpu.memory_space<vmem>>, vector<16xi32>,
      %slice3A = vector.extract_strided_slice %get3A_321 {offsets = [0], sizes = [1], strides = [1]} : vector<16xf32> to vector<1xf32>
      %squeeze3A = vector.extract %slice3A[0] : f32 from vector<1xf32>
      %slice3A_327 = vector.extract_strided_slice %get3A_321 {offsets = [1], sizes = [1], strides = [1]} : vector<16xf32> to vector<1xf32>
      %squeeze3A_328 = vector.extract %slice3A_327[0] : f32 from vector<1xf32>
      %slice3A_329 = vector.extract_strided_slice %get3A_321 {offsets = [2], sizes = [1], strides = [1]} : vector<16xf32> to vector<1xf32>
      %squeeze3A_330 = vector.extract %slice3A_329[0] : f32 from vector<1xf32>
      %slice3A_331 = vector.extract_strided_slice %get3A_321 {offsets = [3], sizes = [1], strides = [1]} : vector<16xf32> to vector<1xf32>
      %squeeze3A_332 = vector.extract %slice3A_331[0] : f32 from vector<1xf32>
      %slice3A_333 = vector.extract_strided_slice %get3A_321 {offsets = [4], sizes = [1], strides = [1]} : vector<16xf32> to vector<1xf32>
      %squeeze3A_334 = vector.extract %slice3A_333[0] : f32 from vector<1xf32>
      %slice3A_335 = vector.extract_strided_slice %get3A_321 {offsets = [5], sizes = [1], strides = [1]} : vector<16xf32> to vector<1xf32>
      %squeeze3A_336 = vector.extract %slice3A_335[0] : f32 from vector<1xf32>
      %slice3A_337 = vector.extract_strided_slice %get3A_321 {offsets = [6], sizes = [1], strides = [1]} : vector<16xf32> to vector<1xf32>
      %squeeze3A_338 = vector.extract %slice3A_337[0] : f32 from vector<1xf32>
      %slice3A_339 = vector.extract_strided_slice %get3A_321 {offsets = [7], sizes = [1], strides = [1]} : vector<16xf32> to vector<1xf32>
      %squeeze3A_340 = vector.extract %slice3A_339[0] : f32 from vector<1xf32>
      %slice3A_341 = vector.extract_strided_slice %get3A_321 {offsets = [8], sizes = [1], strides = [1]} : vector<16xf32> to vector<1xf32>
      %squeeze3A_342 = vector.extract %slice3A_341[0] : f32 from vector<1xf32>
      %slice3A_343 = vector.extract_strided_slice %get3A_321 {offsets = [9], sizes = [1], strides = [1]} : vector<16xf32> to vector<1xf32>
      %squeeze3A_344 = vector.extract %slice3A_343[0] : f32 from vector<1xf32>
      %slice3A_345 = vector.extract_strided_slice %get3A_321 {offsets = [10], sizes = [1], strides = [1]} : vector<16xf32> to vector<1xf32>
      %squeeze3A_346 = vector.extract %slice3A_345[0] : f32 from vector<1xf32>
      %slice3A_347 = vector.extract_strided_slice %get3A_321 {offsets = [11], sizes = [1], strides = [1]} : vector<16xf32> to vector<1xf32>
      %squeeze3A_348 = vector.extract %slice3A_347[0] : f32 from vector<1xf32>
      %slice3A_349 = vector.extract_strided_slice %get3A_321 {offsets = [12], sizes = [1], strides = [1]} : vector<16xf32> to vector<1xf32>
      %squeeze3A_350 = vector.extract %slice3A_349[0] : f32 from vector<1xf32>
      %slice3A_351 = vector.extract_strided_slice %get3A_321 {offsets = [13], sizes = [1], strides = [1]} : vector<16xf32> to vector<1xf32>
      %squeeze3A_352 = vector.extract %slice3A_351[0] : f32 from vector<1xf32>
      %slice3A_353 = vector.extract_strided_slice %get3A_321 {offsets = [14], sizes = [1], strides = [1]} : vector<16xf32> to vector<1xf32>
      %squeeze3A_354 = vector.extract %slice3A_353[0] : f32 from vector<1xf32>
      %slice3A_355 = vector.extract_strided_slice %get3A_321 {offsets = [15], sizes = [1], strides = [1]} : vector<16xf32> to vector<1xf32>
      %squeeze3A_356 = vector.extract %slice3A_355[0] : f32 from vector<1xf32>
      %slice3A_357 = vector.extract_strided_slice %get3A_326 {offsets = [0], sizes = [1], strides = [1]} : vector<16xi32> to vector<1xi32>
      %squeeze3A_358 = vector.extract %slice3A_357[0] : i32 from vector<1xi32>
      %slice3A_359 = vector.extract_strided_slice %get3A_326 {offsets = [1], sizes = [1], strides = [1]} : vector<16xi32> to vector<1xi32>
      %squeeze3A_360 = vector.extract %slice3A_359[0] : i32 from vector<1xi32>
      %slice3A_361 = vector.extract_strided_slice %get3A_326 {offsets = [2], sizes = [1], strides = [1]} : vector<16xi32> to vector<1xi32>
      %squeeze3A_362 = vector.extract %slice3A_361[0] : i32 from vector<1xi32>
      %slice3A_363 = vector.extract_strided_slice %get3A_326 {offsets = [3], sizes = [1], strides = [1]} : vector<16xi32> to vector<1xi32>
      %squeeze3A_364 = vector.extract %slice3A_363[0] : i32 from vector<1xi32>
      %slice3A_365 = vector.extract_strided_slice %get3A_326 {offsets = [4], sizes = [1], strides = [1]} : vector<16xi32> to vector<1xi32>
      %squeeze3A_366 = vector.extract %slice3A_365[0] : i32 from vector<1xi32>
      %slice3A_367 = vector.extract_strided_slice %get3A_326 {offsets = [5], sizes = [1], strides = [1]} : vector<16xi32> to vector<1xi32>
      %squeeze3A_368 = vector.extract %slice3A_367[0] : i32 from vector<1xi32>
      %slice3A_369 = vector.extract_strided_slice %get3A_326 {offsets = [6], sizes = [1], strides = [1]} : vector<16xi32> to vector<1xi32>
      %squeeze3A_370 = vector.extract %slice3A_369[0] : i32 from vector<1xi32>
      %slice3A_371 = vector.extract_strided_slice %get3A_326 {offsets = [7], sizes = [1], strides = [1]} : vector<16xi32> to vector<1xi32>
      %squeeze3A_372 = vector.extract %slice3A_371[0] : i32 from vector<1xi32>
      %slice3A_373 = vector.extract_strided_slice %get3A_326 {offsets = [8], sizes = [1], strides = [1]} : vector<16xi32> to vector<1xi32>
      %squeeze3A_374 = vector.extract %slice3A_373[0] : i32 from vector<1xi32>
      %slice3A_375 = vector.extract_strided_slice %get3A_326 {offsets = [9], sizes = [1], strides = [1]} : vector<16xi32> to vector<1xi32>
      %squeeze3A_376 = vector.extract %slice3A_375[0] : i32 from vector<1xi32>
      %slice3A_377 = vector.extract_strided_slice %get3A_326 {offsets = [10], sizes = [1], strides = [1]} : vector<16xi32> to vector<1xi32>
      %squeeze3A_378 = vector.extract %slice3A_377[0] : i32 from vector<1xi32>
      %slice3A_379 = vector.extract_strided_slice %get3A_326 {offsets = [11], sizes = [1], strides = [1]} : vector<16xi32> to vector<1xi32>
      %squeeze3A_380 = vector.extract %slice3A_379[0] : i32 from vector<1xi32>
      %slice3A_381 = vector.extract_strided_slice %get3A_326 {offsets = [12], sizes = [1], strides = [1]} : vector<16xi32> to vector<1xi32>
      %squeeze3A_382 = vector.extract %slice3A_381[0] : i32 from vector<1xi32>
      %slice3A_383 = vector.extract_strided_slice %get3A_326 {offsets = [13], sizes = [1], strides = [1]} : vector<16xi32> to vector<1xi32>
      %squeeze3A_384 = vector.extract %slice3A_383[0] : i32 from vector<1xi32>
      %slice3A_385 = vector.extract_strided_slice %get3A_326 {offsets = [14], sizes = [1], strides = [1]} : vector<16xi32> to vector<1xi32>
      %squeeze3A_386 = vector.extract %slice3A_385[0] : i32 from vector<1xi32>
      %slice3A_387 = vector.extract_strided_slice %get3A_326 {offsets = [15], sizes = [1], strides = [1]} : vector<16xi32> to vector<1xi32>
      %squeeze3A_388 = vector.extract %slice3A_387[0] : i32 from vector<1xi32>
      %mul3A_389 = arith.constant 64 : i32
      %mul3A_390 = arith.muli %sub3A_135, %mul3A_389 : i32
      %mul3A_391 = arith.constant 16 : i32
      %mul3A_392 = arith.muli %scan3A_315, %mul3A_391 : i32
      %add3A_393 = arith.addi %mul3A_390, %mul3A_392 : i32
      %parallel_loop3A = arith.constant 0 : i32
      %parallel_loop3A_394 = arith.constant 16 : i32
      %parallel_loop3A_395 = arith.constant 1 : i32
      scf.for %parallel_loop3A_397 = %parallel_loop3A to %parallel_loop3A_394 step %parallel_loop3A_395  : i32 {
        %parallel_loop3A_398 = arith.constant 16 : i32
        %parallel_loop3A_399 = arith.muli %parallel_loop3A_397, %parallel_loop3A_398 : i32
        %parallel_loop3A_400 = arith.constant 0 : i32
        %parallel_loop3A_401 = arith.addi %add3A_393, %parallel_loop3A_400 : i32
        %parallel_loop3A_402 = arith.index_cast %parallel_loop3A_401 : i32 to index
        %parallel_loop3A_403 = arith.index_cast %parallel_loop3A_399 : i32 to index
        %parallel_loop3A_404 = tpu.vector_load %arg15[%parallel_loop3A_402, %parallel_loop3A_403] {strides = array<i32>} : memref<128x256xf32, #tpu.memory_space<vmem>>, vector<16xf32>,
        %parallel_loop3A_405 = vector.broadcast %squeeze3A : f32 to vector<16xf32>
        %parallel_loop3A_406 = arith.mulf %parallel_loop3A_404, %parallel_loop3A_405 : vector<16xf32>
        %parallel_loop3A_407 = arith.index_cast %squeeze3A_358 : i32 to index
        %parallel_loop3A_408 = arith.index_cast %parallel_loop3A_399 : i32 to index
        %parallel_loop3A_409 = tpu.vector_load %arg16[%parallel_loop3A_407, %parallel_loop3A_408] {strides = array<i32>} : memref<328x256xf32, #tpu.memory_space<vmem>>, vector<16xf32>,
        tpu.vector_store %arg16[%parallel_loop3A_407, %parallel_loop3A_408], %parallel_loop3A_406 {add = true, strides = array<i32>} : memref<328x256xf32, #tpu.memory_space<vmem>>, vector<16xf32>,
        %parallel_loop3A_410 = arith.constant 1 : i32
        %parallel_loop3A_411 = arith.addi %add3A_393, %parallel_loop3A_410 : i32
        %parallel_loop3A_412 = arith.index_cast %parallel_loop3A_411 : i32 to index
        %parallel_loop3A_413 = arith.index_cast %parallel_loop3A_399 : i32 to index
        %parallel_loop3A_414 = tpu.vector_load %arg15[%parallel_loop3A_412, %parallel_loop3A_413] {strides = array<i32>} : memref<128x256xf32, #tpu.memory_space<vmem>>, vector<16xf32>,
        %parallel_loop3A_415 = vector.broadcast %squeeze3A_328 : f32 to vector<16xf32>
        %parallel_loop3A_416 = arith.mulf %parallel_loop3A_414, %parallel_loop3A_415 : vector<16xf32>
        %parallel_loop3A_417 = arith.index_cast %squeeze3A_360 : i32 to index
        %parallel_loop3A_418 = arith.index_cast %parallel_loop3A_399 : i32 to index
        %parallel_loop3A_419 = tpu.vector_load %arg16[%parallel_loop3A_417, %parallel_loop3A_418] {strides = array<i32>} : memref<328x256xf32, #tpu.memory_space<vmem>>, vector<16xf32>,
        tpu.vector_store %arg16[%parallel_loop3A_417, %parallel_loop3A_418], %parallel_loop3A_416 {add = true, strides = array<i32>} : memref<328x256xf32, #tpu.memory_space<vmem>>, vector<16xf32>,
        %parallel_loop3A_420 = arith.constant 2 : i32
        %parallel_loop3A_421 = arith.addi %add3A_393, %parallel_loop3A_420 : i32
        %parallel_loop3A_422 = arith.index_cast %parallel_loop3A_421 : i32 to index
        %parallel_loop3A_423 = arith.index_cast %parallel_loop3A_399 : i32 to index
        %parallel_loop3A_424 = tpu.vector_load %arg15[%parallel_loop3A_422, %parallel_loop3A_423] {strides = array<i32>} : memref<128x256xf32, #tpu.memory_space<vmem>>, vector<16xf32>,
        %parallel_loop3A_425 = vector.broadcast %squeeze3A_330 : f32 to vector<16xf32>
        %parallel_loop3A_426 = arith.mulf %parallel_loop3A_424, %parallel_loop3A_425 : vector<16xf32>
        %parallel_loop3A_427 = arith.index_cast %squeeze3A_362 : i32 to index
        %parallel_loop3A_428 = arith.index_cast %parallel_loop3A_399 : i32 to index
        %parallel_loop3A_429 = tpu.vector_load %arg16[%parallel_loop3A_427, %parallel_loop3A_428] {strides = array<i32>} : memref<328x256xf32, #tpu.memory_space<vmem>>, vector<16xf32>,
        tpu.vector_store %arg16[%parallel_loop3A_427, %parallel_loop3A_428], %parallel_loop3A_426 {add = true, strides = array<i32>} : memref<328x256xf32, #tpu.memory_space<vmem>>, vector<16xf32>,
        %parallel_loop3A_430 = arith.constant 3 : i32
        %parallel_loop3A_431 = arith.addi %add3A_393, %parallel_loop3A_430 : i32
        %parallel_loop3A_432 = arith.index_cast %parallel_loop3A_431 : i32 to index
        %parallel_loop3A_433 = arith.index_cast %parallel_loop3A_399 : i32 to index
        %parallel_loop3A_434 = tpu.vector_load %arg15[%parallel_loop3A_432, %parallel_loop3A_433] {strides = array<i32>} : memref<128x256xf32, #tpu.memory_space<vmem>>, vector<16xf32>,
        %parallel_loop3A_435 = vector.broadcast %squeeze3A_332 : f32 to vector<16xf32>
        %parallel_loop3A_436 = arith.mulf %parallel_loop3A_434, %parallel_loop3A_435 : vector<16xf32>
        %parallel_loop3A_437 = arith.index_cast %squeeze3A_364 : i32 to index
        %parallel_loop3A_438 = arith.index_cast %parallel_loop3A_399 : i32 to index
        %parallel_loop3A_439 = tpu.vector_load %arg16[%parallel_loop3A_437, %parallel_loop3A_438] {strides = array<i32>} : memref<328x256xf32, #tpu.memory_space<vmem>>, vector<16xf32>,
        tpu.vector_store %arg16[%parallel_loop3A_437, %parallel_loop3A_438], %parallel_loop3A_436 {add = true, strides = array<i32>} : memref<328x256xf32, #tpu.memory_space<vmem>>, vector<16xf32>,
        %parallel_loop3A_440 = arith.constant 4 : i32
        %parallel_loop3A_441 = arith.addi %add3A_393, %parallel_loop3A_440 : i32
        %parallel_loop3A_442 = arith.index_cast %parallel_loop3A_441 : i32 to index
        %parallel_loop3A_443 = arith.index_cast %parallel_loop3A_399 : i32 to index
        %parallel_loop3A_444 = tpu.vector_load %arg15[%parallel_loop3A_442, %parallel_loop3A_443] {strides = array<i32>} : memref<128x256xf32, #tpu.memory_space<vmem>>, vector<16xf32>,
        %parallel_loop3A_445 = vector.broadcast %squeeze3A_334 : f32 to vector<16xf32>
        %parallel_loop3A_446 = arith.mulf %parallel_loop3A_444, %parallel_loop3A_445 : vector<16xf32>
        %parallel_loop3A_447 = arith.index_cast %squeeze3A_366 : i32 to index
        %parallel_loop3A_448 = arith.index_cast %parallel_loop3A_399 : i32 to index
        %parallel_loop3A_449 = tpu.vector_load %arg16[%parallel_loop3A_447, %parallel_loop3A_448] {strides = array<i32>} : memref<328x256xf32, #tpu.memory_space<vmem>>, vector<16xf32>,
        tpu.vector_store %arg16[%parallel_loop3A_447, %parallel_loop3A_448], %parallel_loop3A_446 {add = true, strides = array<i32>} : memref<328x256xf32, #tpu.memory_space<vmem>>, vector<16xf32>,
        %parallel_loop3A_450 = arith.constant 5 : i32
        %parallel_loop3A_451 = arith.addi %add3A_393, %parallel_loop3A_450 : i32
        %parallel_loop3A_452 = arith.index_cast %parallel_loop3A_451 : i32 to index
        %parallel_loop3A_453 = arith.index_cast %parallel_loop3A_399 : i32 to index
        %parallel_loop3A_454 = tpu.vector_load %arg15[%parallel_loop3A_452, %parallel_loop3A_453] {strides = array<i32>} : memref<128x256xf32, #tpu.memory_space<vmem>>, vector<16xf32>,
        %parallel_loop3A_455 = vector.broadcast %squeeze3A_336 : f32 to vector<16xf32>
        %parallel_loop3A_456 = arith.mulf %parallel_loop3A_454, %parallel_loop3A_455 : vector<16xf32>
        %parallel_loop3A_457 = arith.index_cast %squeeze3A_368 : i32 to index
        %parallel_loop3A_458 = arith.index_cast %parallel_loop3A_399 : i32 to index
        %parallel_loop3A_459 = tpu.vector_load %arg16[%parallel_loop3A_457, %parallel_loop3A_458] {strides = array<i32>} : memref<328x256xf32, #tpu.memory_space<vmem>>, vector<16xf32>,
        tpu.vector_store %arg16[%parallel_loop3A_457, %parallel_loop3A_458], %parallel_loop3A_456 {add = true, strides = array<i32>} : memref<328x256xf32, #tpu.memory_space<vmem>>, vector<16xf32>,
        %parallel_loop3A_460 = arith.constant 6 : i32
        %parallel_loop3A_461 = arith.addi %add3A_393, %parallel_loop3A_460 : i32
        %parallel_loop3A_462 = arith.index_cast %parallel_loop3A_461 : i32 to index
        %parallel_loop3A_463 = arith.index_cast %parallel_loop3A_399 : i32 to index
        %parallel_loop3A_464 = tpu.vector_load %arg15[%parallel_loop3A_462, %parallel_loop3A_463] {strides = array<i32>} : memref<128x256xf32, #tpu.memory_space<vmem>>, vector<16xf32>,
        %parallel_loop3A_465 = vector.broadcast %squeeze3A_338 : f32 to vector<16xf32>
        %parallel_loop3A_466 = arith.mulf %parallel_loop3A_464, %parallel_loop3A_465 : vector<16xf32>
        %parallel_loop3A_467 = arith.index_cast %squeeze3A_370 : i32 to index
        %parallel_loop3A_468 = arith.index_cast %parallel_loop3A_399 : i32 to index
        %parallel_loop3A_469 = tpu.vector_load %arg16[%parallel_loop3A_467, %parallel_loop3A_468] {strides = array<i32>} : memref<328x256xf32, #tpu.memory_space<vmem>>, vector<16xf32>,
        tpu.vector_store %arg16[%parallel_loop3A_467, %parallel_loop3A_468], %parallel_loop3A_466 {add = true, strides = array<i32>} : memref<328x256xf32, #tpu.memory_space<vmem>>, vector<16xf32>,
        %parallel_loop3A_470 = arith.constant 7 : i32
        %parallel_loop3A_471 = arith.addi %add3A_393, %parallel_loop3A_470 : i32
        %parallel_loop3A_472 = arith.index_cast %parallel_loop3A_471 : i32 to index
        %parallel_loop3A_473 = arith.index_cast %parallel_loop3A_399 : i32 to index
        %parallel_loop3A_474 = tpu.vector_load %arg15[%parallel_loop3A_472, %parallel_loop3A_473] {strides = array<i32>} : memref<128x256xf32, #tpu.memory_space<vmem>>, vector<16xf32>,
        %parallel_loop3A_475 = vector.broadcast %squeeze3A_340 : f32 to vector<16xf32>
        %parallel_loop3A_476 = arith.mulf %parallel_loop3A_474, %parallel_loop3A_475 : vector<16xf32>
        %parallel_loop3A_477 = arith.index_cast %squeeze3A_372 : i32 to index
        %parallel_loop3A_478 = arith.index_cast %parallel_loop3A_399 : i32 to index
        %parallel_loop3A_479 = tpu.vector_load %arg16[%parallel_loop3A_477, %parallel_loop3A_478] {strides = array<i32>} : memref<328x256xf32, #tpu.memory_space<vmem>>, vector<16xf32>,
        tpu.vector_store %arg16[%parallel_loop3A_477, %parallel_loop3A_478], %parallel_loop3A_476 {add = true, strides = array<i32>} : memref<328x256xf32, #tpu.memory_space<vmem>>, vector<16xf32>,
        %parallel_loop3A_480 = arith.constant 8 : i32
        %parallel_loop3A_481 = arith.addi %add3A_393, %parallel_loop3A_480 : i32
        %parallel_loop3A_482 = arith.index_cast %parallel_loop3A_481 : i32 to index
        %parallel_loop3A_483 = arith.index_cast %parallel_loop3A_399 : i32 to index
        %parallel_loop3A_484 = tpu.vector_load %arg15[%parallel_loop3A_482, %parallel_loop3A_483] {strides = array<i32>} : memref<128x256xf32, #tpu.memory_space<vmem>>, vector<16xf32>,
        %parallel_loop3A_485 = vector.broadcast %squeeze3A_342 : f32 to vector<16xf32>
        %parallel_loop3A_486 = arith.mulf %parallel_loop3A_484, %parallel_loop3A_485 : vector<16xf32>
        %parallel_loop3A_487 = arith.index_cast %squeeze3A_374 : i32 to index
        %parallel_loop3A_488 = arith.index_cast %parallel_loop3A_399 : i32 to index
        %parallel_loop3A_489 = tpu.vector_load %arg16[%parallel_loop3A_487, %parallel_loop3A_488] {strides = array<i32>} : memref<328x256xf32, #tpu.memory_space<vmem>>, vector<16xf32>,
        tpu.vector_store %arg16[%parallel_loop3A_487, %parallel_loop3A_488], %parallel_loop3A_486 {add = true, strides = array<i32>} : memref<328x256xf32, #tpu.memory_space<vmem>>, vector<16xf32>,
        %parallel_loop3A_490 = arith.constant 9 : i32
        %parallel_loop3A_491 = arith.addi %add3A_393, %parallel_loop3A_490 : i32
        %parallel_loop3A_492 = arith.index_cast %parallel_loop3A_491 : i32 to index
        %parallel_loop3A_493 = arith.index_cast %parallel_loop3A_399 : i32 to index
        %parallel_loop3A_494 = tpu.vector_load %arg15[%parallel_loop3A_492, %parallel_loop3A_493] {strides = array<i32>} : memref<128x256xf32, #tpu.memory_space<vmem>>, vector<16xf32>,
        %parallel_loop3A_495 = vector.broadcast %squeeze3A_344 : f32 to vector<16xf32>
        %parallel_loop3A_496 = arith.mulf %parallel_loop3A_494, %parallel_loop3A_495 : vector<16xf32>
        %parallel_loop3A_497 = arith.index_cast %squeeze3A_376 : i32 to index
        %parallel_loop3A_498 = arith.index_cast %parallel_loop3A_399 : i32 to index
        %parallel_loop3A_499 = tpu.vector_load %arg16[%parallel_loop3A_497, %parallel_loop3A_498] {strides = array<i32>} : memref<328x256xf32, #tpu.memory_space<vmem>>, vector<16xf32>,
        tpu.vector_store %arg16[%parallel_loop3A_497, %parallel_loop3A_498], %parallel_loop3A_496 {add = true, strides = array<i32>} : memref<328x256xf32, #tpu.memory_space<vmem>>, vector<16xf32>,
        %parallel_loop3A_500 = arith.constant 10 : i32
        %parallel_loop3A_501 = arith.addi %add3A_393, %parallel_loop3A_500 : i32
        %parallel_loop3A_502 = arith.index_cast %parallel_loop3A_501 : i32 to index
        %parallel_loop3A_503 = arith.index_cast %parallel_loop3A_399 : i32 to index
        %parallel_loop3A_504 = tpu.vector_load %arg15[%parallel_loop3A_502, %parallel_loop3A_503] {strides = array<i32>} : memref<128x256xf32, #tpu.memory_space<vmem>>, vector<16xf32>,
        %parallel_loop3A_505 = vector.broadcast %squeeze3A_346 : f32 to vector<16xf32>
        %parallel_loop3A_506 = arith.mulf %parallel_loop3A_504, %parallel_loop3A_505 : vector<16xf32>
        %parallel_loop3A_507 = arith.index_cast %squeeze3A_378 : i32 to index
        %parallel_loop3A_508 = arith.index_cast %parallel_loop3A_399 : i32 to index
        %parallel_loop3A_509 = tpu.vector_load %arg16[%parallel_loop3A_507, %parallel_loop3A_508] {strides = array<i32>} : memref<328x256xf32, #tpu.memory_space<vmem>>, vector<16xf32>,
        tpu.vector_store %arg16[%parallel_loop3A_507, %parallel_loop3A_508], %parallel_loop3A_506 {add = true, strides = array<i32>} : memref<328x256xf32, #tpu.memory_space<vmem>>, vector<16xf32>,
        %parallel_loop3A_510 = arith.constant 11 : i32
        %parallel_loop3A_511 = arith.addi %add3A_393, %parallel_loop3A_510 : i32
        %parallel_loop3A_512 = arith.index_cast %parallel_loop3A_511 : i32 to index
        %parallel_loop3A_513 = arith.index_cast %parallel_loop3A_399 : i32 to index
        %parallel_loop3A_514 = tpu.vector_load %arg15[%parallel_loop3A_512, %parallel_loop3A_513] {strides = array<i32>} : memref<128x256xf32, #tpu.memory_space<vmem>>, vector<16xf32>,
        %parallel_loop3A_515 = vector.broadcast %squeeze3A_348 : f32 to vector<16xf32>
        %parallel_loop3A_516 = arith.mulf %parallel_loop3A_514, %parallel_loop3A_515 : vector<16xf32>
        %parallel_loop3A_517 = arith.index_cast %squeeze3A_380 : i32 to index
        %parallel_loop3A_518 = arith.index_cast %parallel_loop3A_399 : i32 to index
        %parallel_loop3A_519 = tpu.vector_load %arg16[%parallel_loop3A_517, %parallel_loop3A_518] {strides = array<i32>} : memref<328x256xf32, #tpu.memory_space<vmem>>, vector<16xf32>,
        tpu.vector_store %arg16[%parallel_loop3A_517, %parallel_loop3A_518], %parallel_loop3A_516 {add = true, strides = array<i32>} : memref<328x256xf32, #tpu.memory_space<vmem>>, vector<16xf32>,
        %parallel_loop3A_520 = arith.constant 12 : i32
        %parallel_loop3A_521 = arith.addi %add3A_393, %parallel_loop3A_520 : i32
        %parallel_loop3A_522 = arith.index_cast %parallel_loop3A_521 : i32 to index
        %parallel_loop3A_523 = arith.index_cast %parallel_loop3A_399 : i32 to index
        %parallel_loop3A_524 = tpu.vector_load %arg15[%parallel_loop3A_522, %parallel_loop3A_523] {strides = array<i32>} : memref<128x256xf32, #tpu.memory_space<vmem>>, vector<16xf32>,
        %parallel_loop3A_525 = vector.broadcast %squeeze3A_350 : f32 to vector<16xf32>
        %parallel_loop3A_526 = arith.mulf %parallel_loop3A_524, %parallel_loop3A_525 : vector<16xf32>
        %parallel_loop3A_527 = arith.index_cast %squeeze3A_382 : i32 to index
        %parallel_loop3A_528 = arith.index_cast %parallel_loop3A_399 : i32 to index
        %parallel_loop3A_529 = tpu.vector_load %arg16[%parallel_loop3A_527, %parallel_loop3A_528] {strides = array<i32>} : memref<328x256xf32, #tpu.memory_space<vmem>>, vector<16xf32>,
        tpu.vector_store %arg16[%parallel_loop3A_527, %parallel_loop3A_528], %parallel_loop3A_526 {add = true, strides = array<i32>} : memref<328x256xf32, #tpu.memory_space<vmem>>, vector<16xf32>,
        %parallel_loop3A_530 = arith.constant 13 : i32
        %parallel_loop3A_531 = arith.addi %add3A_393, %parallel_loop3A_530 : i32
        %parallel_loop3A_532 = arith.index_cast %parallel_loop3A_531 : i32 to index
        %parallel_loop3A_533 = arith.index_cast %parallel_loop3A_399 : i32 to index
        %parallel_loop3A_534 = tpu.vector_load %arg15[%parallel_loop3A_532, %parallel_loop3A_533] {strides = array<i32>} : memref<128x256xf32, #tpu.memory_space<vmem>>, vector<16xf32>,
        %parallel_loop3A_535 = vector.broadcast %squeeze3A_352 : f32 to vector<16xf32>
        %parallel_loop3A_536 = arith.mulf %parallel_loop3A_534, %parallel_loop3A_535 : vector<16xf32>
        %parallel_loop3A_537 = arith.index_cast %squeeze3A_384 : i32 to index
        %parallel_loop3A_538 = arith.index_cast %parallel_loop3A_399 : i32 to index
        %parallel_loop3A_539 = tpu.vector_load %arg16[%parallel_loop3A_537, %parallel_loop3A_538] {strides = array<i32>} : memref<328x256xf32, #tpu.memory_space<vmem>>, vector<16xf32>,
        tpu.vector_store %arg16[%parallel_loop3A_537, %parallel_loop3A_538], %parallel_loop3A_536 {add = true, strides = array<i32>} : memref<328x256xf32, #tpu.memory_space<vmem>>, vector<16xf32>,
        %parallel_loop3A_540 = arith.constant 14 : i32
        %parallel_loop3A_541 = arith.addi %add3A_393, %parallel_loop3A_540 : i32
        %parallel_loop3A_542 = arith.index_cast %parallel_loop3A_541 : i32 to index
        %parallel_loop3A_543 = arith.index_cast %parallel_loop3A_399 : i32 to index
        %parallel_loop3A_544 = tpu.vector_load %arg15[%parallel_loop3A_542, %parallel_loop3A_543] {strides = array<i32>} : memref<128x256xf32, #tpu.memory_space<vmem>>, vector<16xf32>,
        %parallel_loop3A_545 = vector.broadcast %squeeze3A_354 : f32 to vector<16xf32>
        %parallel_loop3A_546 = arith.mulf %parallel_loop3A_544, %parallel_loop3A_545 : vector<16xf32>
        %parallel_loop3A_547 = arith.index_cast %squeeze3A_386 : i32 to index
        %parallel_loop3A_548 = arith.index_cast %parallel_loop3A_399 : i32 to index
        %parallel_loop3A_549 = tpu.vector_load %arg16[%parallel_loop3A_547, %parallel_loop3A_548] {strides = array<i32>} : memref<328x256xf32, #tpu.memory_space<vmem>>, vector<16xf32>,
        tpu.vector_store %arg16[%parallel_loop3A_547, %parallel_loop3A_548], %parallel_loop3A_546 {add = true, strides = array<i32>} : memref<328x256xf32, #tpu.memory_space<vmem>>, vector<16xf32>,
        %parallel_loop3A_550 = arith.constant 15 : i32
        %parallel_loop3A_551 = arith.addi %add3A_393, %parallel_loop3A_550 : i32
        %parallel_loop3A_552 = arith.index_cast %parallel_loop3A_551 : i32 to index
        %parallel_loop3A_553 = arith.index_cast %parallel_loop3A_399 : i32 to index
        %parallel_loop3A_554 = tpu.vector_load %arg15[%parallel_loop3A_552, %parallel_loop3A_553] {strides = array<i32>} : memref<128x256xf32, #tpu.memory_space<vmem>>, vector<16xf32>,
        %parallel_loop3A_555 = vector.broadcast %squeeze3A_356 : f32 to vector<16xf32>
        %parallel_loop3A_556 = arith.mulf %parallel_loop3A_554, %parallel_loop3A_555 : vector<16xf32>
        %parallel_loop3A_557 = arith.index_cast %squeeze3A_388 : i32 to index
        %parallel_loop3A_558 = arith.index_cast %parallel_loop3A_399 : i32 to index
        %parallel_loop3A_559 = tpu.vector_load %arg16[%parallel_loop3A_557, %parallel_loop3A_558] {strides = array<i32>} : memref<328x256xf32, #tpu.memory_space<vmem>>, vector<16xf32>,
        tpu.vector_store %arg16[%parallel_loop3A_557, %parallel_loop3A_558], %parallel_loop3A_556 {add = true, strides = array<i32>} : memref<328x256xf32, #tpu.memory_space<vmem>>, vector<16xf32>,
      } {sc.loop_unroll_factor = 4 : i64, sc.parallel_access}
      %scan3A_396 = arith.constant 0 : i32
      scf.yield %scan3A_396 : i32
    }
    %scan3A_306 = arith.constant 4 : i32
    %lt3A_307 = arith.constant 31 : i32
    %lt3A_308 = arith.cmpi slt, %add3A, %lt3A_307 : i32
    %convert_element_type3A = arith.extui %lt3A_308 : i1 to i32
    %cond3A = arith.constant 0 : i32
    %cond3A_309 = arith.cmpi ne, %convert_element_type3A, %cond3A : i32
    scf.if %cond3A_309 {
      "tpu.region"() ({
        %run_scoped3A = tpu.sem_alloc : memref<!tpu.dma_semaphore, #tpu.memory_space<semaphore_mem>>
        %dma_start3A_315 = arith.constant 0 : i32
        %dma_start3A_316 = arith.constant 0 : i32
        %dma_start3A_317 = tpu.memref_slice %arg16[%dma_start3A_315, %dma_start3A_316] : memref<328x256xf32, #tpu.memory_space<vmem>> -> memref<312x256xf32, #tpu.memory_space<vmem>>
        %dma_start3A_318 = arith.constant 0 : i32
        %dma_start3A_319 = tpu.memref_slice %arg5[%mul3A_2, %dma_start3A_318] : memref<10000x256xf32, #tpu.memory_space<hbm>> -> memref<312x256xf32, #tpu.memory_space<hbm>>
        %dma_start3A_320 = arith.constant 0 : i32
        %dma_start3A_321 = tpu.memref_slice %arg5[%mul3A_2, %dma_start3A_320] : memref<10000x256xf32, #tpu.memory_space<hbm>> -> memref<312x256xf32, #tpu.memory_space<hbm>>
        %dma_start3A_322 = arith.constant 0 : i32
        %dma_start3A_323 = arith.constant 0 : i32
        %dma_start3A_324 = tpu.memref_slice %arg16[%dma_start3A_322, %dma_start3A_323] : memref<328x256xf32, #tpu.memory_space<vmem>> -> memref<312x256xf32, #tpu.memory_space<vmem>>
        tpu.enqueue_dma source(%dma_start3A_324 : memref<312x256xf32, #tpu.memory_space<vmem>>) target(%dma_start3A_321 : memref<312x256xf32, #tpu.memory_space<hbm>>) target_semaphore(%run_scoped3A : memref<!tpu.dma_semaphore, #tpu.memory_space<semaphore_mem>>)
        %dma_wait3A_325 = arith.constant 0 : i32
        %dma_wait3A_326 = arith.constant 0 : i32
        %dma_wait3A_327 = tpu.memref_slice %arg16[%dma_wait3A_325, %dma_wait3A_326] : memref<328x256xf32, #tpu.memory_space<vmem>> -> memref<312x256xf32, #tpu.memory_space<vmem>>
        %dma_wait3A_328 = arith.constant 0 : i32
        %dma_wait3A_329 = tpu.memref_slice %arg5[%mul3A_2, %dma_wait3A_328] : memref<10000x256xf32, #tpu.memory_space<hbm>> -> memref<312x256xf32, #tpu.memory_space<hbm>>
        %dma_wait3A_330 = arith.constant 0 : i32
        %dma_wait3A_331 = tpu.memref_slice %arg5[%mul3A_2, %dma_wait3A_330] : memref<10000x256xf32, #tpu.memory_space<hbm>> -> memref<312x256xf32, #tpu.memory_space<hbm>>
        %dma_wait3A_332 = arith.constant 0 : i32
        %dma_wait3A_333 = arith.constant 0 : i32
        %dma_wait3A_334 = tpu.memref_slice %arg16[%dma_wait3A_332, %dma_wait3A_333] : memref<328x256xf32, #tpu.memory_space<vmem>> -> memref<312x256xf32, #tpu.memory_space<vmem>>
        tpu.wait_dma2 semaphore(%run_scoped3A : memref<!tpu.dma_semaphore, #tpu.memory_space<semaphore_mem>>) src(%dma_wait3A_334 : memref<312x256xf32, #tpu.memory_space<vmem>>) dst(%dma_wait3A_331 : memref<312x256xf32, #tpu.memory_space<hbm>>)
        tpu.yield
      }) : () -> ()
    } else {
    }
    %eq3A_310 = arith.constant 31 : i32
    %eq3A_311 = arith.cmpi eq, %add3A, %eq3A_310 : i32
    %convert_element_type3A_312 = arith.extui %eq3A_311 : i1 to i32
    %cond3A_313 = arith.constant 0 : i32
    %cond3A_314 = arith.cmpi ne, %convert_element_type3A_312, %cond3A_313 : i32
    scf.if %cond3A_314 {
      "tpu.region"() ({
        %run_scoped3A = tpu.sem_alloc : memref<!tpu.dma_semaphore, #tpu.memory_space<semaphore_mem>>
        %dma_start3A_315 = arith.constant 0 : i32
        %dma_start3A_316 = arith.constant 0 : i32
        %dma_start3A_317 = tpu.memref_slice %arg16[%dma_start3A_315, %dma_start3A_316] : memref<328x256xf32, #tpu.memory_space<vmem>> -> memref<328x256xf32, #tpu.memory_space<vmem>>
        %dma_start3A_318 = arith.constant 0 : i32
        %dma_start3A_319 = tpu.memref_slice %arg5[%mul3A_2, %dma_start3A_318] : memref<10000x256xf32, #tpu.memory_space<hbm>> -> memref<328x256xf32, #tpu.memory_space<hbm>>
        %dma_start3A_320 = arith.constant 0 : i32
        %dma_start3A_321 = tpu.memref_slice %arg5[%mul3A_2, %dma_start3A_320] : memref<10000x256xf32, #tpu.memory_space<hbm>> -> memref<328x256xf32, #tpu.memory_space<hbm>>
        %dma_start3A_322 = arith.constant 0 : i32
        %dma_start3A_323 = arith.constant 0 : i32
        %dma_start3A_324 = tpu.memref_slice %arg16[%dma_start3A_322, %dma_start3A_323] : memref<328x256xf32, #tpu.memory_space<vmem>> -> memref<328x256xf32, #tpu.memory_space<vmem>>
        tpu.enqueue_dma source(%dma_start3A_324 : memref<328x256xf32, #tpu.memory_space<vmem>>) target(%dma_start3A_321 : memref<328x256xf32, #tpu.memory_space<hbm>>) target_semaphore(%run_scoped3A : memref<!tpu.dma_semaphore, #tpu.memory_space<semaphore_mem>>)
        %dma_wait3A_325 = arith.constant 0 : i32
        %dma_wait3A_326 = arith.constant 0 : i32
        %dma_wait3A_327 = tpu.memref_slice %arg16[%dma_wait3A_325, %dma_wait3A_326] : memref<328x256xf32, #tpu.memory_space<vmem>> -> memref<328x256xf32, #tpu.memory_space<vmem>>
        %dma_wait3A_328 = arith.constant 0 : i32
        %dma_wait3A_329 = tpu.memref_slice %arg5[%mul3A_2, %dma_wait3A_328] : memref<10000x256xf32, #tpu.memory_space<hbm>> -> memref<328x256xf32, #tpu.memory_space<hbm>>
        %dma_wait3A_330 = arith.constant 0 : i32
        %dma_wait3A_331 = tpu.memref_slice %arg5[%mul3A_2, %dma_wait3A_330] : memref<10000x256xf32, #tpu.memory_space<hbm>> -> memref<328x256xf32, #tpu.memory_space<hbm>>
        %dma_wait3A_332 = arith.constant 0 : i32
        %dma_wait3A_333 = arith.constant 0 : i32
        %dma_wait3A_334 = tpu.memref_slice %arg16[%dma_wait3A_332, %dma_wait3A_333] : memref<328x256xf32, #tpu.memory_space<vmem>> -> memref<328x256xf32, #tpu.memory_space<vmem>>
        tpu.wait_dma2 semaphore(%run_scoped3A : memref<!tpu.dma_semaphore, #tpu.memory_space<semaphore_mem>>) src(%dma_wait3A_334 : memref<328x256xf32, #tpu.memory_space<vmem>>) dst(%dma_wait3A_331 : memref<328x256xf32, #tpu.memory_space<hbm>>)
        tpu.yield
      }) : () -> ()
    } else {
    }
    return
  }
}

module attributes {stable_mosaic.version = 14 : i64} {
  func.func @_mm_body(%arg0: i32, %arg1: memref<400x256xf32, #tpu.memory_space<vmem>>, %arg2: memref<256x256xf32, #tpu.memory_space<vmem>>, %arg3: memref<1x256xf32, #tpu.memory_space<vmem>>, %arg4: memref<400x256xf32, #tpu.memory_space<vmem>>) attributes {dimension_semantics = [#tpu.dimension_semantics<arbitrary>], iteration_bounds = array<i64: 25>, scalar_prefetch = 0 : i64, scratch_operands = 0 : i64, tpu.core_type = #tpu.core_type<tc>, window_params = [{transform_indices = @transform_0, window_bounds = array<i64: 400, 256>}, {pipeline_mode = #tpu.pipeline_mode<synchronous>, transform_indices = @transform_1, window_bounds = array<i64: 256, 256>}, {pipeline_mode = #tpu.pipeline_mode<synchronous>, transform_indices = @transform_2, window_bounds = array<i64: 1, 256>}, {transform_indices = @transform_3, window_bounds = array<i64: 400, 256>}]} {
    %get3A = arith.constant 0 : index
    %get3A_0 = arith.constant 0 : index
    %get3A_1 = vector.load %arg1[%get3A, %get3A_0] : memref<400x256xf32, #tpu.memory_space<vmem>>, vector<400x256xf32>
    %get3A_2 = arith.constant 0 : index
    %get3A_3 = arith.constant 0 : index
    %get3A_4 = vector.load %arg2[%get3A_2, %get3A_3] : memref<256x256xf32, #tpu.memory_space<vmem>>, vector<256x256xf32>
    %dot_general3A = arith.constant dense<0.000000e+00> : vector<400x256xf32>
    %dot_general3A_5 = tpu.matmul %get3A_1, %get3A_4, %dot_general3A {dimension_numbers = #tpu.dot_dimension_numbers<[1], [0], [0], [1], [0, 0, 1, 1], [], []>, transpose_lhs_hint = false} : vector<400x256xf32>, vector<256x256xf32>, vector<400x256xf32> -> vector<400x256xf32>
    %get3A_6 = arith.constant 0 : index
    %get3A_7 = arith.constant 0 : index
    %get3A_8 = vector.load %arg3[%get3A_6, %get3A_7] : memref<1x256xf32, #tpu.memory_space<vmem>>, vector<1x256xf32>
    %add3A = vector.broadcast %get3A_8 : vector<1x256xf32> to vector<400x256xf32>
    %add3A_9 = arith.addf %dot_general3A_5, %add3A : vector<400x256xf32>
    %max3A = arith.constant 0.000000e+00 : f32
    %max3A_10 = vector.broadcast %max3A : f32 to vector<400x256xf32>
    %max3A_11 = arith.maximumf %add3A_9, %max3A_10 : vector<400x256xf32>
    %swap3A = arith.constant 0 : index
    %swap3A_12 = arith.constant 0 : index
    %swap3A_13 = vector.load %arg4[%swap3A, %swap3A_12] : memref<400x256xf32, #tpu.memory_space<vmem>>, vector<400x256xf32>
    tpu.vector_store %arg4[%swap3A, %swap3A_12], %max3A_11 {strides = array<i32>} : memref<400x256xf32, #tpu.memory_space<vmem>>, vector<400x256xf32>,
    return
  }
  func.func @transform_0(%arg0: i32) -> (i32, i32) {
    %c0_i32 = arith.constant 0 : i32
    %c0_i32_0 = arith.constant 0 : i32
    return %arg0, %c0_i32 : i32, i32
  }
  func.func @transform_1(%arg0: i32) -> (i32, i32) {
    %c0_i32 = arith.constant 0 : i32
    %c0_i32_0 = arith.constant 0 : i32
    %c0_i32_1 = arith.constant 0 : i32
    return %c0_i32, %c0_i32_0 : i32, i32
  }
  func.func @transform_2(%arg0: i32) -> (i32, i32) {
    %c0_i32 = arith.constant 0 : i32
    %c0_i32_0 = arith.constant 0 : i32
    %c0_i32_1 = arith.constant 0 : i32
    return %c0_i32, %c0_i32_0 : i32, i32
  }
  func.func @transform_3(%arg0: i32) -> (i32, i32) {
    %c0_i32 = arith.constant 0 : i32
    %c0_i32_0 = arith.constant 0 : i32
    return %arg0, %c0_i32 : i32, i32
  }
}

</mosaic_0001>

<sc_bundles>
// kernel: kernel.4.cloned.1.call-start
scs
__scs_entry_jumppad:
0x0: {  	(pc) =	sbr.rel $0x88, $3  }
0x1: {  	(tag) =	ssettag $0x0;
	lr =	simm.s32 $0x1  }
0x2: {  	[smem:$0x3F9C] =	sst lr;
	_ =	strace $0xD0000000  }
0x3: {  	_ = 	snop  }
0x4: {  	_ = 	snop  }
0x5: {  	_ = 	snop  }
0x6: {  	_ = 	snop  }
0x7: {  	_ = 	snop  }
__scs_overlays_trampoline_lowered:
0x8: {  	[smem:$0x3FAB] =	sst s0  }
0x9: {  	[smem:$0x3FAC] =	sst s1  }
0xa: {  	[smem:$0x3FAD] =	sst s2  }
0xb: {  	[smem:$0x3FAE] =	sst s3  }
0xc: {  	[smem:$0x3FAF] =	sst s4  }
0xd: {  	[smem:$0x3FB0] =	sst s5  }
0xe: {  	[smem:$0x3FB1] =	sst s6  }
0xf: {  	[smem:$0x3FB2] =	sst s7  }
0x10: {  	[smem:$0x3FB3] =	sst s8  }
0x11: {  	[smem:$0x3FB4] =	sst s9;
	s0 =	simm.s32 @!p0 $0x0  }
0x12: {  	s1 =	sld [smem:$0x3F9A];
	s0 =	simm.s32 @p0 $0x1  }
0x13: {  	[smem:$0x3FB5] =	sst s0;
	s0 =	simm.s32 @!p1 $0x0  }
0x14: {  	s2 =	sld [smem:$0x3F99];
	s0 =	simm.s32 @p1 $0x1  }
0x15: {  	[smem:$0x3FB6] =	sst s0;
	s0 =	simm.s32 @!p2 $0x0  }
0x16: {  	s3 =	sld [smem:$0x3FDB];
	s0 =	simm.s32 @p2 $0x1  }
0x17: {  	s4 =	simm.s32 $0x1BF5;
	[smem:$0x3FB8] =	sst s0  }
0x18: {  	s0 =	sld [smem:$0x3F9B];
	_ =	swait.ge [sflag:s4], $0x0  }
0x19: {  	s7 =	sld [smem:$0x3F9C]  }
0x1a: {  	s8 =	sadd.s32 $0xFFFFE003, lr  }
0x1b: {  	s9 =	sadd.s32 $0xFFFFFEF7, lr;
	s5 =	simm.s32 $0xFFFFFFFF;
	p2 =	slt.u32 s8, $0xFFFFF086  }
0x1c: {  	p1 =	slt.u32 s9, $0xF7A;
	s5 =	simm.s32 @!p2 $0x0  }
0x1d: {  	s5 =	simm.s32 @p1 $0x1;
	p0 =	seq.s32 s7, s2  }
0x1e: {  	s7 =	smul.u32 @!p0 $0xF7A, s2;
	p2 =	seq.s32 @!p0 s5, $0x0  }
0x1f: {  	s9 =	smul.u32 $0xF7A, s1;
	s8 =	simm.s32 @!p0 $0x1BF5;
	p2 =	por !p2, p0  }
0x20: {  	[sflag:s8] =	ssyncset.s32 @!p0 $0xFFFFF086;
	s6 =	sadd.s32 @!p0 s3, s7;
	s7 =	simm.s32 @!p0 $0x108  }
0x21: {  	s3 =	sadd.s32 s3, s9;
	s6 =	sadd.s32 @!p0 $0x88, s6;
	s7 =	simm.s32 @p2 $0x1082  }
0x22: {  	[simem:s7], [sflag:s8] =	dma.local @!p0 [hbm:s6], $0xF7A  }
0x23: {  	s9 =	sor.u32 $0xD0000000, s2;
	s6 =	simm.s32 $0x108;
	_ =	swait.ge @!p0 [sflag:s8], $0x0  }
0x24: {  	s3 =	sadd.s32 $0x88, s3;
	s6 =	simm.s32 @!p1 $0x1082;
	[sflag:s4] =	ssyncset.s32 $0xFFFFF086  }
0x25: {  	[simem:s6], [sflag:s4] =	dma.local [hbm:s3], $0xF7A  }
0x26: {  	[smem:$0x3F9C] =	sst s1;
	(tag) =	ssettag s2;
	_ =	strace s9  }
0x27: {  	s1 =	sld [smem:$0x3FAC]  }
0x28: {  	s2 =	sld [smem:$0x3FAD]  }
0x29: {  	s4 =	sld [smem:$0x3FAF]  }
0x2a: {  	p0 =	seq.s32 s5, $0x0;
	s5 =	sld [smem:$0x3FB0]  }
0x2b: {  	s6 =	sld [smem:$0x3FB1]  }
0x2c: {  	s7 =	sld [smem:$0x3FB2]  }
0x2d: {  	s3 =	simm.s32 $0x108;
	s8 =	sld [smem:$0x3FB3]  }
0x2e: {  	s3 =	simm.s32 @!p0 $0x1082;
	s9 =	sld [smem:$0x3FB4]  }
0x2f: {  	lr =	sadd.s32 s0, s3;
	s0 =	sld [smem:$0x3FAB]  }
0x30: {  	s3 =	sld [smem:$0x3FAE]  }
0x31: {  	[smem:$0x3FB7] =	sst s10  }
0x32: {  	s10 =	sld [smem:$0x3FB5];
	_ =	sdelay $0x3  }
0x33: {  	p0 =	seq.s32 s10, $0x1;
	s10 =	sld [smem:$0x3FB7];
	_ =	sdelay $0x3  }
0x34: {  	[smem:$0x3FB7] =	sst s10  }
0x35: {  	s10 =	sld [smem:$0x3FB6];
	_ =	sdelay $0x3  }
0x36: {  	p1 =	seq.s32 s10, $0x1;
	s10 =	sld [smem:$0x3FB7];
	_ =	sdelay $0x3  }
0x37: {  	[smem:$0x3FB7] =	sst s10  }
0x38: {  	s10 =	sld [smem:$0x3FB8]  }
0x39: {  	_ = 	snop;
	(pc) =	sbr.ind lr, $3  }
0x3a: {  	_ = 	snop  }
0x3b: {  	_ = 	snop  }
0x3c: {  	p2 =	seq.s32 s10, $0x1;
	s10 =	sld [smem:$0x3FB7]  }
0x3d: {  	_ =	shalt  }
0x3e: {  	_ =	shalt  }
0x3f: {  	_ =	shalt  }
0x40: {  	_ =	shalt  }
0x41: {  	_ =	shalt  }
0x42: {  	_ =	shalt  }
0x43: {  	_ =	shalt  }
0x44: {  	_ =	shalt  }
0x45: {  	_ =	shalt  }
0x46: {  	_ =	shalt  }
0x47: {  	_ =	shalt  }
0x48: {  	_ =	shalt  }
0x49: {  	_ =	shalt  }
0x4a: {  	_ =	shalt  }
0x4b: {  	_ =	shalt  }
0x4c: {  	_ =	shalt  }
0x4d: {  	_ =	shalt  }
0x4e: {  	_ =	shalt  }
0x4f: {  	_ =	shalt  }
0x50: {  	_ =	shalt  }
0x51: {  	_ =	shalt  }
0x52: {  	_ =	shalt  }
0x53: {  	_ =	shalt  }
0x54: {  	_ =	shalt  }
0x55: {  	_ =	shalt  }
0x56: {  	_ =	shalt  }
0x57: {  	_ =	shalt  }
0x58: {  	_ =	shalt  }
0x59: {  	_ =	shalt  }
0x5a: {  	_ =	shalt  }
0x5b: {  	_ =	shalt  }
0x5c: {  	_ =	shalt  }
0x5d: {  	_ =	shalt  }
0x5e: {  	_ =	shalt  }
0x5f: {  	_ =	shalt  }
0x60: {  	_ =	shalt  }
0x61: {  	_ =	shalt  }
0x62: {  	_ =	shalt  }
0x63: {  	_ =	shalt  }
0x64: {  	_ =	shalt  }
0x65: {  	_ =	shalt  }
0x66: {  	_ =	shalt  }
0x67: {  	_ =	shalt  }
0x68: {  	_ =	shalt  }
0x69: {  	_ =	shalt  }
0x6a: {  	_ =	shalt  }
0x6b: {  	_ =	shalt  }
0x6c: {  	_ =	shalt  }
0x6d: {  	_ =	shalt  }
0x6e: {  	_ =	shalt  }
0x6f: {  	_ =	shalt  }
0x70: {  	_ =	shalt  }
0x71: {  	_ =	shalt  }
0x72: {  	_ =	shalt  }
0x73: {  	_ =	shalt  }
0x74: {  	_ =	shalt  }
0x75: {  	_ =	shalt  }
0x76: {  	_ =	shalt  }
0x77: {  	_ =	shalt  }
0x78: {  	_ =	shalt  }
0x79: {  	_ =	shalt  }
0x7a: {  	_ =	shalt  }
0x7b: {  	_ =	shalt  }
0x7c: {  	_ =	shalt  }
0x7d: {  	_ =	shalt  }
0x7e: {  	_ =	shalt  }
0x7f: {  	_ =	shalt  }
0x80: {  	_ =	shalt  }
0x81: {  	_ =	shalt  }
0x82: {  	_ =	shalt  }
0x83: {  	_ =	shalt  }
0x84: {  	_ =	shalt  }
0x85: {  	_ =	shalt  }
0x86: {  	_ =	shalt  }
0x87: {  	_ =	shalt  }
.Lfunc_end0:
.L_simem_size_0:
called_computation_lowered:
.L_overlay_start_0:
0x88: {  	s2 =	sld [smem:$0x3FD9]  }
0x89: {  	s3 =	sld [smem:$0x3FFE];
	_ =	sdelay $0x1  }
0x8a: {  	s1 =	srdreg.scid  }
0x8b: {  	s0 =	sand.u32 $0x1, s1  }
0x8c: {  	s17 =	sshll.u32 s0, $0xA;
	s2 =	sadd.s32 s3, s2  }
0x8d: {  	s2 =	sadd.s32 s2, s17  }
0x8e: {  	[smem:$0x3FC3] =	sst s2  }
0x8f: {  	_ = 	snop  }
0x90: {  	s2 =	sld [smem:$0x3FC9]  }
0x91: {  	s18 =	sld [smem:$0x3FC7]  }
0x92: {  	s4 =	sld [smem:$0x3FD0];
	(tm) =	ssettm $0x1  }
0x93: {  	s5 =	sld [smem:$0x3FFB];
	_ =	sdelay $0x3  }
0x94: {  	_ =	strace s5  }
0x95: {  	s5 =	sld [smem:$0x3FFC];
	_ =	sdelay $0x3  }
0x96: {  	_ =	strace s5  }
0x97: {  	s5 =	sld [smem:$0x3FFD];
	_ =	sdelay $0x3  }
0x98: {  	_ =	strace s5  }
0x99: {  	_ =	strace $0x8FFFFFFF  }
0x9a: {  	s19 =	sld [smem:$0x3FDB];
	_ =	sdelay $0x1  }
0x9b: {  	s6 =	simm.s32 $_scs_section_size  }
0x9c: {  	s7 =	simm.s32 $_size__tile_overlayer_lowered;
	s8 =	simm.s32 $_tile_overlayer_lowered  }
0x9d: {  	s22 =	simm.s32 $0x1BFF;
	s21 =	sshll.u32 s8, $0x1;
	s5 =	sadd.s32 s6, s19  }
0x9e: {  	s9 =	simm.s32 $0x0;
	s20 =	sshll.u32 s7, $0x1;
	s7 =	sadd.s32 s21, s5  }
0x9f: {  	[timem:s9], [sflag:s22] =	dma.local [hbm:s7], s20  }
0xa0: {  	_ =	swait.ge [sflag:s22], s20  }
0xa1: {  	s6 =	ssub.s32 $0x0, s20;
	[sflag:s22] =	ssyncset.done $0x0  }
0xa2: {  	[sflag:s22] =	ssyncadd.s32 s6;
	_ =	sdelay $0x1  }
0xa3: {  	s23 =	simm.s32 $0x1B8B  }
0xa4: {  	_ =	swait.ge [sflag:s23], $0x1  }
0xa5: {  	[sflag:s23] =	ssyncset.done $0x0  }
0xa6: {  	s25 =	simm.s32 $0x1B8E;
	s24 =	sld [smem:$0x3FFE];
	[sflag:s23] =	ssyncadd.s32 $0xFFFFFFFF  }
0xa7: {  	s26 =	simm.s32 $execute0_lowered;
	[smem:$0x3FD2] =	sst s25  }
0xa8: {  	s7 =	sshll.u32 s26, $0x1;
	_ =	strace $0x80000046;
	[dreg:$0x1] =	wrdreg $0xFFFFFFFF  }
0xa9: {  	s28 =	simm.s32 $_size_execute0_lowered;
	s5 =	sadd.s32 s5, s7;
	[dreg:$0x0] =	wrdreg $0x0  }
0xaa: {  	s7 =	sshll.u32 s28, $0x1;
	[dreg:$0x2] =	wrdreg s5  }
0xab: {  	[dreg:$0x3] =	wrdreg s7  }
0xac: {  	[dreg:$0x4] =	wrdreg $0xC0  }
0xad: {  	_ =	task [dreg:s9], $0x5FFFF  }
0xae: {  	[dreg:$0x1] =	wrdreg $0xFFFFFFFF  }
0xaf: {  	[dreg:$0x0] =	wrdreg $0x60  }
0xb0: {  	[dreg:$0x2] =	wrdreg s2  }
0xb1: {  	[dreg:$0x3] =	wrdreg s24  }
0xb2: {  	[dreg:$0x4] =	wrdreg s18  }
0xb3: {  	[dreg:$0x5] =	wrdreg s4  }
0xb4: {  	[dreg:$0x6] =	wrdreg $0x9  }
0xb5: {  	_ =	task.clear_ibuf [dreg:s9], $0x7FFFF;
	_ =	strace $0x90000046  }
0xb6: {  	s29 =	simm.s32 $0x9;
	_ =	strace $0x80000048  }
0xb7: {  	_ =	swait.ge [sflag:s29], $0x1  }
0xb8: {  	[sflag:s29] =	ssyncadd.s32 $0xFFFFFFFF  }
0xb9: {  	_ =	strace $0x90000048  }
0xba: {  	_ =	sfence  }
0xbb: {  	s30 =	sld [smem:$0x0];
	_ =	sdelay $0x2  }
0xbc: {  	s31 =	sshll.u32 s1, $0xD;
	s1 =	sshrl.u32 s1, $0x2  }
0xbd: {  	s3 =	sand.u32 $0x4000, s31;
	s1 =	sadd.s32 s1, s30  }
0xbe: {  	s0 =	sor.u32 s3, s0;
	s1 =	sshll.u32 s1, $0x11  }
0xbf: {  	s0 =	sor.u32 s1, s0  }
0xc0: {  	s0 =	sadd.s32 $0x8F2B, s0  }
0xc1: {  	[sflag:s0] =	ssyncadd.remote.s32 $0x1  }
0xc2: {  	_ =	sfence.sel $0xFFFF  }
0xc3: {  	[dreg:$0x0] =	wrdreg $0xFFFFFFFF;
	(pc) =	sbr.abs _section_cstart, $3  }
0xc4: {  	[dreg:$0x1] =	wrdreg $0xFFFFFFFF  }
0xc5: {  	_ =	task.clear_ibuf [dreg:s9], $0x2FFFF;
	_ =	strace $0x9FFFFFFF  }
0xc6: {  	(tm) =	ssettm $0x7FFFFFFF  }
0xc7: {  	_ =	shalt  }
tec
execute0_lowered:
.L_overlay_start_1:
0x0: {  	(tag) =	ssettag $0x1  }
0x1: {  	s0 =	rddreg [dreg:$0x1]  }
0x2: {  	s2 =	rddreg [dreg:$0x3]  }
0x3: {  	s4 =	simm.s32 $0x0;
	s3 =	srdreg.scid;
	s1 =	stileid.u32  }
0x4: {  	[smem:$0x7FF] =	sst s4;
	s3 =	sand.u32 $0x1, s3;
	s26 =	sshll.u32 s1, $0x1  }
0x5: {  	s0 =	sadd.s32 $0x600, s0;
	s5 =	ssub.s32 $0x2, s3;
	s3 =	sor.u32 s3, s26  }
0x6: {  	s31 =	sadd.s32 $0x4B900, s2;
	_ =	strace $0x80000047;
	s4 =	smul.u32 $0x138, s3  }
0x7: {  	[smem:$0x7FA] =	sst s0;
	p0 =	seq.s32 s3, $0x1F;
	s3 =	smul.u32 $0x2700, s3  }
0x8: {  	s6 =	simm.s32 $0x148;
	v2 =	vimm.s32 $0x0;
	[smem:$0x7FC] =	sst s31;
	s7 =	sshrl.u32 s5, $0x1  }
0x9: {  	v3 =	vlaneseq.u32;
	v4 =	vimm.f32 $0.0e+00;
	vm0 =	vmmov $0xffff;
	s6 =	simm.s32 @!p0 $0x138;
	s28 =	ssub.s32 s5, s7;
	s30 =	sadd.s32 s2, s3  }
0xa: {  	v5 =	vand.u32 $0x7, v3;
	v6 =	vshrl.u32 v3, $0x3;
	v7 =	vor.u32 $0x8, v3;
	s29 =	sadd.s32 s4, s6;
	s0 =	smax.u32 s28, $0x1;
	[smem:$0x7FB] =	sst s30  }
0xb: {  	v6 =	vmul.u32 $0x8, v6;
	v0 =	vmov s4;
	s2 =	simm.s32 $0x0;
	[smem:$0x7FD] =	sst s0;
	v1 =	vmov s29  }
.LBB2_1:
0xc: {  	[tilespmem:$0x2800] =	vst v2  }
0xd: {  	[tilespmem:$0x2A00] =	vst v2  }
0xe: {  	[tilespmem:$0x2900] =	vst v4  }
0xf: {  	[tilespmem:$0x2810] =	vst v2  }
0x10: {  	[tilespmem:$0x2A10] =	vst v2  }
0x11: {  	[tilespmem:$0x2910] =	vst v4  }
0x12: {  	[tilespmem:$0x2820] =	vst v2  }
0x13: {  	[tilespmem:$0x2A20] =	vst v2  }
0x14: {  	[tilespmem:$0x2920] =	vst v4  }
0x15: {  	[tilespmem:$0x2830] =	vst v2  }
0x16: {  	[tilespmem:$0x2A30] =	vst v2  }
0x17: {  	[tilespmem:$0x2930] =	vst v4  }
0x18: {  	[tilespmem:$0x2880] =	vst v2  }
0x19: {  	[tilespmem:$0x2A80] =	vst v2  }
0x1a: {  	[tilespmem:$0x2980] =	vst v4  }
0x1b: {  	[tilespmem:$0x2890] =	vst v2  }
0x1c: {  	[tilespmem:$0x2A90] =	vst v2  }
0x1d: {  	[tilespmem:$0x2990] =	vst v4  }
0x1e: {  	[tilespmem:$0x28A0] =	vst v2  }
0x1f: {  	[tilespmem:$0x2AA0] =	vst v2  }
0x20: {  	[tilespmem:$0x29A0] =	vst v4  }
0x21: {  	[tilespmem:$0x28B0] =	vst v2;
	s1 =	simm.s32 $0x0  }
0x22: {  	[tilespmem:$0x2AB0] =	vst v2;
	s0 =	sand.u32 $0x1F800, s1;
	s31 =	sand.u32 $0x380, s1  }
0x23: {  	[tilespmem:$0x29B0] =	vst v4;
	s0 =	sor.u32 s31, s0  }
0x24: {  	[tilespmem:s0+$0xAF70] =	vst v4  }
0x25: {  	[tilespmem:s0+$0xAB00] =	vst v4  }
0x26: {  	[tilespmem:s0+$0xAB10] =	vst v4  }
0x27: {  	[tilespmem:s0+$0xAB20] =	vst v4  }
0x28: {  	[tilespmem:s0+$0xAB30] =	vst v4  }
0x29: {  	[tilespmem:s0+$0xAB40] =	vst v4  }
0x2a: {  	[tilespmem:s0+$0xAB50] =	vst v4  }
0x2b: {  	[tilespmem:s0+$0xAB60] =	vst v4  }
0x2c: {  	[tilespmem:s0+$0xAB70] =	vst v4  }
0x2d: {  	[tilespmem:s0+$0xAF00] =	vst v4  }
0x2e: {  	[tilespmem:s0+$0xAF10] =	vst v4  }
0x2f: {  	[tilespmem:s0+$0xAF20] =	vst v4  }
0x30: {  	[tilespmem:s0+$0xAF30] =	vst v4  }
0x31: {  	[smem:$0x7F9] =	sst s2;
	s3 =	simm.s32 $0x100;
	s2 =	simm.s32 $0x80;
	[tilespmem:s0+$0xAF40] =	vst v4  }
0x32: {  	s4 =	sand.u32 $0x1F800, s3;
	s5 =	sand.u32 $0x380, s2;
	s3 =	simm.s32 $0x200;
	[tilespmem:s0+$0xAF50] =	vst v4  }
.LBB2_2:
0x33: {  	p1 =	sne.s32 s3, $0x14700;
	[tilespmem:s0+$0xAF60] =	vst v4;
	s0 =	sor.u32 s5, s4  }
0x34: {  	[tilespmem:s0+$0xAF70] =	vst v4  }
0x35: {  	[tilespmem:s0+$0xAB00] =	vst v4  }
0x36: {  	[tilespmem:s0+$0xAB10] =	vst v4  }
0x37: {  	[tilespmem:s0+$0xAB20] =	vst v4  }
0x38: {  	[tilespmem:s0+$0xAB30] =	vst v4  }
0x39: {  	[tilespmem:s0+$0xAB40] =	vst v4  }
0x3a: {  	[tilespmem:s0+$0xAB50] =	vst v4  }
0x3b: {  	[tilespmem:s0+$0xAB60] =	vst v4  }
0x3c: {  	[tilespmem:s0+$0xAB70] =	vst v4  }
0x3d: {  	[tilespmem:s0+$0xAF00] =	vst v4  }
.Ltmp0:
0x3e: {  	[tilespmem:s0+$0xAF10] =	vst v4;
	(pc) =	sbr.rel @p1 .LBB2_2-.Ltmp0, $4  }
0x3f: {  	[tilespmem:s0+$0xAF20] =	vst v4  }
0x40: {  	[tilespmem:s0+$0xAF30] =	vst v4  }
0x41: {  	s2 =	sadd.s32 $0x80, s2;
	[tilespmem:s0+$0xAF40] =	vst v4  }
0x42: {  	s4 =	sand.u32 $0x1F800, s3;
	s3 =	sadd.s32 $0x100, s3;
	s5 =	sand.u32 $0x380, s2;
	[tilespmem:s0+$0xAF50] =	vst v4  }
0x43: {  	s2 =	sor.u32 s5, s4;
	[tilespmem:s0+$0xAF60] =	vst v4  }
0x44: {  	[tilespmem:s2+$0xAF70] =	vst v4  }
0x45: {  	[tilespmem:s2+$0xAB00] =	vst v4  }
0x46: {  	[tilespmem:s2+$0xAB10] =	vst v4  }
0x47: {  	[tilespmem:s2+$0xAB20] =	vst v4  }
0x48: {  	[tilespmem:s2+$0xAB30] =	vst v4  }
0x49: {  	[tilespmem:s2+$0xAB40] =	vst v4  }
0x4a: {  	[tilespmem:s2+$0xAB50] =	vst v4  }
0x4b: {  	[tilespmem:s2+$0xAB60] =	vst v4  }
0x4c: {  	[tilespmem:s2+$0xAB70] =	vst v4  }
0x4d: {  	[tilespmem:s2+$0xAF00] =	vst v4  }
0x4e: {  	[tilespmem:s2+$0xAF10] =	vst v4  }
0x4f: {  	[tilespmem:s2+$0xAF20] =	vst v4  }
0x50: {  	[tilespmem:s2+$0xAF30] =	vst v4  }
0x51: {  	[tilespmem:s2+$0xAF40] =	vst v4  }
0x52: {  	[tilespmem:s2+$0xAF50] =	vst v4  }
0x53: {  	[tilespmem:s2+$0xAF60] =	vst v4  }
0x54: {  	v8 =	vld [tilespmem:$0x2800];
	_ =	sdelay $0x4  }
0x55: {  	v9 =	vshll.u32 v8, $0x1  }
0x56: {  	v8 =	vand.u32 $0x7, v8;
	v9 =	vand.u32 $0xFFFFFFF0, v9  }
0x57: {  	v8 =	vor.u32 v8, v9  }
0x58: {  	v9 =	vperm.xlane v8, v5;
	_ =	sdelay $0x1  }
0x59: {  	v8 =	vperm.xlane v8, v7;
	v9 =	vadd.s32 v6, v9;
	_ =	sdelay $0x1  }
0x5a: {  	v8 =	vadd.s32 v6, v8;
	_ =	sdelay $0x1  }
0x5b: {  	s8 =	simm.s32 $0x0;
	s20 =	rddreg [dreg:$0x0];
	s1 =	simm.s32 $0x2B00  }
0x5c: {  	[tilespmem:s1], [sflag:$0x1] =	stream.indirect_vreg.gather [hbm4b:s20+s8], $0x80, v9, vm0, $0xb8;
	[tilespmem:$0x1F300] =	vst v63  }
0x5d: {  	s21 =	simm.s32 $0x3300  }
0x5e: {  	[tilespmem:s21], [sflag:$0x1] =	stream.indirect_vreg.gather [hbm4b:s20+s8], $0x80, v8, vm0, $0xb8;
	[tilespmem:$0x1F300] =	vst v63  }
0x5f: {  	v8 =	vld [tilespmem:$0x2810];
	_ =	sdelay $0x4  }
0x60: {  	v61 =	vshll.u32 v8, $0x1  }
0x61: {  	v8 =	vand.u32 $0x7, v8;
	v9 =	vand.u32 $0xFFFFFFF0, v61  }
0x62: {  	v8 =	vor.u32 v8, v9  }
0x63: {  	v9 =	vperm.xlane v8, v5;
	_ =	sdelay $0x1  }
0x64: {  	v8 =	vperm.xlane v8, v7;
	v9 =	vadd.s32 v6, v9;
	_ =	sdelay $0x1  }
0x65: {  	v8 =	vadd.s32 v6, v8;
	_ =	sdelay $0x1  }
0x66: {  	s22 =	simm.s32 $0x3B00  }
0x67: {  	[tilespmem:s22], [sflag:$0x1] =	stream.indirect_vreg.gather [hbm4b:s20+s8], $0x80, v9, vm0, $0xb8;
	[tilespmem:$0x1F300] =	vst v63  }
0x68: {  	s23 =	simm.s32 $0x4300  }
0x69: {  	[tilespmem:s23], [sflag:$0x1] =	stream.indirect_vreg.gather [hbm4b:s20+s8], $0x80, v8, vm0, $0xb8;
	[tilespmem:$0x1F300] =	vst v63  }
0x6a: {  	v8 =	vld [tilespmem:$0x2820];
	_ =	sdelay $0x4  }
0x6b: {  	v62 =	vshll.u32 v8, $0x1  }
0x6c: {  	v8 =	vand.u32 $0x7, v8;
	v9 =	vand.u32 $0xFFFFFFF0, v62  }
0x6d: {  	v8 =	vor.u32 v8, v9  }
0x6e: {  	v9 =	vperm.xlane v8, v5;
	_ =	sdelay $0x1  }
0x6f: {  	v8 =	vperm.xlane v8, v7;
	v9 =	vadd.s32 v6, v9;
	_ =	sdelay $0x1  }
0x70: {  	v8 =	vadd.s32 v6, v8;
	_ =	sdelay $0x1  }
0x71: {  	s24 =	simm.s32 $0x4B00  }
0x72: {  	[tilespmem:s24], [sflag:$0x1] =	stream.indirect_vreg.gather [hbm4b:s20+s8], $0x80, v9, vm0, $0xb8;
	[tilespmem:$0x1F300] =	vst v63  }
0x73: {  	s25 =	simm.s32 $0x5300  }
0x74: {  	[tilespmem:s25], [sflag:$0x1] =	stream.indirect_vreg.gather [hbm4b:s20+s8], $0x80, v8, vm0, $0xb8;
	[tilespmem:$0x1F300] =	vst v63  }
0x75: {  	v8 =	vld [tilespmem:$0x2830];
	_ =	sdelay $0x4  }
0x76: {  	v63 =	vshll.u32 v8, $0x1  }
0x77: {  	v8 =	vand.u32 $0x7, v8;
	v9 =	vand.u32 $0xFFFFFFF0, v63  }
0x78: {  	v8 =	vor.u32 v8, v9  }
0x79: {  	v9 =	vperm.xlane v8, v5;
	_ =	sdelay $0x1  }
0x7a: {  	v8 =	vperm.xlane v8, v7;
	v9 =	vadd.s32 v6, v9;
	_ =	sdelay $0x1  }
0x7b: {  	v8 =	vadd.s32 v6, v8;
	_ =	sdelay $0x1  }
0x7c: {  	s26 =	simm.s32 $0x5B00  }
0x7d: {  	[tilespmem:s26], [sflag:$0x1] =	stream.indirect_vreg.gather [hbm4b:s20+s8], $0x80, v9, vm0, $0xb8;
	[tilespmem:$0x1F300] =	vst v63  }
0x7e: {  	s28 =	simm.s32 $0x6300;
	s29 =	sld [smem:$0x7FA]  }
0x7f: {  	[tilespmem:s28], [sflag:$0x1] =	stream.indirect_vreg.gather [hbm4b:s20+s8], $0x80, v8, vm0, $0xb8;
	[tilespmem:$0x1F300] =	vst v63  }
.Ltmp1:
0x80: {  	_ = 	snop;
	(pc) =	sbr.rel .LBB2_4-.Ltmp1, $4  }
0x81: {  	s30 =	rddreg [dreg:$0x2]  }
0x82: {  	[tilespmem:s8], [sflag:$0x2] =	stream.linear.gather [hbm4b:s29+s8], $0x640, $0x38;
	[tilespmem:$0x1F300] =	vst v63  }
0x83: {  	s31 =	simm.s32 $0x680;
	s0 =	simm.s32 $0x0;
	s2 =	simm.s32 $0x0  }
0x84: {  	[tilespmem:s31], [sflag:$0x2] =	stream.linear.gather [hbm4b:s30+s8], $0x640, $0x38;
	[tilespmem:$0x1F300] =	vst v63  }
.LBB2_17:
0x85: {  	s0 =	smov.u32 s1  }
.LBB2_24:
0x86: {  	s2 =	sld [smem:$0x7F4];
	_ =	sdelay $0x2  }
0x87: {  	p1 =	sne.s32 s2, $0x32  }
.Ltmp2:
0x88: {  	_ = 	snop;
	(pc) =	sbr.rel @!p1 .LBB2_25-.Ltmp2, $1  }
0x89: {  	_ =	sdelay $0x3  }
.LBB2_4:
0x8a: {  	s1 =	simm.s32 $0x2  }
0x8b: {  	_ =	swait.ge [sflag:s1], $0x640  }
0x8c: {  	[sflag:s1] =	ssyncset.done $0x0  }
0x8d: {  	[smem:$0x7F7] =	sst s2;
	[sflag:s1] =	ssyncadd.s32 $0xFFFFF9C0  }
0x8e: {  	s20 =	smul.u32 $0xC80, s2;
	_ =	swait.ge [sflag:s1], $0x640  }
0x8f: {  	s21 =	sld [smem:$0x7FA]  }
0x90: {  	s4 =	simm.s32 $0x0;
	s2 =	sshrl.u32 s20, $0x3;
	[sflag:s1] =	ssyncset.done $0x0  }
0x91: {  	s22 =	simm.s32 $0xD00;
	s2 =	sadd.s32 $0xC8, s2;
	[sflag:s1] =	ssyncadd.s32 $0xFFFFF9C0  }
0x92: {  	s24 =	simm.s32 $0x1380;
	s23 =	rddreg [dreg:$0x2];
	s3 =	sadd.s32 s21, s2  }
0x93: {  	[tilespmem:s22], [sflag:$0x3] =	stream.linear.gather [hbm4b:s3+s4], $0x640, $0x38;
	[tilespmem:$0x1F300] =	vst v63  }
0x94: {  	s26 =	simm.s32 $0x20;
	[smem:$0x7F8] =	sst s20;
	s2 =	sadd.s32 s23, s2  }
0x95: {  	[tilespmem:s24], [sflag:$0x3] =	stream.linear.gather [hbm4b:s2+s4], $0x640, $0x38;
	[tilespmem:$0x1F300] =	vst v63  }
0x96: {  	v8 =	vld [tilespmem:s26+$0x10]  }
0x97: {  	v9 =	vld [tilespmem:s26+$0x0]  }
0x98: {  	v10 =	vld [tilespmem:s26+$0xFFFFFFF0]  }
0x99: {  	v11 =	vld [tilespmem:s26+$0xFFFFFFE0];
	_ =	sdelay $0x3  }
0x9a: {  	v12 =	vand.u32 $0x3FFF, v8;
	v13 =	vand.u32 $0x3FFF, v9;
	v14 =	vand.u32 $0x3FFF, v10  }
0x9b: {  	v9 =	vshrl.u32 v9, $0xE;
	v8 =	vshrl.u32 v8, $0xE;
	v15 =	vshrl.u32 v11, $0xE  }
0x9c: {  	v10 =	vshrl.u32 v10, $0xE;
	v11 =	vand.u32 $0x3FFF, v11;
	vm1 =	vge.u32 v15, v0  }
0x9d: {  	vm2 =	vlt.u32 v15, v1;
	vm5 =	vge.u32 v8, v0;
	vm4 =	vge.u32 v9, v0  }
0x9e: {  	vm3 =	vmand vm1, vm2;
	vm1 =	vge.u32 v10, v0;
	vm2 =	vlt.u32 v10, v1  }
0x9f: {  	vm6 =	vlt.u32 v9, v1;
	v16 =	vmpcnt.ones.xlane vm3;
	vm2 =	vmand vm1, vm2  }
0xa0: {  	v15 =	vsub.s32 v15, v0;
	vm4 =	vmand vm4, vm6;
	v17 =	vmpcnt.ones.xlane vm2  }
0xa1: {  	v9 =	vsub.s32 v9, v0;
	v18 =	vmpcnt.ones.xlane vm4;
	(v2sf) =	vpush v16, $0x0  }
0xa2: {  	s28 =	simm.s32 $0x60;
	v10 =	vsub.s32 v10, v0;
	vm1 =	vlt.u32 v8, v1;
	(v2sf) =	vpush v17, $0x0  }
0xa3: {  	v15 =	vshll.u32 v15, $0xE;
	vm8 =	vmand vm5, vm1;
	v16 =	vld [tilespmem:s28+$0x10];
	(v2sf) =	vpush v18, $0x0  }
0xa4: {  	v9 =	vshll.u32 v9, $0xE;
	v8 =	vsub.s32 v8, v0;
	v19 =	vmpcnt.ones.xlane vm8;
	v17 =	vld [tilespmem:s28+$0x0]  }
0xa5: {  	v10 =	vshll.u32 v10, $0xE;
	v9 =	vor.u32 v13, v9;
	v11 =	vor.u32 v11, v15;
	v18 =	vld [tilespmem:s28+$0xFFFFFFF0]  }
0xa6: {  	vm6 =	vmmov vm3;
	v8 =	vshll.u32 v8, $0xE;
	(v2sf) =	vpush v19, $0x0;
	v19 =	vld [tilespmem:s28+$0xFFFFFFE0]  }
0xa7: {  	v20 =	vor.u32 v14, v10;
	vm2 =	vmmov vm2;
	v8 =	vor.u32 v12, v8  }
0xa8: {  	vm8 =	vmmov vm8;
	v10 =	vand.u32 $0x3FFF, v16;
	v15 =	vshrl.u32 v16, $0xE  }
0xa9: {  	v14 =	vand.u32 $0x3FFF, v17;
	v13 =	vshrl.u32 v17, $0xE;
	vm9 =	vge.u32 v15, v0  }
0xaa: {  	[tilespmem:s0+$0x1A00] =	vst.msk vm3, v11;
	vm3 =	vlt.u32 v15, v1;
	v15 =	vsub.s32 v15, v0;
	v12 =	vand.u32 $0x3FFF, v18  }
0xab: {  	v17 =	vshrl.u32 v18, $0xE;
	vm10 =	vge.u32 v13, v0;
	v16 =	vshrl.u32 v19, $0xE  }
0xac: {  	s25 =	simm.s32 $0x6A0;
	vm11 =	vlt.u32 v13, v1;
	vm1 =	vge.u32 v16, v0;
	vm5 =	vlt.u32 v16, v1  }
0xad: {  	v21 =	vld [tilespmem:s25+$0xFFFFFFE0];
	vm7 =	vmand vm1, vm5;
	vm1 =	vge.u32 v17, v0;
	vm5 =	vlt.u32 v17, v1  }
0xae: {  	s2 =	simm.s32 $0xA0;
	vm3 =	vmand vm9, vm3;
	v18 =	vmpcnt.ones.xlane vm7;
	vm1 =	vmand vm1, vm5  }
0xaf: {  	v24 =	vld [tilespmem:s2+$0xFFFFFFF0];
	vm5 =	vmmov vm4;
	vm4 =	vmand vm10, vm11;
	v11 =	vmpcnt.ones.xlane vm1  }
0xb0: {  	v23 =	vsub.s32 v13, v0;
	v22 =	vmpcnt.ones.xlane vm4;
	(v2sf) =	vpush v18, $0x0;
	v18 =	vld [tilespmem:s2+$0x10];
	s29 =	spop (v2sf)  }
0xb1: {  	v13 =	vld [tilespmem:s2+$0xFFFFFFE0];
	v15 =	vshll.u32 v15, $0xE;
	(v2sf) =	vpush v11, $0x0;
	v11 =	vmpcnt.ones.xlane vm3;
	s3 =	sadd.s32 s0, s29;
	s5 =	spop (v2sf)  }
0xb2: {  	[tilespmem:s0+$0x2100] =	vst.msk vm6, v21;
	v16 =	vsub.s32 v16, v0;
	v17 =	vsub.s32 v17, v0;
	(v2sf) =	vpush v22, $0x0;
	v22 =	vld [tilespmem:s2+$0x0];
	s6 =	sadd.s32 s3, s5;
	s30 =	spop (v2sf)  }
0xb3: {  	(v2sf) =	vpush v11, $0x0;
	v11 =	vshll.u32 v16, $0xE;
	v16 =	vshll.u32 v23, $0xE;
	[tilespmem:s6+$0x1A00] =	vst.msk vm5, v9;
	s7 =	sadd.s32 s6, s30  }
0xb4: {  	vm6 =	vmmov vm7;
	v14 =	vor.u32 v14, v16;
	v9 =	vshll.u32 v17, $0xE;
	v23 =	vld [tilespmem:s25+$0x0];
	[tilespmem:s7+$0x1A00] =	vst.msk vm8, v8  }
0xb5: {  	[tilespmem:s3+$0x1A00] =	vst.msk vm2, v20;
	v17 =	vand.u32 $0x3FFF, v19;
	s31 =	spop (v2sf);
	v12 =	vor.u32 v12, v9;
	v8 =	vand.u32 $0x3FFF, v18;
	v25 =	vld [tilespmem:s25+$0x10]  }
0xb6: {  	v19 =	vld [tilespmem:s25+$0xFFFFFFF0];
	v17 =	vor.u32 v17, v11;
	v11 =	vor.u32 v10, v15;
	s5 =	sadd.s32 s7, s31;
	v9 =	vand.u32 $0x3FFF, v24  }
0xb7: {  	s0 =	simm.s32 $0x6E0;
	v15 =	vshrl.u32 v18, $0xE;
	v18 =	vshrl.u32 v13, $0xE;
	v10 =	vand.u32 $0x3FFF, v22;
	[tilespmem:s5+$0x1A00] =	vst.msk vm7, v17  }
0xb8: {  	v16 =	vshrl.u32 v22, $0xE;
	v17 =	vshrl.u32 v24, $0xE;
	vm9 =	vge.u32 v15, v0;
	v20 =	vld [tilespmem:s0+$0xFFFFFFE0]  }
0xb9: {  	vm7 =	vge.u32 v18, v0;
	vm11 =	vlt.u32 v18, v1;
	vm10 =	vge.u32 v16, v0;
	[tilespmem:s6+$0x2100] =	vst.msk vm5, v23  }
0xba: {  	s4 =	simm.s32 $0x8;
	vm12 =	vlt.u32 v17, v1;
	vm5 =	vmand vm7, vm11;
	vm11 =	vge.u32 v17, v0;
	[tilespmem:s7+$0x2100] =	vst.msk vm8, v25  }
.LBB2_5:
0xbb: {  	v21 =	vmpcnt.ones.xlane vm5;
	vm13 =	vlt.u32 v16, v1;
	[tilespmem:s3+$0x2100] =	vst.msk vm2, v19;
	vm2 =	vmmov vm1  }
0xbc: {  	s4 =	sadd.s32 $0x4, s4;
	vm1 =	vmand vm11, vm12;
	vm8 =	vmmov vm4;
	vm7 =	vmmov vm3  }
0xbd: {  	vm3 =	vlt.u32 v15, v1;
	p1 =	slt.u32 s4, $0x60;
	v19 =	vmpcnt.ones.xlane vm1;
	vm4 =	vmand vm10, vm13;
	[tilespmem:s5+$0x2100] =	vst.msk vm6, v20  }
0xbe: {  	s2 =	sadd.s32 $0x40, s2;
	vm3 =	vmand vm9, vm3;
	v20 =	vmpcnt.ones.xlane vm4;
	(v2sf) =	vpush v21, $0x0  }
0xbf: {  	v18 =	vsub.s32 v18, v0;
	v22 =	vmpcnt.ones.xlane vm3;
	v21 =	vld [tilespmem:s2+$0x10];
	(v2sf) =	vpush v19, $0x0;
	s3 =	spop (v2sf)  }
0xc0: {  	v17 =	vsub.s32 v17, v0;
	v16 =	vsub.s32 v16, v0;
	v23 =	vld [tilespmem:s2+$0x0];
	(v2sf) =	vpush v20, $0x0;
	s3 =	sadd.s32 s5, s3;
	s5 =	spop (v2sf)  }
0xc1: {  	v15 =	vsub.s32 v15, v0;
	v18 =	vshll.u32 v18, $0xE;
	v24 =	vld [tilespmem:s2+$0xFFFFFFF0];
	(v2sf) =	vpush v22, $0x0;
	[tilespmem:s3+$0x1A00] =	vst.msk vm2, v12;
	s6 =	sadd.s32 s3, s5;
	s5 =	spop (v2sf)  }
0xc2: {  	v16 =	vshll.u32 v16, $0xE;
	v15 =	vshll.u32 v15, $0xE;
	v12 =	vshll.u32 v17, $0xE;
	v22 =	vld [tilespmem:s2+$0xFFFFFFE0];
	[tilespmem:s6+$0x1A00] =	vst.msk vm8, v14;
	s7 =	sadd.s32 s6, s5;
	s5 =	spop (v2sf)  }
0xc3: {  	v13 =	vand.u32 $0x3FFF, v13;
	v12 =	vor.u32 v9, v12;
	v14 =	vor.u32 v10, v16;
	v25 =	vld [tilespmem:s0+$0x0];
	[tilespmem:s7+$0x1A00] =	vst.msk vm7, v11;
	s5 =	sadd.s32 s7, s5  }
0xc4: {  	v9 =	vor.u32 v13, v18;
	v11 =	vor.u32 v8, v15;
	v8 =	vand.u32 $0x3FFF, v21;
	v26 =	vld [tilespmem:s0+$0x10]  }
.Ltmp3:
0xc5: {  	vm6 =	vmmov vm5;
	v10 =	vand.u32 $0x3FFF, v23;
	[tilespmem:s5+$0x1A00] =	vst.msk vm5, v9;
	v19 =	vld [tilespmem:s0+$0xFFFFFFF0];
	s0 =	sadd.s32 $0x40, s0;
	(pc) =	sbr.rel @p1 .LBB2_5-.Ltmp3, $4  }
0xc6: {  	v15 =	vshrl.u32 v21, $0xE;
	v16 =	vshrl.u32 v23, $0xE;
	v9 =	vand.u32 $0x3FFF, v24;
	v20 =	vld [tilespmem:s0+$0xFFFFFFE0]  }
0xc7: {  	vm9 =	vge.u32 v15, v0;
	v17 =	vshrl.u32 v24, $0xE;
	v18 =	vshrl.u32 v22, $0xE;
	v13 =	vmovc v22  }
0xc8: {  	vm10 =	vge.u32 v16, v0;
	vm5 =	vge.u32 v18, v0;
	vm11 =	vlt.u32 v18, v1;
	[tilespmem:s6+$0x2100] =	vst.msk vm8, v25  }
0xc9: {  	vm12 =	vlt.u32 v17, v1;
	vm5 =	vmand vm5, vm11;
	vm11 =	vge.u32 v17, v0;
	[tilespmem:s7+$0x2100] =	vst.msk vm7, v26  }
0xca: {  	v21 =	vmpcnt.ones.xlane vm5;
	vm7 =	vmand vm11, vm12;
	vm8 =	vlt.u32 v16, v1  }
0xcb: {  	vm8 =	vmand vm10, vm8;
	v22 =	vmpcnt.ones.xlane vm7  }
0xcc: {  	vm13 =	vlt.u32 v15, v1;
	(v2sf) =	vpush v21, $0x0;
	v53 =	vmpcnt.ones.xlane vm8  }
0xcd: {  	vm9 =	vmand vm9, vm13;
	(v2sf) =	vpush v22, $0x0  }
0xce: {  	v54 =	vmpcnt.ones.xlane vm9;
	(v2sf) =	vpush v53, $0x0;
	_ =	sdelay $0x1  }
0xcf: {  	s2 =	spop (v2sf);
	(v2sf) =	vpush v54, $0x0;
	_ =	sdelay $0x4  }
0xd0: {  	vm1 =	vmmov vm1;
	s2 =	sadd.s32 s5, s2  }
0xd1: {  	[tilespmem:s2+$0x1A00] =	vst.msk vm1, v12  }
0xd2: {  	[tilespmem:s3+$0x2100] =	vst.msk vm2, v19;
	s4 =	spop (v2sf);
	v62 =	vld [tilespmem:s0+$0xFFFFFFF0]  }
0xd3: {  	vm4 =	vmmov vm4;
	v18 =	vsub.s32 v18, v0;
	[tilespmem:s5+$0x2100] =	vst.msk vm6, v20;
	s4 =	sadd.s32 s2, s4;
	s24 =	spop (v2sf)  }
0xd4: {  	vm2 =	vmmov vm3;
	v55 =	vand.u32 $0x3FFF, v13;
	v18 =	vshll.u32 v18, $0xE;
	[tilespmem:s4+$0x1A00] =	vst.msk vm4, v14;
	s3 =	sadd.s32 s4, s24;
	s25 =	spop (v2sf)  }
0xd5: {  	v58 =	vsub.s32 v17, v0;
	v57 =	vor.u32 v55, v18;
	[tilespmem:s3+$0x1A00] =	vst.msk vm2, v11;
	s5 =	sadd.s32 s3, s25  }
0xd6: {  	v56 =	vsub.s32 v16, v0;
	v59 =	vsub.s32 v15, v0;
	v12 =	vshll.u32 v58, $0xE;
	v14 =	vld [tilespmem:s0+$0x0];
	[tilespmem:s5+$0x1A00] =	vst.msk vm5, v57;
	s6 =	spop (v2sf)  }
0xd7: {  	s26 =	sadd.s32 $0x40, s0;
	v13 =	vshll.u32 v56, $0xE;
	vm15 =	vmmov vm7;
	v9 =	vor.u32 v9, v12;
	v60 =	vld [tilespmem:s0+$0x10];
	[tilespmem:s2+$0x2100] =	vst.msk vm1, v62;
	s6 =	sadd.s32 s5, s6;
	s7 =	spop (v2sf)  }
0xd8: {  	v61 =	vshll.u32 v59, $0xE;
	v10 =	vor.u32 v10, v13;
	vm3 =	vmmov vm8;
	v63 =	vld [tilespmem:s26+$0xFFFFFFE0];
	s29 =	sadd.s32 s6, s7;
	s30 =	spop (v2sf);
	[tilespmem:s6+$0x1A00] =	vst.msk vm15, v9  }
0xd9: {  	v8 =	vor.u32 v8, v61;
	vm14 =	vmmov vm9;
	[tilespmem:s29+$0x1A00] =	vst.msk vm3, v10;
	s7 =	sadd.s32 s29, s30;
	v9 =	vld [tilespmem:s26+$0xFFFFFFF0]  }
0xda: {  	s31 =	spop (v2sf);
	v10 =	vld [tilespmem:s26+$0x0];
	[tilespmem:s7+$0x1A00] =	vst.msk vm14, v8  }
0xdb: {  	[tilespmem:s4+$0x2100] =	vst.msk vm4, v14;
	s1 =	sadd.s32 s7, s31;
	v8 =	vld [tilespmem:s26+$0x10]  }
0xdc: {  	[tilespmem:s3+$0x2100] =	vst.msk vm2, v60;
	vm2 =	vmmov vm5;
	p1 =	sgt.s32 s1, $0x3F  }
.Ltmp4:
0xdd: {  	[tilespmem:s5+$0x2100] =	vst.msk vm2, v63;
	(pc) =	sbr.rel @!p1 .LBB2_7-.Ltmp4, $4  }
0xde: {  	[tilespmem:s6+$0x2100] =	vst.msk vm15, v9  }
0xdf: {  	[tilespmem:s29+$0x2100] =	vst.msk vm3, v10  }
0xe0: {  	[tilespmem:s7+$0x2100] =	vst.msk vm14, v8  }
0xe1: {  	s28 =	simm.s32 $0x0;
	[smem:$0x7F6] =	sst s1  }
.LBB2_8:
0xe2: {  	v8 =	vld [tilespmem:s28+$0x1A00];
	_ =	sdelay $0x2  }
0xe3: {  	s12 =	sxor.u32 $0x1, s8  }
0xe4: {  	s2 =	sshll.u32 s12, $0x7  }
0xe5: {  	s3 =	sor.u32 $0x2800, s2;
	v9 =	vand.u32 $0x3FFF, v8  }
0xe6: {  	s4 =	sor.u32 $0x2A00, s2;
	v8 =	vshrl.u32 v8, $0xE;
	[tilespmem:s3+$0x0] =	vst v9  }
0xe7: {  	[tilespmem:s4+$0x0] =	vst v8  }
0xe8: {  	v8 =	vld [tilespmem:s28+$0x2100];
	_ =	sdelay $0x3  }
0xe9: {  	s13 =	sor.u32 $0x2900, s2  }
0xea: {  	[tilespmem:s13+$0x0] =	vst v8  }
0xeb: {  	v8 =	vld [tilespmem:s28+$0x1A10];
	_ =	sdelay $0x4  }
0xec: {  	s14 =	sor.u32 $0x2810, s2;
	v9 =	vand.u32 $0x3FFF, v8  }
0xed: {  	s5 =	sor.u32 $0x2A10, s2;
	v8 =	vshrl.u32 v8, $0xE;
	[tilespmem:s14+$0x0] =	vst v9  }
0xee: {  	[tilespmem:s5+$0x0] =	vst v8  }
0xef: {  	v8 =	vld [tilespmem:s28+$0x2110];
	_ =	sdelay $0x3  }
0xf0: {  	s15 =	sor.u32 $0x2910, s2  }
0xf1: {  	[tilespmem:s15+$0x0] =	vst v8  }
0xf2: {  	v8 =	vld [tilespmem:s28+$0x1A20];
	_ =	sdelay $0x4  }
0xf3: {  	s16 =	sor.u32 $0x2820, s2;
	v9 =	vand.u32 $0x3FFF, v8  }
0xf4: {  	s6 =	sor.u32 $0x2A20, s2;
	v8 =	vshrl.u32 v8, $0xE;
	[tilespmem:s16+$0x0] =	vst v9  }
0xf5: {  	[tilespmem:s6+$0x0] =	vst v8  }
0xf6: {  	v8 =	vld [tilespmem:s28+$0x2120];
	_ =	sdelay $0x3  }
0xf7: {  	s17 =	sor.u32 $0x2920, s2  }
0xf8: {  	[tilespmem:s17+$0x0] =	vst v8  }
0xf9: {  	v8 =	vld [tilespmem:s28+$0x1A30];
	_ =	sdelay $0x4  }
0xfa: {  	s18 =	sor.u32 $0x2830, s2;
	v9 =	vand.u32 $0x3FFF, v8  }
0xfb: {  	s7 =	sor.u32 $0x2A30, s2;
	v8 =	vshrl.u32 v8, $0xE;
	[tilespmem:s18+$0x0] =	vst v9  }
0xfc: {  	[tilespmem:s7+$0x0] =	vst v8  }
0xfd: {  	v8 =	vld [tilespmem:s28+$0x2130];
	_ =	sdelay $0x3  }
0xfe: {  	s2 =	sor.u32 $0x2930, s2  }
0xff: {  	s1 =	simm.s32 $0x1;
	[tilespmem:s2+$0x0] =	vst v8  }
0x100: {  	_ =	swait.ge [sflag:s1], $0x4000  }
0x101: {  	[sflag:s1] =	ssyncset.done $0x0  }
0x102: {  	[sflag:s1] =	ssyncadd.s32 $0xFFFFC000  }
0x103: {  	v8 =	vld [tilespmem:s3+$0x0];
	_ =	sdelay $0x4  }
0x104: {  	v9 =	vshll.u32 v8, $0x1  }
0x105: {  	v8 =	vand.u32 $0x7, v8;
	v9 =	vand.u32 $0xFFFFFFF0, v9  }
0x106: {  	v8 =	vor.u32 v8, v9  }
0x107: {  	v9 =	vperm.xlane v8, v5;
	_ =	sdelay $0x1  }
0x108: {  	v8 =	vperm.xlane v8, v7;
	v9 =	vadd.s32 v6, v9;
	_ =	sdelay $0x1  }
0x109: {  	v8 =	vadd.s32 v6, v8  }
0x10a: {  	s19 =	sshll.u32 s12, $0xE  }
0x10b: {  	s21 =	simm.s32 $0x0;
	s20 =	sor.u32 $0x2B00, s19;
	s1 =	rddreg [dreg:$0x0]  }
0x10c: {  	[tilespmem:s20], [sflag:$0x1] =	stream.indirect_vreg.gather [hbm4b:s1+s21], $0x80, v9, vm0, $0xb8;
	[tilespmem:$0x1F300] =	vst v63  }
0x10d: {  	s22 =	sor.u32 $0x3300, s19  }
0x10e: {  	[tilespmem:s22], [sflag:$0x1] =	stream.indirect_vreg.gather [hbm4b:s1+s21], $0x80, v8, vm0, $0xb8;
	[tilespmem:$0x1F300] =	vst v63  }
0x10f: {  	v8 =	vld [tilespmem:s14+$0x0];
	_ =	sdelay $0x4  }
0x110: {  	v9 =	vshll.u32 v8, $0x1  }
0x111: {  	v8 =	vand.u32 $0x7, v8;
	v9 =	vand.u32 $0xFFFFFFF0, v9  }
0x112: {  	v8 =	vor.u32 v8, v9  }
0x113: {  	v9 =	vperm.xlane v8, v5;
	_ =	sdelay $0x1  }
0x114: {  	v8 =	vperm.xlane v8, v7;
	v9 =	vadd.s32 v6, v9;
	_ =	sdelay $0x1  }
0x115: {  	v8 =	vadd.s32 v6, v8;
	_ =	sdelay $0x1  }
0x116: {  	s23 =	sor.u32 $0x3B00, s19  }
0x117: {  	[tilespmem:s23], [sflag:$0x1] =	stream.indirect_vreg.gather [hbm4b:s1+s21], $0x80, v9, vm0, $0xb8;
	[tilespmem:$0x1F300] =	vst v63  }
0x118: {  	s24 =	sadd.s32 $0x4300, s19  }
0x119: {  	[tilespmem:s24], [sflag:$0x1] =	stream.indirect_vreg.gather [hbm4b:s1+s21], $0x80, v8, vm0, $0xb8;
	[tilespmem:$0x1F300] =	vst v63  }
0x11a: {  	v8 =	vld [tilespmem:s16+$0x0];
	_ =	sdelay $0x4  }
0x11b: {  	v9 =	vshll.u32 v8, $0x1  }
0x11c: {  	v8 =	vand.u32 $0x7, v8;
	v9 =	vand.u32 $0xFFFFFFF0, v9  }
0x11d: {  	v8 =	vor.u32 v8, v9  }
0x11e: {  	v9 =	vperm.xlane v8, v5;
	_ =	sdelay $0x1  }
0x11f: {  	v8 =	vperm.xlane v8, v7;
	v9 =	vadd.s32 v6, v9;
	_ =	sdelay $0x1  }
0x120: {  	v8 =	vadd.s32 v6, v8;
	_ =	sdelay $0x1  }
0x121: {  	s25 =	sadd.s32 $0x4B00, s19  }
0x122: {  	[tilespmem:s25], [sflag:$0x1] =	stream.indirect_vreg.gather [hbm4b:s1+s21], $0x80, v9, vm0, $0xb8;
	[tilespmem:$0x1F300] =	vst v63  }
0x123: {  	s26 =	sadd.s32 $0x5300, s19  }
0x124: {  	[tilespmem:s26], [sflag:$0x1] =	stream.indirect_vreg.gather [hbm4b:s1+s21], $0x80, v8, vm0, $0xb8;
	[tilespmem:$0x1F300] =	vst v63  }
0x125: {  	v8 =	vld [tilespmem:s18+$0x0];
	_ =	sdelay $0x4  }
0x126: {  	v9 =	vshll.u32 v8, $0x1  }
0x127: {  	v8 =	vand.u32 $0x7, v8;
	v9 =	vand.u32 $0xFFFFFFF0, v9  }
0x128: {  	v8 =	vor.u32 v8, v9  }
0x129: {  	v9 =	vperm.xlane v8, v5;
	_ =	sdelay $0x1  }
0x12a: {  	v8 =	vperm.xlane v8, v7;
	v9 =	vadd.s32 v6, v9;
	_ =	sdelay $0x1  }
0x12b: {  	v8 =	vadd.s32 v6, v8;
	_ =	sdelay $0x1  }
0x12c: {  	s0 =	smov.u32 s8;
	s29 =	sadd.s32 $0x5B00, s19  }
0x12d: {  	[tilespmem:s29], [sflag:$0x1] =	stream.indirect_vreg.gather [hbm4b:s1+s21], $0x80, v9, vm0, $0xb8;
	[tilespmem:$0x1F300] =	vst v63  }
0x12e: {  	s30 =	sshll.u32 s0, $0x10;
	s2 =	sadd.s32 $0x6300, s19  }
0x12f: {  	[tilespmem:s2], [sflag:$0x1] =	stream.indirect_vreg.gather [hbm4b:s1+s21], $0x80, v8, vm0, $0xb8;
	[tilespmem:$0x1F300] =	vst v63  }
0x130: {  	s0 =	sshll.u32 s0, $0x7;
	s2 =	sshra.s32 s30, $0x2  }
0x131: {  	[smem:$0x7F5] =	sst s12;
	v8 =	vmov s0;
	s0 =	simm.s32 $0x0;
	s31 =	sor.u32 $0x2B00, s2  }
.LBB2_9:
0x132: {  	_ =	sdelay $0x2  }
0x133: {  	s2 =	sshll.u32 s0, $0x4  }
0x134: {  	v9 =	vld.idx.msk [tilespmem:v8+s2+$0x2A00 ss:$0x1], $0xffff;
	_ =	sdelay $0x4  }
0x135: {  	(v2sf) =	vpush v9, $0x0  }
0x136: {  	(v2sf) =	vpush v9, $0x1  }
0x137: {  	(v2sf) =	vpush v9, $0x2;
	_ =	sdelay $0x1  }
0x138: {  	(v2sf) =	vpush v9, $0x3  }
0x139: {  	(v2sf) =	vpush v9, $0x4;
	_ =	sdelay $0x1  }
0x13a: {  	(v2sf) =	vpush v9, $0x5;
	_ =	sdelay $0x2  }
0x13b: {  	(v2sf) =	vpush v9, $0x6;
	_ =	sdelay $0x2  }
0x13c: {  	(v2sf) =	vpush v9, $0x7;
	_ =	sdelay $0x1  }
0x13d: {  	s17 =	sshll.u32 s0, $0xE;
	(v2sf) =	vpush v9, $0x8;
	s3 =	spop (v2sf)  }
0x13e: {  	s22 =	sshra.s32 s17, $0x2;
	s9 =	spop (v2sf);
	s16 =	sshll.u32 s3, $0x8  }
0x13f: {  	(v2sf) =	vpush v9, $0x9;
	s3 =	sshll.u32 s3, $0x7;
	s10 =	spop (v2sf);
	s16 =	sand.u32 $0xFFFFF800, s16  }
0x140: {  	s3 =	sand.u32 $0x380, s3;
	s1 =	sshll.u32 s9, $0x8;
	s9 =	sshll.u32 s9, $0x7  }
0x141: {  	s11 =	spop (v2sf);
	s3 =	sor.u32 s3, s16;
	s16 =	sand.u32 $0xFFFFF800, s1  }
0x142: {  	(v2sf) =	vpush v9, $0xA;
	s9 =	sand.u32 $0x380, s9;
	s12 =	spop (v2sf);
	s3 =	sadd.s32 $0xAB00, s3  }
0x143: {  	(v2sf) =	vpush v9, $0xB;
	s9 =	sor.u32 s9, s16;
	s16 =	sshll.u32 s10, $0x8;
	s10 =	sshll.u32 s10, $0x7  }
0x144: {  	s20 =	sshll.u32 s11, $0x8;
	s21 =	sshll.u32 s11, $0x7;
	s13 =	spop (v2sf)  }
0x145: {  	[dreg:$0x5] =	wrdreg s3;
	s3 =	sadd.s32 $0xAB00, s9;
	s18 =	sand.u32 $0xFFFFF800, s16  }
0x146: {  	(v2sf) =	vpush v9, $0xC;
	s19 =	sand.u32 $0x380, s10;
	s9 =	sand.u32 $0xFFFFF800, s20;
	s10 =	sand.u32 $0x380, s21  }
0x147: {  	s24 =	sshll.u32 s12, $0x8;
	s25 =	sshll.u32 s12, $0x7;
	s14 =	spop (v2sf)  }
0x148: {  	(v2sf) =	vpush v9, $0xD;
	[dreg:$0x6] =	wrdreg s3;
	s3 =	sor.u32 s19, s18;
	s23 =	sor.u32 s10, s9  }
0x149: {  	s26 =	sand.u32 $0xFFFFF800, s24;
	s29 =	sand.u32 $0x380, s25;
	s30 =	sshll.u32 s13, $0x8  }
0x14a: {  	s1 =	sshll.u32 s13, $0x7;
	s15 =	spop (v2sf);
	s3 =	sadd.s32 $0xAB00, s3  }
0x14b: {  	s9 =	sand.u32 $0xFFFFF800, s30;
	s10 =	sand.u32 $0x380, s1;
	s12 =	sshll.u32 s14, $0x8  }
0x14c: {  	s13 =	sshll.u32 s14, $0x7;
	s8 =	spop (v2sf);
	[dreg:$0x7] =	wrdreg s3  }
0x14d: {  	s3 =	sadd.s32 $0xAB00, s23;
	s10 =	sor.u32 s10, s9;
	s9 =	sand.u32 $0xFFFFF800, s12  }
0x14e: {  	s14 =	sshll.u32 s15, $0x8;
	s16 =	sshll.u32 s15, $0x7;
	s7 =	spop (v2sf)  }
0x14f: {  	[dreg:$0x8] =	wrdreg s3;
	s3 =	sor.u32 s29, s26;
	s17 =	sand.u32 $0xFFFFF800, s14  }
0x150: {  	(v2sf) =	vpush v9, $0xE;
	s18 =	sand.u32 $0x380, s16;
	s20 =	sshll.u32 s8, $0x8;
	s8 =	sshll.u32 s8, $0x7  }
0x151: {  	s6 =	spop (v2sf);
	s3 =	sadd.s32 $0xAB00, s3;
	s8 =	sand.u32 $0x380, s8  }
0x152: {  	s23 =	sshll.u32 s7, $0x8;
	s7 =	sshll.u32 s7, $0x7;
	s5 =	spop (v2sf)  }
0x153: {  	[dreg:$0x9] =	wrdreg s3;
	s3 =	sadd.s32 $0xAB00, s10;
	s10 =	sand.u32 $0x380, s13  }
0x154: {  	s24 =	sand.u32 $0xFFFFF800, s23;
	s7 =	sand.u32 $0x380, s7;
	s25 =	sshll.u32 s6, $0x8  }
0x155: {  	s6 =	sshll.u32 s6, $0x7;
	s4 =	spop (v2sf);
	s9 =	sor.u32 s10, s9  }
0x156: {  	[dreg:$0xa] =	wrdreg s3;
	s10 =	sor.u32 s18, s17;
	s3 =	sadd.s32 s22, s31  }
0x157: {  	s7 =	sor.u32 s7, s24;
	s6 =	sand.u32 $0x380, s6;
	s22 =	spop (v2sf);
	(v2sf) =	vpush v9, $0xF  }
0x158: {  	s29 =	sshll.u32 s5, $0x8;
	s5 =	sshll.u32 s5, $0x7;
	s9 =	sadd.s32 $0xAB00, s9  }
0x159: {  	s19 =	sadd.s32 $0xAB00, s10;
	s21 =	sadd.s32 $0x800, s3;
	[dreg:$0xb] =	wrdreg s9  }
0x15a: {  	s7 =	sadd.s32 $0xAB00, s7;
	s30 =	sand.u32 $0xFFFFF800, s29;
	[dreg:$0xc] =	wrdreg s19  }
0x15b: {  	s5 =	sand.u32 $0x380, s5;
	s1 =	sshll.u32 s4, $0x8;
	[dreg:$0xd] =	wrdreg s21  }
0x15c: {  	s4 =	sshll.u32 s4, $0x7;
	s9 =	sand.u32 $0xFFFFF800, s20;
	[dreg:$0xf] =	wrdreg s7  }
0x15d: {  	s5 =	sor.u32 s5, s30;
	s4 =	sand.u32 $0x380, s4;
	s20 =	simm.s32 $0x0  }
0x15e: {  	s8 =	sor.u32 s8, s9;
	s5 =	sadd.s32 $0xAB00, s5;
	s9 =	sand.u32 $0x40, s20  }
0x15f: {  	s8 =	sadd.s32 $0xAB00, s8;
	s26 =	spop (v2sf);
	[dreg:$0x11] =	wrdreg s5  }
0x160: {  	s7 =	sshll.u32 s22, $0x8;
	[dreg:$0xe] =	wrdreg s8;
	s8 =	sand.u32 $0xFFFFF800, s25  }
0x161: {  	s5 =	sand.u32 $0xFFFFF800, s7;
	s10 =	sshll.u32 s26, $0x8;
	s11 =	sshll.u32 s26, $0x7  }
0x162: {  	s6 =	sor.u32 s6, s8;
	s8 =	sshll.u32 s22, $0x7;
	s12 =	sand.u32 $0xFFFFF800, s10  }
0x163: {  	s13 =	sand.u32 $0x380, s11;
	s10 =	sor.u32 $0x30, s9;
	s6 =	sadd.s32 $0xAB00, s6  }
0x164: {  	s15 =	sor.u32 s13, s12;
	[dreg:$0x10] =	wrdreg s6;
	s6 =	sand.u32 $0xFFFFF800, s1  }
0x165: {  	s17 =	sadd.s32 $0xAB00, s15;
	s4 =	sor.u32 s4, s6;
	s6 =	sand.u32 $0x380, s8  }
0x166: {  	s4 =	sadd.s32 $0xAB00, s4;
	s5 =	sor.u32 s6, s5;
	s16 =	spop (v2sf)  }
0x167: {  	[dreg:$0x12] =	wrdreg s4;
	s18 =	sshll.u32 s16, $0x8;
	s19 =	sshll.u32 s16, $0x7  }
0x168: {  	s14 =	sadd.s32 $0xAB00, s5;
	s4 =	sand.u32 $0xFFFFF800, s18;
	s5 =	sand.u32 $0x380, s19  }
0x169: {  	s13 =	sand.u32 $0x400, s20;
	[dreg:$0x14] =	wrdreg s17;
	s4 =	sor.u32 s5, s4  }
0x16a: {  	v24 =	vld.idx.msk [tilespmem:v8+s2+$0x2900 ss:$0x1], $0xffff;
	s22 =	sadd.s32 s13, s3;
	[dreg:$0x13] =	wrdreg s14;
	s21 =	sadd.s32 $0xAB00, s4  }
0x16b: {  	s6 =	sadd.s32 s10, s22;
	[dreg:$0x15] =	wrdreg s21  }
0x16c: {  	v10 =	vld [tilespmem:s6+$0x0];
	_ =	sdelay $0x1  }
0x16d: {  	s2 =	sadd.s32 s9, s22  }
0x16e: {  	v9 =	vbroadcast v24, $0x0;
	s11 =	sor.u32 $0x10, s9;
	v11 =	vld [tilespmem:s2+$0x0]  }
0x16f: {  	s23 =	rddreg [dreg:$0x5];
	s4 =	sadd.s32 s11, s22  }
0x170: {  	s7 =	sadd.s32 s13, s23;
	v12 =	vld [tilespmem:s4+$0x0];
	v10 =	vmul.f32 v10, v9  }
0x171: {  	s24 =	sadd.s32 s10, s7  }
0x172: {  	[tilespmem:s24+$0x0] =	vst.add.f32.msk $0xffff, v10  }
0x173: {  	v11 =	vmul.f32 v11, v9;
	v13 =	vld [tilespmem:s6+$0x80]  }
0x174: {  	s12 =	sor.u32 $0x20, s9;
	s25 =	sadd.s32 s9, s7  }
0x175: {  	s5 =	sadd.s32 s12, s22;
	v12 =	vmul.f32 v12, v9;
	[tilespmem:s25+$0x0] =	vst.add.f32.msk $0xffff, v11  }
0x176: {  	s26 =	sadd.s32 s11, s7;
	v11 =	vld [tilespmem:s5+$0x0];
	v10 =	vbroadcast v24, $0x1  }
0x177: {  	s8 =	rddreg [dreg:$0x6];
	[tilespmem:s26+$0x0] =	vst.add.f32.msk $0xffff, v12  }
0x178: {  	v12 =	vld [tilespmem:s2+$0x80];
	s8 =	sadd.s32 s13, s8;
	v13 =	vmul.f32 v13, v10  }
0x179: {  	v14 =	vld [tilespmem:s4+$0x80];
	s29 =	sadd.s32 s10, s8  }
0x17a: {  	[tilespmem:s29+$0x0] =	vst.add.f32.msk $0xffff, v13  }
0x17b: {  	v11 =	vmul.f32 v11, v9;
	v13 =	vld [tilespmem:s6+$0x100]  }
0x17c: {  	s7 =	sadd.s32 s12, s7  }
0x17d: {  	v12 =	vmul.f32 v12, v10;
	[tilespmem:s7+$0x0] =	vst.add.f32.msk $0xffff, v11  }
0x17e: {  	s30 =	sadd.s32 s9, s8;
	v11 =	vbroadcast v24, $0x2;
	v14 =	vmul.f32 v14, v10;
	v15 =	vld [tilespmem:s5+$0x80]  }
0x17f: {  	s1 =	sadd.s32 s11, s8;
	s7 =	rddreg [dreg:$0x7];
	[tilespmem:s30+$0x0] =	vst.add.f32.msk $0xffff, v12  }
0x180: {  	[tilespmem:s1+$0x0] =	vst.add.f32.msk $0xffff, v14;
	s7 =	sadd.s32 s13, s7;
	v12 =	vmul.f32 v13, v11  }
0x181: {  	s16 =	sadd.s32 s10, s7;
	v13 =	vld [tilespmem:s2+$0x100]  }
0x182: {  	[tilespmem:s16+$0x0] =	vst.add.f32.msk $0xffff, v12  }
0x183: {  	v14 =	vmul.f32 v15, v10;
	v15 =	vld [tilespmem:s6+$0x180]  }
0x184: {  	s8 =	sadd.s32 s12, s8  }
0x185: {  	[tilespmem:s8+$0x0] =	vst.add.f32.msk $0xffff, v14  }
0x186: {  	v14 =	vld [tilespmem:s4+$0x100];
	v12 =	vbroadcast v24, $0x3;
	v13 =	vmul.f32 v13, v11  }
0x187: {  	s17 =	sadd.s32 s9, s7;
	v16 =	vld [tilespmem:s5+$0x100];
	s8 =	rddreg [dreg:$0x8]  }
0x188: {  	s8 =	sadd.s32 s13, s8;
	[tilespmem:s17+$0x0] =	vst.add.f32.msk $0xffff, v13;
	v13 =	vmul.f32 v15, v12  }
0x189: {  	s18 =	sadd.s32 s10, s8;
	v15 =	vld [tilespmem:s2+$0x180]  }
0x18a: {  	[tilespmem:s18+$0x0] =	vst.add.f32.msk $0xffff, v13  }
0x18b: {  	v14 =	vmul.f32 v14, v11;
	v17 =	vld [tilespmem:s6+$0x200]  }
0x18c: {  	s19 =	sadd.s32 s11, s7;
	v13 =	vmul.f32 v16, v11  }
0x18d: {  	s7 =	sadd.s32 s12, s7;
	[tilespmem:s19+$0x0] =	vst.add.f32.msk $0xffff, v14  }
0x18e: {  	s14 =	rddreg [dreg:$0x9];
	[tilespmem:s7+$0x0] =	vst.add.f32.msk $0xffff, v13;
	v13 =	vbroadcast v24, $0x4  }
0x18f: {  	v14 =	vld [tilespmem:s4+$0x180];
	v15 =	vmul.f32 v15, v12  }
0x190: {  	s20 =	sadd.s32 s9, s8;
	s14 =	sadd.s32 s13, s14;
	v16 =	vld [tilespmem:s5+$0x180];
	v17 =	vmul.f32 v17, v13  }
0x191: {  	s21 =	sadd.s32 s10, s14;
	[tilespmem:s20+$0x0] =	vst.add.f32.msk $0xffff, v15  }
0x192: {  	[tilespmem:s21+$0x0] =	vst.add.f32.msk $0xffff, v17  }
0x193: {  	v17 =	vld [tilespmem:s2+$0x200]  }
0x194: {  	v14 =	vmul.f32 v14, v12;
	v15 =	vld [tilespmem:s6+$0x280]  }
0x195: {  	s22 =	sadd.s32 s11, s8;
	v16 =	vmul.f32 v16, v12  }
0x196: {  	s8 =	sadd.s32 s12, s8;
	s15 =	rddreg [dreg:$0xa];
	[tilespmem:s22+$0x0] =	vst.add.f32.msk $0xffff, v14  }
0x197: {  	v14 =	vbroadcast v24, $0x5;
	[tilespmem:s8+$0x0] =	vst.add.f32.msk $0xffff, v16  }
0x198: {  	v16 =	vld [tilespmem:s4+$0x200];
	v17 =	vmul.f32 v17, v13  }
0x199: {  	s25 =	sadd.s32 s9, s14;
	s23 =	sadd.s32 s13, s15;
	v18 =	vld [tilespmem:s5+$0x200];
	v15 =	vmul.f32 v15, v14  }
0x19a: {  	s24 =	sadd.s32 s10, s23;
	[tilespmem:s25+$0x0] =	vst.add.f32.msk $0xffff, v17  }
0x19b: {  	[tilespmem:s24+$0x0] =	vst.add.f32.msk $0xffff, v15  }
0x19c: {  	v17 =	vld [tilespmem:s2+$0x280]  }
0x19d: {  	v16 =	vmul.f32 v16, v13;
	v19 =	vld [tilespmem:s6+$0x300]  }
0x19e: {  	s26 =	sadd.s32 s11, s14;
	v18 =	vmul.f32 v18, v13  }
0x19f: {  	s14 =	sadd.s32 s12, s14;
	s29 =	rddreg [dreg:$0xb];
	[tilespmem:s26+$0x0] =	vst.add.f32.msk $0xffff, v16  }
0x1a0: {  	v15 =	vbroadcast v24, $0x6;
	[tilespmem:s14+$0x0] =	vst.add.f32.msk $0xffff, v18  }
0x1a1: {  	v16 =	vld [tilespmem:s4+$0x280]  }
0x1a2: {  	v17 =	vmul.f32 v17, v14;
	v18 =	vmul.f32 v19, v15;
	v19 =	vld [tilespmem:s5+$0x280]  }
0x1a3: {  	s15 =	sadd.s32 s9, s23;
	s30 =	sadd.s32 s13, s29  }
0x1a4: {  	s1 =	sadd.s32 s10, s30;
	[tilespmem:s15+$0x0] =	vst.add.f32.msk $0xffff, v17  }
0x1a5: {  	[tilespmem:s1+$0x0] =	vst.add.f32.msk $0xffff, v18  }
0x1a6: {  	v20 =	vmul.f32 v16, v14;
	v17 =	vld [tilespmem:s2+$0x300]  }
0x1a7: {  	s17 =	sadd.s32 s11, s23;
	v18 =	vld [tilespmem:s6+$0x380];
	s16 =	rddreg [dreg:$0xc];
	v19 =	vmul.f32 v19, v14  }
0x1a8: {  	s7 =	sadd.s32 s12, s23;
	s18 =	rddreg [dreg:$0xd];
	[tilespmem:s17+$0x0] =	vst.add.f32.msk $0xffff, v20  }
0x1a9: {  	[tilespmem:s7+$0x0] =	vst.add.f32.msk $0xffff, v19  }
0x1aa: {  	v16 =	vbroadcast v24, $0x7;
	v19 =	vld [tilespmem:s4+$0x300]  }
0x1ab: {  	v17 =	vmul.f32 v17, v15  }
0x1ac: {  	s21 =	sadd.s32 s9, s30;
	s19 =	sadd.s32 s13, s16;
	v18 =	vmul.f32 v18, v16;
	v20 =	vld [tilespmem:s5+$0x300]  }
0x1ad: {  	s20 =	sadd.s32 s13, s18;
	s6 =	sadd.s32 s10, s19;
	[tilespmem:s21+$0x0] =	vst.add.f32.msk $0xffff, v17  }
0x1ae: {  	[tilespmem:s6+$0x0] =	vst.add.f32.msk $0xffff, v18;
	s6 =	sadd.s32 s10, s20  }
0x1af: {  	v18 =	vld [tilespmem:s6+$0x0];
	v19 =	vmul.f32 v19, v15  }
0x1b0: {  	s22 =	sadd.s32 s11, s30;
	v21 =	vld [tilespmem:s2+$0x380]  }
0x1b1: {  	s15 =	rddreg [dreg:$0xe];
	v20 =	vmul.f32 v20, v15;
	[tilespmem:s22+$0x0] =	vst.add.f32.msk $0xffff, v19  }
0x1b2: {  	s25 =	sadd.s32 s12, s30;
	v17 =	vbroadcast v24, $0x8;
	v19 =	vld [tilespmem:s4+$0x380]  }
0x1b3: {  	[tilespmem:s25+$0x0] =	vst.add.f32.msk $0xffff, v20  }
0x1b4: {  	s23 =	sadd.s32 s13, s15;
	v18 =	vmul.f32 v18, v17;
	v20 =	vld [tilespmem:s5+$0x380]  }
0x1b5: {  	s24 =	sadd.s32 s10, s23  }
0x1b6: {  	v21 =	vmul.f32 v21, v16;
	[tilespmem:s24+$0x0] =	vst.add.f32.msk $0xffff, v18  }
0x1b7: {  	s26 =	sadd.s32 s9, s19;
	v22 =	vld [tilespmem:s6+$0x80]  }
0x1b8: {  	s16 =	sadd.s32 s9, s20;
	s29 =	rddreg [dreg:$0xf];
	[tilespmem:s26+$0x0] =	vst.add.f32.msk $0xffff, v21;
	v19 =	vmul.f32 v19, v16  }
0x1b9: {  	s30 =	sadd.s32 s11, s19;
	v21 =	vld [tilespmem:s16+$0x0];
	v20 =	vmul.f32 v20, v16  }
0x1ba: {  	s15 =	sadd.s32 s12, s19;
	v18 =	vbroadcast v24, $0x9;
	[tilespmem:s30+$0x0] =	vst.add.f32.msk $0xffff, v19  }
0x1bb: {  	s17 =	sadd.s32 s11, s20;
	[tilespmem:s15+$0x0] =	vst.add.f32.msk $0xffff, v20  }
0x1bc: {  	s14 =	sadd.s32 s12, s20;
	v19 =	vmul.f32 v22, v18;
	v22 =	vld [tilespmem:s17+$0x0]  }
0x1bd: {  	s1 =	sadd.s32 s13, s29;
	v20 =	vld [tilespmem:s14+$0x0]  }
0x1be: {  	s8 =	sadd.s32 s10, s1  }
0x1bf: {  	v21 =	vmul.f32 v21, v17;
	[tilespmem:s8+$0x0] =	vst.add.f32.msk $0xffff, v19  }
0x1c0: {  	s18 =	sadd.s32 s9, s23;
	v23 =	vld [tilespmem:s6+$0x100]  }
0x1c1: {  	s19 =	rddreg [dreg:$0x10];
	[tilespmem:s18+$0x0] =	vst.add.f32.msk $0xffff, v21;
	v21 =	vmul.f32 v22, v17  }
0x1c2: {  	s20 =	sadd.s32 s11, s23;
	v22 =	vld [tilespmem:s16+$0x80];
	v20 =	vmul.f32 v20, v17  }
0x1c3: {  	s2 =	sadd.s32 s12, s23;
	v19 =	vbroadcast v24, $0xA;
	[tilespmem:s20+$0x0] =	vst.add.f32.msk $0xffff, v21  }
0x1c4: {  	[tilespmem:s2+$0x0] =	vst.add.f32.msk $0xffff, v20  }
0x1c5: {  	v21 =	vmul.f32 v23, v19;
	v23 =	vld [tilespmem:s17+$0x80]  }
0x1c6: {  	s7 =	sadd.s32 s13, s19;
	v25 =	vld [tilespmem:s14+$0x80]  }
0x1c7: {  	s21 =	sadd.s32 s10, s7  }
0x1c8: {  	[tilespmem:s21+$0x0] =	vst.add.f32.msk $0xffff, v21;
	v22 =	vmul.f32 v22, v18  }
0x1c9: {  	s22 =	sadd.s32 s9, s1;
	v21 =	vld [tilespmem:s6+$0x180]  }
0x1ca: {  	s4 =	rddreg [dreg:$0x11];
	[tilespmem:s22+$0x0] =	vst.add.f32.msk $0xffff, v22;
	v22 =	vmul.f32 v23, v18  }
0x1cb: {  	s23 =	sadd.s32 s11, s1;
	v23 =	vld [tilespmem:s16+$0x100];
	v25 =	vmul.f32 v25, v18  }
0x1cc: {  	s25 =	sadd.s32 s12, s1;
	[tilespmem:s23+$0x0] =	vst.add.f32.msk $0xffff, v22  }
0x1cd: {  	v20 =	vbroadcast v24, $0xB;
	[tilespmem:s25+$0x0] =	vst.add.f32.msk $0xffff, v25  }
0x1ce: {  	v22 =	vld [tilespmem:s17+$0x100]  }
0x1cf: {  	s4 =	sadd.s32 s13, s4;
	v21 =	vmul.f32 v21, v20;
	v25 =	vld [tilespmem:s14+$0x100]  }
0x1d0: {  	s24 =	sadd.s32 s10, s4  }
0x1d1: {  	[tilespmem:s24+$0x0] =	vst.add.f32.msk $0xffff, v21;
	v23 =	vmul.f32 v23, v19  }
0x1d2: {  	s26 =	sadd.s32 s9, s7;
	v26 =	vld [tilespmem:s6+$0x200]  }
0x1d3: {  	s29 =	rddreg [dreg:$0x12];
	[tilespmem:s26+$0x0] =	vst.add.f32.msk $0xffff, v23;
	v22 =	vmul.f32 v22, v19  }
0x1d4: {  	s30 =	sadd.s32 s11, s7;
	v23 =	vld [tilespmem:s16+$0x180];
	v25 =	vmul.f32 v25, v19  }
0x1d5: {  	s8 =	sadd.s32 s12, s7;
	v21 =	vbroadcast v24, $0xC;
	[tilespmem:s30+$0x0] =	vst.add.f32.msk $0xffff, v22  }
0x1d6: {  	[tilespmem:s8+$0x0] =	vst.add.f32.msk $0xffff, v25  }
0x1d7: {  	v22 =	vmul.f32 v26, v21;
	v26 =	vld [tilespmem:s17+$0x180]  }
0x1d8: {  	s5 =	sadd.s32 s13, s29;
	v25 =	vld [tilespmem:s14+$0x180]  }
0x1d9: {  	s1 =	sadd.s32 s10, s5  }
0x1da: {  	[tilespmem:s1+$0x0] =	vst.add.f32.msk $0xffff, v22;
	v23 =	vmul.f32 v23, v20  }
0x1db: {  	s15 =	sadd.s32 s9, s4;
	v27 =	vld [tilespmem:s6+$0x280]  }
0x1dc: {  	s18 =	rddreg [dreg:$0x13];
	[tilespmem:s15+$0x0] =	vst.add.f32.msk $0xffff, v23;
	v23 =	vmul.f32 v26, v20  }
0x1dd: {  	s19 =	sadd.s32 s11, s4;
	v26 =	vld [tilespmem:s16+$0x200];
	v25 =	vmul.f32 v25, v20  }
0x1de: {  	s21 =	sadd.s32 s12, s4;
	v22 =	vbroadcast v24, $0xD;
	[tilespmem:s19+$0x0] =	vst.add.f32.msk $0xffff, v23  }
0x1df: {  	[tilespmem:s21+$0x0] =	vst.add.f32.msk $0xffff, v25  }
0x1e0: {  	s7 =	sadd.s32 s13, s18;
	v23 =	vmul.f32 v27, v22;
	v27 =	vld [tilespmem:s17+$0x200]  }
0x1e1: {  	s20 =	sadd.s32 s10, s7;
	v25 =	vld [tilespmem:s14+$0x200]  }
0x1e2: {  	[tilespmem:s20+$0x0] =	vst.add.f32.msk $0xffff, v23  }
0x1e3: {  	v26 =	vmul.f32 v26, v21;
	v28 =	vld [tilespmem:s6+$0x300]  }
0x1e4: {  	s22 =	sadd.s32 s9, s5  }
0x1e5: {  	s23 =	rddreg [dreg:$0x14];
	[tilespmem:s22+$0x0] =	vst.add.f32.msk $0xffff, v26;
	v26 =	vmul.f32 v27, v21  }
0x1e6: {  	s24 =	sadd.s32 s11, s5;
	v23 =	vbroadcast v24, $0xE;
	v27 =	vld [tilespmem:s16+$0x280]  }
0x1e7: {  	v29 =	vmul.f32 v25, v21;
	[tilespmem:s24+$0x0] =	vst.add.f32.msk $0xffff, v26  }
0x1e8: {  	s29 =	sadd.s32 s12, s5;
	s25 =	sadd.s32 s13, s23;
	v26 =	vmul.f32 v28, v23;
	v28 =	vld [tilespmem:s17+$0x280]  }
0x1e9: {  	s26 =	sadd.s32 s10, s25;
	[tilespmem:s29+$0x0] =	vst.add.f32.msk $0xffff, v29  }
0x1ea: {  	s15 =	simm.s32 $0x0;
	[tilespmem:s26+$0x0] =	vst.add.f32.msk $0xffff, v26  }
0x1eb: {  	s30 =	sadd.s32 s9, s7;
	s4 =	sadd.s32 s11, s7;
	s21 =	sadd.s32 s9, s25;
	v27 =	vmul.f32 v27, v22;
	v26 =	vld [tilespmem:s14+$0x280]  }
0x1ec: {  	s18 =	sadd.s32 s11, s25;
	s22 =	sadd.s32 s12, s25;
	s26 =	sadd.s32 s12, s7;
	v25 =	vld [tilespmem:s6+$0x380]  }
0x1ed: {  	v24 =	vbroadcast v24, $0xF;
	s7 =	simm.s32 $0x40;
	s2 =	rddreg [dreg:$0x15];
	s6 =	simm.s32 $0x200;
	[tilespmem:s30+$0x0] =	vst.add.f32.msk $0xffff, v27;
	v27 =	vmul.f32 v28, v22  }
.LBB2_10:
0x1ee: {  	_ = 	snop  }
0x1ef: {  	s29 =	sand.u32 $0x400, s6;
	v28 =	vld [tilespmem:s16+$0x300]  }
0x1f0: {  	s25 =	sand.u32 $0x40, s7;
	s5 =	sadd.s32 s29, s3;
	[tilespmem:s4+$0x0] =	vst.add.f32.msk $0xffff, v27  }
0x1f1: {  	s13 =	sadd.s32 s13, s2;
	v27 =	vld [tilespmem:s17+$0x300];
	s19 =	sadd.s32 s25, s5;
	v25 =	vmul.f32 v25, v24  }
0x1f2: {  	s23 =	sadd.s32 s10, s13;
	s10 =	sor.u32 $0x30, s25;
	v29 =	vld [tilespmem:s19+$0x0]  }
0x1f3: {  	s1 =	sor.u32 $0x10, s25;
	s2 =	sadd.s32 s10, s5;
	[tilespmem:s23+$0x0] =	vst.add.f32.msk $0xffff, v25  }
0x1f4: {  	s24 =	sor.u32 $0x20, s25;
	s23 =	sadd.s32 s1, s5;
	v25 =	vld [tilespmem:s2+$0x0]  }
0x1f5: {  	s8 =	sadd.s32 s24, s5;
	v26 =	vmul.f32 v26, v22;
	v30 =	vld [tilespmem:s23+$0x0]  }
0x1f6: {  	s30 =	rddreg [dreg:$0x5];
	s4 =	sadd.s32 s11, s13;
	v31 =	vld [tilespmem:s8+$0x0]  }
0x1f7: {  	s20 =	sadd.s32 s12, s13;
	v28 =	vmul.f32 v28, v23;
	s5 =	sadd.s32 s9, s13;
	s13 =	smov.u32 s29;
	[tilespmem:s26+$0x0] =	vst.add.f32.msk $0xffff, v26  }
0x1f8: {  	s12 =	smov.u32 s24;
	s9 =	smov.u32 s25;
	s24 =	sadd.s32 s13, s30;
	v26 =	vld [tilespmem:s14+$0x300];
	v29 =	vmul.f32 v29, v9  }
0x1f9: {  	[tilespmem:s21+$0x0] =	vst.add.f32.msk $0xffff, v28;
	s25 =	sadd.s32 s9, s24;
	v25 =	vmul.f32 v25, v9  }
0x1fa: {  	s11 =	smov.u32 s1;
	s30 =	sadd.s32 s10, s24;
	[tilespmem:s25+$0x0] =	vst.add.f32.msk $0xffff, v29;
	v28 =	vmul.f32 v30, v9  }
0x1fb: {  	s29 =	sadd.s32 s11, s24;
	[tilespmem:s30+$0x0] =	vst.add.f32.msk $0xffff, v25  }
0x1fc: {  	[tilespmem:s29+$0x0] =	vst.add.f32.msk $0xffff, v28  }
0x1fd: {  	v25 =	vmul.f32 v31, v9;
	v58 =	vld [tilespmem:s2+$0x80]  }
0x1fe: {  	s1 =	sadd.s32 s12, s24;
	v28 =	vld [tilespmem:s23+$0x80]  }
0x1ff: {  	v27 =	vmul.f32 v27, v23;
	[tilespmem:s1+$0x0] =	vst.add.f32.msk $0xffff, v25  }
0x200: {  	v25 =	vld [tilespmem:s19+$0x80]  }
0x201: {  	s24 =	rddreg [dreg:$0x6];
	v26 =	vmul.f32 v26, v23;
	[tilespmem:s18+$0x0] =	vst.add.f32.msk $0xffff, v27  }
0x202: {  	s26 =	sadd.s32 s13, s24;
	v59 =	vld [tilespmem:s8+$0x80];
	v29 =	vmul.f32 v58, v10  }
0x203: {  	s30 =	sadd.s32 s10, s26;
	[tilespmem:s22+$0x0] =	vst.add.f32.msk $0xffff, v26;
	v27 =	vmul.f32 v28, v10  }
0x204: {  	s29 =	sadd.s32 s11, s26;
	[tilespmem:s30+$0x0] =	vst.add.f32.msk $0xffff, v29  }
0x205: {  	v25 =	vmul.f32 v25, v10;
	[tilespmem:s29+$0x0] =	vst.add.f32.msk $0xffff, v27  }
0x206: {  	s21 =	sadd.s32 s9, s26;
	v29 =	vld [tilespmem:s2+$0x100]  }
0x207: {  	[tilespmem:s21+$0x0] =	vst.add.f32.msk $0xffff, v25  }
0x208: {  	v25 =	vmul.f32 v59, v10;
	v27 =	vld [tilespmem:s23+$0x100]  }
0x209: {  	s1 =	sadd.s32 s12, s26;
	v26 =	vld [tilespmem:s19+$0x100]  }
0x20a: {  	s26 =	rddreg [dreg:$0x7];
	[tilespmem:s1+$0x0] =	vst.add.f32.msk $0xffff, v25  }
0x20b: {  	s18 =	sadd.s32 s13, s26;
	v28 =	vld [tilespmem:s8+$0x100];
	v25 =	vmul.f32 v29, v11  }
0x20c: {  	s30 =	sadd.s32 s10, s18;
	v60 =	vld [tilespmem:s17+$0x380]  }
0x20d: {  	[tilespmem:s30+$0x0] =	vst.add.f32.msk $0xffff, v25  }
0x20e: {  	v26 =	vmul.f32 v26, v11;
	v25 =	vld [tilespmem:s2+$0x180]  }
0x20f: {  	s29 =	sadd.s32 s9, s18;
	v29 =	vld [tilespmem:s16+$0x380]  }
0x210: {  	[tilespmem:s29+$0x0] =	vst.add.f32.msk $0xffff, v26;
	v28 =	vmul.f32 v28, v11  }
0x211: {  	s21 =	sadd.s32 s11, s18;
	s18 =	sadd.s32 s12, s18;
	v26 =	vld [tilespmem:s19+$0x180]  }
0x212: {  	s24 =	rddreg [dreg:$0x8];
	v27 =	vmul.f32 v27, v11;
	[tilespmem:s18+$0x0] =	vst.add.f32.msk $0xffff, v28  }
0x213: {  	s25 =	sadd.s32 s13, s24;
	v61 =	vld [tilespmem:s8+$0x180];
	v25 =	vmul.f32 v25, v12  }
0x214: {  	s22 =	sadd.s32 s10, s25;
	[tilespmem:s21+$0x0] =	vst.add.f32.msk $0xffff, v27  }
0x215: {  	[tilespmem:s22+$0x0] =	vst.add.f32.msk $0xffff, v25  }
0x216: {  	v25 =	vld [tilespmem:s2+$0x200]  }
0x217: {  	v28 =	vld [tilespmem:s23+$0x180];
	v26 =	vmul.f32 v26, v12  }
0x218: {  	s26 =	sadd.s32 s9, s25;
	v62 =	vld [tilespmem:s14+$0x380];
	v30 =	vmul.f32 v61, v12  }
0x219: {  	s1 =	sadd.s32 s12, s25;
	[tilespmem:s26+$0x0] =	vst.add.f32.msk $0xffff, v26  }
0x21a: {  	s30 =	rddreg [dreg:$0x9];
	[tilespmem:s1+$0x0] =	vst.add.f32.msk $0xffff, v30  }
0x21b: {  	s22 =	sadd.s32 s13, s30;
	v30 =	vld [tilespmem:s8+$0x200];
	v25 =	vmul.f32 v25, v13  }
0x21c: {  	s29 =	sadd.s32 s11, s25;
	s25 =	sadd.s32 s10, s22;
	v26 =	vld [tilespmem:s19+$0x200]  }
0x21d: {  	[tilespmem:s25+$0x0] =	vst.add.f32.msk $0xffff, v25  }
0x21e: {  	v25 =	vmul.f32 v28, v12;
	v28 =	vld [tilespmem:s2+$0x280];
	_ =	sdelay $0x1  }
0x21f: {  	v30 =	vmul.f32 v30, v13;
	[tilespmem:s29+$0x0] =	vst.add.f32.msk $0xffff, v25  }
0x220: {  	s16 =	sadd.s32 s12, s22;
	v25 =	vmul.f32 v26, v13;
	v26 =	vld [tilespmem:s23+$0x200]  }
0x221: {  	s24 =	sadd.s32 s9, s22;
	s26 =	rddreg [dreg:$0xa];
	[tilespmem:s16+$0x0] =	vst.add.f32.msk $0xffff, v30  }
0x222: {  	s29 =	sadd.s32 s13, s26;
	[tilespmem:s24+$0x0] =	vst.add.f32.msk $0xffff, v25;
	v28 =	vmul.f32 v28, v14  }
0x223: {  	s30 =	sadd.s32 s10, s29;
	v63 =	vld [tilespmem:s19+$0x280]  }
0x224: {  	v29 =	vmul.f32 v29, v24;
	[tilespmem:s30+$0x0] =	vst.add.f32.msk $0xffff, v28  }
0x225: {  	v26 =	vmul.f32 v26, v13;
	v28 =	vld [tilespmem:s2+$0x300]  }
0x226: {  	s21 =	sadd.s32 s11, s22;
	[tilespmem:s5+$0x0] =	vst.add.f32.msk $0xffff, v29  }
0x227: {  	[tilespmem:s21+$0x0] =	vst.add.f32.msk $0xffff, v26  }
0x228: {  	v29 =	vmul.f32 v63, v14;
	v26 =	vld [tilespmem:s23+$0x280]  }
0x229: {  	s22 =	rddreg [dreg:$0xb];
	s14 =	sadd.s32 s9, s29;
	v30 =	vld [tilespmem:s8+$0x280]  }
0x22a: {  	s24 =	sadd.s32 s13, s22;
	[tilespmem:s14+$0x0] =	vst.add.f32.msk $0xffff, v29;
	v28 =	vmul.f32 v28, v15  }
0x22b: {  	s25 =	sadd.s32 s10, s24;
	v29 =	vld [tilespmem:s19+$0x300]  }
0x22c: {  	v27 =	vmul.f32 v60, v24;
	[tilespmem:s25+$0x0] =	vst.add.f32.msk $0xffff, v28  }
0x22d: {  	v26 =	vmul.f32 v26, v14;
	v28 =	vld [tilespmem:s2+$0x380]  }
0x22e: {  	s17 =	sadd.s32 s11, s29;
	[tilespmem:s4+$0x0] =	vst.add.f32.msk $0xffff, v27  }
0x22f: {  	v30 =	vmul.f32 v30, v14;
	[tilespmem:s17+$0x0] =	vst.add.f32.msk $0xffff, v26  }
0x230: {  	s26 =	rddreg [dreg:$0xc];
	s1 =	sadd.s32 s12, s29;
	v27 =	vld [tilespmem:s23+$0x300]  }
0x231: {  	s29 =	rddreg [dreg:$0xd];
	v25 =	vmul.f32 v62, v24;
	s18 =	sadd.s32 s9, s24;
	[tilespmem:s1+$0x0] =	vst.add.f32.msk $0xffff, v30  }
0x232: {  	s5 =	sadd.s32 s12, s24;
	s30 =	sadd.s32 s13, s29;
	s2 =	sadd.s32 s13, s26;
	v26 =	vmul.f32 v28, v16;
	v28 =	vmul.f32 v29, v15;
	v29 =	vld [tilespmem:s8+$0x300]  }
0x233: {  	s21 =	sadd.s32 s11, s24;
	s1 =	sadd.s32 s9, s2;
	s22 =	sadd.s32 s10, s2;
	[tilespmem:s20+$0x0] =	vst.add.f32.msk $0xffff, v25  }
0x234: {  	s25 =	sadd.s32 s11, s2;
	s24 =	sadd.s32 s12, s2;
	s2 =	sadd.s32 s10, s30;
	[tilespmem:s22+$0x0] =	vst.add.f32.msk $0xffff, v26  }
0x235: {  	v27 =	vmul.f32 v27, v15;
	v26 =	vld [tilespmem:s2+$0x0]  }
0x236: {  	[tilespmem:s18+$0x0] =	vst.add.f32.msk $0xffff, v28  }
0x237: {  	[tilespmem:s21+$0x0] =	vst.add.f32.msk $0xffff, v27;
	v27 =	vmul.f32 v29, v15  }
0x238: {  	v28 =	vld [tilespmem:s19+$0x380]  }
0x239: {  	[tilespmem:s5+$0x0] =	vst.add.f32.msk $0xffff, v27  }
0x23a: {  	s26 =	rddreg [dreg:$0xe];
	v25 =	vmul.f32 v26, v17;
	v26 =	vld [tilespmem:s23+$0x380]  }
0x23b: {  	s16 =	sadd.s32 s9, s30;
	s4 =	sadd.s32 s13, s26;
	v27 =	vld [tilespmem:s8+$0x380]  }
0x23c: {  	s14 =	sadd.s32 s12, s30;
	s17 =	sadd.s32 s11, s30;
	s30 =	sadd.s32 s10, s4  }
0x23d: {  	[tilespmem:s30+$0x0] =	vst.add.f32.msk $0xffff, v25;
	v25 =	vmul.f32 v28, v16  }
0x23e: {  	v28 =	vld [tilespmem:s2+$0x80]  }
0x23f: {  	[tilespmem:s1+$0x0] =	vst.add.f32.msk $0xffff, v25;
	v25 =	vmul.f32 v26, v16  }
0x240: {  	v26 =	vld [tilespmem:s16+$0x0];
	v27 =	vmul.f32 v27, v16  }
0x241: {  	[tilespmem:s25+$0x0] =	vst.add.f32.msk $0xffff, v25  }
0x242: {  	[tilespmem:s24+$0x0] =	vst.add.f32.msk $0xffff, v27  }
0x243: {  	s21 =	rddreg [dreg:$0xf];
	v25 =	vmul.f32 v28, v18;
	v28 =	vld [tilespmem:s17+$0x0]  }
0x244: {  	s23 =	sadd.s32 s13, s21;
	v27 =	vld [tilespmem:s14+$0x0]  }
0x245: {  	s25 =	sadd.s32 s10, s23  }
0x246: {  	[tilespmem:s25+$0x0] =	vst.add.f32.msk $0xffff, v25;
	v26 =	vmul.f32 v26, v17  }
0x247: {  	s29 =	sadd.s32 s9, s4;
	v25 =	vld [tilespmem:s2+$0x100]  }
0x248: {  	[tilespmem:s29+$0x0] =	vst.add.f32.msk $0xffff, v26;
	v26 =	vmul.f32 v28, v17  }
0x249: {  	s19 =	sadd.s32 s11, s4;
	v28 =	vld [tilespmem:s16+$0x80];
	v27 =	vmul.f32 v27, v17  }
0x24a: {  	s4 =	sadd.s32 s12, s4;
	[tilespmem:s19+$0x0] =	vst.add.f32.msk $0xffff, v26  }
0x24b: {  	[tilespmem:s4+$0x0] =	vst.add.f32.msk $0xffff, v27  }
0x24c: {  	s26 =	rddreg [dreg:$0x10];
	v26 =	vld [tilespmem:s17+$0x80]  }
0x24d: {  	s29 =	sadd.s32 s13, s26;
	v25 =	vmul.f32 v25, v19;
	v27 =	vld [tilespmem:s14+$0x80]  }
0x24e: {  	s22 =	sadd.s32 s10, s29  }
0x24f: {  	[tilespmem:s22+$0x0] =	vst.add.f32.msk $0xffff, v25;
	v28 =	vmul.f32 v28, v18  }
0x250: {  	s5 =	sadd.s32 s9, s23;
	v25 =	vld [tilespmem:s2+$0x180]  }
0x251: {  	[tilespmem:s5+$0x0] =	vst.add.f32.msk $0xffff, v28;
	v26 =	vmul.f32 v26, v18  }
0x252: {  	s8 =	sadd.s32 s11, s23;
	v28 =	vld [tilespmem:s16+$0x100];
	v27 =	vmul.f32 v27, v18  }
0x253: {  	s1 =	sadd.s32 s12, s23;
	[tilespmem:s8+$0x0] =	vst.add.f32.msk $0xffff, v26  }
0x254: {  	[tilespmem:s1+$0x0] =	vst.add.f32.msk $0xffff, v27  }
0x255: {  	s23 =	rddreg [dreg:$0x11];
	v26 =	vld [tilespmem:s17+$0x100]  }
0x256: {  	s4 =	sadd.s32 s13, s23;
	v25 =	vmul.f32 v25, v20;
	v27 =	vld [tilespmem:s14+$0x100]  }
0x257: {  	s26 =	sadd.s32 s10, s4  }
0x258: {  	[tilespmem:s26+$0x0] =	vst.add.f32.msk $0xffff, v25;
	v28 =	vmul.f32 v28, v19  }
0x259: {  	s30 =	sadd.s32 s9, s29;
	v25 =	vld [tilespmem:s2+$0x200]  }
0x25a: {  	[tilespmem:s30+$0x0] =	vst.add.f32.msk $0xffff, v28;
	v26 =	vmul.f32 v26, v19  }
0x25b: {  	s20 =	sadd.s32 s11, s29;
	v28 =	vld [tilespmem:s16+$0x180];
	v27 =	vmul.f32 v27, v19  }
0x25c: {  	s18 =	sadd.s32 s12, s29;
	[tilespmem:s20+$0x0] =	vst.add.f32.msk $0xffff, v26  }
0x25d: {  	[tilespmem:s18+$0x0] =	vst.add.f32.msk $0xffff, v27  }
0x25e: {  	s29 =	rddreg [dreg:$0x12];
	v26 =	vld [tilespmem:s17+$0x180]  }
0x25f: {  	s1 =	sadd.s32 s13, s29;
	v25 =	vmul.f32 v25, v21;
	v27 =	vld [tilespmem:s14+$0x180]  }
0x260: {  	s30 =	sadd.s32 s10, s1  }
0x261: {  	[tilespmem:s30+$0x0] =	vst.add.f32.msk $0xffff, v25;
	v28 =	vmul.f32 v28, v20  }
0x262: {  	s24 =	sadd.s32 s9, s4;
	v25 =	vld [tilespmem:s2+$0x280]  }
0x263: {  	[tilespmem:s24+$0x0] =	vst.add.f32.msk $0xffff, v28;
	v26 =	vmul.f32 v26, v20  }
0x264: {  	s25 =	sadd.s32 s11, s4;
	v28 =	vld [tilespmem:s16+$0x200];
	v27 =	vmul.f32 v27, v20  }
0x265: {  	s22 =	sadd.s32 s12, s4;
	[tilespmem:s25+$0x0] =	vst.add.f32.msk $0xffff, v26  }
0x266: {  	s21 =	rddreg [dreg:$0x13];
	[tilespmem:s22+$0x0] =	vst.add.f32.msk $0xffff, v27  }
0x267: {  	s23 =	sadd.s32 s13, s21;
	v25 =	vmul.f32 v25, v22;
	v26 =	vld [tilespmem:s17+$0x200]  }
0x268: {  	s25 =	sadd.s32 s10, s23;
	v27 =	vld [tilespmem:s14+$0x200]  }
0x269: {  	[tilespmem:s25+$0x0] =	vst.add.f32.msk $0xffff, v25  }
0x26a: {  	v28 =	vmul.f32 v28, v21;
	v25 =	vld [tilespmem:s2+$0x300]  }
0x26b: {  	s19 =	sadd.s32 s9, s1  }
0x26c: {  	[tilespmem:s19+$0x0] =	vst.add.f32.msk $0xffff, v28;
	v26 =	vmul.f32 v26, v21  }
0x26d: {  	s20 =	sadd.s32 s11, s1;
	v28 =	vld [tilespmem:s16+$0x280]  }
0x26e: {  	s15 =	sadd.s32 $0x4, s15;
	s29 =	rddreg [dreg:$0x14];
	[tilespmem:s20+$0x0] =	vst.add.f32.msk $0xffff, v26;
	v26 =	vmul.f32 v27, v21  }
0x26f: {  	p1 =	slt.u32 s15, $0xC;
	s5 =	sadd.s32 s13, s29;
	s1 =	sadd.s32 s12, s1;
	v25 =	vmul.f32 v25, v23;
	v29 =	vld [tilespmem:s17+$0x280]  }
.Ltmp5:
0x270: {  	s30 =	sadd.s32 s10, s5;
	[tilespmem:s1+$0x0] =	vst.add.f32.msk $0xffff, v26;
	(pc) =	sbr.rel @p1 .LBB2_10-.Ltmp5, $4  }
0x271: {  	[tilespmem:s30+$0x0] =	vst.add.f32.msk $0xffff, v25  }
0x272: {  	s6 =	sadd.s32 $0x200, s6;
	s7 =	sadd.s32 $0x40, s7;
	s4 =	sadd.s32 s11, s23;
	v27 =	vmul.f32 v28, v22;
	v26 =	vld [tilespmem:s14+$0x280]  }
0x273: {  	s21 =	sadd.s32 s9, s5;
	s26 =	sadd.s32 s12, s23;
	s24 =	sadd.s32 s9, s23;
	v25 =	vld [tilespmem:s2+$0x380]  }
0x274: {  	s18 =	sadd.s32 s11, s5;
	s22 =	sadd.s32 s12, s5;
	s2 =	rddreg [dreg:$0x15];
	[tilespmem:s24+$0x0] =	vst.add.f32.msk $0xffff, v27;
	v27 =	vmul.f32 v29, v22  }
0x275: {  	_ = 	snop  }
0x276: {  	v9 =	vld [tilespmem:s16+$0x300]  }
0x277: {  	[tilespmem:s4+$0x0] =	vst.add.f32.msk $0xffff, v27;
	v10 =	vmul.f32 v26, v22  }
0x278: {  	v11 =	vld [tilespmem:s17+$0x300]  }
0x279: {  	[tilespmem:s26+$0x0] =	vst.add.f32.msk $0xffff, v10  }
0x27a: {  	v10 =	vld [tilespmem:s14+$0x300];
	_ =	sdelay $0x1  }
0x27b: {  	v9 =	vmul.f32 v9, v23  }
0x27c: {  	v11 =	vmul.f32 v11, v23  }
0x27d: {  	[tilespmem:s21+$0x0] =	vst.add.f32.msk $0xffff, v9  }
0x27e: {  	[tilespmem:s18+$0x0] =	vst.add.f32.msk $0xffff, v11;
	v9 =	vmul.f32 v10, v23  }
0x27f: {  	v10 =	vld [tilespmem:s17+$0x380]  }
0x280: {  	[tilespmem:s22+$0x0] =	vst.add.f32.msk $0xffff, v9  }
0x281: {  	v9 =	vld [tilespmem:s16+$0x380]  }
0x282: {  	v11 =	vld [tilespmem:s14+$0x380]  }
0x283: {  	s0 =	sadd.s32 $0x1, s0  }
0x284: {  	s1 =	sadd.s32 s13, s2;
	p1 =	sne.s32 s0, $0x4;
	v12 =	vmul.f32 v25, v24  }
.Ltmp6:
0x285: {  	s2 =	sadd.s32 s10, s1;
	v10 =	vmul.f32 v10, v24;
	(pc) =	sbr.rel @p1 .LBB2_9-.Ltmp6, $4  }
0x286: {  	s3 =	sadd.s32 s11, s1;
	[tilespmem:s2+$0x0] =	vst.add.f32.msk $0xffff, v12;
	v9 =	vmul.f32 v9, v24  }
0x287: {  	s30 =	sadd.s32 s9, s1;
	[tilespmem:s3+$0x0] =	vst.add.f32.msk $0xffff, v10;
	v11 =	vmul.f32 v11, v24  }
0x288: {  	s1 =	sadd.s32 s12, s1;
	[tilespmem:s30+$0x0] =	vst.add.f32.msk $0xffff, v9  }
0x289: {  	[tilespmem:s1+$0x0] =	vst.add.f32.msk $0xffff, v11  }
0x28a: {  	s1 =	sld [smem:$0x7F6];
	_ =	sdelay $0x1  }
0x28b: {  	s28 =	sadd.s32 $0x40, s28  }
0x28c: {  	s0 =	ssub.s32 s1, s28  }
0x28d: {  	p1 =	sgt.s32 s0, $0x3F  }
.Ltmp7:
0x28e: {  	_ = 	snop;
	(pc) =	sbr.rel @p1 .LBB2_8-.Ltmp7, $2  }
0x28f: {  	_ =	sdelay $0x2  }
0x290: {  	s8 =	sld [smem:$0x7F5]  }
0x291: {  	p1 =	slt.s32 s28, $0x1  }
0x292: {  	v8 =	vld @!p1 [tilespmem:s28+$0x1A00];
	_ =	sdelay $0x4  }
0x293: {  	[tilespmem:$0x1A00] =	vst @!p1 v8  }
0x294: {  	v8 =	vld @!p1 [tilespmem:s28+$0x2100];
	_ =	sdelay $0x4  }
0x295: {  	[tilespmem:$0x2100] =	vst @!p1 v8  }
0x296: {  	v8 =	vld @!p1 [tilespmem:s28+$0x1A10];
	_ =	sdelay $0x4  }
0x297: {  	[tilespmem:$0x1A10] =	vst @!p1 v8  }
0x298: {  	v8 =	vld @!p1 [tilespmem:s28+$0x2110];
	_ =	sdelay $0x4  }
0x299: {  	[tilespmem:$0x2110] =	vst @!p1 v8  }
0x29a: {  	v8 =	vld @!p1 [tilespmem:s28+$0x1A20];
	_ =	sdelay $0x4  }
0x29b: {  	[tilespmem:$0x1A20] =	vst @!p1 v8  }
0x29c: {  	v8 =	vld @!p1 [tilespmem:s28+$0x2120];
	_ =	sdelay $0x4  }
0x29d: {  	[tilespmem:$0x2120] =	vst @!p1 v8  }
0x29e: {  	v8 =	vld @!p1 [tilespmem:s28+$0x1A30];
	_ =	sdelay $0x4  }
0x29f: {  	[tilespmem:$0x1A30] =	vst @!p1 v8  }
0x2a0: {  	v8 =	vld @!p1 [tilespmem:s28+$0x2130]  }
.Ltmp8:
0x2a1: {  	_ = 	snop;
	(pc) =	sbr.rel .LBB2_14-.Ltmp8, $2  }
0x2a2: {  	_ =	sdelay $0x2  }
0x2a3: {  	[tilespmem:$0x2130] =	vst @!p1 v8  }
.LBB2_7:
0x2a4: {  	s0 =	smov.u32 s1  }
.LBB2_14:
0x2a5: {  	s2 =	simm.s32 $0x3  }
0x2a6: {  	_ =	swait.ge [sflag:s2], $0x640  }
0x2a7: {  	[sflag:s2] =	ssyncset.done $0x0  }
0x2a8: {  	[sflag:s2] =	ssyncadd.s32 $0xFFFFF9C0  }
0x2a9: {  	s4 =	sld [smem:$0x7F7];
	_ =	swait.ge [sflag:s2], $0x640  }
0x2aa: {  	s1 =	sld [smem:$0x7F8]  }
0x2ab: {  	[sflag:s2] =	ssyncset.done $0x0  }
0x2ac: {  	p1 =	sne.s32 s4, $0x31;
	[sflag:s2] =	ssyncadd.s32 $0xFFFFF9C0;
	s2 =	sld [smem:$0x7FA]  }
0x2ad: {  	s1 =	sshrl.u32 @p1 s1, $0x3  }
0x2ae: {  	s1 =	sadd.s32 @p1 $0x190, s1  }
0x2af: {  	s3 =	simm.s32 @p1 $0x0;
	s2 =	sadd.s32 @p1 s2, s1  }
0x2b0: {  	[tilespmem:s3], [sflag:$0x2] =	stream.linear.gather @p1 [hbm4b:s2+s3], $0x640, $0x38;
	[tilespmem:$0x1F300] =	vst v63  }
0x2b1: {  	s26 =	simm.s32 $0xD20;
	s24 =	sadd.s32 $0x1, s4;
	s2 =	rddreg [dreg:$0x2]  }
0x2b2: {  	[smem:$0x7F4] =	sst s24;
	s1 =	sadd.s32 @p1 s2, s1;
	s2 =	simm.s32 @p1 $0x680  }
0x2b3: {  	[tilespmem:s2], [sflag:$0x2] =	stream.linear.gather @p1 [hbm4b:s1+s3], $0x640, $0x38;
	[tilespmem:$0x1F300] =	vst v63  }
0x2b4: {  	v8 =	vld [tilespmem:s26+$0x10]  }
0x2b5: {  	v9 =	vld [tilespmem:s26+$0x0]  }
0x2b6: {  	v10 =	vld [tilespmem:s26+$0xFFFFFFF0]  }
0x2b7: {  	v11 =	vld [tilespmem:s26+$0xFFFFFFE0];
	_ =	sdelay $0x3  }
0x2b8: {  	v12 =	vand.u32 $0x3FFF, v8;
	v13 =	vand.u32 $0x3FFF, v9;
	v14 =	vand.u32 $0x3FFF, v10  }
0x2b9: {  	v9 =	vshrl.u32 v9, $0xE;
	v8 =	vshrl.u32 v8, $0xE;
	v15 =	vshrl.u32 v11, $0xE  }
0x2ba: {  	v10 =	vshrl.u32 v10, $0xE;
	v11 =	vand.u32 $0x3FFF, v11;
	vm1 =	vge.u32 v15, v0  }
0x2bb: {  	vm2 =	vlt.u32 v15, v1;
	vm5 =	vge.u32 v8, v0;
	vm4 =	vge.u32 v9, v0  }
0x2bc: {  	vm3 =	vmand vm1, vm2;
	vm1 =	vge.u32 v10, v0;
	vm2 =	vlt.u32 v10, v1  }
0x2bd: {  	vm6 =	vlt.u32 v9, v1;
	v16 =	vmpcnt.ones.xlane vm3;
	vm2 =	vmand vm1, vm2  }
0x2be: {  	v15 =	vsub.s32 v15, v0;
	vm4 =	vmand vm4, vm6;
	v17 =	vmpcnt.ones.xlane vm2  }
0x2bf: {  	v9 =	vsub.s32 v9, v0;
	v18 =	vmpcnt.ones.xlane vm4;
	(v2sf) =	vpush v16, $0x0  }
0x2c0: {  	s28 =	simm.s32 $0xD60;
	v10 =	vsub.s32 v10, v0;
	vm1 =	vlt.u32 v8, v1;
	(v2sf) =	vpush v17, $0x0  }
0x2c1: {  	v15 =	vshll.u32 v15, $0xE;
	vm8 =	vmand vm5, vm1;
	v16 =	vld [tilespmem:s28+$0x10];
	(v2sf) =	vpush v18, $0x0  }
0x2c2: {  	v9 =	vshll.u32 v9, $0xE;
	v8 =	vsub.s32 v8, v0;
	v19 =	vmpcnt.ones.xlane vm8;
	v17 =	vld [tilespmem:s28+$0x0]  }
0x2c3: {  	v10 =	vshll.u32 v10, $0xE;
	v9 =	vor.u32 v13, v9;
	v11 =	vor.u32 v11, v15;
	v18 =	vld [tilespmem:s28+$0xFFFFFFF0]  }
0x2c4: {  	vm6 =	vmmov vm3;
	v8 =	vshll.u32 v8, $0xE;
	(v2sf) =	vpush v19, $0x0;
	v19 =	vld [tilespmem:s28+$0xFFFFFFE0]  }
0x2c5: {  	v20 =	vor.u32 v14, v10;
	vm2 =	vmmov vm2;
	v8 =	vor.u32 v12, v8  }
0x2c6: {  	vm8 =	vmmov vm8;
	v10 =	vand.u32 $0x3FFF, v16;
	v15 =	vshrl.u32 v16, $0xE  }
0x2c7: {  	v14 =	vand.u32 $0x3FFF, v17;
	v13 =	vshrl.u32 v17, $0xE;
	vm9 =	vge.u32 v15, v0  }
0x2c8: {  	[tilespmem:s0+$0x1A00] =	vst.msk vm3, v11;
	vm3 =	vlt.u32 v15, v1;
	v15 =	vsub.s32 v15, v0;
	v12 =	vand.u32 $0x3FFF, v18  }
0x2c9: {  	v17 =	vshrl.u32 v18, $0xE;
	vm10 =	vge.u32 v13, v0;
	v16 =	vshrl.u32 v19, $0xE  }
0x2ca: {  	s25 =	simm.s32 $0x13A0;
	vm11 =	vlt.u32 v13, v1;
	vm1 =	vge.u32 v16, v0;
	vm5 =	vlt.u32 v16, v1  }
0x2cb: {  	v21 =	vld [tilespmem:s25+$0xFFFFFFE0];
	vm7 =	vmand vm1, vm5;
	vm1 =	vge.u32 v17, v0;
	vm5 =	vlt.u32 v17, v1  }
0x2cc: {  	s2 =	simm.s32 $0xDA0;
	vm3 =	vmand vm9, vm3;
	v18 =	vmpcnt.ones.xlane vm7;
	vm1 =	vmand vm1, vm5  }
0x2cd: {  	v24 =	vld [tilespmem:s2+$0xFFFFFFF0];
	vm5 =	vmmov vm4;
	vm4 =	vmand vm10, vm11;
	v11 =	vmpcnt.ones.xlane vm1  }
0x2ce: {  	v23 =	vsub.s32 v13, v0;
	v22 =	vmpcnt.ones.xlane vm4;
	(v2sf) =	vpush v18, $0x0;
	v18 =	vld [tilespmem:s2+$0x10];
	s29 =	spop (v2sf)  }
0x2cf: {  	v13 =	vld [tilespmem:s2+$0xFFFFFFE0];
	v15 =	vshll.u32 v15, $0xE;
	(v2sf) =	vpush v11, $0x0;
	v11 =	vmpcnt.ones.xlane vm3;
	s3 =	sadd.s32 s0, s29;
	s30 =	spop (v2sf)  }
0x2d0: {  	[tilespmem:s0+$0x2100] =	vst.msk vm6, v21;
	v16 =	vsub.s32 v16, v0;
	v17 =	vsub.s32 v17, v0;
	(v2sf) =	vpush v22, $0x0;
	v22 =	vld [tilespmem:s2+$0x0];
	s1 =	sadd.s32 s3, s30;
	s5 =	spop (v2sf)  }
0x2d1: {  	(v2sf) =	vpush v11, $0x0;
	v11 =	vshll.u32 v16, $0xE;
	v16 =	vshll.u32 v23, $0xE;
	[tilespmem:s1+$0x1A00] =	vst.msk vm5, v9;
	s6 =	sadd.s32 s1, s5  }
0x2d2: {  	vm6 =	vmmov vm7;
	v14 =	vor.u32 v14, v16;
	v9 =	vshll.u32 v17, $0xE;
	v23 =	vld [tilespmem:s25+$0x0];
	[tilespmem:s6+$0x1A00] =	vst.msk vm8, v8  }
0x2d3: {  	[tilespmem:s3+$0x1A00] =	vst.msk vm2, v20;
	v17 =	vand.u32 $0x3FFF, v19;
	s31 =	spop (v2sf);
	v12 =	vor.u32 v12, v9;
	v8 =	vand.u32 $0x3FFF, v18;
	v25 =	vld [tilespmem:s25+$0x10]  }
0x2d4: {  	v19 =	vld [tilespmem:s25+$0xFFFFFFF0];
	v17 =	vor.u32 v17, v11;
	v11 =	vor.u32 v10, v15;
	s5 =	sadd.s32 s6, s31;
	v9 =	vand.u32 $0x3FFF, v24  }
0x2d5: {  	s0 =	simm.s32 $0x13E0;
	v15 =	vshrl.u32 v18, $0xE;
	v18 =	vshrl.u32 v13, $0xE;
	v10 =	vand.u32 $0x3FFF, v22;
	[tilespmem:s5+$0x1A00] =	vst.msk vm7, v17  }
0x2d6: {  	v16 =	vshrl.u32 v22, $0xE;
	v17 =	vshrl.u32 v24, $0xE;
	vm9 =	vge.u32 v15, v0;
	v20 =	vld [tilespmem:s0+$0xFFFFFFE0]  }
0x2d7: {  	vm7 =	vge.u32 v18, v0;
	vm11 =	vlt.u32 v18, v1;
	vm10 =	vge.u32 v16, v0;
	[tilespmem:s1+$0x2100] =	vst.msk vm5, v23  }
0x2d8: {  	s4 =	simm.s32 $0x8;
	vm12 =	vlt.u32 v17, v1;
	vm5 =	vmand vm7, vm11;
	vm11 =	vge.u32 v17, v0;
	[tilespmem:s6+$0x2100] =	vst.msk vm8, v25  }
.LBB2_15:
0x2d9: {  	v21 =	vmpcnt.ones.xlane vm5;
	vm13 =	vlt.u32 v16, v1;
	[tilespmem:s3+$0x2100] =	vst.msk vm2, v19;
	vm2 =	vmmov vm1  }
0x2da: {  	s4 =	sadd.s32 $0x4, s4;
	vm1 =	vmand vm11, vm12;
	vm8 =	vmmov vm4;
	vm7 =	vmmov vm3  }
0x2db: {  	vm3 =	vlt.u32 v15, v1;
	p1 =	slt.u32 s4, $0x60;
	v19 =	vmpcnt.ones.xlane vm1;
	vm4 =	vmand vm10, vm13;
	[tilespmem:s5+$0x2100] =	vst.msk vm6, v20  }
0x2dc: {  	s2 =	sadd.s32 $0x40, s2;
	vm3 =	vmand vm9, vm3;
	v20 =	vmpcnt.ones.xlane vm4;
	(v2sf) =	vpush v21, $0x0  }
0x2dd: {  	v18 =	vsub.s32 v18, v0;
	v22 =	vmpcnt.ones.xlane vm3;
	v21 =	vld [tilespmem:s2+$0x10];
	(v2sf) =	vpush v19, $0x0;
	s1 =	spop (v2sf)  }
0x2de: {  	v17 =	vsub.s32 v17, v0;
	v16 =	vsub.s32 v16, v0;
	v23 =	vld [tilespmem:s2+$0x0];
	(v2sf) =	vpush v20, $0x0;
	s3 =	sadd.s32 s5, s1;
	s1 =	spop (v2sf)  }
0x2df: {  	v15 =	vsub.s32 v15, v0;
	v18 =	vshll.u32 v18, $0xE;
	v24 =	vld [tilespmem:s2+$0xFFFFFFF0];
	(v2sf) =	vpush v22, $0x0;
	[tilespmem:s3+$0x1A00] =	vst.msk vm2, v12;
	s1 =	sadd.s32 s3, s1;
	s5 =	spop (v2sf)  }
0x2e0: {  	v16 =	vshll.u32 v16, $0xE;
	v15 =	vshll.u32 v15, $0xE;
	v12 =	vshll.u32 v17, $0xE;
	v22 =	vld [tilespmem:s2+$0xFFFFFFE0];
	[tilespmem:s1+$0x1A00] =	vst.msk vm8, v14;
	s6 =	sadd.s32 s1, s5;
	s5 =	spop (v2sf)  }
0x2e1: {  	v13 =	vand.u32 $0x3FFF, v13;
	v12 =	vor.u32 v9, v12;
	v14 =	vor.u32 v10, v16;
	v25 =	vld [tilespmem:s0+$0x0];
	[tilespmem:s6+$0x1A00] =	vst.msk vm7, v11;
	s5 =	sadd.s32 s6, s5  }
0x2e2: {  	v9 =	vor.u32 v13, v18;
	v11 =	vor.u32 v8, v15;
	v8 =	vand.u32 $0x3FFF, v21;
	v26 =	vld [tilespmem:s0+$0x10]  }
.Ltmp9:
0x2e3: {  	vm6 =	vmmov vm5;
	v10 =	vand.u32 $0x3FFF, v23;
	[tilespmem:s5+$0x1A00] =	vst.msk vm5, v9;
	v19 =	vld [tilespmem:s0+$0xFFFFFFF0];
	s0 =	sadd.s32 $0x40, s0;
	(pc) =	sbr.rel @p1 .LBB2_15-.Ltmp9, $4  }
0x2e4: {  	v15 =	vshrl.u32 v21, $0xE;
	v16 =	vshrl.u32 v23, $0xE;
	v9 =	vand.u32 $0x3FFF, v24;
	v20 =	vld [tilespmem:s0+$0xFFFFFFE0]  }
0x2e5: {  	vm9 =	vge.u32 v15, v0;
	v17 =	vshrl.u32 v24, $0xE;
	v18 =	vshrl.u32 v22, $0xE;
	v13 =	vmovc v22  }
0x2e6: {  	vm10 =	vge.u32 v16, v0;
	vm5 =	vge.u32 v18, v0;
	vm11 =	vlt.u32 v18, v1;
	[tilespmem:s1+$0x2100] =	vst.msk vm8, v25  }
0x2e7: {  	vm12 =	vlt.u32 v17, v1;
	vm5 =	vmand vm5, vm11;
	vm11 =	vge.u32 v17, v0;
	[tilespmem:s6+$0x2100] =	vst.msk vm7, v26  }
0x2e8: {  	v21 =	vmpcnt.ones.xlane vm5;
	vm7 =	vmand vm11, vm12;
	vm8 =	vlt.u32 v16, v1  }
0x2e9: {  	vm8 =	vmand vm10, vm8;
	v22 =	vmpcnt.ones.xlane vm7  }
0x2ea: {  	vm13 =	vlt.u32 v15, v1;
	(v2sf) =	vpush v21, $0x0;
	v53 =	vmpcnt.ones.xlane vm8  }
0x2eb: {  	vm9 =	vmand vm9, vm13;
	(v2sf) =	vpush v22, $0x0  }
0x2ec: {  	v54 =	vmpcnt.ones.xlane vm9;
	(v2sf) =	vpush v53, $0x0;
	_ =	sdelay $0x1  }
0x2ed: {  	s1 =	spop (v2sf);
	(v2sf) =	vpush v54, $0x0;
	_ =	sdelay $0x4  }
0x2ee: {  	vm1 =	vmmov vm1;
	s1 =	sadd.s32 s5, s1  }
0x2ef: {  	[tilespmem:s1+$0x1A00] =	vst.msk vm1, v12  }
0x2f0: {  	[tilespmem:s3+$0x2100] =	vst.msk vm2, v19;
	s2 =	spop (v2sf);
	v62 =	vld [tilespmem:s0+$0xFFFFFFF0]  }
0x2f1: {  	vm4 =	vmmov vm4;
	v18 =	vsub.s32 v18, v0;
	[tilespmem:s5+$0x2100] =	vst.msk vm6, v20;
	s2 =	sadd.s32 s1, s2;
	s25 =	spop (v2sf)  }
0x2f2: {  	vm2 =	vmmov vm3;
	v55 =	vand.u32 $0x3FFF, v13;
	v18 =	vshll.u32 v18, $0xE;
	[tilespmem:s2+$0x1A00] =	vst.msk vm4, v14;
	s3 =	sadd.s32 s2, s25;
	s4 =	spop (v2sf)  }
0x2f3: {  	v58 =	vsub.s32 v17, v0;
	v57 =	vor.u32 v55, v18;
	[tilespmem:s3+$0x1A00] =	vst.msk vm2, v11;
	s4 =	sadd.s32 s3, s4  }
0x2f4: {  	v56 =	vsub.s32 v16, v0;
	v59 =	vsub.s32 v15, v0;
	v12 =	vshll.u32 v58, $0xE;
	v14 =	vld [tilespmem:s0+$0x0];
	[tilespmem:s4+$0x1A00] =	vst.msk vm5, v57;
	s26 =	spop (v2sf)  }
0x2f5: {  	s28 =	sadd.s32 $0x40, s0;
	v13 =	vshll.u32 v56, $0xE;
	vm15 =	vmmov vm7;
	v9 =	vor.u32 v9, v12;
	v60 =	vld [tilespmem:s0+$0x10];
	[tilespmem:s1+$0x2100] =	vst.msk vm1, v62;
	s5 =	sadd.s32 s4, s26;
	s6 =	spop (v2sf)  }
0x2f6: {  	v61 =	vshll.u32 v59, $0xE;
	v10 =	vor.u32 v10, v13;
	vm3 =	vmmov vm8;
	v63 =	vld [tilespmem:s28+$0xFFFFFFE0];
	s29 =	sadd.s32 s5, s6;
	s30 =	spop (v2sf);
	[tilespmem:s5+$0x1A00] =	vst.msk vm15, v9  }
0x2f7: {  	v8 =	vor.u32 v8, v61;
	vm14 =	vmmov vm9;
	[tilespmem:s29+$0x1A00] =	vst.msk vm3, v10;
	s6 =	sadd.s32 s29, s30;
	v9 =	vld [tilespmem:s28+$0xFFFFFFF0]  }
0x2f8: {  	s31 =	spop (v2sf);
	v10 =	vld [tilespmem:s28+$0x0];
	[tilespmem:s6+$0x1A00] =	vst.msk vm14, v8  }
0x2f9: {  	[tilespmem:s2+$0x2100] =	vst.msk vm4, v14;
	s1 =	sadd.s32 s6, s31;
	v8 =	vld [tilespmem:s28+$0x10]  }
0x2fa: {  	[tilespmem:s3+$0x2100] =	vst.msk vm2, v60;
	vm2 =	vmmov vm5;
	p1 =	sgt.s32 s1, $0x3F  }
.Ltmp10:
0x2fb: {  	[tilespmem:s4+$0x2100] =	vst.msk vm2, v63;
	(pc) =	sbr.rel @!p1 .LBB2_17-.Ltmp10, $4  }
0x2fc: {  	[tilespmem:s5+$0x2100] =	vst.msk vm15, v9  }
0x2fd: {  	[tilespmem:s29+$0x2100] =	vst.msk vm3, v10  }
0x2fe: {  	[tilespmem:s6+$0x2100] =	vst.msk vm14, v8  }
0x2ff: {  	s26 =	simm.s32 $0x0;
	[smem:$0x7F3] =	sst s1  }
.LBB2_18:
0x300: {  	v8 =	vld [tilespmem:s26+$0x1A00];
	_ =	sdelay $0x2  }
0x301: {  	s7 =	sxor.u32 $0x1, s8  }
0x302: {  	s1 =	sshll.u32 s7, $0x7  }
0x303: {  	s2 =	sor.u32 $0x2800, s1;
	v9 =	vand.u32 $0x3FFF, v8  }
0x304: {  	s3 =	sor.u32 $0x2A00, s1;
	v8 =	vshrl.u32 v8, $0xE;
	[tilespmem:s2+$0x0] =	vst v9  }
0x305: {  	[tilespmem:s3+$0x0] =	vst v8  }
0x306: {  	v8 =	vld [tilespmem:s26+$0x2100];
	_ =	sdelay $0x3  }
0x307: {  	s11 =	sor.u32 $0x2900, s1  }
0x308: {  	[tilespmem:s11+$0x0] =	vst v8  }
0x309: {  	v8 =	vld [tilespmem:s26+$0x1A10];
	_ =	sdelay $0x4  }
0x30a: {  	s12 =	sor.u32 $0x2810, s1;
	v9 =	vand.u32 $0x3FFF, v8  }
0x30b: {  	s4 =	sor.u32 $0x2A10, s1;
	v8 =	vshrl.u32 v8, $0xE;
	[tilespmem:s12+$0x0] =	vst v9  }
0x30c: {  	[tilespmem:s4+$0x0] =	vst v8  }
0x30d: {  	v8 =	vld [tilespmem:s26+$0x2110];
	_ =	sdelay $0x3  }
0x30e: {  	s13 =	sor.u32 $0x2910, s1  }
0x30f: {  	[tilespmem:s13+$0x0] =	vst v8  }
0x310: {  	v8 =	vld [tilespmem:s26+$0x1A20];
	_ =	sdelay $0x4  }
0x311: {  	s14 =	sor.u32 $0x2820, s1;
	v9 =	vand.u32 $0x3FFF, v8  }
0x312: {  	s5 =	sor.u32 $0x2A20, s1;
	v8 =	vshrl.u32 v8, $0xE;
	[tilespmem:s14+$0x0] =	vst v9  }
0x313: {  	[tilespmem:s5+$0x0] =	vst v8  }
0x314: {  	v8 =	vld [tilespmem:s26+$0x2120];
	_ =	sdelay $0x3  }
0x315: {  	s15 =	sor.u32 $0x2920, s1  }
0x316: {  	[tilespmem:s15+$0x0] =	vst v8  }
0x317: {  	v8 =	vld [tilespmem:s26+$0x1A30];
	_ =	sdelay $0x4  }
0x318: {  	s16 =	sor.u32 $0x2830, s1;
	v9 =	vand.u32 $0x3FFF, v8  }
0x319: {  	s6 =	sor.u32 $0x2A30, s1;
	v8 =	vshrl.u32 v8, $0xE;
	[tilespmem:s16+$0x0] =	vst v9  }
0x31a: {  	[tilespmem:s6+$0x0] =	vst v8  }
0x31b: {  	v8 =	vld [tilespmem:s26+$0x2130];
	_ =	sdelay $0x3  }
0x31c: {  	s1 =	sor.u32 $0x2930, s1  }
0x31d: {  	s17 =	simm.s32 $0x1;
	[tilespmem:s1+$0x0] =	vst v8  }
0x31e: {  	_ =	swait.ge [sflag:s17], $0x4000  }
0x31f: {  	[sflag:s17] =	ssyncset.done $0x0  }
0x320: {  	[sflag:s17] =	ssyncadd.s32 $0xFFFFC000  }
0x321: {  	v8 =	vld [tilespmem:s2+$0x0];
	_ =	sdelay $0x4  }
0x322: {  	v9 =	vshll.u32 v8, $0x1  }
0x323: {  	v8 =	vand.u32 $0x7, v8;
	v9 =	vand.u32 $0xFFFFFFF0, v9  }
0x324: {  	v8 =	vor.u32 v8, v9  }
0x325: {  	v9 =	vperm.xlane v8, v5;
	_ =	sdelay $0x1  }
0x326: {  	v8 =	vperm.xlane v8, v7;
	v9 =	vadd.s32 v6, v9;
	_ =	sdelay $0x1  }
0x327: {  	v8 =	vadd.s32 v6, v8  }
0x328: {  	s18 =	sshll.u32 s7, $0xE  }
0x329: {  	s21 =	simm.s32 $0x0;
	s19 =	sor.u32 $0x2B00, s18;
	s20 =	rddreg [dreg:$0x0]  }
0x32a: {  	[tilespmem:s19], [sflag:$0x1] =	stream.indirect_vreg.gather [hbm4b:s20+s21], $0x80, v9, vm0, $0xb8;
	[tilespmem:$0x1F300] =	vst v63  }
0x32b: {  	s22 =	sor.u32 $0x3300, s18  }
0x32c: {  	[tilespmem:s22], [sflag:$0x1] =	stream.indirect_vreg.gather [hbm4b:s20+s21], $0x80, v8, vm0, $0xb8;
	[tilespmem:$0x1F300] =	vst v63  }
0x32d: {  	v8 =	vld [tilespmem:s12+$0x0];
	_ =	sdelay $0x4  }
0x32e: {  	v9 =	vshll.u32 v8, $0x1  }
0x32f: {  	v8 =	vand.u32 $0x7, v8;
	v9 =	vand.u32 $0xFFFFFFF0, v9  }
0x330: {  	v8 =	vor.u32 v8, v9  }
0x331: {  	v9 =	vperm.xlane v8, v5;
	_ =	sdelay $0x1  }
0x332: {  	v8 =	vperm.xlane v8, v7;
	v9 =	vadd.s32 v6, v9;
	_ =	sdelay $0x1  }
0x333: {  	v8 =	vadd.s32 v6, v8;
	_ =	sdelay $0x1  }
0x334: {  	s23 =	sor.u32 $0x3B00, s18  }
0x335: {  	[tilespmem:s23], [sflag:$0x1] =	stream.indirect_vreg.gather [hbm4b:s20+s21], $0x80, v9, vm0, $0xb8;
	[tilespmem:$0x1F300] =	vst v63  }
0x336: {  	s24 =	sadd.s32 $0x4300, s18  }
0x337: {  	[tilespmem:s24], [sflag:$0x1] =	stream.indirect_vreg.gather [hbm4b:s20+s21], $0x80, v8, vm0, $0xb8;
	[tilespmem:$0x1F300] =	vst v63  }
0x338: {  	v8 =	vld [tilespmem:s14+$0x0];
	_ =	sdelay $0x4  }
0x339: {  	v9 =	vshll.u32 v8, $0x1  }
0x33a: {  	v8 =	vand.u32 $0x7, v8;
	v9 =	vand.u32 $0xFFFFFFF0, v9  }
0x33b: {  	v8 =	vor.u32 v8, v9  }
0x33c: {  	v9 =	vperm.xlane v8, v5;
	_ =	sdelay $0x1  }
0x33d: {  	v8 =	vperm.xlane v8, v7;
	v9 =	vadd.s32 v6, v9;
	_ =	sdelay $0x1  }
0x33e: {  	v8 =	vadd.s32 v6, v8;
	_ =	sdelay $0x1  }
0x33f: {  	s25 =	sadd.s32 $0x4B00, s18  }
0x340: {  	[tilespmem:s25], [sflag:$0x1] =	stream.indirect_vreg.gather [hbm4b:s20+s21], $0x80, v9, vm0, $0xb8;
	[tilespmem:$0x1F300] =	vst v63  }
0x341: {  	s28 =	sadd.s32 $0x5300, s18  }
0x342: {  	[tilespmem:s28], [sflag:$0x1] =	stream.indirect_vreg.gather [hbm4b:s20+s21], $0x80, v8, vm0, $0xb8;
	[tilespmem:$0x1F300] =	vst v63  }
0x343: {  	v8 =	vld [tilespmem:s16+$0x0];
	_ =	sdelay $0x4  }
0x344: {  	v9 =	vshll.u32 v8, $0x1  }
0x345: {  	v8 =	vand.u32 $0x7, v8;
	v9 =	vand.u32 $0xFFFFFFF0, v9  }
0x346: {  	v8 =	vor.u32 v8, v9  }
0x347: {  	v9 =	vperm.xlane v8, v5;
	_ =	sdelay $0x1  }
0x348: {  	v8 =	vperm.xlane v8, v7;
	v9 =	vadd.s32 v6, v9;
	_ =	sdelay $0x1  }
0x349: {  	v8 =	vadd.s32 v6, v8;
	_ =	sdelay $0x1  }
0x34a: {  	s29 =	sadd.s32 $0x5B00, s18  }
0x34b: {  	[tilespmem:s29], [sflag:$0x1] =	stream.indirect_vreg.gather [hbm4b:s20+s21], $0x80, v9, vm0, $0xb8;
	[tilespmem:$0x1F300] =	vst v63  }
0x34c: {  	s31 =	sshll.u32 s8, $0x10;
	s1 =	sadd.s32 $0x6300, s18  }
0x34d: {  	[tilespmem:s1], [sflag:$0x1] =	stream.indirect_vreg.gather [hbm4b:s20+s21], $0x80, v8, vm0, $0xb8;
	[tilespmem:$0x1F300] =	vst v63  }
0x34e: {  	s0 =	sshll.u32 s8, $0x7;
	s1 =	sshra.s32 s31, $0x2  }
0x34f: {  	[smem:$0x7F5] =	sst s7;
	v8 =	vmov s0;
	s0 =	simm.s32 $0x0;
	s30 =	sor.u32 $0x2B00, s1  }
.LBB2_19:
0x350: {  	_ =	sdelay $0x2  }
0x351: {  	s2 =	sshll.u32 s0, $0x4  }
0x352: {  	v9 =	vld.idx.msk [tilespmem:v8+s2+$0x2A00 ss:$0x1], $0xffff;
	_ =	sdelay $0x4  }
0x353: {  	(v2sf) =	vpush v9, $0x0  }
0x354: {  	(v2sf) =	vpush v9, $0x1  }
0x355: {  	(v2sf) =	vpush v9, $0x2  }
0x356: {  	(v2sf) =	vpush v9, $0x3;
	_ =	sdelay $0x1  }
0x357: {  	(v2sf) =	vpush v9, $0x4;
	_ =	sdelay $0x2  }
0x358: {  	(v2sf) =	vpush v9, $0x5;
	_ =	sdelay $0x1  }
0x359: {  	(v2sf) =	vpush v9, $0x6;
	_ =	sdelay $0x2  }
0x35a: {  	(v2sf) =	vpush v9, $0x7;
	_ =	sdelay $0x1  }
0x35b: {  	s16 =	sshll.u32 s0, $0xE;
	(v2sf) =	vpush v9, $0x8;
	s1 =	spop (v2sf)  }
0x35c: {  	s3 =	spop (v2sf);
	s15 =	sshll.u32 s1, $0x8;
	s1 =	sshll.u32 s1, $0x7  }
0x35d: {  	(v2sf) =	vpush v9, $0x9;
	s9 =	spop (v2sf);
	s15 =	sand.u32 $0xFFFFF800, s15;
	s1 =	sand.u32 $0x380, s1  }
0x35e: {  	s21 =	sshll.u32 s3, $0x8;
	s3 =	sshll.u32 s3, $0x7;
	s10 =	spop (v2sf)  }
0x35f: {  	s1 =	sor.u32 s1, s15;
	s15 =	sand.u32 $0xFFFFF800, s21;
	s3 =	sand.u32 $0x380, s3  }
0x360: {  	(v2sf) =	vpush v9, $0xA;
	s23 =	sshll.u32 s9, $0x8;
	s9 =	sshll.u32 s9, $0x7;
	s11 =	spop (v2sf)  }
0x361: {  	s1 =	sadd.s32 $0xAB00, s1;
	s22 =	sor.u32 s3, s15;
	s24 =	sand.u32 $0xFFFFF800, s23  }
0x362: {  	(v2sf) =	vpush v9, $0xB;
	s25 =	sand.u32 $0x380, s9;
	s28 =	sshll.u32 s10, $0x8;
	s29 =	sshll.u32 s10, $0x7  }
0x363: {  	s10 =	sshra.s32 s16, $0x2;
	s12 =	spop (v2sf);
	[dreg:$0x16] =	wrdreg s1  }
0x364: {  	s1 =	sadd.s32 $0xAB00, s22;
	s3 =	sand.u32 $0xFFFFF800, s28;
	s9 =	sand.u32 $0x380, s29  }
0x365: {  	(v2sf) =	vpush v9, $0xC;
	s15 =	sshll.u32 s11, $0x7;
	s13 =	spop (v2sf);
	[dreg:$0x17] =	wrdreg s1  }
0x366: {  	(v2sf) =	vpush v9, $0xD;
	s1 =	sor.u32 s25, s24;
	s3 =	sor.u32 s9, s3;
	s9 =	sshll.u32 s11, $0x8  }
0x367: {  	s17 =	sand.u32 $0x380, s15;
	s18 =	sshll.u32 s12, $0x8;
	s19 =	sshll.u32 s12, $0x7  }
0x368: {  	s14 =	spop (v2sf);
	s1 =	sadd.s32 $0xAB00, s1;
	s16 =	sand.u32 $0xFFFFF800, s9  }
0x369: {  	s9 =	sand.u32 $0x380, s19;
	s21 =	sshll.u32 s13, $0x8;
	s22 =	sshll.u32 s13, $0x7  }
0x36a: {  	s8 =	spop (v2sf);
	[dreg:$0x18] =	wrdreg s1;
	s1 =	sadd.s32 $0xAB00, s3  }
0x36b: {  	s3 =	sand.u32 $0xFFFFF800, s18;
	s23 =	sshll.u32 s14, $0x8;
	s24 =	sshll.u32 s14, $0x7  }
0x36c: {  	s7 =	spop (v2sf);
	[dreg:$0x19] =	wrdreg s1;
	s1 =	sor.u32 s17, s16  }
0x36d: {  	(v2sf) =	vpush v9, $0xE;
	s20 =	sor.u32 s9, s3;
	s3 =	sand.u32 $0xFFFFF800, s21;
	s9 =	sand.u32 $0x380, s22  }
0x36e: {  	s25 =	sand.u32 $0xFFFFF800, s23;
	s28 =	sand.u32 $0x380, s24;
	s12 =	sshll.u32 s8, $0x8  }
0x36f: {  	s8 =	sshll.u32 s8, $0x7;
	s6 =	spop (v2sf);
	s1 =	sadd.s32 $0xAB00, s1  }
0x370: {  	s3 =	sor.u32 s9, s3;
	s9 =	sor.u32 s28, s25;
	s8 =	sand.u32 $0x380, s8  }
0x371: {  	s15 =	sshll.u32 s7, $0x8;
	s7 =	sshll.u32 s7, $0x7;
	s5 =	spop (v2sf)  }
0x372: {  	[dreg:$0x1a] =	wrdreg s1;
	s1 =	sadd.s32 $0xAB00, s20;
	s29 =	sadd.s32 $0xAB00, s3  }
0x373: {  	s3 =	sadd.s32 s10, s30;
	s11 =	sadd.s32 $0xAB00, s9;
	s16 =	sand.u32 $0xFFFFF800, s15  }
0x374: {  	s7 =	sand.u32 $0x380, s7;
	s4 =	spop (v2sf);
	[dreg:$0x1b] =	wrdreg s1  }
0x375: {  	s17 =	sshll.u32 s6, $0x8;
	[dreg:$0x1c] =	wrdreg s29;
	s14 =	spop (v2sf);
	(v2sf) =	vpush v9, $0xF  }
0x376: {  	s6 =	sshll.u32 s6, $0x7;
	s15 =	simm.s32 $0x0;
	[dreg:$0x1d] =	wrdreg s11  }
0x377: {  	s13 =	sadd.s32 $0x800, s3;
	s1 =	sand.u32 $0xFFFFF800, s12;
	s6 =	sand.u32 $0x380, s6  }
0x378: {  	s20 =	sshll.u32 s5, $0x8;
	s5 =	sshll.u32 s5, $0x7;
	[dreg:$0x1e] =	wrdreg s13  }
0x379: {  	s1 =	sor.u32 s8, s1;
	s21 =	sand.u32 $0xFFFFF800, s20;
	s5 =	sand.u32 $0x380, s5  }
0x37a: {  	s22 =	sshll.u32 s4, $0x8;
	s4 =	sshll.u32 s4, $0x7;
	s1 =	sadd.s32 $0xAB00, s1  }
0x37b: {  	s4 =	sand.u32 $0x380, s4;
	[dreg:$0x1f] =	wrdreg s1;
	s1 =	sor.u32 s7, s16  }
0x37c: {  	s7 =	sand.u32 $0xFFFFF800, s17;
	s1 =	sadd.s32 $0xAB00, s1;
	s18 =	spop (v2sf)  }
0x37d: {  	s19 =	sor.u32 s6, s7;
	s24 =	sshll.u32 s14, $0x8;
	s25 =	sshll.u32 s14, $0x7  }
0x37e: {  	[smem:$0x7EC] =	sst s1;
	s1 =	sadd.s32 $0xAB00, s19;
	s28 =	sshll.u32 s18, $0x8  }
0x37f: {  	s29 =	sshll.u32 s18, $0x7;
	[smem:$0x7ED] =	sst s1;
	s1 =	sor.u32 s5, s21  }
0x380: {  	s5 =	sand.u32 $0xFFFFF800, s22;
	s6 =	sand.u32 $0xFFFFF800, s28;
	s8 =	sand.u32 $0x380, s29  }
0x381: {  	s1 =	sadd.s32 $0xAB00, s1;
	s23 =	sor.u32 s4, s5;
	s4 =	sand.u32 $0xFFFFF800, s24  }
0x382: {  	s5 =	sand.u32 $0x380, s25;
	s10 =	sor.u32 s8, s6;
	[smem:$0x7EE] =	sst s1  }
0x383: {  	s1 =	sadd.s32 $0xAB00, s23;
	s4 =	sor.u32 s5, s4;
	s12 =	sadd.s32 $0xAB00, s10  }
0x384: {  	[smem:$0x7EF] =	sst s1;
	s9 =	sadd.s32 $0xAB00, s4;
	s11 =	spop (v2sf)  }
0x385: {  	[smem:$0x7F1] =	sst s12;
	s13 =	sshll.u32 s11, $0x8;
	s14 =	sshll.u32 s11, $0x7  }
0x386: {  	[smem:$0x7F0] =	sst s9;
	s1 =	sand.u32 $0xFFFFF800, s13;
	s4 =	sand.u32 $0x380, s14  }
0x387: {  	s9 =	sand.u32 $0x40, s15;
	s13 =	sand.u32 $0x400, s15;
	s1 =	sor.u32 s4, s1  }
0x388: {  	v24 =	vld.idx.msk [tilespmem:v8+s2+$0x2900 ss:$0x1], $0xffff;
	s10 =	sor.u32 $0x30, s9;
	s5 =	sadd.s32 s13, s3;
	s1 =	sadd.s32 $0xAB00, s1  }
0x389: {  	s6 =	sadd.s32 s10, s5;
	[smem:$0x7F2] =	sst s1  }
0x38a: {  	v10 =	vld [tilespmem:s6+$0x0];
	_ =	sdelay $0x1  }
0x38b: {  	s2 =	sadd.s32 s9, s5  }
0x38c: {  	v9 =	vbroadcast v24, $0x0;
	s11 =	sor.u32 $0x10, s9;
	v11 =	vld [tilespmem:s2+$0x0]  }
0x38d: {  	s16 =	rddreg [dreg:$0x16];
	s4 =	sadd.s32 s11, s5  }
0x38e: {  	s1 =	sadd.s32 s13, s16;
	v12 =	vld [tilespmem:s4+$0x0];
	v10 =	vmul.f32 v10, v9  }
0x38f: {  	s17 =	sadd.s32 s10, s1  }
0x390: {  	[tilespmem:s17+$0x0] =	vst.add.f32.msk $0xffff, v10  }
0x391: {  	v11 =	vmul.f32 v11, v9;
	v13 =	vld [tilespmem:s6+$0x80]  }
0x392: {  	s12 =	sor.u32 $0x20, s9;
	s18 =	sadd.s32 s9, s1  }
0x393: {  	s5 =	sadd.s32 s12, s5;
	v12 =	vmul.f32 v12, v9;
	[tilespmem:s18+$0x0] =	vst.add.f32.msk $0xffff, v11  }
0x394: {  	s19 =	sadd.s32 s11, s1;
	v11 =	vld [tilespmem:s5+$0x0];
	v10 =	vbroadcast v24, $0x1  }
0x395: {  	s7 =	rddreg [dreg:$0x17];
	[tilespmem:s19+$0x0] =	vst.add.f32.msk $0xffff, v12  }
0x396: {  	v12 =	vld [tilespmem:s2+$0x80];
	s7 =	sadd.s32 s13, s7;
	v13 =	vmul.f32 v13, v10  }
0x397: {  	v14 =	vld [tilespmem:s4+$0x80];
	s20 =	sadd.s32 s10, s7  }
0x398: {  	[tilespmem:s20+$0x0] =	vst.add.f32.msk $0xffff, v13  }
0x399: {  	v11 =	vmul.f32 v11, v9;
	v13 =	vld [tilespmem:s6+$0x100]  }
0x39a: {  	s1 =	sadd.s32 s12, s1  }
0x39b: {  	v12 =	vmul.f32 v12, v10;
	[tilespmem:s1+$0x0] =	vst.add.f32.msk $0xffff, v11  }
0x39c: {  	s21 =	sadd.s32 s9, s7;
	v11 =	vbroadcast v24, $0x2;
	v14 =	vmul.f32 v14, v10;
	v15 =	vld [tilespmem:s5+$0x80]  }
0x39d: {  	s22 =	sadd.s32 s11, s7;
	s1 =	rddreg [dreg:$0x18];
	[tilespmem:s21+$0x0] =	vst.add.f32.msk $0xffff, v12  }
0x39e: {  	[tilespmem:s22+$0x0] =	vst.add.f32.msk $0xffff, v14;
	s1 =	sadd.s32 s13, s1;
	v12 =	vmul.f32 v13, v11  }
0x39f: {  	s23 =	sadd.s32 s10, s1;
	v13 =	vld [tilespmem:s2+$0x100]  }
0x3a0: {  	[tilespmem:s23+$0x0] =	vst.add.f32.msk $0xffff, v12  }
0x3a1: {  	v14 =	vmul.f32 v15, v10;
	v15 =	vld [tilespmem:s6+$0x180]  }
0x3a2: {  	s7 =	sadd.s32 s12, s7  }
0x3a3: {  	[tilespmem:s7+$0x0] =	vst.add.f32.msk $0xffff, v14  }
0x3a4: {  	v14 =	vld [tilespmem:s4+$0x100];
	v12 =	vbroadcast v24, $0x3;
	v13 =	vmul.f32 v13, v11  }
0x3a5: {  	s24 =	sadd.s32 s9, s1;
	v16 =	vld [tilespmem:s5+$0x100];
	s7 =	rddreg [dreg:$0x19]  }
0x3a6: {  	s7 =	sadd.s32 s13, s7;
	[tilespmem:s24+$0x0] =	vst.add.f32.msk $0xffff, v13;
	v13 =	vmul.f32 v15, v12  }
0x3a7: {  	s25 =	sadd.s32 s10, s7;
	v15 =	vld [tilespmem:s2+$0x180]  }
0x3a8: {  	[tilespmem:s25+$0x0] =	vst.add.f32.msk $0xffff, v13  }
0x3a9: {  	v14 =	vmul.f32 v14, v11;
	v17 =	vld [tilespmem:s6+$0x200]  }
0x3aa: {  	s28 =	sadd.s32 s11, s1;
	v13 =	vmul.f32 v16, v11  }
0x3ab: {  	s1 =	sadd.s32 s12, s1;
	[tilespmem:s28+$0x0] =	vst.add.f32.msk $0xffff, v14  }
0x3ac: {  	s8 =	rddreg [dreg:$0x1a];
	[tilespmem:s1+$0x0] =	vst.add.f32.msk $0xffff, v13;
	v13 =	vbroadcast v24, $0x4  }
0x3ad: {  	v14 =	vld [tilespmem:s4+$0x180];
	v15 =	vmul.f32 v15, v12  }
0x3ae: {  	s29 =	sadd.s32 s9, s7;
	s8 =	sadd.s32 s13, s8;
	v16 =	vld [tilespmem:s5+$0x180];
	v17 =	vmul.f32 v17, v13  }
0x3af: {  	s14 =	sadd.s32 s10, s8;
	[tilespmem:s29+$0x0] =	vst.add.f32.msk $0xffff, v15  }
0x3b0: {  	[tilespmem:s14+$0x0] =	vst.add.f32.msk $0xffff, v17  }
0x3b1: {  	v17 =	vld [tilespmem:s2+$0x200]  }
0x3b2: {  	v14 =	vmul.f32 v14, v12;
	v15 =	vld [tilespmem:s6+$0x280]  }
0x3b3: {  	s15 =	sadd.s32 s11, s7;
	v16 =	vmul.f32 v16, v12  }
0x3b4: {  	s7 =	sadd.s32 s12, s7;
	s14 =	rddreg [dreg:$0x1b];
	[tilespmem:s15+$0x0] =	vst.add.f32.msk $0xffff, v14  }
0x3b5: {  	v14 =	vbroadcast v24, $0x5;
	[tilespmem:s7+$0x0] =	vst.add.f32.msk $0xffff, v16  }
0x3b6: {  	v16 =	vld [tilespmem:s4+$0x200];
	v17 =	vmul.f32 v17, v13  }
0x3b7: {  	s18 =	sadd.s32 s9, s8;
	s16 =	sadd.s32 s13, s14;
	v18 =	vld [tilespmem:s5+$0x200];
	v15 =	vmul.f32 v15, v14  }
0x3b8: {  	s17 =	sadd.s32 s10, s16;
	[tilespmem:s18+$0x0] =	vst.add.f32.msk $0xffff, v17  }
0x3b9: {  	[tilespmem:s17+$0x0] =	vst.add.f32.msk $0xffff, v15  }
0x3ba: {  	v17 =	vld [tilespmem:s2+$0x280]  }
0x3bb: {  	v16 =	vmul.f32 v16, v13;
	v19 =	vld [tilespmem:s6+$0x300]  }
0x3bc: {  	s19 =	sadd.s32 s11, s8;
	v18 =	vmul.f32 v18, v13  }
0x3bd: {  	s8 =	sadd.s32 s12, s8;
	s20 =	rddreg [dreg:$0x1c];
	[tilespmem:s19+$0x0] =	vst.add.f32.msk $0xffff, v16  }
0x3be: {  	v15 =	vbroadcast v24, $0x6;
	[tilespmem:s8+$0x0] =	vst.add.f32.msk $0xffff, v18  }
0x3bf: {  	v16 =	vld [tilespmem:s4+$0x280]  }
0x3c0: {  	v17 =	vmul.f32 v17, v14;
	v18 =	vmul.f32 v19, v15;
	v19 =	vld [tilespmem:s5+$0x280]  }
0x3c1: {  	s23 =	sadd.s32 s9, s16;
	s21 =	sadd.s32 s13, s20  }
0x3c2: {  	s22 =	sadd.s32 s10, s21;
	[tilespmem:s23+$0x0] =	vst.add.f32.msk $0xffff, v17  }
0x3c3: {  	[tilespmem:s22+$0x0] =	vst.add.f32.msk $0xffff, v18  }
0x3c4: {  	v20 =	vmul.f32 v16, v14;
	v17 =	vld [tilespmem:s2+$0x300]  }
0x3c5: {  	s25 =	sadd.s32 s11, s16;
	v18 =	vld [tilespmem:s6+$0x380];
	s24 =	rddreg [dreg:$0x1d];
	v19 =	vmul.f32 v19, v14  }
0x3c6: {  	s1 =	sadd.s32 s12, s16;
	s28 =	rddreg [dreg:$0x1e];
	[tilespmem:s25+$0x0] =	vst.add.f32.msk $0xffff, v20  }
0x3c7: {  	[tilespmem:s1+$0x0] =	vst.add.f32.msk $0xffff, v19  }
0x3c8: {  	v16 =	vbroadcast v24, $0x7;
	v19 =	vld [tilespmem:s4+$0x300]  }
0x3c9: {  	v17 =	vmul.f32 v17, v15  }
0x3ca: {  	s17 =	sadd.s32 s9, s21;
	s29 =	sadd.s32 s13, s24;
	v18 =	vmul.f32 v18, v16;
	v20 =	vld [tilespmem:s5+$0x300]  }
0x3cb: {  	s6 =	sadd.s32 s10, s29;
	s1 =	sadd.s32 s13, s28;
	[tilespmem:s17+$0x0] =	vst.add.f32.msk $0xffff, v17  }
0x3cc: {  	[tilespmem:s6+$0x0] =	vst.add.f32.msk $0xffff, v18;
	s6 =	sadd.s32 s10, s1  }
0x3cd: {  	v18 =	vld [tilespmem:s6+$0x0];
	v19 =	vmul.f32 v19, v15  }
0x3ce: {  	s18 =	sadd.s32 s11, s21;
	v21 =	vld [tilespmem:s2+$0x380]  }
0x3cf: {  	s14 =	rddreg [dreg:$0x1f];
	v20 =	vmul.f32 v20, v15;
	[tilespmem:s18+$0x0] =	vst.add.f32.msk $0xffff, v19  }
0x3d0: {  	s21 =	sadd.s32 s12, s21;
	v17 =	vbroadcast v24, $0x8;
	v19 =	vld [tilespmem:s4+$0x380]  }
0x3d1: {  	[tilespmem:s21+$0x0] =	vst.add.f32.msk $0xffff, v20  }
0x3d2: {  	s19 =	sadd.s32 s13, s14;
	v18 =	vmul.f32 v18, v17;
	v20 =	vld [tilespmem:s5+$0x380]  }
0x3d3: {  	s20 =	sadd.s32 s10, s19  }
0x3d4: {  	v21 =	vmul.f32 v21, v16;
	[tilespmem:s20+$0x0] =	vst.add.f32.msk $0xffff, v18  }
0x3d5: {  	s22 =	sadd.s32 s9, s29;
	v22 =	vld [tilespmem:s6+$0x80]  }
0x3d6: {  	s16 =	sadd.s32 s9, s1;
	s23 =	sld [smem:$0x7EC];
	[tilespmem:s22+$0x0] =	vst.add.f32.msk $0xffff, v21;
	v19 =	vmul.f32 v19, v16  }
0x3d7: {  	s24 =	sadd.s32 s11, s29;
	v21 =	vld [tilespmem:s16+$0x0];
	v20 =	vmul.f32 v20, v16  }
0x3d8: {  	s29 =	sadd.s32 s12, s29;
	v18 =	vbroadcast v24, $0x9;
	[tilespmem:s24+$0x0] =	vst.add.f32.msk $0xffff, v19  }
0x3d9: {  	s17 =	sadd.s32 s11, s1;
	[tilespmem:s29+$0x0] =	vst.add.f32.msk $0xffff, v20  }
0x3da: {  	s14 =	sadd.s32 s12, s1;
	v19 =	vmul.f32 v22, v18;
	v22 =	vld [tilespmem:s17+$0x0]  }
0x3db: {  	s25 =	sadd.s32 s13, s23;
	v20 =	vld [tilespmem:s14+$0x0]  }
0x3dc: {  	s28 =	sadd.s32 s10, s25  }
0x3dd: {  	v21 =	vmul.f32 v21, v17;
	[tilespmem:s28+$0x0] =	vst.add.f32.msk $0xffff, v19  }
0x3de: {  	s7 =	sadd.s32 s9, s19;
	v23 =	vld [tilespmem:s6+$0x100]  }
0x3df: {  	s4 =	sld [smem:$0x7ED];
	[tilespmem:s7+$0x0] =	vst.add.f32.msk $0xffff, v21;
	v21 =	vmul.f32 v22, v17  }
0x3e0: {  	s8 =	sadd.s32 s11, s19;
	v22 =	vld [tilespmem:s16+$0x80];
	v20 =	vmul.f32 v20, v17  }
0x3e1: {  	s18 =	sadd.s32 s12, s19;
	v19 =	vbroadcast v24, $0xA;
	[tilespmem:s8+$0x0] =	vst.add.f32.msk $0xffff, v21  }
0x3e2: {  	[tilespmem:s18+$0x0] =	vst.add.f32.msk $0xffff, v20  }
0x3e3: {  	v21 =	vmul.f32 v23, v19;
	v23 =	vld [tilespmem:s17+$0x80]  }
0x3e4: {  	s4 =	sadd.s32 s13, s4;
	v25 =	vld [tilespmem:s14+$0x80]  }
0x3e5: {  	s15 =	sadd.s32 s10, s4  }
0x3e6: {  	[tilespmem:s15+$0x0] =	vst.add.f32.msk $0xffff, v21;
	v22 =	vmul.f32 v22, v18  }
0x3e7: {  	s19 =	sadd.s32 s9, s25;
	v21 =	vld [tilespmem:s6+$0x180]  }
0x3e8: {  	s20 =	sld [smem:$0x7EE];
	[tilespmem:s19+$0x0] =	vst.add.f32.msk $0xffff, v22;
	v22 =	vmul.f32 v23, v18  }
0x3e9: {  	s21 =	sadd.s32 s11, s25;
	v23 =	vld [tilespmem:s16+$0x100];
	v25 =	vmul.f32 v25, v18  }
0x3ea: {  	s23 =	sadd.s32 s12, s25;
	[tilespmem:s21+$0x0] =	vst.add.f32.msk $0xffff, v22  }
0x3eb: {  	v20 =	vbroadcast v24, $0xB;
	[tilespmem:s23+$0x0] =	vst.add.f32.msk $0xffff, v25  }
0x3ec: {  	v22 =	vld [tilespmem:s17+$0x100]  }
0x3ed: {  	s2 =	sadd.s32 s13, s20;
	v21 =	vmul.f32 v21, v20;
	v25 =	vld [tilespmem:s14+$0x100]  }
0x3ee: {  	s22 =	sadd.s32 s10, s2  }
0x3ef: {  	[tilespmem:s22+$0x0] =	vst.add.f32.msk $0xffff, v21;
	v23 =	vmul.f32 v23, v19  }
0x3f0: {  	s24 =	sadd.s32 s9, s4;
	v26 =	vld [tilespmem:s6+$0x200]  }
0x3f1: {  	s25 =	sld [smem:$0x7EF];
	[tilespmem:s24+$0x0] =	vst.add.f32.msk $0xffff, v23;
	v22 =	vmul.f32 v22, v19  }
0x3f2: {  	s28 =	sadd.s32 s11, s4;
	v23 =	vld [tilespmem:s16+$0x180];
	v25 =	vmul.f32 v25, v19  }
0x3f3: {  	s4 =	sadd.s32 s12, s4;
	v21 =	vbroadcast v24, $0xC;
	[tilespmem:s28+$0x0] =	vst.add.f32.msk $0xffff, v22  }
0x3f4: {  	[tilespmem:s4+$0x0] =	vst.add.f32.msk $0xffff, v25  }
0x3f5: {  	v22 =	vmul.f32 v26, v21;
	v26 =	vld [tilespmem:s17+$0x180]  }
0x3f6: {  	s5 =	sadd.s32 s13, s25;
	v25 =	vld [tilespmem:s14+$0x180]  }
0x3f7: {  	s29 =	sadd.s32 s10, s5  }
0x3f8: {  	[tilespmem:s29+$0x0] =	vst.add.f32.msk $0xffff, v22;
	v23 =	vmul.f32 v23, v20  }
0x3f9: {  	s7 =	sadd.s32 s9, s2;
	v27 =	vld [tilespmem:s6+$0x280]  }
0x3fa: {  	s8 =	sld [smem:$0x7F0];
	[tilespmem:s7+$0x0] =	vst.add.f32.msk $0xffff, v23;
	v23 =	vmul.f32 v26, v20  }
0x3fb: {  	s15 =	sadd.s32 s11, s2;
	v26 =	vld [tilespmem:s16+$0x200];
	v25 =	vmul.f32 v25, v20  }
0x3fc: {  	s20 =	sadd.s32 s12, s2;
	v22 =	vbroadcast v24, $0xD;
	[tilespmem:s15+$0x0] =	vst.add.f32.msk $0xffff, v23  }
0x3fd: {  	[tilespmem:s20+$0x0] =	vst.add.f32.msk $0xffff, v25  }
0x3fe: {  	s18 =	sadd.s32 s13, s8;
	v23 =	vmul.f32 v27, v22;
	v27 =	vld [tilespmem:s17+$0x200]  }
0x3ff: {  	s19 =	sadd.s32 s10, s18;
	v25 =	vld [tilespmem:s14+$0x200]  }
0x400: {  	[tilespmem:s19+$0x0] =	vst.add.f32.msk $0xffff, v23  }
0x401: {  	v26 =	vmul.f32 v26, v21;
	v28 =	vld [tilespmem:s6+$0x300]  }
0x402: {  	s21 =	sadd.s32 s9, s5  }
0x403: {  	s22 =	sld [smem:$0x7F1];
	[tilespmem:s21+$0x0] =	vst.add.f32.msk $0xffff, v26;
	v26 =	vmul.f32 v27, v21  }
0x404: {  	s23 =	sadd.s32 s11, s5;
	v23 =	vbroadcast v24, $0xE;
	v27 =	vld [tilespmem:s16+$0x280]  }
0x405: {  	v29 =	vmul.f32 v25, v21;
	[tilespmem:s23+$0x0] =	vst.add.f32.msk $0xffff, v26  }
0x406: {  	s28 =	sadd.s32 s12, s5;
	s24 =	sadd.s32 s13, s22;
	v26 =	vmul.f32 v28, v23;
	v28 =	vld [tilespmem:s17+$0x280]  }
0x407: {  	s25 =	sadd.s32 s10, s24;
	[tilespmem:s28+$0x0] =	vst.add.f32.msk $0xffff, v29  }
0x408: {  	s7 =	simm.s32 $0x40;
	[tilespmem:s25+$0x0] =	vst.add.f32.msk $0xffff, v26  }
0x409: {  	s15 =	simm.s32 $0x0;
	s29 =	sadd.s32 s9, s18;
	s4 =	sadd.s32 s11, s18;
	v27 =	vmul.f32 v27, v22;
	v26 =	vld [tilespmem:s14+$0x280]  }
0x40a: {  	s31 =	sadd.s32 s12, s18;
	s21 =	sadd.s32 s9, s24;
	s18 =	sadd.s32 s11, s24;
	v25 =	vld [tilespmem:s6+$0x380]  }
0x40b: {  	v24 =	vbroadcast v24, $0xF;
	s22 =	sadd.s32 s12, s24;
	s2 =	sld [smem:$0x7F2];
	s6 =	simm.s32 $0x200;
	[tilespmem:s29+$0x0] =	vst.add.f32.msk $0xffff, v27;
	v27 =	vmul.f32 v28, v22  }
.LBB2_20:
0x40c: {  	_ = 	snop  }
0x40d: {  	s24 =	sand.u32 $0x400, s6;
	v28 =	vld [tilespmem:s16+$0x300]  }
0x40e: {  	s1 =	sand.u32 $0x40, s7;
	s5 =	sadd.s32 s24, s3;
	[tilespmem:s4+$0x0] =	vst.add.f32.msk $0xffff, v27  }
0x40f: {  	s13 =	sadd.s32 s13, s2;
	v27 =	vld [tilespmem:s17+$0x300];
	s19 =	sadd.s32 s1, s5;
	v25 =	vmul.f32 v25, v24  }
0x410: {  	s23 =	sadd.s32 s10, s13;
	s10 =	sor.u32 $0x30, s1;
	v29 =	vld [tilespmem:s19+$0x0]  }
0x411: {  	s25 =	sor.u32 $0x10, s1;
	s2 =	sadd.s32 s10, s5;
	[tilespmem:s23+$0x0] =	vst.add.f32.msk $0xffff, v25  }
0x412: {  	s28 =	sor.u32 $0x20, s1;
	s23 =	sadd.s32 s25, s5;
	v25 =	vld [tilespmem:s2+$0x0]  }
0x413: {  	s8 =	sadd.s32 s28, s5;
	v26 =	vmul.f32 v26, v22;
	v30 =	vld [tilespmem:s23+$0x0]  }
0x414: {  	s29 =	rddreg [dreg:$0x16];
	s4 =	sadd.s32 s11, s13;
	v31 =	vld [tilespmem:s8+$0x0]  }
0x415: {  	s20 =	sadd.s32 s12, s13;
	v28 =	vmul.f32 v28, v23;
	s5 =	sadd.s32 s9, s13;
	s13 =	smov.u32 s24;
	[tilespmem:s31+$0x0] =	vst.add.f32.msk $0xffff, v26  }
0x416: {  	s9 =	smov.u32 s1;
	s1 =	sadd.s32 s13, s29;
	v26 =	vld [tilespmem:s14+$0x300];
	v29 =	vmul.f32 v29, v9  }
0x417: {  	[tilespmem:s21+$0x0] =	vst.add.f32.msk $0xffff, v28;
	s24 =	sadd.s32 s9, s1;
	v25 =	vmul.f32 v25, v9  }
0x418: {  	s11 =	smov.u32 s25;
	s29 =	sadd.s32 s10, s1;
	[tilespmem:s24+$0x0] =	vst.add.f32.msk $0xffff, v29;
	v28 =	vmul.f32 v30, v9  }
0x419: {  	s25 =	sadd.s32 s11, s1;
	[tilespmem:s29+$0x0] =	vst.add.f32.msk $0xffff, v25  }
0x41a: {  	[tilespmem:s25+$0x0] =	vst.add.f32.msk $0xffff, v28  }
0x41b: {  	s12 =	smov.u32 s28;
	v25 =	vmul.f32 v31, v9;
	v58 =	vld [tilespmem:s2+$0x80]  }
0x41c: {  	s1 =	sadd.s32 s12, s1;
	v28 =	vld [tilespmem:s23+$0x80]  }
0x41d: {  	v27 =	vmul.f32 v27, v23;
	[tilespmem:s1+$0x0] =	vst.add.f32.msk $0xffff, v25  }
0x41e: {  	v25 =	vld [tilespmem:s19+$0x80]  }
0x41f: {  	s24 =	rddreg [dreg:$0x17];
	v26 =	vmul.f32 v26, v23;
	[tilespmem:s18+$0x0] =	vst.add.f32.msk $0xffff, v27  }
0x420: {  	s28 =	sadd.s32 s13, s24;
	v59 =	vld [tilespmem:s8+$0x80];
	v29 =	vmul.f32 v58, v10  }
0x421: {  	s29 =	sadd.s32 s10, s28;
	[tilespmem:s22+$0x0] =	vst.add.f32.msk $0xffff, v26;
	v27 =	vmul.f32 v28, v10  }
0x422: {  	s24 =	sadd.s32 s11, s28;
	[tilespmem:s29+$0x0] =	vst.add.f32.msk $0xffff, v29  }
0x423: {  	v25 =	vmul.f32 v25, v10;
	[tilespmem:s24+$0x0] =	vst.add.f32.msk $0xffff, v27  }
0x424: {  	s21 =	sadd.s32 s9, s28;
	v29 =	vld [tilespmem:s2+$0x100]  }
0x425: {  	[tilespmem:s21+$0x0] =	vst.add.f32.msk $0xffff, v25  }
0x426: {  	v25 =	vmul.f32 v59, v10;
	v27 =	vld [tilespmem:s23+$0x100]  }
0x427: {  	s1 =	sadd.s32 s12, s28;
	v26 =	vld [tilespmem:s19+$0x100]  }
0x428: {  	s28 =	rddreg [dreg:$0x18];
	[tilespmem:s1+$0x0] =	vst.add.f32.msk $0xffff, v25  }
0x429: {  	s18 =	sadd.s32 s13, s28;
	v28 =	vld [tilespmem:s8+$0x100];
	v25 =	vmul.f32 v29, v11  }
0x42a: {  	s24 =	sadd.s32 s10, s18;
	v60 =	vld [tilespmem:s17+$0x380]  }
0x42b: {  	[tilespmem:s24+$0x0] =	vst.add.f32.msk $0xffff, v25  }
0x42c: {  	v26 =	vmul.f32 v26, v11;
	v25 =	vld [tilespmem:s2+$0x180]  }
0x42d: {  	s29 =	sadd.s32 s9, s18;
	v29 =	vld [tilespmem:s16+$0x380]  }
0x42e: {  	[tilespmem:s29+$0x0] =	vst.add.f32.msk $0xffff, v26;
	v28 =	vmul.f32 v28, v11  }
0x42f: {  	s21 =	sadd.s32 s11, s18;
	s18 =	sadd.s32 s12, s18;
	v26 =	vld [tilespmem:s19+$0x180]  }
0x430: {  	s25 =	rddreg [dreg:$0x19];
	v27 =	vmul.f32 v27, v11;
	[tilespmem:s18+$0x0] =	vst.add.f32.msk $0xffff, v28  }
0x431: {  	s28 =	sadd.s32 s13, s25;
	v61 =	vld [tilespmem:s8+$0x180];
	v25 =	vmul.f32 v25, v12  }
0x432: {  	s22 =	sadd.s32 s10, s28;
	[tilespmem:s21+$0x0] =	vst.add.f32.msk $0xffff, v27  }
0x433: {  	[tilespmem:s22+$0x0] =	vst.add.f32.msk $0xffff, v25  }
0x434: {  	v25 =	vld [tilespmem:s2+$0x200]  }
0x435: {  	v28 =	vld [tilespmem:s23+$0x180];
	v26 =	vmul.f32 v26, v12  }
0x436: {  	s29 =	sadd.s32 s9, s28;
	v62 =	vld [tilespmem:s14+$0x380];
	v30 =	vmul.f32 v61, v12  }
0x437: {  	s1 =	sadd.s32 s12, s28;
	[tilespmem:s29+$0x0] =	vst.add.f32.msk $0xffff, v26  }
0x438: {  	s24 =	rddreg [dreg:$0x1a];
	[tilespmem:s1+$0x0] =	vst.add.f32.msk $0xffff, v30  }
0x439: {  	s25 =	sadd.s32 s13, s24;
	v30 =	vld [tilespmem:s8+$0x200];
	v25 =	vmul.f32 v25, v13  }
0x43a: {  	s29 =	sadd.s32 s10, s25;
	v26 =	vld [tilespmem:s19+$0x200]  }
0x43b: {  	[tilespmem:s29+$0x0] =	vst.add.f32.msk $0xffff, v25  }
0x43c: {  	v25 =	vmul.f32 v28, v12;
	v28 =	vld [tilespmem:s2+$0x280]  }
0x43d: {  	s17 =	sadd.s32 s11, s28  }
0x43e: {  	v30 =	vmul.f32 v30, v13;
	[tilespmem:s17+$0x0] =	vst.add.f32.msk $0xffff, v25  }
0x43f: {  	s16 =	sadd.s32 s12, s25;
	v25 =	vmul.f32 v26, v13;
	v26 =	vld [tilespmem:s23+$0x200]  }
0x440: {  	s24 =	rddreg [dreg:$0x1b];
	s28 =	sadd.s32 s9, s25;
	[tilespmem:s16+$0x0] =	vst.add.f32.msk $0xffff, v30  }
0x441: {  	s21 =	sadd.s32 s11, s25;
	s25 =	sadd.s32 s13, s24;
	[tilespmem:s28+$0x0] =	vst.add.f32.msk $0xffff, v25;
	v28 =	vmul.f32 v28, v14  }
0x442: {  	s28 =	sadd.s32 s10, s25;
	v63 =	vld [tilespmem:s19+$0x280]  }
0x443: {  	v29 =	vmul.f32 v29, v24;
	[tilespmem:s28+$0x0] =	vst.add.f32.msk $0xffff, v28  }
0x444: {  	v26 =	vmul.f32 v26, v13;
	v28 =	vld [tilespmem:s2+$0x300]  }
0x445: {  	[tilespmem:s5+$0x0] =	vst.add.f32.msk $0xffff, v29  }
0x446: {  	[tilespmem:s21+$0x0] =	vst.add.f32.msk $0xffff, v26  }
0x447: {  	v29 =	vmul.f32 v63, v14;
	v26 =	vld [tilespmem:s23+$0x280]  }
0x448: {  	s14 =	sadd.s32 s9, s25;
	s29 =	rddreg [dreg:$0x1c];
	v30 =	vld [tilespmem:s8+$0x280]  }
0x449: {  	s22 =	sadd.s32 s13, s29;
	[tilespmem:s14+$0x0] =	vst.add.f32.msk $0xffff, v29;
	v28 =	vmul.f32 v28, v15  }
0x44a: {  	s24 =	sadd.s32 s10, s22;
	v29 =	vld [tilespmem:s19+$0x300]  }
0x44b: {  	v27 =	vmul.f32 v60, v24;
	[tilespmem:s24+$0x0] =	vst.add.f32.msk $0xffff, v28  }
0x44c: {  	v26 =	vmul.f32 v26, v14;
	v28 =	vld [tilespmem:s2+$0x380]  }
0x44d: {  	s17 =	sadd.s32 s11, s25;
	[tilespmem:s4+$0x0] =	vst.add.f32.msk $0xffff, v27  }
0x44e: {  	v30 =	vmul.f32 v30, v14;
	[tilespmem:s17+$0x0] =	vst.add.f32.msk $0xffff, v26  }
0x44f: {  	s1 =	sadd.s32 s12, s25;
	s25 =	rddreg [dreg:$0x1d];
	v27 =	vld [tilespmem:s23+$0x300]  }
0x450: {  	s18 =	sadd.s32 s9, s22;
	v25 =	vmul.f32 v62, v24;
	s28 =	rddreg [dreg:$0x1e];
	[tilespmem:s1+$0x0] =	vst.add.f32.msk $0xffff, v30  }
0x451: {  	s5 =	sadd.s32 s12, s22;
	s29 =	sadd.s32 s13, s28;
	s2 =	sadd.s32 s13, s25;
	v26 =	vmul.f32 v28, v16;
	v28 =	vmul.f32 v29, v15;
	v29 =	vld [tilespmem:s8+$0x300]  }
0x452: {  	s21 =	sadd.s32 s11, s22;
	s1 =	sadd.s32 s9, s2;
	s17 =	sadd.s32 s10, s2;
	[tilespmem:s20+$0x0] =	vst.add.f32.msk $0xffff, v25  }
0x453: {  	s22 =	sadd.s32 s11, s2;
	s24 =	sadd.s32 s12, s2;
	s2 =	sadd.s32 s10, s29;
	[tilespmem:s17+$0x0] =	vst.add.f32.msk $0xffff, v26  }
0x454: {  	v27 =	vmul.f32 v27, v15;
	v26 =	vld [tilespmem:s2+$0x0]  }
0x455: {  	[tilespmem:s18+$0x0] =	vst.add.f32.msk $0xffff, v28  }
0x456: {  	[tilespmem:s21+$0x0] =	vst.add.f32.msk $0xffff, v27;
	v27 =	vmul.f32 v29, v15  }
0x457: {  	v28 =	vld [tilespmem:s19+$0x380]  }
0x458: {  	[tilespmem:s5+$0x0] =	vst.add.f32.msk $0xffff, v27  }
0x459: {  	s25 =	rddreg [dreg:$0x1f];
	v25 =	vmul.f32 v26, v17;
	v26 =	vld [tilespmem:s23+$0x380]  }
0x45a: {  	s16 =	sadd.s32 s9, s29;
	s4 =	sadd.s32 s13, s25;
	v27 =	vld [tilespmem:s8+$0x380]  }
0x45b: {  	s14 =	sadd.s32 s12, s29;
	s17 =	sadd.s32 s11, s29;
	s29 =	sadd.s32 s10, s4  }
0x45c: {  	[tilespmem:s29+$0x0] =	vst.add.f32.msk $0xffff, v25;
	v25 =	vmul.f32 v28, v16  }
0x45d: {  	v28 =	vld [tilespmem:s2+$0x80]  }
0x45e: {  	[tilespmem:s1+$0x0] =	vst.add.f32.msk $0xffff, v25;
	v25 =	vmul.f32 v26, v16  }
0x45f: {  	v26 =	vld [tilespmem:s16+$0x0];
	v27 =	vmul.f32 v27, v16  }
0x460: {  	s20 =	sld [smem:$0x7EC];
	[tilespmem:s22+$0x0] =	vst.add.f32.msk $0xffff, v25  }
0x461: {  	[tilespmem:s24+$0x0] =	vst.add.f32.msk $0xffff, v27  }
0x462: {  	v25 =	vmul.f32 v28, v18;
	v28 =	vld [tilespmem:s17+$0x0]  }
0x463: {  	s21 =	sadd.s32 s13, s20;
	v27 =	vld [tilespmem:s14+$0x0]  }
0x464: {  	s23 =	sadd.s32 s10, s21  }
0x465: {  	[tilespmem:s23+$0x0] =	vst.add.f32.msk $0xffff, v25;
	v26 =	vmul.f32 v26, v17  }
0x466: {  	s28 =	sadd.s32 s9, s4;
	v25 =	vld [tilespmem:s2+$0x100]  }
0x467: {  	[tilespmem:s28+$0x0] =	vst.add.f32.msk $0xffff, v26;
	v26 =	vmul.f32 v28, v17  }
0x468: {  	s19 =	sadd.s32 s11, s4;
	v28 =	vld [tilespmem:s16+$0x80];
	v27 =	vmul.f32 v27, v17  }
0x469: {  	s25 =	sld [smem:$0x7ED];
	s4 =	sadd.s32 s12, s4;
	[tilespmem:s19+$0x0] =	vst.add.f32.msk $0xffff, v26  }
0x46a: {  	[tilespmem:s4+$0x0] =	vst.add.f32.msk $0xffff, v27  }
0x46b: {  	v26 =	vld [tilespmem:s17+$0x80]  }
0x46c: {  	s28 =	sadd.s32 s13, s25;
	v25 =	vmul.f32 v25, v19;
	v27 =	vld [tilespmem:s14+$0x80]  }
0x46d: {  	s29 =	sadd.s32 s10, s28  }
0x46e: {  	[tilespmem:s29+$0x0] =	vst.add.f32.msk $0xffff, v25;
	v28 =	vmul.f32 v28, v18  }
0x46f: {  	s5 =	sadd.s32 s9, s21;
	v25 =	vld [tilespmem:s2+$0x180]  }
0x470: {  	[tilespmem:s5+$0x0] =	vst.add.f32.msk $0xffff, v28;
	v26 =	vmul.f32 v26, v18  }
0x471: {  	s8 =	sadd.s32 s11, s21;
	v28 =	vld [tilespmem:s16+$0x100];
	v27 =	vmul.f32 v27, v18  }
0x472: {  	s1 =	sadd.s32 s12, s21;
	s22 =	sld [smem:$0x7EE];
	[tilespmem:s8+$0x0] =	vst.add.f32.msk $0xffff, v26  }
0x473: {  	[tilespmem:s1+$0x0] =	vst.add.f32.msk $0xffff, v27  }
0x474: {  	v26 =	vld [tilespmem:s17+$0x100]  }
0x475: {  	s4 =	sadd.s32 s13, s22;
	v25 =	vmul.f32 v25, v20;
	v27 =	vld [tilespmem:s14+$0x100]  }
0x476: {  	s25 =	sadd.s32 s10, s4  }
0x477: {  	[tilespmem:s25+$0x0] =	vst.add.f32.msk $0xffff, v25;
	v28 =	vmul.f32 v28, v19  }
0x478: {  	s19 =	sadd.s32 s9, s28;
	v25 =	vld [tilespmem:s2+$0x200]  }
0x479: {  	[tilespmem:s19+$0x0] =	vst.add.f32.msk $0xffff, v28;
	v26 =	vmul.f32 v26, v19  }
0x47a: {  	s20 =	sadd.s32 s11, s28;
	v28 =	vld [tilespmem:s16+$0x180];
	v27 =	vmul.f32 v27, v19  }
0x47b: {  	s18 =	sadd.s32 s12, s28;
	s28 =	sld [smem:$0x7EF];
	[tilespmem:s20+$0x0] =	vst.add.f32.msk $0xffff, v26  }
0x47c: {  	[tilespmem:s18+$0x0] =	vst.add.f32.msk $0xffff, v27  }
0x47d: {  	v26 =	vld [tilespmem:s17+$0x180]  }
0x47e: {  	s1 =	sadd.s32 s13, s28;
	v25 =	vmul.f32 v25, v21;
	v27 =	vld [tilespmem:s14+$0x180]  }
0x47f: {  	s29 =	sadd.s32 s10, s1  }
0x480: {  	[tilespmem:s29+$0x0] =	vst.add.f32.msk $0xffff, v25;
	v28 =	vmul.f32 v28, v20  }
0x481: {  	s23 =	sadd.s32 s9, s4;
	v25 =	vld [tilespmem:s2+$0x280]  }
0x482: {  	[tilespmem:s23+$0x0] =	vst.add.f32.msk $0xffff, v28;
	v26 =	vmul.f32 v26, v20  }
0x483: {  	s21 =	sld [smem:$0x7F0];
	s24 =	sadd.s32 s11, s4;
	v28 =	vld [tilespmem:s16+$0x200];
	v27 =	vmul.f32 v27, v20  }
0x484: {  	s22 =	sadd.s32 s12, s4;
	[tilespmem:s24+$0x0] =	vst.add.f32.msk $0xffff, v26  }
0x485: {  	[tilespmem:s22+$0x0] =	vst.add.f32.msk $0xffff, v27  }
0x486: {  	s23 =	sadd.s32 s13, s21;
	v25 =	vmul.f32 v25, v22;
	v26 =	vld [tilespmem:s17+$0x200]  }
0x487: {  	s25 =	sadd.s32 s10, s23;
	v27 =	vld [tilespmem:s14+$0x200]  }
0x488: {  	[tilespmem:s25+$0x0] =	vst.add.f32.msk $0xffff, v25  }
0x489: {  	v28 =	vmul.f32 v28, v21;
	v25 =	vld [tilespmem:s2+$0x300]  }
0x48a: {  	s19 =	sadd.s32 s9, s1  }
0x48b: {  	s28 =	sld [smem:$0x7F1];
	[tilespmem:s19+$0x0] =	vst.add.f32.msk $0xffff, v28;
	v26 =	vmul.f32 v26, v21  }
0x48c: {  	s20 =	sadd.s32 s11, s1;
	v28 =	vld [tilespmem:s16+$0x280]  }
0x48d: {  	s15 =	sadd.s32 $0x4, s15;
	[tilespmem:s20+$0x0] =	vst.add.f32.msk $0xffff, v26;
	v26 =	vmul.f32 v27, v21  }
0x48e: {  	p1 =	slt.u32 s15, $0xC;
	s5 =	sadd.s32 s13, s28;
	s1 =	sadd.s32 s12, s1;
	v25 =	vmul.f32 v25, v23;
	v29 =	vld [tilespmem:s17+$0x280]  }
.Ltmp11:
0x48f: {  	s29 =	sadd.s32 s10, s5;
	[tilespmem:s1+$0x0] =	vst.add.f32.msk $0xffff, v26;
	(pc) =	sbr.rel @p1 .LBB2_20-.Ltmp11, $4  }
0x490: {  	[tilespmem:s29+$0x0] =	vst.add.f32.msk $0xffff, v25  }
0x491: {  	s6 =	sadd.s32 $0x200, s6;
	s7 =	sadd.s32 $0x40, s7;
	s18 =	sadd.s32 s11, s5;
	v27 =	vmul.f32 v28, v22;
	v26 =	vld [tilespmem:s14+$0x280]  }
0x492: {  	s21 =	sadd.s32 s9, s5;
	s4 =	sadd.s32 s11, s23;
	s24 =	sadd.s32 s9, s23;
	v25 =	vld [tilespmem:s2+$0x380]  }
0x493: {  	s31 =	sadd.s32 s12, s23;
	s22 =	sadd.s32 s12, s5;
	s2 =	sld [smem:$0x7F2];
	[tilespmem:s24+$0x0] =	vst.add.f32.msk $0xffff, v27;
	v27 =	vmul.f32 v29, v22  }
0x494: {  	_ = 	snop  }
0x495: {  	v9 =	vld [tilespmem:s16+$0x300]  }
0x496: {  	[tilespmem:s4+$0x0] =	vst.add.f32.msk $0xffff, v27;
	v10 =	vmul.f32 v26, v22  }
0x497: {  	v11 =	vld [tilespmem:s17+$0x300]  }
0x498: {  	[tilespmem:s31+$0x0] =	vst.add.f32.msk $0xffff, v10  }
0x499: {  	v10 =	vld [tilespmem:s14+$0x300];
	_ =	sdelay $0x1  }
0x49a: {  	v9 =	vmul.f32 v9, v23  }
0x49b: {  	v11 =	vmul.f32 v11, v23  }
0x49c: {  	[tilespmem:s21+$0x0] =	vst.add.f32.msk $0xffff, v9  }
0x49d: {  	[tilespmem:s18+$0x0] =	vst.add.f32.msk $0xffff, v11;
	v9 =	vmul.f32 v10, v23  }
0x49e: {  	v10 =	vld [tilespmem:s17+$0x380]  }
0x49f: {  	[tilespmem:s22+$0x0] =	vst.add.f32.msk $0xffff, v9  }
0x4a0: {  	v9 =	vld [tilespmem:s16+$0x380]  }
0x4a1: {  	v11 =	vld [tilespmem:s14+$0x380]  }
0x4a2: {  	s0 =	sadd.s32 $0x1, s0  }
0x4a3: {  	p1 =	sne.s32 s0, $0x4;
	s1 =	sadd.s32 s13, s2;
	v12 =	vmul.f32 v25, v24  }
.Ltmp12:
0x4a4: {  	s2 =	sadd.s32 s10, s1;
	v10 =	vmul.f32 v10, v24;
	(pc) =	sbr.rel @p1 .LBB2_19-.Ltmp12, $4  }
0x4a5: {  	s3 =	sadd.s32 s11, s1;
	[tilespmem:s2+$0x0] =	vst.add.f32.msk $0xffff, v12;
	v9 =	vmul.f32 v9, v24  }
0x4a6: {  	s31 =	sadd.s32 s9, s1;
	[tilespmem:s3+$0x0] =	vst.add.f32.msk $0xffff, v10;
	v11 =	vmul.f32 v11, v24  }
0x4a7: {  	s1 =	sadd.s32 s12, s1;
	[tilespmem:s31+$0x0] =	vst.add.f32.msk $0xffff, v9  }
0x4a8: {  	[tilespmem:s1+$0x0] =	vst.add.f32.msk $0xffff, v11  }
0x4a9: {  	s1 =	sld [smem:$0x7F3];
	_ =	sdelay $0x1  }
0x4aa: {  	s26 =	sadd.s32 $0x40, s26  }
0x4ab: {  	s0 =	ssub.s32 s1, s26  }
0x4ac: {  	p1 =	sgt.s32 s0, $0x3F  }
.Ltmp13:
0x4ad: {  	_ = 	snop;
	(pc) =	sbr.rel @p1 .LBB2_18-.Ltmp13, $2  }
0x4ae: {  	_ =	sdelay $0x2  }
0x4af: {  	s8 =	sld [smem:$0x7F5]  }
0x4b0: {  	p1 =	slt.s32 s26, $0x1  }
0x4b1: {  	v8 =	vld @!p1 [tilespmem:s26+$0x1A00];
	_ =	sdelay $0x4  }
0x4b2: {  	[tilespmem:$0x1A00] =	vst @!p1 v8  }
0x4b3: {  	v8 =	vld @!p1 [tilespmem:s26+$0x2100];
	_ =	sdelay $0x4  }
0x4b4: {  	[tilespmem:$0x2100] =	vst @!p1 v8  }
0x4b5: {  	v8 =	vld @!p1 [tilespmem:s26+$0x1A10];
	_ =	sdelay $0x4  }
0x4b6: {  	[tilespmem:$0x1A10] =	vst @!p1 v8  }
0x4b7: {  	v8 =	vld @!p1 [tilespmem:s26+$0x2110];
	_ =	sdelay $0x4  }
0x4b8: {  	[tilespmem:$0x2110] =	vst @!p1 v8  }
0x4b9: {  	v8 =	vld @!p1 [tilespmem:s26+$0x1A20];
	_ =	sdelay $0x4  }
0x4ba: {  	[tilespmem:$0x1A20] =	vst @!p1 v8  }
0x4bb: {  	v8 =	vld @!p1 [tilespmem:s26+$0x2120];
	_ =	sdelay $0x4  }
0x4bc: {  	[tilespmem:$0x2120] =	vst @!p1 v8  }
0x4bd: {  	v8 =	vld @!p1 [tilespmem:s26+$0x1A30];
	_ =	sdelay $0x4  }
0x4be: {  	[tilespmem:$0x1A30] =	vst @!p1 v8  }
0x4bf: {  	v8 =	vld @!p1 [tilespmem:s26+$0x2130]  }
.Ltmp14:
0x4c0: {  	_ = 	snop;
	(pc) =	sbr.rel .LBB2_24-.Ltmp14, $2  }
0x4c1: {  	_ =	sdelay $0x2  }
0x4c2: {  	[tilespmem:$0x2130] =	vst @!p1 v8  }
.LBB2_25:
0x4c3: {  	v8 =	vld [tilespmem:$0x1A00];
	_ =	sdelay $0x3  }
0x4c4: {  	s2 =	sxor.u32 $0x1, s8;
	v9 =	vmov s0  }
0x4c5: {  	vm1 =	vgt.s32 v9, v3;
	s6 =	sshll.u32 s2, $0x7;
	v10 =	vand.u32 $0x3FFF, v8  }
0x4c6: {  	s12 =	sor.u32 $0x2800, s6;
	v8 =	vshrl.u32 v8, $0xE;
	v10 =	vnsel vm1, $0x0, v10  }
0x4c7: {  	s1 =	sor.u32 $0x2A00, s6;
	v8 =	vnsel vm1, $0x0, v8;
	[tilespmem:s12+$0x0] =	vst v10  }
0x4c8: {  	[tilespmem:s1+$0x0] =	vst v8  }
0x4c9: {  	v8 =	vld [tilespmem:$0x2100];
	_ =	sdelay $0x4  }
0x4ca: {  	s13 =	sor.u32 $0x2900, s6;
	v8 =	vnsel vm1, $0x0, v8  }
0x4cb: {  	[tilespmem:s13+$0x0] =	vst v8  }
0x4cc: {  	v8 =	vld [tilespmem:$0x1A10];
	_ =	sdelay $0x3  }
0x4cd: {  	v10 =	vor.u32 $0x10, v3  }
0x4ce: {  	vm1 =	vgt.s32 v9, v10;
	v10 =	vand.u32 $0x3FFF, v8  }
0x4cf: {  	s14 =	sor.u32 $0x2810, s6;
	v8 =	vshrl.u32 v8, $0xE;
	v10 =	vnsel vm1, $0x0, v10  }
0x4d0: {  	s3 =	sor.u32 $0x2A10, s6;
	v8 =	vnsel vm1, $0x0, v8;
	[tilespmem:s14+$0x0] =	vst v10  }
0x4d1: {  	[tilespmem:s3+$0x0] =	vst v8  }
0x4d2: {  	v8 =	vld [tilespmem:$0x2110];
	_ =	sdelay $0x4  }
0x4d3: {  	s15 =	sor.u32 $0x2910, s6;
	v8 =	vnsel vm1, $0x0, v8  }
0x4d4: {  	[tilespmem:s15+$0x0] =	vst v8  }
0x4d5: {  	v8 =	vld [tilespmem:$0x1A20];
	_ =	sdelay $0x3  }
0x4d6: {  	v10 =	vor.u32 $0x20, v3  }
0x4d7: {  	vm1 =	vgt.s32 v9, v10;
	v10 =	vand.u32 $0x3FFF, v8  }
0x4d8: {  	s16 =	sor.u32 $0x2820, s6;
	v8 =	vshrl.u32 v8, $0xE;
	v10 =	vnsel vm1, $0x0, v10  }
0x4d9: {  	s4 =	sor.u32 $0x2A20, s6;
	v8 =	vnsel vm1, $0x0, v8;
	[tilespmem:s16+$0x0] =	vst v10  }
0x4da: {  	[tilespmem:s4+$0x0] =	vst v8  }
0x4db: {  	v8 =	vld [tilespmem:$0x2120];
	_ =	sdelay $0x4  }
0x4dc: {  	s17 =	sor.u32 $0x2920, s6;
	v8 =	vnsel vm1, $0x0, v8  }
0x4dd: {  	[tilespmem:s17+$0x0] =	vst v8  }
0x4de: {  	v8 =	vld [tilespmem:$0x1A30];
	_ =	sdelay $0x3  }
0x4df: {  	v10 =	vor.u32 $0x30, v3  }
0x4e0: {  	vm1 =	vgt.s32 v9, v10;
	v9 =	vand.u32 $0x3FFF, v8  }
0x4e1: {  	s18 =	sor.u32 $0x2830, s6;
	v8 =	vshrl.u32 v8, $0xE;
	v9 =	vnsel vm1, $0x0, v9  }
0x4e2: {  	s5 =	sor.u32 $0x2A30, s6;
	v8 =	vnsel vm1, $0x0, v8;
	[tilespmem:s18+$0x0] =	vst v9  }
0x4e3: {  	[tilespmem:s5+$0x0] =	vst v8  }
0x4e4: {  	v8 =	vld [tilespmem:$0x2130];
	_ =	sdelay $0x4  }
0x4e5: {  	s19 =	sor.u32 $0x2930, s6;
	v8 =	vnsel vm1, $0x0, v8  }
0x4e6: {  	s20 =	simm.s32 $0x1;
	[smem:$0x7EA] =	sst s6;
	[tilespmem:s19+$0x0] =	vst v8  }
0x4e7: {  	_ =	swait.ge [sflag:s20], $0x4000  }
0x4e8: {  	[sflag:s20] =	ssyncset.done $0x0  }
0x4e9: {  	[sflag:s20] =	ssyncadd.s32 $0xFFFFC000  }
0x4ea: {  	v8 =	vld [tilespmem:s12+$0x0];
	_ =	sdelay $0x4  }
0x4eb: {  	v9 =	vshll.u32 v8, $0x1  }
0x4ec: {  	v8 =	vand.u32 $0x7, v8;
	v9 =	vand.u32 $0xFFFFFFF0, v9  }
0x4ed: {  	v8 =	vor.u32 v8, v9  }
0x4ee: {  	v9 =	vperm.xlane v8, v5;
	_ =	sdelay $0x1  }
0x4ef: {  	v8 =	vperm.xlane v8, v7;
	v9 =	vadd.s32 v6, v9;
	_ =	sdelay $0x1  }
0x4f0: {  	v8 =	vadd.s32 v6, v8  }
0x4f1: {  	s21 =	sshll.u32 s2, $0xE  }
0x4f2: {  	s28 =	simm.s32 $0x0;
	s22 =	sor.u32 $0x2B00, s21;
	s5 =	rddreg [dreg:$0x0]  }
0x4f3: {  	[tilespmem:s22], [sflag:$0x1] =	stream.indirect_vreg.gather [hbm4b:s5+s28], $0x80, v9, vm0, $0xb8;
	[tilespmem:$0x1F300] =	vst v63  }
0x4f4: {  	s2 =	sor.u32 $0x3300, s21  }
0x4f5: {  	[tilespmem:s2], [sflag:$0x1] =	stream.indirect_vreg.gather [hbm4b:s5+s28], $0x80, v8, vm0, $0xb8;
	[tilespmem:$0x1F300] =	vst v63  }
0x4f6: {  	v8 =	vld [tilespmem:s14+$0x0];
	_ =	sdelay $0x4  }
0x4f7: {  	v9 =	vshll.u32 v8, $0x1  }
0x4f8: {  	v8 =	vand.u32 $0x7, v8;
	v9 =	vand.u32 $0xFFFFFFF0, v9  }
0x4f9: {  	v8 =	vor.u32 v8, v9  }
0x4fa: {  	v9 =	vperm.xlane v8, v5;
	_ =	sdelay $0x1  }
0x4fb: {  	v8 =	vperm.xlane v8, v7;
	v9 =	vadd.s32 v6, v9;
	_ =	sdelay $0x1  }
0x4fc: {  	v8 =	vadd.s32 v6, v8;
	_ =	sdelay $0x1  }
0x4fd: {  	s23 =	sor.u32 $0x3B00, s21  }
0x4fe: {  	[tilespmem:s23], [sflag:$0x1] =	stream.indirect_vreg.gather [hbm4b:s5+s28], $0x80, v9, vm0, $0xb8;
	[tilespmem:$0x1F300] =	vst v63  }
0x4ff: {  	s24 =	sadd.s32 $0x4300, s21  }
0x500: {  	[tilespmem:s24], [sflag:$0x1] =	stream.indirect_vreg.gather [hbm4b:s5+s28], $0x80, v8, vm0, $0xb8;
	[tilespmem:$0x1F300] =	vst v63  }
0x501: {  	v8 =	vld [tilespmem:s16+$0x0];
	_ =	sdelay $0x4  }
0x502: {  	v9 =	vshll.u32 v8, $0x1  }
0x503: {  	v8 =	vand.u32 $0x7, v8;
	v9 =	vand.u32 $0xFFFFFFF0, v9  }
0x504: {  	v8 =	vor.u32 v8, v9  }
0x505: {  	v9 =	vperm.xlane v8, v5;
	_ =	sdelay $0x1  }
0x506: {  	v8 =	vperm.xlane v8, v7;
	v9 =	vadd.s32 v6, v9;
	_ =	sdelay $0x1  }
0x507: {  	v8 =	vadd.s32 v6, v8;
	_ =	sdelay $0x1  }
0x508: {  	s25 =	sadd.s32 $0x4B00, s21  }
0x509: {  	[tilespmem:s25], [sflag:$0x1] =	stream.indirect_vreg.gather [hbm4b:s5+s28], $0x80, v9, vm0, $0xb8;
	[tilespmem:$0x1F300] =	vst v63  }
0x50a: {  	s26 =	sadd.s32 $0x5300, s21  }
0x50b: {  	[tilespmem:s26], [sflag:$0x1] =	stream.indirect_vreg.gather [hbm4b:s5+s28], $0x80, v8, vm0, $0xb8;
	[tilespmem:$0x1F300] =	vst v63  }
0x50c: {  	v8 =	vld [tilespmem:s18+$0x0];
	_ =	sdelay $0x4  }
0x50d: {  	v9 =	vshll.u32 v8, $0x1  }
0x50e: {  	v8 =	vand.u32 $0x7, v8;
	v9 =	vand.u32 $0xFFFFFFF0, v9  }
0x50f: {  	v8 =	vor.u32 v8, v9  }
0x510: {  	v9 =	vperm.xlane v8, v5;
	_ =	sdelay $0x1  }
0x511: {  	v8 =	vperm.xlane v8, v7;
	v9 =	vadd.s32 v6, v9;
	_ =	sdelay $0x1  }
0x512: {  	v8 =	vadd.s32 v6, v8;
	_ =	sdelay $0x1  }
0x513: {  	s29 =	sadd.s32 $0x5B00, s21  }
0x514: {  	[tilespmem:s29], [sflag:$0x1] =	stream.indirect_vreg.gather [hbm4b:s5+s28], $0x80, v9, vm0, $0xb8;
	[tilespmem:$0x1F300] =	vst v63  }
0x515: {  	s30 =	sshll.u32 s8, $0x10;
	s0 =	sadd.s32 $0x6300, s21  }
0x516: {  	[tilespmem:s0], [sflag:$0x1] =	stream.indirect_vreg.gather [hbm4b:s5+s28], $0x80, v8, vm0, $0xb8;
	[tilespmem:$0x1F300] =	vst v63  }
0x517: {  	s31 =	sshll.u32 s8, $0x7;
	s0 =	sshra.s32 s30, $0x2  }
0x518: {  	[smem:$0x7EB] =	sst s22;
	v8 =	vmov s31;
	s24 =	sor.u32 $0x2B00, s0;
	s0 =	simm.s32 $0x0  }
.LBB2_26:
0x519: {  	_ =	sdelay $0x2  }
0x51a: {  	s2 =	sshll.u32 s0, $0x4  }
0x51b: {  	v9 =	vld.idx.msk [tilespmem:v8+s2+$0x2A00 ss:$0x1], $0xffff;
	_ =	sdelay $0x4  }
0x51c: {  	(v2sf) =	vpush v9, $0x0  }
0x51d: {  	(v2sf) =	vpush v9, $0x1  }
0x51e: {  	(v2sf) =	vpush v9, $0x2;
	_ =	sdelay $0x1  }
0x51f: {  	(v2sf) =	vpush v9, $0x3;
	_ =	sdelay $0x1  }
0x520: {  	(v2sf) =	vpush v9, $0x4;
	_ =	sdelay $0x1  }
0x521: {  	(v2sf) =	vpush v9, $0x5;
	_ =	sdelay $0x2  }
0x522: {  	(v2sf) =	vpush v9, $0x6;
	_ =	sdelay $0x1  }
0x523: {  	(v2sf) =	vpush v9, $0x7;
	_ =	sdelay $0x1  }
0x524: {  	s15 =	sshll.u32 s0, $0xE;
	(v2sf) =	vpush v9, $0x8;
	s1 =	spop (v2sf)  }
0x525: {  	s19 =	sshra.s32 s15, $0x2;
	s3 =	spop (v2sf)  }
0x526: {  	s14 =	sshll.u32 s1, $0x8;
	s1 =	sshll.u32 s1, $0x7;
	s8 =	spop (v2sf)  }
0x527: {  	(v2sf) =	vpush v9, $0x9;
	s14 =	sand.u32 $0xFFFFF800, s14;
	s1 =	sand.u32 $0x380, s1;
	s25 =	sshll.u32 s3, $0x8  }
0x528: {  	s3 =	sshll.u32 s3, $0x7;
	s9 =	spop (v2sf);
	s1 =	sor.u32 s1, s14  }
0x529: {  	(v2sf) =	vpush v9, $0xA;
	s14 =	sand.u32 $0xFFFFF800, s25;
	s3 =	sand.u32 $0x380, s3;
	s31 =	sshll.u32 s8, $0x8  }
0x52a: {  	s8 =	sshll.u32 s8, $0x7;
	s10 =	spop (v2sf);
	s1 =	sadd.s32 $0xAB00, s1  }
0x52b: {  	(v2sf) =	vpush v9, $0xB;
	s26 =	sor.u32 s3, s14;
	s14 =	sand.u32 $0xFFFFF800, s31;
	s16 =	sand.u32 $0x380, s8  }
0x52c: {  	s17 =	sshll.u32 s9, $0x8;
	s18 =	sshll.u32 s9, $0x7;
	s11 =	spop (v2sf)  }
0x52d: {  	[smem:$0x7D9] =	sst s1;
	s1 =	sadd.s32 $0xAB00, s26;
	s3 =	sand.u32 $0xFFFFF800, s17  }
0x52e: {  	s8 =	sand.u32 $0x380, s18;
	s21 =	sshll.u32 s10, $0x8;
	s22 =	sshll.u32 s10, $0x7  }
0x52f: {  	(v2sf) =	vpush v9, $0xC;
	s12 =	spop (v2sf);
	[smem:$0x7DA] =	sst s1;
	s1 =	sor.u32 s16, s14  }
0x530: {  	s20 =	sor.u32 s8, s3;
	s23 =	sand.u32 $0xFFFFF800, s21;
	s25 =	sand.u32 $0x380, s22  }
0x531: {  	s26 =	sshll.u32 s11, $0x8;
	s31 =	sshll.u32 s11, $0x7;
	s13 =	spop (v2sf)  }
0x532: {  	s1 =	sadd.s32 $0xAB00, s1;
	s3 =	sand.u32 $0xFFFFF800, s26;
	s8 =	sand.u32 $0x380, s31  }
0x533: {  	s10 =	sshll.u32 s12, $0x8;
	s11 =	sshll.u32 s12, $0x7;
	s7 =	spop (v2sf)  }
0x534: {  	[smem:$0x7DB] =	sst s1;
	s1 =	sadd.s32 $0xAB00, s20;
	s8 =	sor.u32 s8, s3  }
0x535: {  	(v2sf) =	vpush v9, $0xD;
	s3 =	sand.u32 $0xFFFFF800, s10;
	s12 =	sshll.u32 s13, $0x8;
	s13 =	sshll.u32 s13, $0x7  }
0x536: {  	s6 =	spop (v2sf);
	[smem:$0x7DC] =	sst s1;
	s1 =	sor.u32 s25, s23  }
0x537: {  	(v2sf) =	vpush v9, $0xE;
	s14 =	sand.u32 $0xFFFFF800, s12;
	s15 =	sand.u32 $0x380, s13;
	s18 =	sshll.u32 s7, $0x8  }
0x538: {  	s7 =	sshll.u32 s7, $0x7;
	s5 =	spop (v2sf);
	s1 =	sadd.s32 $0xAB00, s1  }
0x539: {  	s7 =	sand.u32 $0x380, s7;
	s21 =	sshll.u32 s6, $0x8;
	s6 =	sshll.u32 s6, $0x7  }
0x53a: {  	s4 =	spop (v2sf);
	[smem:$0x7DD] =	sst s1;
	s1 =	sadd.s32 $0xAB00, s8  }
0x53b: {  	s8 =	sand.u32 $0x380, s11;
	s22 =	sand.u32 $0xFFFFF800, s21;
	s6 =	sand.u32 $0x380, s6  }
0x53c: {  	s23 =	sshll.u32 s5, $0x8;
	s5 =	sshll.u32 s5, $0x7;
	s3 =	sor.u32 s8, s3  }
0x53d: {  	[smem:$0x7DE] =	sst s1;
	s8 =	sor.u32 s15, s14;
	s1 =	sand.u32 $0xFFFFF800, s18  }
0x53e: {  	s5 =	sand.u32 $0x380, s5;
	s31 =	sshll.u32 s4, $0x8;
	s20 =	spop (v2sf);
	(v2sf) =	vpush v9, $0xF  }
0x53f: {  	s4 =	sshll.u32 s4, $0x7;
	s16 =	sadd.s32 $0xAB00, s3;
	s3 =	sadd.s32 s19, s24  }
0x540: {  	s17 =	sadd.s32 $0xAB00, s8;
	s1 =	sor.u32 s7, s1;
	[smem:$0x7DF] =	sst s16  }
0x541: {  	s4 =	sand.u32 $0x380, s4;
	[smem:$0x7E0] =	sst s17;
	s1 =	sadd.s32 $0xAB00, s1  }
0x542: {  	s19 =	sadd.s32 $0x800, s3;
	[smem:$0x7E2] =	sst s1;
	s1 =	sor.u32 s6, s22  }
0x543: {  	[smem:$0x7E1] =	sst s19;
	s6 =	sand.u32 $0xFFFFF800, s23;
	s1 =	sadd.s32 $0xAB00, s1  }
0x544: {  	s25 =	spop (v2sf);
	s26 =	sor.u32 s5, s6;
	s6 =	sand.u32 $0xFFFFF800, s31  }
0x545: {  	s8 =	sshll.u32 s20, $0x8;
	s9 =	sshll.u32 s20, $0x7;
	[smem:$0x7E3] =	sst s1  }
0x546: {  	s1 =	sadd.s32 $0xAB00, s26;
	s5 =	sand.u32 $0x380, s9;
	s10 =	spop (v2sf)  }
0x547: {  	s12 =	sshll.u32 s25, $0x8;
	s13 =	sshll.u32 s25, $0x7;
	s9 =	sand.u32 $0x40, s28  }
0x548: {  	[smem:$0x7E4] =	sst s1;
	s1 =	sor.u32 s4, s6;
	s4 =	sand.u32 $0xFFFFF800, s8  }
0x549: {  	s14 =	sand.u32 $0xFFFFF800, s12;
	s15 =	sand.u32 $0x380, s13;
	s16 =	sshll.u32 s10, $0x8  }
0x54a: {  	s17 =	sshll.u32 s10, $0x7;
	s1 =	sadd.s32 $0xAB00, s1;
	s11 =	sor.u32 s5, s4  }
0x54b: {  	s4 =	sand.u32 $0xFFFFF800, s16;
	[smem:$0x7E5] =	sst s1;
	s1 =	sadd.s32 $0xAB00, s11  }
0x54c: {  	s5 =	sand.u32 $0x380, s17;
	[smem:$0x7E6] =	sst s1;
	s1 =	sor.u32 s15, s14  }
0x54d: {  	s19 =	sor.u32 s5, s4;
	s1 =	sadd.s32 $0xAB00, s1;
	s18 =	spop (v2sf)  }
0x54e: {  	[smem:$0x7E7] =	sst s1;
	s20 =	sshll.u32 s18, $0x8;
	s21 =	sshll.u32 s18, $0x7  }
0x54f: {  	s1 =	sadd.s32 $0xAB00, s19;
	s22 =	sand.u32 $0xFFFFF800, s20;
	s23 =	sand.u32 $0x380, s21  }
0x550: {  	s13 =	sand.u32 $0x400, s28;
	[smem:$0x7E8] =	sst s1;
	s1 =	sor.u32 s23, s22  }
0x551: {  	v24 =	vld.idx.msk [tilespmem:v8+s2+$0x2900 ss:$0x1], $0xffff;
	s10 =	sor.u32 $0x30, s9;
	s25 =	sadd.s32 s13, s3;
	s1 =	sadd.s32 $0xAB00, s1  }
0x552: {  	s6 =	sadd.s32 s10, s25;
	[smem:$0x7E9] =	sst s1  }
0x553: {  	v10 =	vld [tilespmem:s6+$0x0]  }
0x554: {  	s2 =	sadd.s32 s9, s25  }
0x555: {  	s26 =	sld [smem:$0x7D9];
	v11 =	vld [tilespmem:s2+$0x0]  }
0x556: {  	v9 =	vbroadcast v24, $0x0;
	s11 =	sor.u32 $0x10, s9  }
0x557: {  	s4 =	sadd.s32 s11, s25  }
0x558: {  	s1 =	sadd.s32 s13, s26;
	v12 =	vld [tilespmem:s4+$0x0];
	v10 =	vmul.f32 v10, v9  }
0x559: {  	s31 =	sadd.s32 s10, s1  }
0x55a: {  	v11 =	vmul.f32 v11, v9;
	[tilespmem:s31+$0x0] =	vst.add.f32.msk $0xffff, v10  }
0x55b: {  	s12 =	sor.u32 $0x20, s9;
	s8 =	sadd.s32 s9, s1;
	v13 =	vld [tilespmem:s6+$0x80]  }
0x55c: {  	s5 =	sadd.s32 s12, s25;
	[tilespmem:s8+$0x0] =	vst.add.f32.msk $0xffff, v11  }
0x55d: {  	v12 =	vmul.f32 v12, v9;
	v11 =	vld [tilespmem:s5+$0x0];
	s7 =	sld [smem:$0x7DA]  }
0x55e: {  	s14 =	sadd.s32 s11, s1;
	v10 =	vbroadcast v24, $0x1  }
0x55f: {  	[tilespmem:s14+$0x0] =	vst.add.f32.msk $0xffff, v12  }
0x560: {  	v12 =	vld [tilespmem:s2+$0x80];
	s7 =	sadd.s32 s13, s7;
	v13 =	vmul.f32 v13, v10  }
0x561: {  	v14 =	vld [tilespmem:s4+$0x80];
	s15 =	sadd.s32 s10, s7  }
0x562: {  	v11 =	vmul.f32 v11, v9;
	[tilespmem:s15+$0x0] =	vst.add.f32.msk $0xffff, v13  }
0x563: {  	s1 =	sadd.s32 s12, s1;
	v13 =	vld [tilespmem:s6+$0x100]  }
0x564: {  	[tilespmem:s1+$0x0] =	vst.add.f32.msk $0xffff, v11  }
0x565: {  	v12 =	vmul.f32 v12, v10;
	v15 =	vld [tilespmem:s5+$0x80];
	s1 =	sld [smem:$0x7DB]  }
0x566: {  	s16 =	sadd.s32 s9, s7;
	v11 =	vbroadcast v24, $0x2;
	v14 =	vmul.f32 v14, v10  }
0x567: {  	s17 =	sadd.s32 s11, s7;
	[tilespmem:s16+$0x0] =	vst.add.f32.msk $0xffff, v12  }
0x568: {  	[tilespmem:s17+$0x0] =	vst.add.f32.msk $0xffff, v14;
	s1 =	sadd.s32 s13, s1;
	v12 =	vmul.f32 v13, v11  }
0x569: {  	s18 =	sadd.s32 s10, s1;
	v13 =	vld [tilespmem:s2+$0x100]  }
0x56a: {  	v14 =	vmul.f32 v15, v10;
	[tilespmem:s18+$0x0] =	vst.add.f32.msk $0xffff, v12  }
0x56b: {  	s7 =	sadd.s32 s12, s7;
	v15 =	vld [tilespmem:s6+$0x180]  }
0x56c: {  	[tilespmem:s7+$0x0] =	vst.add.f32.msk $0xffff, v14  }
0x56d: {  	v14 =	vld [tilespmem:s4+$0x100];
	s7 =	sld [smem:$0x7DC]  }
0x56e: {  	v12 =	vbroadcast v24, $0x3;
	v13 =	vmul.f32 v13, v11  }
0x56f: {  	s19 =	sadd.s32 s9, s1;
	v16 =	vld [tilespmem:s5+$0x100]  }
0x570: {  	s7 =	sadd.s32 s13, s7;
	[tilespmem:s19+$0x0] =	vst.add.f32.msk $0xffff, v13;
	v13 =	vmul.f32 v15, v12  }
0x571: {  	s20 =	sadd.s32 s10, s7;
	v15 =	vld [tilespmem:s2+$0x180]  }
0x572: {  	v14 =	vmul.f32 v14, v11;
	[tilespmem:s20+$0x0] =	vst.add.f32.msk $0xffff, v13  }
0x573: {  	s21 =	sadd.s32 s11, s1;
	v17 =	vld [tilespmem:s6+$0x200]  }
0x574: {  	[tilespmem:s21+$0x0] =	vst.add.f32.msk $0xffff, v14;
	v13 =	vmul.f32 v16, v11  }
0x575: {  	s1 =	sadd.s32 s12, s1;
	v14 =	vld [tilespmem:s4+$0x180];
	s8 =	sld [smem:$0x7DD]  }
0x576: {  	[tilespmem:s1+$0x0] =	vst.add.f32.msk $0xffff, v13;
	v13 =	vbroadcast v24, $0x4  }
0x577: {  	v15 =	vmul.f32 v15, v12;
	v16 =	vld [tilespmem:s5+$0x180]  }
0x578: {  	s22 =	sadd.s32 s9, s7;
	s8 =	sadd.s32 s13, s8;
	v17 =	vmul.f32 v17, v13  }
0x579: {  	[tilespmem:s22+$0x0] =	vst.add.f32.msk $0xffff, v15;
	s23 =	sadd.s32 s10, s8  }
0x57a: {  	[tilespmem:s23+$0x0] =	vst.add.f32.msk $0xffff, v17  }
0x57b: {  	v14 =	vmul.f32 v14, v12;
	v15 =	vld [tilespmem:s6+$0x280]  }
0x57c: {  	s25 =	sadd.s32 s11, s7;
	v17 =	vld [tilespmem:s2+$0x200];
	v16 =	vmul.f32 v16, v12  }
0x57d: {  	s7 =	sadd.s32 s12, s7;
	s14 =	sld [smem:$0x7DE];
	[tilespmem:s25+$0x0] =	vst.add.f32.msk $0xffff, v14  }
0x57e: {  	v14 =	vbroadcast v24, $0x5;
	[tilespmem:s7+$0x0] =	vst.add.f32.msk $0xffff, v16  }
0x57f: {  	v16 =	vld [tilespmem:s4+$0x200]  }
0x580: {  	v18 =	vld [tilespmem:s5+$0x200];
	s26 =	sadd.s32 s13, s14;
	v15 =	vmul.f32 v15, v14  }
0x581: {  	s31 =	sadd.s32 s10, s26  }
0x582: {  	v17 =	vmul.f32 v17, v13;
	[tilespmem:s31+$0x0] =	vst.add.f32.msk $0xffff, v15  }
0x583: {  	s14 =	sadd.s32 s9, s8;
	v19 =	vld [tilespmem:s6+$0x300]  }
0x584: {  	[tilespmem:s14+$0x0] =	vst.add.f32.msk $0xffff, v17;
	v16 =	vmul.f32 v16, v13  }
0x585: {  	s15 =	sadd.s32 s11, s8;
	v17 =	vld [tilespmem:s2+$0x280];
	v18 =	vmul.f32 v18, v13;
	s16 =	sld [smem:$0x7DF]  }
0x586: {  	s8 =	sadd.s32 s12, s8;
	v15 =	vbroadcast v24, $0x6;
	[tilespmem:s15+$0x0] =	vst.add.f32.msk $0xffff, v16  }
0x587: {  	[tilespmem:s8+$0x0] =	vst.add.f32.msk $0xffff, v18  }
0x588: {  	v16 =	vld [tilespmem:s4+$0x280];
	s17 =	sadd.s32 s13, s16;
	v18 =	vmul.f32 v19, v15  }
0x589: {  	s18 =	sadd.s32 s10, s17;
	v19 =	vld [tilespmem:s5+$0x280]  }
0x58a: {  	v17 =	vmul.f32 v17, v14;
	[tilespmem:s18+$0x0] =	vst.add.f32.msk $0xffff, v18  }
0x58b: {  	s19 =	sadd.s32 s9, s26;
	v18 =	vld [tilespmem:s6+$0x380]  }
0x58c: {  	[tilespmem:s19+$0x0] =	vst.add.f32.msk $0xffff, v17  }
0x58d: {  	v20 =	vmul.f32 v16, v14;
	v17 =	vld [tilespmem:s2+$0x300];
	s20 =	sld [smem:$0x7E0]  }
0x58e: {  	s21 =	sadd.s32 s11, s26;
	v16 =	vbroadcast v24, $0x7;
	s22 =	sld [smem:$0x7E1];
	v19 =	vmul.f32 v19, v14  }
0x58f: {  	s1 =	sadd.s32 s12, s26;
	[tilespmem:s21+$0x0] =	vst.add.f32.msk $0xffff, v20  }
0x590: {  	s23 =	sadd.s32 s13, s20;
	[tilespmem:s1+$0x0] =	vst.add.f32.msk $0xffff, v19;
	v18 =	vmul.f32 v18, v16  }
0x591: {  	s25 =	sadd.s32 s13, s22;
	v19 =	vld [tilespmem:s4+$0x300];
	s6 =	sadd.s32 s10, s23  }
0x592: {  	v17 =	vmul.f32 v17, v15;
	[tilespmem:s6+$0x0] =	vst.add.f32.msk $0xffff, v18;
	s6 =	sadd.s32 s10, s25  }
0x593: {  	s26 =	sadd.s32 s9, s17;
	v18 =	vld [tilespmem:s6+$0x0]  }
0x594: {  	[tilespmem:s26+$0x0] =	vst.add.f32.msk $0xffff, v17  }
0x595: {  	v20 =	vld [tilespmem:s5+$0x300];
	s14 =	sld [smem:$0x7E2]  }
0x596: {  	v17 =	vbroadcast v24, $0x8;
	v19 =	vmul.f32 v19, v15  }
0x597: {  	s31 =	sadd.s32 s11, s17;
	v21 =	vld [tilespmem:s2+$0x380]  }
0x598: {  	s2 =	sadd.s32 s13, s14;
	[tilespmem:s31+$0x0] =	vst.add.f32.msk $0xffff, v19;
	v18 =	vmul.f32 v18, v17  }
0x599: {  	v19 =	vld [tilespmem:s4+$0x380];
	s16 =	sadd.s32 s10, s2  }
0x59a: {  	v20 =	vmul.f32 v20, v15;
	[tilespmem:s16+$0x0] =	vst.add.f32.msk $0xffff, v18  }
0x59b: {  	s17 =	sadd.s32 s12, s17;
	v22 =	vld [tilespmem:s6+$0x80]  }
0x59c: {  	v21 =	vmul.f32 v21, v16;
	[tilespmem:s17+$0x0] =	vst.add.f32.msk $0xffff, v20  }
0x59d: {  	s18 =	sadd.s32 s9, s23;
	v20 =	vld [tilespmem:s5+$0x380];
	s19 =	sld [smem:$0x7E3]  }
0x59e: {  	v18 =	vbroadcast v24, $0x9;
	s16 =	sadd.s32 s9, s25;
	[tilespmem:s18+$0x0] =	vst.add.f32.msk $0xffff, v21;
	v19 =	vmul.f32 v19, v16  }
0x59f: {  	s20 =	sadd.s32 s11, s23;
	v21 =	vld [tilespmem:s16+$0x0]  }
0x5a0: {  	s17 =	sadd.s32 s11, s25;
	s21 =	sadd.s32 s13, s19;
	[tilespmem:s20+$0x0] =	vst.add.f32.msk $0xffff, v19;
	v19 =	vmul.f32 v22, v18  }
0x5a1: {  	s22 =	sadd.s32 s10, s21;
	v22 =	vld [tilespmem:s17+$0x0]  }
0x5a2: {  	v20 =	vmul.f32 v20, v16;
	[tilespmem:s22+$0x0] =	vst.add.f32.msk $0xffff, v19  }
0x5a3: {  	s23 =	sadd.s32 s12, s23;
	v23 =	vld [tilespmem:s6+$0x100]  }
0x5a4: {  	s14 =	sadd.s32 s12, s25;
	[tilespmem:s23+$0x0] =	vst.add.f32.msk $0xffff, v20;
	v21 =	vmul.f32 v21, v17  }
0x5a5: {  	s25 =	sadd.s32 s9, s2;
	v20 =	vld [tilespmem:s14+$0x0];
	s4 =	sld [smem:$0x7E4]  }
0x5a6: {  	v19 =	vbroadcast v24, $0xA;
	[tilespmem:s25+$0x0] =	vst.add.f32.msk $0xffff, v21;
	v21 =	vmul.f32 v22, v17  }
0x5a7: {  	s26 =	sadd.s32 s11, s2;
	v22 =	vld [tilespmem:s16+$0x80]  }
0x5a8: {  	s4 =	sadd.s32 s13, s4;
	[tilespmem:s26+$0x0] =	vst.add.f32.msk $0xffff, v21;
	v21 =	vmul.f32 v23, v19  }
0x5a9: {  	s31 =	sadd.s32 s10, s4;
	v23 =	vld [tilespmem:s17+$0x80]  }
0x5aa: {  	v20 =	vmul.f32 v20, v17;
	[tilespmem:s31+$0x0] =	vst.add.f32.msk $0xffff, v21  }
0x5ab: {  	s2 =	sadd.s32 s12, s2;
	v21 =	vld [tilespmem:s6+$0x180]  }
0x5ac: {  	[tilespmem:s2+$0x0] =	vst.add.f32.msk $0xffff, v20;
	v22 =	vmul.f32 v22, v18  }
0x5ad: {  	s7 =	sadd.s32 s9, s21;
	v25 =	vld [tilespmem:s14+$0x80];
	s8 =	sld [smem:$0x7E5]  }
0x5ae: {  	v20 =	vbroadcast v24, $0xB;
	[tilespmem:s7+$0x0] =	vst.add.f32.msk $0xffff, v22;
	v22 =	vmul.f32 v23, v18  }
0x5af: {  	s15 =	sadd.s32 s11, s21;
	v23 =	vld [tilespmem:s16+$0x100]  }
0x5b0: {  	s2 =	sadd.s32 s13, s8;
	[tilespmem:s15+$0x0] =	vst.add.f32.msk $0xffff, v22;
	v21 =	vmul.f32 v21, v20  }
0x5b1: {  	s18 =	sadd.s32 s10, s2;
	v22 =	vld [tilespmem:s17+$0x100]  }
0x5b2: {  	v25 =	vmul.f32 v25, v18;
	[tilespmem:s18+$0x0] =	vst.add.f32.msk $0xffff, v21  }
0x5b3: {  	s19 =	sadd.s32 s12, s21;
	v26 =	vld [tilespmem:s6+$0x200]  }
0x5b4: {  	[tilespmem:s19+$0x0] =	vst.add.f32.msk $0xffff, v25;
	v23 =	vmul.f32 v23, v19  }
0x5b5: {  	s20 =	sadd.s32 s9, s4;
	v25 =	vld [tilespmem:s14+$0x100];
	s21 =	sld [smem:$0x7E6]  }
0x5b6: {  	v21 =	vbroadcast v24, $0xC;
	[tilespmem:s20+$0x0] =	vst.add.f32.msk $0xffff, v23;
	v22 =	vmul.f32 v22, v19  }
0x5b7: {  	s22 =	sadd.s32 s11, s4;
	v23 =	vld [tilespmem:s16+$0x180]  }
0x5b8: {  	s5 =	sadd.s32 s13, s21;
	[tilespmem:s22+$0x0] =	vst.add.f32.msk $0xffff, v22;
	v22 =	vmul.f32 v26, v21  }
0x5b9: {  	s23 =	sadd.s32 s10, s5;
	v26 =	vld [tilespmem:s17+$0x180]  }
0x5ba: {  	v25 =	vmul.f32 v25, v19;
	[tilespmem:s23+$0x0] =	vst.add.f32.msk $0xffff, v22  }
0x5bb: {  	s25 =	sadd.s32 s12, s4;
	v27 =	vld [tilespmem:s6+$0x280]  }
0x5bc: {  	[tilespmem:s25+$0x0] =	vst.add.f32.msk $0xffff, v25;
	v23 =	vmul.f32 v23, v20  }
0x5bd: {  	s26 =	sadd.s32 s9, s2;
	v25 =	vld [tilespmem:s14+$0x180];
	s31 =	sld [smem:$0x7E7]  }
0x5be: {  	v22 =	vbroadcast v24, $0xD;
	[tilespmem:s26+$0x0] =	vst.add.f32.msk $0xffff, v23;
	v23 =	vmul.f32 v26, v20  }
0x5bf: {  	s7 =	sadd.s32 s11, s2;
	v26 =	vld [tilespmem:s16+$0x200]  }
0x5c0: {  	s8 =	sadd.s32 s13, s31;
	[tilespmem:s7+$0x0] =	vst.add.f32.msk $0xffff, v23;
	v23 =	vmul.f32 v27, v22  }
0x5c1: {  	s18 =	sadd.s32 s10, s8;
	v27 =	vld [tilespmem:s17+$0x200]  }
0x5c2: {  	v25 =	vmul.f32 v25, v20;
	[tilespmem:s18+$0x0] =	vst.add.f32.msk $0xffff, v23  }
0x5c3: {  	s19 =	sadd.s32 s12, s2;
	v28 =	vld [tilespmem:s6+$0x300]  }
0x5c4: {  	[tilespmem:s19+$0x0] =	vst.add.f32.msk $0xffff, v25;
	v26 =	vmul.f32 v26, v21  }
0x5c5: {  	s20 =	sadd.s32 s9, s5;
	v25 =	vld [tilespmem:s14+$0x200];
	s21 =	sld [smem:$0x7E8]  }
0x5c6: {  	v23 =	vbroadcast v24, $0xE;
	[tilespmem:s20+$0x0] =	vst.add.f32.msk $0xffff, v26;
	v26 =	vmul.f32 v27, v21  }
0x5c7: {  	s22 =	sadd.s32 s11, s5;
	v27 =	vld [tilespmem:s16+$0x280]  }
0x5c8: {  	s23 =	sadd.s32 s13, s21;
	[tilespmem:s22+$0x0] =	vst.add.f32.msk $0xffff, v26;
	v26 =	vmul.f32 v28, v23  }
0x5c9: {  	s25 =	sadd.s32 s10, s23;
	v28 =	vld [tilespmem:s17+$0x280]  }
0x5ca: {  	v29 =	vmul.f32 v25, v21;
	[tilespmem:s25+$0x0] =	vst.add.f32.msk $0xffff, v26  }
0x5cb: {  	s15 =	simm.s32 $0x0;
	s26 =	sadd.s32 s12, s5;
	v25 =	vld [tilespmem:s6+$0x380]  }
0x5cc: {  	s31 =	sadd.s32 s9, s8;
	s4 =	sadd.s32 s11, s8;
	s29 =	sadd.s32 s12, s8;
	[tilespmem:s26+$0x0] =	vst.add.f32.msk $0xffff, v29;
	v27 =	vmul.f32 v27, v22  }
0x5cd: {  	s7 =	simm.s32 $0x40;
	s30 =	sadd.s32 s9, s23;
	v26 =	vld [tilespmem:s14+$0x280];
	s2 =	sld [smem:$0x7E9]  }
0x5ce: {  	v24 =	vbroadcast v24, $0xF;
	s18 =	sadd.s32 s11, s23;
	s22 =	sadd.s32 s12, s23;
	s6 =	simm.s32 $0x200;
	[tilespmem:s31+$0x0] =	vst.add.f32.msk $0xffff, v27;
	v27 =	vmul.f32 v28, v22  }
.LBB2_27:
0x5cf: {  	s1 =	sand.u32 $0x40, s7;
	s25 =	sand.u32 $0x400, s6;
	v28 =	vld [tilespmem:s16+$0x300]  }
0x5d0: {  	s15 =	sadd.s32 $0x4, s15;
	s5 =	sadd.s32 s25, s3;
	s13 =	sadd.s32 s13, s2;
	[tilespmem:s4+$0x0] =	vst.add.f32.msk $0xffff, v27;
	v25 =	vmul.f32 v25, v24  }
0x5d1: {  	p1 =	slt.u32 s15, $0xC;
	v27 =	vld [tilespmem:s17+$0x300];
	s4 =	sadd.s32 s10, s13;
	s10 =	sor.u32 $0x30, s1  }
0x5d2: {  	s31 =	sor.u32 $0x10, s1;
	s26 =	sor.u32 $0x20, s1;
	s2 =	sadd.s32 s10, s5;
	v26 =	vmul.f32 v26, v22;
	[tilespmem:s4+$0x0] =	vst.add.f32.msk $0xffff, v25  }
0x5d3: {  	s19 =	sadd.s32 s1, s5;
	s23 =	sadd.s32 s31, s5;
	s8 =	sadd.s32 s26, s5;
	v25 =	vld [tilespmem:s2+$0x0]  }
0x5d4: {  	s20 =	sadd.s32 s12, s13;
	s5 =	sadd.s32 s9, s13;
	s4 =	sadd.s32 s11, s13;
	v29 =	vld [tilespmem:s19+$0x0];
	v28 =	vmul.f32 v28, v23  }
0x5d5: {  	s9 =	smov.u32 s1;
	s13 =	smov.u32 s25;
	s21 =	sld [smem:$0x7D9];
	v30 =	vld [tilespmem:s23+$0x0]  }
0x5d6: {  	s12 =	smov.u32 s26;
	s11 =	smov.u32 s31;
	v31 =	vld [tilespmem:s8+$0x0];
	v27 =	vmul.f32 v27, v23  }
0x5d7: {  	[tilespmem:s29+$0x0] =	vst.add.f32.msk $0xffff, v26  }
0x5d8: {  	s1 =	sadd.s32 s13, s21;
	v25 =	vmul.f32 v25, v9;
	v26 =	vld [tilespmem:s14+$0x300]  }
0x5d9: {  	v29 =	vmul.f32 v29, v9;
	s21 =	sadd.s32 s9, s1;
	s25 =	sadd.s32 s11, s1;
	s26 =	sadd.s32 s10, s1;
	[tilespmem:s30+$0x0] =	vst.add.f32.msk $0xffff, v28  }
0x5da: {  	s1 =	sadd.s32 s12, s1;
	v28 =	vmul.f32 v30, v9;
	[tilespmem:s26+$0x0] =	vst.add.f32.msk $0xffff, v25  }
0x5db: {  	v25 =	vmul.f32 v31, v9;
	v30 =	vld [tilespmem:s2+$0x80]  }
0x5dc: {  	[tilespmem:s21+$0x0] =	vst.add.f32.msk $0xffff, v29  }
0x5dd: {  	s21 =	sld [smem:$0x7DA];
	[tilespmem:s25+$0x0] =	vst.add.f32.msk $0xffff, v28;
	v26 =	vmul.f32 v26, v23  }
0x5de: {  	[tilespmem:s1+$0x0] =	vst.add.f32.msk $0xffff, v25  }
0x5df: {  	v25 =	vld [tilespmem:s19+$0x80]  }
0x5e0: {  	s1 =	sadd.s32 s13, s21;
	v28 =	vld [tilespmem:s23+$0x80];
	v29 =	vmul.f32 v30, v10  }
0x5e1: {  	s21 =	sadd.s32 s9, s1;
	s25 =	sadd.s32 s11, s1;
	v30 =	vld [tilespmem:s8+$0x80];
	s26 =	sadd.s32 s10, s1  }
0x5e2: {  	s1 =	sadd.s32 s12, s1;
	[tilespmem:s26+$0x0] =	vst.add.f32.msk $0xffff, v29  }
0x5e3: {  	v29 =	vld [tilespmem:s2+$0x100]  }
0x5e4: {  	v25 =	vmul.f32 v25, v10;
	[tilespmem:s18+$0x0] =	vst.add.f32.msk $0xffff, v27  }
0x5e5: {  	s18 =	sld [smem:$0x7DB];
	v27 =	vmul.f32 v28, v10;
	[tilespmem:s22+$0x0] =	vst.add.f32.msk $0xffff, v26  }
0x5e6: {  	[tilespmem:s21+$0x0] =	vst.add.f32.msk $0xffff, v25;
	v25 =	vmul.f32 v30, v10  }
0x5e7: {  	[tilespmem:s25+$0x0] =	vst.add.f32.msk $0xffff, v27  }
0x5e8: {  	s18 =	sadd.s32 s13, s18;
	[tilespmem:s1+$0x0] =	vst.add.f32.msk $0xffff, v25;
	v25 =	vmul.f32 v29, v11  }
0x5e9: {  	v26 =	vld [tilespmem:s19+$0x100];
	s1 =	sadd.s32 s9, s18;
	s21 =	sadd.s32 s11, s18;
	s22 =	sadd.s32 s10, s18  }
0x5ea: {  	s18 =	sadd.s32 s12, s18;
	[tilespmem:s22+$0x0] =	vst.add.f32.msk $0xffff, v25  }
0x5eb: {  	v25 =	vld [tilespmem:s2+$0x180]  }
0x5ec: {  	v27 =	vld [tilespmem:s23+$0x100]  }
0x5ed: {  	s22 =	sld [smem:$0x7DC];
	v28 =	vld [tilespmem:s8+$0x100]  }
0x5ee: {  	v26 =	vmul.f32 v26, v11;
	v29 =	vld [tilespmem:s16+$0x380]  }
0x5ef: {  	v30 =	vld [tilespmem:s17+$0x380]  }
0x5f0: {  	[tilespmem:s1+$0x0] =	vst.add.f32.msk $0xffff, v26;
	s1 =	sadd.s32 s13, s22;
	v25 =	vmul.f32 v25, v12  }
0x5f1: {  	v26 =	vld [tilespmem:s19+$0x180];
	s16 =	sadd.s32 s9, s1;
	v27 =	vmul.f32 v27, v11;
	s17 =	sadd.s32 s11, s1;
	s22 =	sadd.s32 s10, s1  }
0x5f2: {  	s1 =	sadd.s32 s12, s1;
	v28 =	vmul.f32 v28, v11;
	[tilespmem:s22+$0x0] =	vst.add.f32.msk $0xffff, v25  }
0x5f3: {  	v25 =	vld [tilespmem:s2+$0x200];
	v29 =	vmul.f32 v29, v24  }
0x5f4: {  	[tilespmem:s21+$0x0] =	vst.add.f32.msk $0xffff, v27;
	v27 =	vmul.f32 v30, v24  }
0x5f5: {  	s21 =	sld [smem:$0x7DD];
	[tilespmem:s18+$0x0] =	vst.add.f32.msk $0xffff, v28  }
0x5f6: {  	v26 =	vmul.f32 v26, v12;
	v28 =	vld [tilespmem:s23+$0x180]  }
0x5f7: {  	v30 =	vld [tilespmem:s8+$0x180]  }
0x5f8: {  	[tilespmem:s16+$0x0] =	vst.add.f32.msk $0xffff, v26;
	s16 =	sadd.s32 s13, s21;
	v25 =	vmul.f32 v25, v13  }
0x5f9: {  	v26 =	vld [tilespmem:s19+$0x200];
	s18 =	sadd.s32 s9, s16;
	s21 =	sadd.s32 s11, s16;
	s22 =	sadd.s32 s10, s16  }
0x5fa: {  	s16 =	sadd.s32 s12, s16;
	[tilespmem:s22+$0x0] =	vst.add.f32.msk $0xffff, v25  }
0x5fb: {  	v25 =	vmul.f32 v28, v12;
	v28 =	vld [tilespmem:s2+$0x280]  }
0x5fc: {  	v30 =	vmul.f32 v30, v12;
	v31 =	vld [tilespmem:s14+$0x380]  }
0x5fd: {  	s14 =	sld [smem:$0x7DE];
	[tilespmem:s17+$0x0] =	vst.add.f32.msk $0xffff, v25  }
0x5fe: {  	v25 =	vmul.f32 v26, v13;
	[tilespmem:s1+$0x0] =	vst.add.f32.msk $0xffff, v30  }
0x5ff: {  	v26 =	vld [tilespmem:s23+$0x200]  }
0x600: {  	s1 =	sadd.s32 s13, s14;
	v30 =	vld [tilespmem:s8+$0x200];
	v28 =	vmul.f32 v28, v14  }
0x601: {  	[tilespmem:s18+$0x0] =	vst.add.f32.msk $0xffff, v25;
	s14 =	sadd.s32 s9, s1;
	s17 =	sadd.s32 s11, s1;
	s18 =	sadd.s32 s10, s1;
	v25 =	vmul.f32 v31, v24  }
0x602: {  	s1 =	sadd.s32 s12, s1;
	[tilespmem:s18+$0x0] =	vst.add.f32.msk $0xffff, v28  }
0x603: {  	v28 =	vld [tilespmem:s2+$0x300]  }
0x604: {  	v31 =	vld [tilespmem:s19+$0x280];
	v26 =	vmul.f32 v26, v13  }
0x605: {  	s18 =	sld [smem:$0x7DF];
	v30 =	vmul.f32 v30, v13;
	[tilespmem:s5+$0x0] =	vst.add.f32.msk $0xffff, v29  }
0x606: {  	[tilespmem:s21+$0x0] =	vst.add.f32.msk $0xffff, v26  }
0x607: {  	[tilespmem:s16+$0x0] =	vst.add.f32.msk $0xffff, v30  }
0x608: {  	s5 =	sadd.s32 s13, s18;
	v26 =	vld [tilespmem:s23+$0x280];
	v28 =	vmul.f32 v28, v15  }
0x609: {  	v29 =	vmul.f32 v31, v14;
	s18 =	sadd.s32 s9, s5;
	s21 =	sadd.s32 s11, s5;
	v30 =	vld [tilespmem:s8+$0x280];
	s16 =	sadd.s32 s10, s5  }
0x60a: {  	s5 =	sadd.s32 s12, s5;
	[tilespmem:s16+$0x0] =	vst.add.f32.msk $0xffff, v28  }
0x60b: {  	v28 =	vld [tilespmem:s2+$0x380]  }
0x60c: {  	[tilespmem:s14+$0x0] =	vst.add.f32.msk $0xffff, v29  }
0x60d: {  	v29 =	vld [tilespmem:s19+$0x300];
	s2 =	sld [smem:$0x7E0];
	v26 =	vmul.f32 v26, v14  }
0x60e: {  	s14 =	sld [smem:$0x7E1];
	v30 =	vmul.f32 v30, v14;
	[tilespmem:s4+$0x0] =	vst.add.f32.msk $0xffff, v27  }
0x60f: {  	[tilespmem:s17+$0x0] =	vst.add.f32.msk $0xffff, v26  }
0x610: {  	s2 =	sadd.s32 s13, s2;
	[tilespmem:s1+$0x0] =	vst.add.f32.msk $0xffff, v30;
	v26 =	vmul.f32 v28, v16  }
0x611: {  	s1 =	sadd.s32 s9, s2;
	s4 =	sadd.s32 s13, s14;
	v27 =	vld [tilespmem:s23+$0x300];
	s14 =	sadd.s32 s10, s2  }
0x612: {  	s22 =	sadd.s32 s11, s2;
	s25 =	sadd.s32 s12, s2;
	v28 =	vmul.f32 v29, v15;
	[tilespmem:s14+$0x0] =	vst.add.f32.msk $0xffff, v26;
	s2 =	sadd.s32 s10, s4  }
0x613: {  	s16 =	sadd.s32 s9, s4;
	s17 =	sadd.s32 s11, s4;
	s14 =	sadd.s32 s12, s4;
	v26 =	vld [tilespmem:s2+$0x0]  }
0x614: {  	v29 =	vld [tilespmem:s8+$0x300]  }
0x615: {  	[tilespmem:s18+$0x0] =	vst.add.f32.msk $0xffff, v28;
	s4 =	sld [smem:$0x7E2]  }
0x616: {  	v28 =	vld [tilespmem:s19+$0x380];
	v27 =	vmul.f32 v27, v15  }
0x617: {  	[tilespmem:s20+$0x0] =	vst.add.f32.msk $0xffff, v25  }
0x618: {  	s4 =	sadd.s32 s13, s4;
	[tilespmem:s21+$0x0] =	vst.add.f32.msk $0xffff, v27;
	v25 =	vmul.f32 v26, v17  }
0x619: {  	s18 =	sadd.s32 s9, s4;
	v26 =	vld [tilespmem:s23+$0x380];
	s19 =	sadd.s32 s11, s4;
	v27 =	vmul.f32 v29, v15;
	s20 =	sadd.s32 s10, s4  }
0x61a: {  	s4 =	sadd.s32 s12, s4;
	[tilespmem:s20+$0x0] =	vst.add.f32.msk $0xffff, v25  }
0x61b: {  	v25 =	vmul.f32 v28, v16;
	v28 =	vld [tilespmem:s2+$0x80]  }
0x61c: {  	[tilespmem:s5+$0x0] =	vst.add.f32.msk $0xffff, v27  }
0x61d: {  	s5 =	sld [smem:$0x7E3];
	v27 =	vld [tilespmem:s8+$0x380]  }
0x61e: {  	[tilespmem:s1+$0x0] =	vst.add.f32.msk $0xffff, v25;
	v25 =	vmul.f32 v26, v16  }
0x61f: {  	v26 =	vld [tilespmem:s16+$0x0]  }
0x620: {  	s1 =	sadd.s32 s13, s5;
	[tilespmem:s22+$0x0] =	vst.add.f32.msk $0xffff, v25;
	v25 =	vmul.f32 v28, v18  }
0x621: {  	s5 =	sadd.s32 s9, s1;
	v28 =	vld [tilespmem:s17+$0x0];
	s8 =	sadd.s32 s11, s1;
	s20 =	sadd.s32 s10, s1  }
0x622: {  	s1 =	sadd.s32 s12, s1;
	v27 =	vmul.f32 v27, v16;
	[tilespmem:s20+$0x0] =	vst.add.f32.msk $0xffff, v25  }
0x623: {  	v25 =	vld [tilespmem:s2+$0x100]  }
0x624: {  	v26 =	vmul.f32 v26, v17;
	[tilespmem:s25+$0x0] =	vst.add.f32.msk $0xffff, v27  }
0x625: {  	s20 =	sld [smem:$0x7E4];
	v27 =	vld [tilespmem:s14+$0x0]  }
0x626: {  	[tilespmem:s18+$0x0] =	vst.add.f32.msk $0xffff, v26;
	v26 =	vmul.f32 v28, v17  }
0x627: {  	v28 =	vld [tilespmem:s16+$0x80]  }
0x628: {  	s18 =	sadd.s32 s13, s20;
	[tilespmem:s19+$0x0] =	vst.add.f32.msk $0xffff, v26;
	v25 =	vmul.f32 v25, v19  }
0x629: {  	s19 =	sadd.s32 s9, s18;
	v26 =	vld [tilespmem:s17+$0x80];
	s20 =	sadd.s32 s11, s18;
	s21 =	sadd.s32 s10, s18  }
0x62a: {  	s18 =	sadd.s32 s12, s18;
	v27 =	vmul.f32 v27, v17;
	[tilespmem:s21+$0x0] =	vst.add.f32.msk $0xffff, v25  }
0x62b: {  	v25 =	vld [tilespmem:s2+$0x180]  }
0x62c: {  	v28 =	vmul.f32 v28, v18;
	[tilespmem:s4+$0x0] =	vst.add.f32.msk $0xffff, v27  }
0x62d: {  	s4 =	sld [smem:$0x7E5];
	v27 =	vld [tilespmem:s14+$0x80]  }
0x62e: {  	[tilespmem:s5+$0x0] =	vst.add.f32.msk $0xffff, v28;
	v26 =	vmul.f32 v26, v18  }
0x62f: {  	v28 =	vld [tilespmem:s16+$0x100]  }
0x630: {  	s4 =	sadd.s32 s13, s4;
	[tilespmem:s8+$0x0] =	vst.add.f32.msk $0xffff, v26;
	v25 =	vmul.f32 v25, v20  }
0x631: {  	s5 =	sadd.s32 s9, s4;
	v26 =	vld [tilespmem:s17+$0x100];
	s8 =	sadd.s32 s11, s4;
	s21 =	sadd.s32 s10, s4  }
0x632: {  	s22 =	sadd.s32 s12, s4;
	v27 =	vmul.f32 v27, v18;
	[tilespmem:s21+$0x0] =	vst.add.f32.msk $0xffff, v25  }
0x633: {  	v25 =	vld [tilespmem:s2+$0x200]  }
0x634: {  	v28 =	vmul.f32 v28, v19;
	[tilespmem:s1+$0x0] =	vst.add.f32.msk $0xffff, v27  }
0x635: {  	s1 =	sld [smem:$0x7E6];
	v27 =	vld [tilespmem:s14+$0x100]  }
0x636: {  	[tilespmem:s19+$0x0] =	vst.add.f32.msk $0xffff, v28;
	v26 =	vmul.f32 v26, v19  }
0x637: {  	v28 =	vld [tilespmem:s16+$0x180]  }
0x638: {  	s1 =	sadd.s32 s13, s1;
	[tilespmem:s20+$0x0] =	vst.add.f32.msk $0xffff, v26;
	v25 =	vmul.f32 v25, v21  }
0x639: {  	s19 =	sadd.s32 s9, s1;
	v26 =	vld [tilespmem:s17+$0x180];
	s20 =	sadd.s32 s11, s1;
	s4 =	sadd.s32 s10, s1  }
0x63a: {  	s1 =	sadd.s32 s12, s1;
	v27 =	vmul.f32 v27, v19;
	[tilespmem:s4+$0x0] =	vst.add.f32.msk $0xffff, v25  }
0x63b: {  	v25 =	vld [tilespmem:s2+$0x280]  }
0x63c: {  	v28 =	vmul.f32 v28, v20;
	[tilespmem:s18+$0x0] =	vst.add.f32.msk $0xffff, v27  }
0x63d: {  	s4 =	sld [smem:$0x7E7];
	v27 =	vld [tilespmem:s14+$0x180]  }
0x63e: {  	[tilespmem:s5+$0x0] =	vst.add.f32.msk $0xffff, v28;
	v26 =	vmul.f32 v26, v20  }
0x63f: {  	v28 =	vld [tilespmem:s16+$0x200]  }
0x640: {  	s5 =	sadd.s32 s13, s4;
	[tilespmem:s8+$0x0] =	vst.add.f32.msk $0xffff, v26;
	v25 =	vmul.f32 v25, v22  }
0x641: {  	s8 =	sadd.s32 s9, s5;
	v26 =	vld [tilespmem:s17+$0x200];
	s4 =	sadd.s32 s11, s5;
	s18 =	sadd.s32 s10, s5  }
0x642: {  	s29 =	sadd.s32 s12, s5;
	v27 =	vmul.f32 v27, v20;
	[tilespmem:s18+$0x0] =	vst.add.f32.msk $0xffff, v25  }
0x643: {  	v25 =	vld [tilespmem:s2+$0x300]  }
0x644: {  	v28 =	vmul.f32 v28, v21;
	[tilespmem:s22+$0x0] =	vst.add.f32.msk $0xffff, v27  }
0x645: {  	s5 =	sld [smem:$0x7E8];
	v27 =	vld [tilespmem:s14+$0x200]  }
0x646: {  	[tilespmem:s19+$0x0] =	vst.add.f32.msk $0xffff, v28;
	v26 =	vmul.f32 v26, v21  }
0x647: {  	v28 =	vld [tilespmem:s16+$0x280]  }
0x648: {  	s5 =	sadd.s32 s13, s5;
	[tilespmem:s20+$0x0] =	vst.add.f32.msk $0xffff, v26;
	v25 =	vmul.f32 v25, v23  }
0x649: {  	s30 =	sadd.s32 s9, s5;
	v29 =	vld [tilespmem:s17+$0x280];
	s18 =	sadd.s32 s11, s5;
	s19 =	sadd.s32 s10, s5  }
.Ltmp15:
0x64a: {  	s22 =	sadd.s32 s12, s5;
	v26 =	vmul.f32 v27, v21;
	[tilespmem:s19+$0x0] =	vst.add.f32.msk $0xffff, v25;
	(pc) =	sbr.rel @p1 .LBB2_27-.Ltmp15, $4  }
0x64b: {  	v25 =	vld [tilespmem:s2+$0x380]  }
0x64c: {  	v27 =	vmul.f32 v28, v22;
	[tilespmem:s1+$0x0] =	vst.add.f32.msk $0xffff, v26  }
0x64d: {  	s2 =	sld [smem:$0x7E9];
	v26 =	vld [tilespmem:s14+$0x280]  }
0x64e: {  	s6 =	sadd.s32 $0x200, s6;
	s7 =	sadd.s32 $0x40, s7;
	[tilespmem:s8+$0x0] =	vst.add.f32.msk $0xffff, v27;
	v27 =	vmul.f32 v29, v22  }
0x64f: {  	_ =	sdelay $0x1  }
0x650: {  	v9 =	vld [tilespmem:s16+$0x300]  }
0x651: {  	[tilespmem:s4+$0x0] =	vst.add.f32.msk $0xffff, v27;
	v10 =	vmul.f32 v26, v22  }
0x652: {  	v11 =	vld [tilespmem:s17+$0x300]  }
0x653: {  	[tilespmem:s29+$0x0] =	vst.add.f32.msk $0xffff, v10  }
0x654: {  	v10 =	vld [tilespmem:s14+$0x300];
	_ =	sdelay $0x1  }
0x655: {  	v9 =	vmul.f32 v9, v23  }
0x656: {  	v11 =	vmul.f32 v11, v23  }
0x657: {  	[tilespmem:s30+$0x0] =	vst.add.f32.msk $0xffff, v9  }
0x658: {  	[tilespmem:s18+$0x0] =	vst.add.f32.msk $0xffff, v11;
	v9 =	vmul.f32 v10, v23  }
0x659: {  	v10 =	vld [tilespmem:s17+$0x380]  }
0x65a: {  	[tilespmem:s22+$0x0] =	vst.add.f32.msk $0xffff, v9  }
0x65b: {  	v9 =	vld [tilespmem:s16+$0x380]  }
0x65c: {  	v11 =	vld [tilespmem:s14+$0x380]  }
0x65d: {  	s0 =	sadd.s32 $0x1, s0  }
0x65e: {  	s1 =	sadd.s32 s13, s2;
	v12 =	vmul.f32 v25, v24;
	p1 =	sne.s32 s0, $0x4  }
.Ltmp16:
0x65f: {  	s2 =	sadd.s32 s10, s1;
	v10 =	vmul.f32 v10, v24;
	(pc) =	sbr.rel @p1 .LBB2_26-.Ltmp16, $4  }
0x660: {  	s3 =	sadd.s32 s11, s1;
	[tilespmem:s2+$0x0] =	vst.add.f32.msk $0xffff, v12;
	v9 =	vmul.f32 v9, v24  }
0x661: {  	s31 =	sadd.s32 s9, s1;
	[tilespmem:s3+$0x0] =	vst.add.f32.msk $0xffff, v10;
	v11 =	vmul.f32 v11, v24  }
0x662: {  	s1 =	sadd.s32 s12, s1;
	[tilespmem:s31+$0x0] =	vst.add.f32.msk $0xffff, v9  }
0x663: {  	[tilespmem:s1+$0x0] =	vst.add.f32.msk $0xffff, v11  }
0x664: {  	s0 =	simm.s32 $0x1  }
0x665: {  	_ =	swait.ge [sflag:s0], $0x4000  }
0x666: {  	s30 =	sld [smem:$0x7EA];
	_ =	sdelay $0x1  }
0x667: {  	s24 =	simm.s32 $0x0;
	[sflag:s0] =	ssyncset.done $0x0  }
0x668: {  	s31 =	sld [smem:$0x7EB];
	[sflag:s0] =	ssyncadd.s32 $0xFFFFC000;
	s0 =	simm.s32 $0x0;
	v8 =	vmov s30  }
.LBB2_30:
0x669: {  	_ =	sdelay $0x2  }
0x66a: {  	s2 =	sshll.u32 s0, $0x4  }
0x66b: {  	v9 =	vld.idx.msk [tilespmem:v8+s2+$0x2A00 ss:$0x1], $0xffff;
	_ =	sdelay $0x4  }
0x66c: {  	(v2sf) =	vpush v9, $0x0  }
0x66d: {  	(v2sf) =	vpush v9, $0x1  }
0x66e: {  	(v2sf) =	vpush v9, $0x2;
	_ =	sdelay $0x1  }
0x66f: {  	(v2sf) =	vpush v9, $0x3;
	_ =	sdelay $0x1  }
0x670: {  	(v2sf) =	vpush v9, $0x4;
	_ =	sdelay $0x1  }
0x671: {  	(v2sf) =	vpush v9, $0x5;
	_ =	sdelay $0x2  }
0x672: {  	(v2sf) =	vpush v9, $0x6;
	_ =	sdelay $0x1  }
0x673: {  	(v2sf) =	vpush v9, $0x7;
	_ =	sdelay $0x1  }
0x674: {  	(v2sf) =	vpush v9, $0x8;
	s1 =	spop (v2sf)  }
0x675: {  	s15 =	sshll.u32 s0, $0xE;
	s3 =	spop (v2sf);
	s14 =	sshll.u32 s1, $0x8  }
0x676: {  	(v2sf) =	vpush v9, $0x9;
	s1 =	sshll.u32 s1, $0x7;
	s8 =	spop (v2sf);
	s14 =	sand.u32 $0xFFFFF800, s14  }
0x677: {  	s1 =	sand.u32 $0x380, s1;
	s21 =	sshll.u32 s3, $0x8;
	s3 =	sshll.u32 s3, $0x7  }
0x678: {  	s9 =	spop (v2sf);
	s1 =	sor.u32 s1, s14;
	s14 =	sand.u32 $0xFFFFF800, s21  }
0x679: {  	(v2sf) =	vpush v9, $0xA;
	s3 =	sand.u32 $0x380, s3;
	s23 =	sshll.u32 s8, $0x8;
	s8 =	sshll.u32 s8, $0x7  }
0x67a: {  	s10 =	spop (v2sf);
	s1 =	sadd.s32 $0xAB00, s1;
	s22 =	sor.u32 s3, s14  }
0x67b: {  	s25 =	sand.u32 $0xFFFFF800, s23;
	s26 =	sand.u32 $0x380, s8;
	s29 =	sshll.u32 s9, $0x8  }
0x67c: {  	(v2sf) =	vpush v9, $0xB;
	s30 =	sshll.u32 s9, $0x7;
	s9 =	sshra.s32 s15, $0x2;
	s11 =	spop (v2sf)  }
0x67d: {  	[smem:$0x7C8] =	sst s1;
	s1 =	sadd.s32 $0xAB00, s22;
	s3 =	sand.u32 $0xFFFFF800, s29  }
0x67e: {  	s8 =	sand.u32 $0x380, s30;
	s14 =	sshll.u32 s10, $0x8;
	s15 =	sshll.u32 s10, $0x7  }
0x67f: {  	(v2sf) =	vpush v9, $0xC;
	s12 =	spop (v2sf);
	[smem:$0x7C9] =	sst s1;
	s1 =	sor.u32 s26, s25  }
0x680: {  	s8 =	sor.u32 s8, s3;
	s16 =	sand.u32 $0xFFFFF800, s14;
	s17 =	sand.u32 $0x380, s15  }
0x681: {  	s18 =	sshll.u32 s11, $0x8;
	s19 =	sshll.u32 s11, $0x7;
	s13 =	spop (v2sf)  }
0x682: {  	s1 =	sadd.s32 $0xAB00, s1;
	s3 =	sand.u32 $0xFFFFF800, s18;
	s21 =	sshll.u32 s12, $0x8  }
0x683: {  	s22 =	sshll.u32 s12, $0x7;
	s7 =	spop (v2sf);
	[smem:$0x7CA] =	sst s1  }
0x684: {  	s1 =	sadd.s32 $0xAB00, s8;
	s8 =	sand.u32 $0x380, s19;
	s23 =	sshll.u32 s13, $0x8  }
0x685: {  	(v2sf) =	vpush v9, $0xD;
	s25 =	sshll.u32 s13, $0x7;
	s6 =	spop (v2sf);
	[smem:$0x7CB] =	sst s1  }
0x686: {  	s1 =	sor.u32 s17, s16;
	s20 =	sor.u32 s8, s3;
	s3 =	sand.u32 $0xFFFFF800, s21  }
0x687: {  	(v2sf) =	vpush v9, $0xE;
	s8 =	sand.u32 $0x380, s22;
	s26 =	sand.u32 $0xFFFFF800, s23;
	s29 =	sand.u32 $0x380, s25  }
0x688: {  	s12 =	sshll.u32 s7, $0x8;
	s7 =	sshll.u32 s7, $0x7;
	s5 =	spop (v2sf)  }
0x689: {  	s1 =	sadd.s32 $0xAB00, s1;
	s3 =	sor.u32 s8, s3;
	s8 =	sor.u32 s29, s26  }
0x68a: {  	s7 =	sand.u32 $0x380, s7;
	s15 =	sshll.u32 s6, $0x8;
	s6 =	sshll.u32 s6, $0x7  }
0x68b: {  	s4 =	spop (v2sf);
	[smem:$0x7CC] =	sst s1;
	s1 =	sadd.s32 $0xAB00, s20  }
0x68c: {  	s30 =	sadd.s32 $0xAB00, s3;
	s3 =	sadd.s32 s9, s31;
	s11 =	sadd.s32 $0xAB00, s8  }
0x68d: {  	s16 =	sand.u32 $0xFFFFF800, s15;
	s6 =	sand.u32 $0x380, s6;
	[smem:$0x7CD] =	sst s1  }
0x68e: {  	s17 =	sshll.u32 s5, $0x8;
	[smem:$0x7CE] =	sst s30;
	s14 =	spop (v2sf);
	(v2sf) =	vpush v9, $0xF  }
0x68f: {  	s5 =	sshll.u32 s5, $0x7;
	[smem:$0x7CF] =	sst s11;
	s13 =	sadd.s32 $0x800, s3  }
0x690: {  	s1 =	sand.u32 $0xFFFFF800, s12;
	s5 =	sand.u32 $0x380, s5;
	s20 =	sshll.u32 s4, $0x8  }
0x691: {  	s4 =	sshll.u32 s4, $0x7;
	[smem:$0x7D0] =	sst s13;
	s1 =	sor.u32 s7, s1  }
0x692: {  	s21 =	sand.u32 $0xFFFFF800, s20;
	s4 =	sand.u32 $0x380, s4;
	s1 =	sadd.s32 $0xAB00, s1  }
0x693: {  	[smem:$0x7D1] =	sst s1;
	s1 =	sor.u32 s6, s16;
	s6 =	sand.u32 $0xFFFFF800, s17  }
0x694: {  	s1 =	sadd.s32 $0xAB00, s1;
	s18 =	spop (v2sf);
	s19 =	sor.u32 s5, s6  }
0x695: {  	s22 =	sshll.u32 s14, $0x8;
	s23 =	sshll.u32 s14, $0x7;
	[smem:$0x7D2] =	sst s1  }
0x696: {  	s1 =	sadd.s32 $0xAB00, s19;
	s5 =	sand.u32 $0x380, s23;
	s25 =	spop (v2sf)  }
0x697: {  	s29 =	sshll.u32 s18, $0x8;
	s30 =	sshll.u32 s18, $0x7;
	[smem:$0x7D3] =	sst s1  }
0x698: {  	s1 =	sor.u32 s4, s21;
	s4 =	sand.u32 $0xFFFFF800, s22;
	s7 =	sshll.u32 s25, $0x8  }
0x699: {  	s1 =	sadd.s32 $0xAB00, s1;
	s26 =	sor.u32 s5, s4;
	s4 =	sand.u32 $0xFFFFF800, s29  }
0x69a: {  	s5 =	sand.u32 $0x380, s30;
	[smem:$0x7D4] =	sst s1;
	s1 =	sadd.s32 $0xAB00, s26  }
0x69b: {  	s8 =	sshll.u32 s25, $0x7;
	[smem:$0x7D5] =	sst s1;
	s1 =	sor.u32 s5, s4  }
0x69c: {  	s4 =	sand.u32 $0xFFFFF800, s7;
	s5 =	sand.u32 $0x380, s8;
	s1 =	sadd.s32 $0xAB00, s1  }
0x69d: {  	s10 =	sor.u32 s5, s4;
	[smem:$0x7D6] =	sst s1;
	s9 =	spop (v2sf)  }
0x69e: {  	s1 =	sadd.s32 $0xAB00, s10;
	s11 =	sshll.u32 s9, $0x8;
	s12 =	sshll.u32 s9, $0x7  }
0x69f: {  	[smem:$0x7D7] =	sst s1;
	s13 =	sand.u32 $0xFFFFF800, s11;
	s14 =	sand.u32 $0x380, s12  }
0x6a0: {  	s9 =	sand.u32 $0x40, s24;
	s1 =	sor.u32 s14, s13;
	s13 =	sand.u32 $0x400, s24  }
0x6a1: {  	v24 =	vld.idx.msk [tilespmem:v8+s2+$0x2900 ss:$0x1], $0xffff;
	s10 =	sor.u32 $0x30, s9;
	s1 =	sadd.s32 $0xAB00, s1;
	s15 =	sadd.s32 s13, s3  }
0x6a2: {  	[smem:$0x7D8] =	sst s1;
	s6 =	sadd.s32 s10, s15  }
0x6a3: {  	v10 =	vld [tilespmem:s6+$0x0]  }
0x6a4: {  	s2 =	sadd.s32 s9, s15  }
0x6a5: {  	s16 =	sld [smem:$0x7C8];
	v11 =	vld [tilespmem:s2+$0x0]  }
0x6a6: {  	v9 =	vbroadcast v24, $0x0;
	s11 =	sor.u32 $0x10, s9  }
0x6a7: {  	s4 =	sadd.s32 s11, s15  }
0x6a8: {  	s1 =	sadd.s32 s13, s16;
	v12 =	vld [tilespmem:s4+$0x0];
	v10 =	vmul.f32 v10, v9  }
0x6a9: {  	s17 =	sadd.s32 s10, s1  }
0x6aa: {  	v11 =	vmul.f32 v11, v9;
	[tilespmem:s17+$0x0] =	vst.add.f32.msk $0xffff, v10  }
0x6ab: {  	s12 =	sor.u32 $0x20, s9;
	s18 =	sadd.s32 s9, s1;
	v13 =	vld [tilespmem:s6+$0x80]  }
0x6ac: {  	s5 =	sadd.s32 s12, s15;
	[tilespmem:s18+$0x0] =	vst.add.f32.msk $0xffff, v11  }
0x6ad: {  	v12 =	vmul.f32 v12, v9;
	v11 =	vld [tilespmem:s5+$0x0];
	s7 =	sld [smem:$0x7C9]  }
0x6ae: {  	s19 =	sadd.s32 s11, s1;
	v10 =	vbroadcast v24, $0x1  }
0x6af: {  	[tilespmem:s19+$0x0] =	vst.add.f32.msk $0xffff, v12  }
0x6b0: {  	v12 =	vld [tilespmem:s2+$0x80];
	s7 =	sadd.s32 s13, s7;
	v13 =	vmul.f32 v13, v10  }
0x6b1: {  	v14 =	vld [tilespmem:s4+$0x80];
	s20 =	sadd.s32 s10, s7  }
0x6b2: {  	v11 =	vmul.f32 v11, v9;
	[tilespmem:s20+$0x0] =	vst.add.f32.msk $0xffff, v13  }
0x6b3: {  	s1 =	sadd.s32 s12, s1;
	v13 =	vld [tilespmem:s6+$0x100]  }
0x6b4: {  	[tilespmem:s1+$0x0] =	vst.add.f32.msk $0xffff, v11  }
0x6b5: {  	v12 =	vmul.f32 v12, v10;
	v15 =	vld [tilespmem:s5+$0x80];
	s1 =	sld [smem:$0x7CA]  }
0x6b6: {  	s21 =	sadd.s32 s9, s7;
	v11 =	vbroadcast v24, $0x2;
	v14 =	vmul.f32 v14, v10  }
0x6b7: {  	s22 =	sadd.s32 s11, s7;
	[tilespmem:s21+$0x0] =	vst.add.f32.msk $0xffff, v12  }
0x6b8: {  	[tilespmem:s22+$0x0] =	vst.add.f32.msk $0xffff, v14;
	s1 =	sadd.s32 s13, s1;
	v12 =	vmul.f32 v13, v11  }
0x6b9: {  	s23 =	sadd.s32 s10, s1;
	v13 =	vld [tilespmem:s2+$0x100]  }
0x6ba: {  	v14 =	vmul.f32 v15, v10;
	[tilespmem:s23+$0x0] =	vst.add.f32.msk $0xffff, v12  }
0x6bb: {  	s7 =	sadd.s32 s12, s7;
	v15 =	vld [tilespmem:s6+$0x180]  }
0x6bc: {  	[tilespmem:s7+$0x0] =	vst.add.f32.msk $0xffff, v14  }
0x6bd: {  	v14 =	vld [tilespmem:s4+$0x100];
	s7 =	sld [smem:$0x7CB]  }
0x6be: {  	v12 =	vbroadcast v24, $0x3;
	v13 =	vmul.f32 v13, v11  }
0x6bf: {  	s25 =	sadd.s32 s9, s1;
	v16 =	vld [tilespmem:s5+$0x100]  }
0x6c0: {  	s7 =	sadd.s32 s13, s7;
	[tilespmem:s25+$0x0] =	vst.add.f32.msk $0xffff, v13;
	v13 =	vmul.f32 v15, v12  }
0x6c1: {  	s26 =	sadd.s32 s10, s7;
	v15 =	vld [tilespmem:s2+$0x180]  }
0x6c2: {  	v14 =	vmul.f32 v14, v11;
	[tilespmem:s26+$0x0] =	vst.add.f32.msk $0xffff, v13  }
0x6c3: {  	s29 =	sadd.s32 s11, s1;
	v17 =	vld [tilespmem:s6+$0x200]  }
0x6c4: {  	[tilespmem:s29+$0x0] =	vst.add.f32.msk $0xffff, v14;
	v13 =	vmul.f32 v16, v11  }
0x6c5: {  	s1 =	sadd.s32 s12, s1;
	v14 =	vld [tilespmem:s4+$0x180];
	s8 =	sld [smem:$0x7CC]  }
0x6c6: {  	[tilespmem:s1+$0x0] =	vst.add.f32.msk $0xffff, v13;
	v13 =	vbroadcast v24, $0x4  }
0x6c7: {  	v15 =	vmul.f32 v15, v12;
	v16 =	vld [tilespmem:s5+$0x180]  }
0x6c8: {  	s30 =	sadd.s32 s9, s7;
	s8 =	sadd.s32 s13, s8;
	v17 =	vmul.f32 v17, v13  }
0x6c9: {  	[tilespmem:s30+$0x0] =	vst.add.f32.msk $0xffff, v15;
	s14 =	sadd.s32 s10, s8  }
0x6ca: {  	[tilespmem:s14+$0x0] =	vst.add.f32.msk $0xffff, v17  }
0x6cb: {  	v14 =	vmul.f32 v14, v12;
	v15 =	vld [tilespmem:s6+$0x280]  }
0x6cc: {  	s15 =	sadd.s32 s11, s7;
	v17 =	vld [tilespmem:s2+$0x200];
	v16 =	vmul.f32 v16, v12  }
0x6cd: {  	s7 =	sadd.s32 s12, s7;
	s14 =	sld [smem:$0x7CD];
	[tilespmem:s15+$0x0] =	vst.add.f32.msk $0xffff, v14  }
0x6ce: {  	v14 =	vbroadcast v24, $0x5;
	[tilespmem:s7+$0x0] =	vst.add.f32.msk $0xffff, v16  }
0x6cf: {  	v16 =	vld [tilespmem:s4+$0x200]  }
0x6d0: {  	v18 =	vld [tilespmem:s5+$0x200];
	s16 =	sadd.s32 s13, s14;
	v15 =	vmul.f32 v15, v14  }
0x6d1: {  	s17 =	sadd.s32 s10, s16  }
0x6d2: {  	v17 =	vmul.f32 v17, v13;
	[tilespmem:s17+$0x0] =	vst.add.f32.msk $0xffff, v15  }
0x6d3: {  	s18 =	sadd.s32 s9, s8;
	v19 =	vld [tilespmem:s6+$0x300]  }
0x6d4: {  	[tilespmem:s18+$0x0] =	vst.add.f32.msk $0xffff, v17;
	v16 =	vmul.f32 v16, v13  }
0x6d5: {  	s19 =	sadd.s32 s11, s8;
	v17 =	vld [tilespmem:s2+$0x280];
	v18 =	vmul.f32 v18, v13;
	s20 =	sld [smem:$0x7CE]  }
0x6d6: {  	s8 =	sadd.s32 s12, s8;
	v15 =	vbroadcast v24, $0x6;
	[tilespmem:s19+$0x0] =	vst.add.f32.msk $0xffff, v16  }
0x6d7: {  	[tilespmem:s8+$0x0] =	vst.add.f32.msk $0xffff, v18  }
0x6d8: {  	v16 =	vld [tilespmem:s4+$0x280];
	s21 =	sadd.s32 s13, s20;
	v18 =	vmul.f32 v19, v15  }
0x6d9: {  	s22 =	sadd.s32 s10, s21;
	v19 =	vld [tilespmem:s5+$0x280]  }
0x6da: {  	v17 =	vmul.f32 v17, v14;
	[tilespmem:s22+$0x0] =	vst.add.f32.msk $0xffff, v18  }
0x6db: {  	s23 =	sadd.s32 s9, s16;
	v18 =	vld [tilespmem:s6+$0x380]  }
0x6dc: {  	[tilespmem:s23+$0x0] =	vst.add.f32.msk $0xffff, v17  }
0x6dd: {  	v20 =	vmul.f32 v16, v14;
	v17 =	vld [tilespmem:s2+$0x300];
	s25 =	sld [smem:$0x7CF]  }
0x6de: {  	s26 =	sadd.s32 s11, s16;
	v16 =	vbroadcast v24, $0x7;
	s29 =	sld [smem:$0x7D0];
	v19 =	vmul.f32 v19, v14  }
0x6df: {  	s1 =	sadd.s32 s12, s16;
	[tilespmem:s26+$0x0] =	vst.add.f32.msk $0xffff, v20  }
0x6e0: {  	s30 =	sadd.s32 s13, s25;
	[tilespmem:s1+$0x0] =	vst.add.f32.msk $0xffff, v19;
	v18 =	vmul.f32 v18, v16  }
0x6e1: {  	s1 =	sadd.s32 s13, s29;
	v19 =	vld [tilespmem:s4+$0x300];
	s6 =	sadd.s32 s10, s30  }
0x6e2: {  	v17 =	vmul.f32 v17, v15;
	[tilespmem:s6+$0x0] =	vst.add.f32.msk $0xffff, v18;
	s6 =	sadd.s32 s10, s1  }
0x6e3: {  	s17 =	sadd.s32 s9, s21;
	v18 =	vld [tilespmem:s6+$0x0]  }
0x6e4: {  	[tilespmem:s17+$0x0] =	vst.add.f32.msk $0xffff, v17  }
0x6e5: {  	v20 =	vld [tilespmem:s5+$0x300];
	s14 =	sld [smem:$0x7D1]  }
0x6e6: {  	v17 =	vbroadcast v24, $0x8;
	v19 =	vmul.f32 v19, v15  }
0x6e7: {  	s18 =	sadd.s32 s11, s21;
	v21 =	vld [tilespmem:s2+$0x380]  }
0x6e8: {  	s19 =	sadd.s32 s13, s14;
	[tilespmem:s18+$0x0] =	vst.add.f32.msk $0xffff, v19;
	v18 =	vmul.f32 v18, v17  }
0x6e9: {  	v19 =	vld [tilespmem:s4+$0x380];
	s20 =	sadd.s32 s10, s19  }
0x6ea: {  	v20 =	vmul.f32 v20, v15;
	[tilespmem:s20+$0x0] =	vst.add.f32.msk $0xffff, v18  }
0x6eb: {  	s21 =	sadd.s32 s12, s21;
	v22 =	vld [tilespmem:s6+$0x80]  }
0x6ec: {  	v21 =	vmul.f32 v21, v16;
	[tilespmem:s21+$0x0] =	vst.add.f32.msk $0xffff, v20  }
0x6ed: {  	s22 =	sadd.s32 s9, s30;
	v20 =	vld [tilespmem:s5+$0x380];
	s23 =	sld [smem:$0x7D2]  }
0x6ee: {  	s16 =	sadd.s32 s9, s1;
	v18 =	vbroadcast v24, $0x9;
	[tilespmem:s22+$0x0] =	vst.add.f32.msk $0xffff, v21;
	v19 =	vmul.f32 v19, v16  }
0x6ef: {  	s25 =	sadd.s32 s11, s30;
	v21 =	vld [tilespmem:s16+$0x0]  }
0x6f0: {  	s17 =	sadd.s32 s11, s1;
	s26 =	sadd.s32 s13, s23;
	[tilespmem:s25+$0x0] =	vst.add.f32.msk $0xffff, v19;
	v19 =	vmul.f32 v22, v18  }
0x6f1: {  	s29 =	sadd.s32 s10, s26;
	v22 =	vld [tilespmem:s17+$0x0]  }
0x6f2: {  	v20 =	vmul.f32 v20, v16;
	[tilespmem:s29+$0x0] =	vst.add.f32.msk $0xffff, v19  }
0x6f3: {  	s30 =	sadd.s32 s12, s30;
	v23 =	vld [tilespmem:s6+$0x100]  }
0x6f4: {  	s14 =	sadd.s32 s12, s1;
	[tilespmem:s30+$0x0] =	vst.add.f32.msk $0xffff, v20;
	v21 =	vmul.f32 v21, v17  }
0x6f5: {  	s7 =	sadd.s32 s9, s19;
	v20 =	vld [tilespmem:s14+$0x0];
	s4 =	sld [smem:$0x7D3]  }
0x6f6: {  	v19 =	vbroadcast v24, $0xA;
	[tilespmem:s7+$0x0] =	vst.add.f32.msk $0xffff, v21;
	v21 =	vmul.f32 v22, v17  }
0x6f7: {  	s8 =	sadd.s32 s11, s19;
	v22 =	vld [tilespmem:s16+$0x80]  }
0x6f8: {  	s4 =	sadd.s32 s13, s4;
	[tilespmem:s8+$0x0] =	vst.add.f32.msk $0xffff, v21;
	v21 =	vmul.f32 v23, v19  }
0x6f9: {  	s15 =	sadd.s32 s10, s4;
	v23 =	vld [tilespmem:s17+$0x80]  }
0x6fa: {  	v20 =	vmul.f32 v20, v17;
	[tilespmem:s15+$0x0] =	vst.add.f32.msk $0xffff, v21  }
0x6fb: {  	s18 =	sadd.s32 s12, s19;
	v21 =	vld [tilespmem:s6+$0x180]  }
0x6fc: {  	[tilespmem:s18+$0x0] =	vst.add.f32.msk $0xffff, v20;
	v22 =	vmul.f32 v22, v18  }
0x6fd: {  	s19 =	sadd.s32 s9, s26;
	v25 =	vld [tilespmem:s14+$0x80];
	s20 =	sld [smem:$0x7D4]  }
0x6fe: {  	v20 =	vbroadcast v24, $0xB;
	[tilespmem:s19+$0x0] =	vst.add.f32.msk $0xffff, v22;
	v22 =	vmul.f32 v23, v18  }
0x6ff: {  	s21 =	sadd.s32 s11, s26;
	v23 =	vld [tilespmem:s16+$0x100]  }
0x700: {  	s2 =	sadd.s32 s13, s20;
	[tilespmem:s21+$0x0] =	vst.add.f32.msk $0xffff, v22;
	v21 =	vmul.f32 v21, v20  }
0x701: {  	s22 =	sadd.s32 s10, s2;
	v22 =	vld [tilespmem:s17+$0x100]  }
0x702: {  	v25 =	vmul.f32 v25, v18;
	[tilespmem:s22+$0x0] =	vst.add.f32.msk $0xffff, v21  }
0x703: {  	s23 =	sadd.s32 s12, s26;
	v26 =	vld [tilespmem:s6+$0x200]  }
0x704: {  	[tilespmem:s23+$0x0] =	vst.add.f32.msk $0xffff, v25;
	v23 =	vmul.f32 v23, v19  }
0x705: {  	s25 =	sadd.s32 s9, s4;
	v25 =	vld [tilespmem:s14+$0x100];
	s26 =	sld [smem:$0x7D5]  }
0x706: {  	v21 =	vbroadcast v24, $0xC;
	[tilespmem:s25+$0x0] =	vst.add.f32.msk $0xffff, v23;
	v22 =	vmul.f32 v22, v19  }
0x707: {  	s29 =	sadd.s32 s11, s4;
	v23 =	vld [tilespmem:s16+$0x180]  }
0x708: {  	s5 =	sadd.s32 s13, s26;
	[tilespmem:s29+$0x0] =	vst.add.f32.msk $0xffff, v22;
	v22 =	vmul.f32 v26, v21  }
0x709: {  	s30 =	sadd.s32 s10, s5;
	v26 =	vld [tilespmem:s17+$0x180]  }
0x70a: {  	v25 =	vmul.f32 v25, v19;
	[tilespmem:s30+$0x0] =	vst.add.f32.msk $0xffff, v22  }
0x70b: {  	s4 =	sadd.s32 s12, s4;
	v27 =	vld [tilespmem:s6+$0x280]  }
0x70c: {  	[tilespmem:s4+$0x0] =	vst.add.f32.msk $0xffff, v25;
	v23 =	vmul.f32 v23, v20  }
0x70d: {  	s7 =	sadd.s32 s9, s2;
	v25 =	vld [tilespmem:s14+$0x180];
	s8 =	sld [smem:$0x7D6]  }
0x70e: {  	v22 =	vbroadcast v24, $0xD;
	[tilespmem:s7+$0x0] =	vst.add.f32.msk $0xffff, v23;
	v23 =	vmul.f32 v26, v20  }
0x70f: {  	s15 =	sadd.s32 s11, s2;
	v26 =	vld [tilespmem:s16+$0x200]  }
0x710: {  	s18 =	sadd.s32 s13, s8;
	[tilespmem:s15+$0x0] =	vst.add.f32.msk $0xffff, v23;
	v23 =	vmul.f32 v27, v22  }
0x711: {  	s19 =	sadd.s32 s10, s18;
	v27 =	vld [tilespmem:s17+$0x200]  }
0x712: {  	v25 =	vmul.f32 v25, v20;
	[tilespmem:s19+$0x0] =	vst.add.f32.msk $0xffff, v23  }
0x713: {  	s20 =	sadd.s32 s12, s2;
	v28 =	vld [tilespmem:s6+$0x300]  }
0x714: {  	[tilespmem:s20+$0x0] =	vst.add.f32.msk $0xffff, v25;
	v26 =	vmul.f32 v26, v21  }
0x715: {  	s21 =	sadd.s32 s9, s5;
	v25 =	vld [tilespmem:s14+$0x200];
	s22 =	sld [smem:$0x7D7]  }
0x716: {  	v23 =	vbroadcast v24, $0xE;
	[tilespmem:s21+$0x0] =	vst.add.f32.msk $0xffff, v26;
	v26 =	vmul.f32 v27, v21  }
0x717: {  	s23 =	sadd.s32 s11, s5;
	v27 =	vld [tilespmem:s16+$0x280]  }
0x718: {  	s25 =	sadd.s32 s13, s22;
	[tilespmem:s23+$0x0] =	vst.add.f32.msk $0xffff, v26;
	v26 =	vmul.f32 v28, v23  }
0x719: {  	s26 =	sadd.s32 s10, s25;
	v28 =	vld [tilespmem:s17+$0x280]  }
0x71a: {  	v29 =	vmul.f32 v25, v21;
	[tilespmem:s26+$0x0] =	vst.add.f32.msk $0xffff, v26  }
0x71b: {  	s29 =	sadd.s32 s12, s5;
	s7 =	simm.s32 $0x40;
	v25 =	vld [tilespmem:s6+$0x380]  }
0x71c: {  	s15 =	simm.s32 $0x0;
	s30 =	sadd.s32 s9, s18;
	s4 =	sadd.s32 s11, s18;
	[tilespmem:s29+$0x0] =	vst.add.f32.msk $0xffff, v29;
	v27 =	vmul.f32 v27, v22  }
0x71d: {  	s28 =	sadd.s32 s9, s25;
	s22 =	sadd.s32 s12, s25;
	v26 =	vld [tilespmem:s14+$0x280];
	s2 =	sld [smem:$0x7D8]  }
0x71e: {  	v24 =	vbroadcast v24, $0xF;
	s26 =	sadd.s32 s12, s18;
	s18 =	sadd.s32 s11, s25;
	s6 =	simm.s32 $0x200;
	[tilespmem:s30+$0x0] =	vst.add.f32.msk $0xffff, v27;
	v27 =	vmul.f32 v28, v22  }
.LBB2_31:
0x71f: {  	s1 =	sand.u32 $0x40, s7;
	s21 =	sand.u32 $0x400, s6;
	v28 =	vld [tilespmem:s16+$0x300]  }
0x720: {  	s15 =	sadd.s32 $0x4, s15;
	s5 =	sadd.s32 s21, s3;
	s13 =	sadd.s32 s13, s2;
	[tilespmem:s4+$0x0] =	vst.add.f32.msk $0xffff, v27;
	v25 =	vmul.f32 v25, v24  }
0x721: {  	p1 =	slt.u32 s15, $0xC;
	v27 =	vld [tilespmem:s17+$0x300];
	s4 =	sadd.s32 s10, s13;
	s10 =	sor.u32 $0x30, s1  }
0x722: {  	s25 =	sor.u32 $0x10, s1;
	s29 =	sor.u32 $0x20, s1;
	s2 =	sadd.s32 s10, s5;
	v26 =	vmul.f32 v26, v22;
	[tilespmem:s4+$0x0] =	vst.add.f32.msk $0xffff, v25  }
0x723: {  	s19 =	sadd.s32 s1, s5;
	s23 =	sadd.s32 s25, s5;
	s8 =	sadd.s32 s29, s5;
	v25 =	vld [tilespmem:s2+$0x0]  }
0x724: {  	s20 =	sadd.s32 s12, s13;
	s5 =	sadd.s32 s9, s13;
	s4 =	sadd.s32 s11, s13;
	v29 =	vld [tilespmem:s19+$0x0];
	v28 =	vmul.f32 v28, v23  }
0x725: {  	s9 =	smov.u32 s1;
	s13 =	smov.u32 s21;
	s30 =	sld [smem:$0x7C8];
	v30 =	vld [tilespmem:s23+$0x0]  }
0x726: {  	s12 =	smov.u32 s29;
	s11 =	smov.u32 s25;
	v31 =	vld [tilespmem:s8+$0x0];
	v27 =	vmul.f32 v27, v23  }
0x727: {  	[tilespmem:s26+$0x0] =	vst.add.f32.msk $0xffff, v26  }
0x728: {  	s1 =	sadd.s32 s13, s30;
	v25 =	vmul.f32 v25, v9;
	v26 =	vld [tilespmem:s14+$0x300]  }
0x729: {  	v29 =	vmul.f32 v29, v9;
	s21 =	sadd.s32 s9, s1;
	s25 =	sadd.s32 s11, s1;
	s26 =	sadd.s32 s10, s1;
	[tilespmem:s28+$0x0] =	vst.add.f32.msk $0xffff, v28  }
0x72a: {  	s1 =	sadd.s32 s12, s1;
	v28 =	vmul.f32 v30, v9;
	[tilespmem:s26+$0x0] =	vst.add.f32.msk $0xffff, v25  }
0x72b: {  	v25 =	vmul.f32 v31, v9;
	v30 =	vld [tilespmem:s2+$0x80]  }
0x72c: {  	[tilespmem:s21+$0x0] =	vst.add.f32.msk $0xffff, v29  }
0x72d: {  	s21 =	sld [smem:$0x7C9];
	[tilespmem:s25+$0x0] =	vst.add.f32.msk $0xffff, v28;
	v26 =	vmul.f32 v26, v23  }
0x72e: {  	[tilespmem:s1+$0x0] =	vst.add.f32.msk $0xffff, v25  }
0x72f: {  	v25 =	vld [tilespmem:s19+$0x80]  }
0x730: {  	s1 =	sadd.s32 s13, s21;
	v28 =	vld [tilespmem:s23+$0x80];
	v29 =	vmul.f32 v30, v10  }
0x731: {  	s21 =	sadd.s32 s9, s1;
	s25 =	sadd.s32 s11, s1;
	v30 =	vld [tilespmem:s8+$0x80];
	s26 =	sadd.s32 s10, s1  }
0x732: {  	s1 =	sadd.s32 s12, s1;
	[tilespmem:s26+$0x0] =	vst.add.f32.msk $0xffff, v29  }
0x733: {  	v29 =	vld [tilespmem:s2+$0x100]  }
0x734: {  	v25 =	vmul.f32 v25, v10;
	[tilespmem:s18+$0x0] =	vst.add.f32.msk $0xffff, v27  }
0x735: {  	s18 =	sld [smem:$0x7CA];
	v27 =	vmul.f32 v28, v10;
	[tilespmem:s22+$0x0] =	vst.add.f32.msk $0xffff, v26  }
0x736: {  	[tilespmem:s21+$0x0] =	vst.add.f32.msk $0xffff, v25;
	v25 =	vmul.f32 v30, v10  }
0x737: {  	[tilespmem:s25+$0x0] =	vst.add.f32.msk $0xffff, v27  }
0x738: {  	s18 =	sadd.s32 s13, s18;
	[tilespmem:s1+$0x0] =	vst.add.f32.msk $0xffff, v25;
	v25 =	vmul.f32 v29, v11  }
0x739: {  	v26 =	vld [tilespmem:s19+$0x100];
	s1 =	sadd.s32 s9, s18;
	s21 =	sadd.s32 s11, s18;
	s22 =	sadd.s32 s10, s18  }
0x73a: {  	s18 =	sadd.s32 s12, s18;
	[tilespmem:s22+$0x0] =	vst.add.f32.msk $0xffff, v25  }
0x73b: {  	v25 =	vld [tilespmem:s2+$0x180]  }
0x73c: {  	v27 =	vld [tilespmem:s23+$0x100]  }
0x73d: {  	s22 =	sld [smem:$0x7CB];
	v28 =	vld [tilespmem:s8+$0x100]  }
0x73e: {  	v26 =	vmul.f32 v26, v11;
	v29 =	vld [tilespmem:s16+$0x380]  }
0x73f: {  	v30 =	vld [tilespmem:s17+$0x380]  }
0x740: {  	[tilespmem:s1+$0x0] =	vst.add.f32.msk $0xffff, v26;
	s1 =	sadd.s32 s13, s22;
	v25 =	vmul.f32 v25, v12  }
0x741: {  	v26 =	vld [tilespmem:s19+$0x180];
	s16 =	sadd.s32 s9, s1;
	v27 =	vmul.f32 v27, v11;
	s17 =	sadd.s32 s11, s1;
	s22 =	sadd.s32 s10, s1  }
0x742: {  	s1 =	sadd.s32 s12, s1;
	v28 =	vmul.f32 v28, v11;
	[tilespmem:s22+$0x0] =	vst.add.f32.msk $0xffff, v25  }
0x743: {  	v25 =	vld [tilespmem:s2+$0x200];
	v29 =	vmul.f32 v29, v24  }
0x744: {  	[tilespmem:s21+$0x0] =	vst.add.f32.msk $0xffff, v27;
	v27 =	vmul.f32 v30, v24  }
0x745: {  	s21 =	sld [smem:$0x7CC];
	[tilespmem:s18+$0x0] =	vst.add.f32.msk $0xffff, v28  }
0x746: {  	v26 =	vmul.f32 v26, v12;
	v28 =	vld [tilespmem:s23+$0x180]  }
0x747: {  	v30 =	vld [tilespmem:s8+$0x180]  }
0x748: {  	[tilespmem:s16+$0x0] =	vst.add.f32.msk $0xffff, v26;
	s16 =	sadd.s32 s13, s21;
	v25 =	vmul.f32 v25, v13  }
0x749: {  	v26 =	vld [tilespmem:s19+$0x200];
	s18 =	sadd.s32 s9, s16;
	s21 =	sadd.s32 s11, s16;
	s22 =	sadd.s32 s10, s16  }
0x74a: {  	s16 =	sadd.s32 s12, s16;
	[tilespmem:s22+$0x0] =	vst.add.f32.msk $0xffff, v25  }
0x74b: {  	v25 =	vmul.f32 v28, v12;
	v28 =	vld [tilespmem:s2+$0x280]  }
0x74c: {  	v30 =	vmul.f32 v30, v12;
	v31 =	vld [tilespmem:s14+$0x380]  }
0x74d: {  	s14 =	sld [smem:$0x7CD];
	[tilespmem:s17+$0x0] =	vst.add.f32.msk $0xffff, v25  }
0x74e: {  	v25 =	vmul.f32 v26, v13;
	[tilespmem:s1+$0x0] =	vst.add.f32.msk $0xffff, v30  }
0x74f: {  	v26 =	vld [tilespmem:s23+$0x200]  }
0x750: {  	s1 =	sadd.s32 s13, s14;
	v30 =	vld [tilespmem:s8+$0x200];
	v28 =	vmul.f32 v28, v14  }
0x751: {  	[tilespmem:s18+$0x0] =	vst.add.f32.msk $0xffff, v25;
	s14 =	sadd.s32 s9, s1;
	s17 =	sadd.s32 s11, s1;
	s18 =	sadd.s32 s10, s1;
	v25 =	vmul.f32 v31, v24  }
0x752: {  	s1 =	sadd.s32 s12, s1;
	[tilespmem:s18+$0x0] =	vst.add.f32.msk $0xffff, v28  }
0x753: {  	v28 =	vld [tilespmem:s2+$0x300]  }
0x754: {  	v31 =	vld [tilespmem:s19+$0x280];
	v26 =	vmul.f32 v26, v13  }
0x755: {  	s18 =	sld [smem:$0x7CE];
	v30 =	vmul.f32 v30, v13;
	[tilespmem:s5+$0x0] =	vst.add.f32.msk $0xffff, v29  }
0x756: {  	[tilespmem:s21+$0x0] =	vst.add.f32.msk $0xffff, v26  }
0x757: {  	[tilespmem:s16+$0x0] =	vst.add.f32.msk $0xffff, v30  }
0x758: {  	s5 =	sadd.s32 s13, s18;
	v26 =	vld [tilespmem:s23+$0x280];
	v28 =	vmul.f32 v28, v15  }
0x759: {  	v29 =	vmul.f32 v31, v14;
	s18 =	sadd.s32 s9, s5;
	s21 =	sadd.s32 s11, s5;
	v30 =	vld [tilespmem:s8+$0x280];
	s16 =	sadd.s32 s10, s5  }
0x75a: {  	s5 =	sadd.s32 s12, s5;
	[tilespmem:s16+$0x0] =	vst.add.f32.msk $0xffff, v28  }
0x75b: {  	v28 =	vld [tilespmem:s2+$0x380]  }
0x75c: {  	[tilespmem:s14+$0x0] =	vst.add.f32.msk $0xffff, v29  }
0x75d: {  	v29 =	vld [tilespmem:s19+$0x300];
	s2 =	sld [smem:$0x7CF];
	v26 =	vmul.f32 v26, v14  }
0x75e: {  	s14 =	sld [smem:$0x7D0];
	v30 =	vmul.f32 v30, v14;
	[tilespmem:s4+$0x0] =	vst.add.f32.msk $0xffff, v27  }
0x75f: {  	[tilespmem:s17+$0x0] =	vst.add.f32.msk $0xffff, v26  }
0x760: {  	s2 =	sadd.s32 s13, s2;
	[tilespmem:s1+$0x0] =	vst.add.f32.msk $0xffff, v30;
	v26 =	vmul.f32 v28, v16  }
0x761: {  	s1 =	sadd.s32 s9, s2;
	s4 =	sadd.s32 s13, s14;
	v27 =	vld [tilespmem:s23+$0x300];
	s14 =	sadd.s32 s10, s2  }
0x762: {  	s22 =	sadd.s32 s11, s2;
	s25 =	sadd.s32 s12, s2;
	v28 =	vmul.f32 v29, v15;
	[tilespmem:s14+$0x0] =	vst.add.f32.msk $0xffff, v26;
	s2 =	sadd.s32 s10, s4  }
0x763: {  	s16 =	sadd.s32 s9, s4;
	s17 =	sadd.s32 s11, s4;
	s14 =	sadd.s32 s12, s4;
	v26 =	vld [tilespmem:s2+$0x0]  }
0x764: {  	v29 =	vld [tilespmem:s8+$0x300]  }
0x765: {  	[tilespmem:s18+$0x0] =	vst.add.f32.msk $0xffff, v28;
	s4 =	sld [smem:$0x7D1]  }
0x766: {  	v28 =	vld [tilespmem:s19+$0x380];
	v27 =	vmul.f32 v27, v15  }
0x767: {  	[tilespmem:s20+$0x0] =	vst.add.f32.msk $0xffff, v25  }
0x768: {  	s4 =	sadd.s32 s13, s4;
	[tilespmem:s21+$0x0] =	vst.add.f32.msk $0xffff, v27;
	v25 =	vmul.f32 v26, v17  }
0x769: {  	s18 =	sadd.s32 s9, s4;
	v26 =	vld [tilespmem:s23+$0x380];
	s19 =	sadd.s32 s11, s4;
	v27 =	vmul.f32 v29, v15;
	s20 =	sadd.s32 s10, s4  }
0x76a: {  	s4 =	sadd.s32 s12, s4;
	[tilespmem:s20+$0x0] =	vst.add.f32.msk $0xffff, v25  }
0x76b: {  	v25 =	vmul.f32 v28, v16;
	v28 =	vld [tilespmem:s2+$0x80]  }
0x76c: {  	[tilespmem:s5+$0x0] =	vst.add.f32.msk $0xffff, v27  }
0x76d: {  	s5 =	sld [smem:$0x7D2];
	v27 =	vld [tilespmem:s8+$0x380]  }
0x76e: {  	[tilespmem:s1+$0x0] =	vst.add.f32.msk $0xffff, v25;
	v25 =	vmul.f32 v26, v16  }
0x76f: {  	v26 =	vld [tilespmem:s16+$0x0]  }
0x770: {  	s1 =	sadd.s32 s13, s5;
	[tilespmem:s22+$0x0] =	vst.add.f32.msk $0xffff, v25;
	v25 =	vmul.f32 v28, v18  }
0x771: {  	s5 =	sadd.s32 s9, s1;
	v28 =	vld [tilespmem:s17+$0x0];
	s8 =	sadd.s32 s11, s1;
	s20 =	sadd.s32 s10, s1  }
0x772: {  	s1 =	sadd.s32 s12, s1;
	v27 =	vmul.f32 v27, v16;
	[tilespmem:s20+$0x0] =	vst.add.f32.msk $0xffff, v25  }
0x773: {  	v25 =	vld [tilespmem:s2+$0x100]  }
0x774: {  	v26 =	vmul.f32 v26, v17;
	[tilespmem:s25+$0x0] =	vst.add.f32.msk $0xffff, v27  }
0x775: {  	s20 =	sld [smem:$0x7D3];
	v27 =	vld [tilespmem:s14+$0x0]  }
0x776: {  	[tilespmem:s18+$0x0] =	vst.add.f32.msk $0xffff, v26;
	v26 =	vmul.f32 v28, v17  }
0x777: {  	v28 =	vld [tilespmem:s16+$0x80]  }
0x778: {  	s18 =	sadd.s32 s13, s20;
	[tilespmem:s19+$0x0] =	vst.add.f32.msk $0xffff, v26;
	v25 =	vmul.f32 v25, v19  }
0x779: {  	s19 =	sadd.s32 s9, s18;
	v26 =	vld [tilespmem:s17+$0x80];
	s20 =	sadd.s32 s11, s18;
	s21 =	sadd.s32 s10, s18  }
0x77a: {  	s18 =	sadd.s32 s12, s18;
	v27 =	vmul.f32 v27, v17;
	[tilespmem:s21+$0x0] =	vst.add.f32.msk $0xffff, v25  }
0x77b: {  	v25 =	vld [tilespmem:s2+$0x180]  }
0x77c: {  	v28 =	vmul.f32 v28, v18;
	[tilespmem:s4+$0x0] =	vst.add.f32.msk $0xffff, v27  }
0x77d: {  	s4 =	sld [smem:$0x7D4];
	v27 =	vld [tilespmem:s14+$0x80]  }
0x77e: {  	[tilespmem:s5+$0x0] =	vst.add.f32.msk $0xffff, v28;
	v26 =	vmul.f32 v26, v18  }
0x77f: {  	v28 =	vld [tilespmem:s16+$0x100]  }
0x780: {  	s4 =	sadd.s32 s13, s4;
	[tilespmem:s8+$0x0] =	vst.add.f32.msk $0xffff, v26;
	v25 =	vmul.f32 v25, v20  }
0x781: {  	s5 =	sadd.s32 s9, s4;
	v26 =	vld [tilespmem:s17+$0x100];
	s8 =	sadd.s32 s11, s4;
	s21 =	sadd.s32 s10, s4  }
0x782: {  	s22 =	sadd.s32 s12, s4;
	v27 =	vmul.f32 v27, v18;
	[tilespmem:s21+$0x0] =	vst.add.f32.msk $0xffff, v25  }
0x783: {  	v25 =	vld [tilespmem:s2+$0x200]  }
0x784: {  	v28 =	vmul.f32 v28, v19;
	[tilespmem:s1+$0x0] =	vst.add.f32.msk $0xffff, v27  }
0x785: {  	s1 =	sld [smem:$0x7D5];
	v27 =	vld [tilespmem:s14+$0x100]  }
0x786: {  	[tilespmem:s19+$0x0] =	vst.add.f32.msk $0xffff, v28;
	v26 =	vmul.f32 v26, v19  }
0x787: {  	v28 =	vld [tilespmem:s16+$0x180]  }
0x788: {  	s1 =	sadd.s32 s13, s1;
	[tilespmem:s20+$0x0] =	vst.add.f32.msk $0xffff, v26;
	v25 =	vmul.f32 v25, v21  }
0x789: {  	s19 =	sadd.s32 s9, s1;
	v26 =	vld [tilespmem:s17+$0x180];
	s20 =	sadd.s32 s11, s1;
	s4 =	sadd.s32 s10, s1  }
0x78a: {  	s1 =	sadd.s32 s12, s1;
	v27 =	vmul.f32 v27, v19;
	[tilespmem:s4+$0x0] =	vst.add.f32.msk $0xffff, v25  }
0x78b: {  	v25 =	vld [tilespmem:s2+$0x280]  }
0x78c: {  	v28 =	vmul.f32 v28, v20;
	[tilespmem:s18+$0x0] =	vst.add.f32.msk $0xffff, v27  }
0x78d: {  	s4 =	sld [smem:$0x7D6];
	v27 =	vld [tilespmem:s14+$0x180]  }
0x78e: {  	[tilespmem:s5+$0x0] =	vst.add.f32.msk $0xffff, v28;
	v26 =	vmul.f32 v26, v20  }
0x78f: {  	v28 =	vld [tilespmem:s16+$0x200]  }
0x790: {  	s5 =	sadd.s32 s13, s4;
	[tilespmem:s8+$0x0] =	vst.add.f32.msk $0xffff, v26;
	v25 =	vmul.f32 v25, v22  }
0x791: {  	s8 =	sadd.s32 s9, s5;
	v26 =	vld [tilespmem:s17+$0x200];
	s4 =	sadd.s32 s11, s5;
	s18 =	sadd.s32 s10, s5  }
0x792: {  	s26 =	sadd.s32 s12, s5;
	v27 =	vmul.f32 v27, v20;
	[tilespmem:s18+$0x0] =	vst.add.f32.msk $0xffff, v25  }
0x793: {  	v25 =	vld [tilespmem:s2+$0x300]  }
0x794: {  	v28 =	vmul.f32 v28, v21;
	[tilespmem:s22+$0x0] =	vst.add.f32.msk $0xffff, v27  }
0x795: {  	s5 =	sld [smem:$0x7D7];
	v27 =	vld [tilespmem:s14+$0x200]  }
0x796: {  	[tilespmem:s19+$0x0] =	vst.add.f32.msk $0xffff, v28;
	v26 =	vmul.f32 v26, v21  }
0x797: {  	v28 =	vld [tilespmem:s16+$0x280]  }
0x798: {  	s5 =	sadd.s32 s13, s5;
	[tilespmem:s20+$0x0] =	vst.add.f32.msk $0xffff, v26;
	v25 =	vmul.f32 v25, v23  }
0x799: {  	s28 =	sadd.s32 s9, s5;
	v29 =	vld [tilespmem:s17+$0x280];
	s18 =	sadd.s32 s11, s5;
	s19 =	sadd.s32 s10, s5  }
.Ltmp17:
0x79a: {  	s22 =	sadd.s32 s12, s5;
	v26 =	vmul.f32 v27, v21;
	[tilespmem:s19+$0x0] =	vst.add.f32.msk $0xffff, v25;
	(pc) =	sbr.rel @p1 .LBB2_31-.Ltmp17, $4  }
0x79b: {  	v25 =	vld [tilespmem:s2+$0x380]  }
0x79c: {  	v27 =	vmul.f32 v28, v22;
	[tilespmem:s1+$0x0] =	vst.add.f32.msk $0xffff, v26  }
0x79d: {  	s2 =	sld [smem:$0x7D8];
	v26 =	vld [tilespmem:s14+$0x280]  }
0x79e: {  	s6 =	sadd.s32 $0x200, s6;
	s7 =	sadd.s32 $0x40, s7;
	[tilespmem:s8+$0x0] =	vst.add.f32.msk $0xffff, v27;
	v27 =	vmul.f32 v29, v22  }
0x79f: {  	_ =	sdelay $0x1  }
0x7a0: {  	v9 =	vld [tilespmem:s16+$0x300]  }
0x7a1: {  	[tilespmem:s4+$0x0] =	vst.add.f32.msk $0xffff, v27;
	v10 =	vmul.f32 v26, v22  }
0x7a2: {  	v11 =	vld [tilespmem:s17+$0x300]  }
0x7a3: {  	[tilespmem:s26+$0x0] =	vst.add.f32.msk $0xffff, v10  }
0x7a4: {  	v10 =	vld [tilespmem:s14+$0x300];
	_ =	sdelay $0x1  }
0x7a5: {  	v9 =	vmul.f32 v9, v23  }
0x7a6: {  	v11 =	vmul.f32 v11, v23  }
0x7a7: {  	[tilespmem:s28+$0x0] =	vst.add.f32.msk $0xffff, v9  }
0x7a8: {  	[tilespmem:s18+$0x0] =	vst.add.f32.msk $0xffff, v11;
	v9 =	vmul.f32 v10, v23  }
0x7a9: {  	v10 =	vld [tilespmem:s17+$0x380]  }
0x7aa: {  	[tilespmem:s22+$0x0] =	vst.add.f32.msk $0xffff, v9  }
0x7ab: {  	v9 =	vld [tilespmem:s16+$0x380]  }
0x7ac: {  	v11 =	vld [tilespmem:s14+$0x380]  }
0x7ad: {  	s0 =	sadd.s32 $0x1, s0  }
0x7ae: {  	s1 =	sadd.s32 s13, s2;
	v12 =	vmul.f32 v25, v24;
	p1 =	sne.s32 s0, $0x4  }
.Ltmp18:
0x7af: {  	s2 =	sadd.s32 s10, s1;
	v10 =	vmul.f32 v10, v24;
	(pc) =	sbr.rel @p1 .LBB2_30-.Ltmp18, $4  }
0x7b0: {  	s3 =	sadd.s32 s11, s1;
	[tilespmem:s2+$0x0] =	vst.add.f32.msk $0xffff, v12;
	v9 =	vmul.f32 v9, v24  }
0x7b1: {  	s30 =	sadd.s32 s9, s1;
	[tilespmem:s3+$0x0] =	vst.add.f32.msk $0xffff, v10;
	v11 =	vmul.f32 v11, v24  }
0x7b2: {  	s1 =	sadd.s32 s12, s1;
	[tilespmem:s30+$0x0] =	vst.add.f32.msk $0xffff, v9  }
0x7b3: {  	[tilespmem:s1+$0x0] =	vst.add.f32.msk $0xffff, v11  }
0x7b4: {  	s2 =	sld [smem:$0x7FC];
	_ =	sdelay $0x1  }
0x7b5: {  	s0 =	simm.s32 @p0 $0x0;
	s1 =	simm.s32 @p0 $0xAB00  }
0x7b6: {  	[hbm4b:s2+s0] =	stream.linear.scatter @p0 [tilespmem:s1], [sflag:$0x4], $0x14800, $0x38;
	[tilespmem:$0x1F300] =	vst v63  }
0x7b7: {  	s0 =	simm.s32 @p0 $0x4  }
0x7b8: {  	_ =	swait.ge @p0 [sflag:s0], $0x14800  }
0x7b9: {  	s2 =	sld [smem:$0x7FB]  }
0x7ba: {  	[sflag:s0] =	ssyncset.done @p0 $0x0  }
0x7bb: {  	s1 =	simm.s32 @!p0 $0xAB00;
	[sflag:s0] =	ssyncadd.s32 @p0 $0xFFFEB800;
	s0 =	simm.s32 @!p0 $0x0  }
0x7bc: {  	[hbm4b:s2+s0] =	stream.linear.scatter @!p0 [tilespmem:s1], [sflag:$0x4], $0x13800, $0x38;
	[tilespmem:$0x1F300] =	vst v63  }
0x7bd: {  	s0 =	simm.s32 @!p0 $0x4  }
0x7be: {  	_ =	swait.ge @!p0 [sflag:s0], $0x13800  }
0x7bf: {  	s30 =	sld [smem:$0x7F9]  }
0x7c0: {  	s31 =	sld [smem:$0x7FD];
	_ =	sdelay $0x1  }
0x7c1: {  	s2 =	sadd.s32 $0x1, s30  }
0x7c2: {  	p1 =	sne.s32 s2, s31  }
.Ltmp19:
0x7c3: {  	_ = 	snop;
	(pc) =	sbr.rel @p1 .LBB2_1-.Ltmp19, $3  }
0x7c4: {  	_ =	sdelay $0x1  }
0x7c5: {  	[sflag:s0] =	ssyncset.done @!p0 $0x0  }
0x7c6: {  	[sflag:s0] =	ssyncadd.s32 @!p0 $0xFFFEC800  }
0x7c7: {  	_ =	sfence.sel $0x180000  }
0x7c8: {  	[bflag:$0x0] =	sbarrier.arrive $0xFFFF  }
0x7c9: {  	_ =	strace $0x90000047  }
0x7ca: {  	s0 =	stileid.u32;
	[bflag:$0x2] =	sbarrier.arrive $0xFFFF  }
0x7cb: {  	p0 =	sne.s32 s0, $0x0;
	s0 =	rddreg [dreg:$0x4]  }
0x7cc: {  	s0 =	sadd.s32 @!p0 $0x100000, s0  }
0x7cd: {  	[sflag:s0] =	ssyncadd.tile.s32 @!p0 $0x1;
	_ =	shalt  }
.Lfunc_end2:
_tile_overlayer_lowered:
.L_overlay_start_2:
0x7ce: {  	(tag) =	ssettag $0x2  }
0x7cf: {  	s0 =	rddreg [dreg:$0x0];
	s2 =	stileid.u32  }
0x7d0: {  	s1 =	rddreg [dreg:$0x1];
	p0 =	sne.s32 s2, $0x0  }
0x7d1: {  	s3 =	rddreg [dreg:$0x2];
	[bflag:$0x3] =	sbarrier.arrive $0xFFFF;
	s2 =	simm.s32 @!p0 $0x1C04  }
0x7d2: {  	[timem:s3], [sflag:s2] =	dma.local @!p0 [hbm:s0], s1  }
0x7d3: {  	s0 =	simm.s32 @!p0 $0x4  }
0x7d4: {  	_ =	swait.ge @!p0 [sflag:s0], s1  }
0x7d5: {  	s1 =	ssub.s32 @!p0 $0x0, s1;
	[sflag:s0] =	ssyncset.done @!p0 $0x0  }
0x7d6: {  	[sflag:s0] =	ssyncadd.s32 @!p0 s1  }
0x7d7: {  	[bflag:$0x3] =	sbarrier.arrive $0xFFFF  }
0x7d8: {  	_ =	shalt  }

</sc_bundles>
